<compile_context>
chip_gen: v7x
topology: tpu7x:2x2x1
jax: 0.10.2.dev20260603
libtpu: 0.0.44.dev20260713+nightly
codegen_flags: <defaults>
</compile_context>

<pallas_src>
import functools

import jax
import jax.numpy as jnp
from jax import lax
from jax.experimental import pallas as pl
from jax.experimental.pallas import tpu as pltpu
from jax.experimental.pallas import tpu_sc as plsc

_NC, _NS = 2, 16
_NW = _NC * _NS


def _leaky(x):
    return jnp.where(x >= 0, x, 0.2 * x)



def _k1_body(f_ref, w_ref, b_ref, o_ref):
    o_ref[...] = _leaky(
        jnp.dot(f_ref[...], w_ref[...], preferred_element_type=jnp.float32)
        + b_ref[...])


def _tc_k1(feats, Wt, b, rows_per_block=2000):
    BN, F = feats.shape
    O = Wt.shape[1]
    return pl.pallas_call(
        _k1_body,
        grid=(BN // rows_per_block,),
        in_specs=[
            pl.BlockSpec((rows_per_block, F), lambda i: (i, 0)),
            pl.BlockSpec((F, O), lambda i: (0, 0)),
            pl.BlockSpec((1, O), lambda i: (0, 0)),
        ],
        out_specs=pl.BlockSpec((rows_per_block, O), lambda i: (i, 0)),
        out_shape=jax.ShapeDtypeStruct((BN, O), jnp.float32),
    )(feats, Wt, b.reshape(1, -1))


def _pack_bf16_words(x):
    BN, C = x.shape
    xb = x.astype(jnp.bfloat16).reshape(BN, C // 2, 2)
    return jax.lax.bitcast_convert_type(xb, jnp.float32)


def _unpack_bf16_words(w):
    BN, W = w.shape
    return jax.lax.bitcast_convert_type(w, jnp.bfloat16).reshape(BN, 2 * W)


def _k2_body(pj_ref, p4_ref, pool1_ref, cmp_ref, t_ref, k44_ref, wbd_ref,
             bt_ref, pk_ref, out1_ref, gp2_ref):
    R = pj_ref.shape[0]
    pj = jnp.dot(pj_ref[...], cmp_ref[...],
                 preferred_element_type=jnp.float32)
    piT = jnp.dot(p4_ref[...], t_ref[...],
                  preferred_element_type=jnp.float32)
    d = piT - pj
    lane = lax.broadcasted_iota(jnp.int32, (R, pj.shape[1]), 1)
    is3 = (lane % 4) == 3
    dd = jnp.where(is3, 0.0, d * d)
    d2b = jnp.dot(dd, k44_ref[...], preferred_element_type=jnp.float32)
    dist = jnp.sqrt(d2b)
    geo = jnp.where(is3, dist, d)
    z = _leaky(jnp.dot(geo, wbd_ref[...], preferred_element_type=jnp.float32)
               + bt_ref[...])
    pooled = jnp.dot(z, pk_ref[...], preferred_element_type=jnp.float32)
    p1 = pool1_ref[...][:, 8:24].astype(jnp.float32)
    out1_ref[...] = jnp.concatenate([pooled[:, :16], p1], axis=1)
    gp2_ref[...] = pooled[:, 16:]


def _tc_k2(pj, p4, pool1, Cmp, T, K44, Wbd, bT, Pk, rows_per_block=1000):
    BN = p4.shape[0]
    KL = pj.shape[1]
    return pl.pallas_call(
        _k2_body,
        grid=(BN // rows_per_block,),
        in_specs=[
            pl.BlockSpec((rows_per_block, KL), lambda i: (i, 0)),
            pl.BlockSpec((rows_per_block, 4), lambda i: (i, 0)),
            pl.BlockSpec((rows_per_block, 32), lambda i: (i, 0)),
            pl.BlockSpec(Cmp.shape, lambda i: (0, 0)),
            pl.BlockSpec(T.shape, lambda i: (0, 0)),
            pl.BlockSpec(K44.shape, lambda i: (0, 0)),
            pl.BlockSpec(Wbd.shape, lambda i: (0, 0)),
            pl.BlockSpec(bT.shape, lambda i: (0, 0)),
            pl.BlockSpec(Pk.shape, lambda i: (0, 0)),
        ],
        out_specs=[
            pl.BlockSpec((rows_per_block, 32), lambda i: (i, 0)),
            pl.BlockSpec((rows_per_block, 32), lambda i: (i, 0)),
        ],
        out_shape=[
            jax.ShapeDtypeStruct((BN, 32), jnp.float32),
            jax.ShapeDtypeStruct((BN, 32), jnp.float32),
        ],
    )(pj, p4, pool1, Cmp, T, K44, Wbd, bT, Pk)


def _k3_body(gp2_ref, pool2_ref, f_ref, wf_ref, bf_ref, wr_ref, br_ref, o_ref):
    p2 = pool2_ref[...].astype(jnp.float32)
    cat = jnp.concatenate([gp2_ref[...], p2], axis=1)
    o_ref[...] = (
        _leaky(jnp.dot(cat, wf_ref[...], preferred_element_type=jnp.float32)
               + bf_ref[...])
        + _leaky(jnp.dot(f_ref[...], wr_ref[...],
                         preferred_element_type=jnp.float32) + br_ref[...]))


def _tc_k3(gp2, pool2, feats, Wft, bf, Wrt, br, rows_per_block=2000):
    BN, F = feats.shape
    return pl.pallas_call(
        _k3_body,
        grid=(BN // rows_per_block,),
        in_specs=[
            pl.BlockSpec((rows_per_block, 32), lambda i: (i, 0)),
            pl.BlockSpec((rows_per_block, 32), lambda i: (i, 0)),
            pl.BlockSpec((rows_per_block, F), lambda i: (i, 0)),
            pl.BlockSpec(Wft.shape, lambda i: (0, 0)),
            pl.BlockSpec((1, F), lambda i: (0, 0)),
            pl.BlockSpec(Wrt.shape, lambda i: (0, 0)),
            pl.BlockSpec((1, F), lambda i: (0, 0)),
        ],
        out_specs=pl.BlockSpec((rows_per_block, F), lambda i: (i, 0)),
        out_shape=jax.ShapeDtypeStruct((BN, F), jnp.float32),
    )(gp2, pool2, feats, Wft, bf.reshape(1, -1), Wrt, br.reshape(1, -1))



def _sc_pass(idx_flat, table, K, dump_pj):
    BN = table.shape[0]
    E = idx_flat.shape[0]
    npt = BN // _NW
    CN = 25
    CE = CN * K
    NCH = npt // CN
    PW = 16
    out_type = [jax.ShapeDtypeStruct((BN * PW,), jnp.float32)]
    if dump_pj:
        out_type = [jax.ShapeDtypeStruct((E, 16), jnp.float32)] + out_type
    mesh = plsc.VectorSubcoreMesh(core_axis_name="c", subcore_axis_name="s",
                                  num_cores=_NC, num_subcores=_NS)

    @functools.partial(
        pl.kernel, mesh=mesh,
        compiler_params=pltpu.CompilerParams(use_tc_tiling_on_sc=False,
                                             needs_layout_passes=False),
        out_type=out_type,
        scratch_types=[
            pltpu.VMEM((CE,), jnp.int32),
            pltpu.VMEM((CE,), jnp.int32),
            pltpu.VMEM((CE, 16), jnp.float32),
            pltpu.VMEM((CE, 16), jnp.float32),
            pltpu.VMEM((CN * PW,), jnp.float32),
            pltpu.VMEM((CN * PW,), jnp.float32),
            pltpu.SemaphoreType.DMA,
            pltpu.SemaphoreType.DMA,
            pltpu.SemaphoreType.DMA,
            pltpu.SemaphoreType.DMA,
            pltpu.SemaphoreType.DMA,
            pltpu.SemaphoreType.DMA,
        ],
    )
    def sck(idx_hbm, t_hbm, *refs):
        if dump_pj:
            pjc_hbm, pool_hbm = refs[0], refs[1]
            scr = refs[2:]
        else:
            pool_hbm = refs[0]
            scr = refs[1:]
        idx_v = scr[0:2]
        g_v = scr[2:4]
        pool_v = scr[4:6]
        gsem = scr[6:8]
        wsem = scr[8:10]
        psem = scr[10:12]
        wid = lax.axis_index("c") * _NS + lax.axis_index("s")
        nbase = wid * npt
        ebase = nbase * K

        def fire(ci, b):
            eoff = ebase + ci * CE
            pltpu.sync_copy(idx_hbm.at[pl.ds(eoff, CE)], idx_v[b])
            ng = CE // 128
            for g in range(ng):
                sl = pl.ds(g * 128, 128)
                pltpu.async_copy(t_hbm.at[idx_v[b].at[sl]], g_v[b].at[sl],
                                 gsem[b])
            rem = CE - ng * 128
            if rem:
                sl = pl.ds(ng * 128, rem)
                pltpu.async_copy(t_hbm.at[idx_v[b].at[sl]], g_v[b].at[sl],
                                 gsem[b])

        def process(ci, b):
            eoff = ebase + ci * CE
            noff = nbase + ci * CN
            pltpu.make_async_copy(t_hbm.at[pl.ds(0, CE)], g_v[b],
                                  gsem[b]).wait()
            if dump_pj:
                pltpu.async_copy(g_v[b], pjc_hbm.at[pl.ds(eoff, CE)], wsem[b])

            def node(ni, carry):
                accs_a = []
                accs_b = []
                for j in range(K):
                    row = g_v[b][ni * K + j]
                    a, bb = plsc.unpack(
                        plsc.bitcast(row, jnp.bfloat16),
                        format=plsc.PackFormat.INTERLEAVED)
                    accs_a.append(a)
                    accs_b.append(bb)
                while len(accs_a) > 1:
                    accs_a = [accs_a[i] + accs_a[i + 1]
                              for i in range(0, len(accs_a), 2)]
                    accs_b = [accs_b[i] + accs_b[i + 1]
                              for i in range(0, len(accs_b), 2)]
                packed = plsc.pack(accs_a[0] * (1.0 / K), accs_b[0] * (1.0 / K),
                                   format=plsc.PackFormat.INTERLEAVED)
                pool_v[b][pl.ds(ni * 16, 16)] = plsc.bitcast(packed,
                                                             jnp.float32)
                return carry

            lax.fori_loop(0, CN, node, 0)
            pltpu.async_copy(pool_v[b], pool_hbm.at[pl.ds(noff * PW, CN * PW)],
                             psem[b])

        def drain_writes(b):
            if dump_pj:
                pltpu.make_async_copy(g_v[b],
                                      pjc_hbm.at[pl.ds(0, CE)], wsem[b]).wait()
            pltpu.make_async_copy(pool_v[b], pool_hbm.at[pl.ds(0, CN * PW)],
                                  psem[b]).wait()

        fire(0, 0)

        def pair(i, carry):
            g = i * 2
            fire(g + 1, 1)
            process(g, 0)
            drain_writes(0)
            fire(g + 2, 0)
            process(g + 1, 1)
            drain_writes(1)
            return carry

        lax.fori_loop(0, (NCH - 1) // 2, pair, 0)
        process(NCH - 1, 0)
        drain_writes(0)

    outs = sck(idx_flat, table)
    return tuple(outs) if isinstance(outs, (list, tuple)) else (outs,)



def kernel(points, features, knn_indices, W_init, b_init, W_lfa1, b_lfa1,
           W_lfa2, b_lfa2, W_final, b_final, W_res, b_res):
    B, N, _ = points.shape
    K = knn_indices.shape[-1]
    F = features.shape[-1]
    BN = B * N
    E = BN * K

    offs = (jnp.arange(B, dtype=jnp.int32) * N)[:, None, None]
    idx_flat = (knn_indices.astype(jnp.int32) + offs).reshape(E)
    p4 = jnp.pad(points.reshape(BN, 3), ((0, 0), (0, 1))).astype(jnp.float32)
    feats = features.reshape(BN, F)

    W48 = jnp.concatenate([W_lfa1, W_lfa2], axis=0)
    b48 = jnp.concatenate([b_lfa1, b_lfa2])
    eyeK = jnp.eye(K, dtype=jnp.float32)
    T = jnp.tile(jnp.eye(4, dtype=jnp.float32), (1, K))
    K44 = jnp.kron(eyeK, jnp.ones((4, 4), jnp.float32))
    Wbd = jnp.kron(eyeK, W48.T)
    bT = jnp.tile(b48, K).reshape(1, 48 * K)
    Pk = jnp.kron(jnp.ones((K, 1), jnp.float32),
                  jnp.eye(48, dtype=jnp.float32)) * (1.0 / K)
    S = jnp.zeros((16, 4), jnp.float32).at[:4, :4].set(jnp.eye(4))
    Cmp = jnp.kron(eyeK, S)

    x0 = _tc_k1(feats, W_init.T, b_init)
    tbl1 = jnp.concatenate(
        [p4, _pack_bf16_words(x0), jnp.zeros((BN, 4), jnp.float32)], axis=1)
    pj, pool1 = _sc_pass(idx_flat, tbl1, K, dump_pj=True)
    pool1_bf = _unpack_bf16_words(pool1.reshape(BN, 16))
    out1, gp2 = _tc_k2(pj.reshape(BN, 16 * K), p4, pool1_bf,
                       Cmp, T, K44, Wbd, bT, Pk)
    tbl2 = _pack_bf16_words(out1)
    pool2, = _sc_pass(idx_flat, tbl2, K, dump_pj=False)
    pool2_bf = _unpack_bf16_words(pool2.reshape(BN, 16))
    out = _tc_k3(gp2, pool2_bf, feats, W_final.T, b_final, W_res.T, b_res)
    return out.reshape(B, N, F)

# --- scband reference (transcript-rebuilt; emitter-appended) ---
"""Pipeline reference for scband-residual-block-65532611002532 (READ-ONLY COPY).

The authoritative reference and input builder live on the scoring server;
editing this copy changes nothing except your own understanding.
"""

import jax, jax.numpy as jnp
import numpy as np


def _smlp(x, W, b):
    return jax.nn.leaky_relu(x @ W.T + b, 0.2)


def _lfa(points, features, knn_indices, W, b):
    # points: (B, N, D); features: (B, N, F_D); knn_indices: (B, N, k)
    B, N, D = points.shape
    bidx = jnp.arange(B)[:, None, None]
    # torch.gather on expanded (B,N,N,D) view == per-batch row gather of points
    knn_points = points[bidx, knn_indices]                 # (B, N, k, D)
    p_exp = points[:, :, None, :]                          # (B, N, 1, D) broadcast
    diff = p_exp - knn_points                              # (B, N, k, D)
    dist = jnp.linalg.norm(diff, axis=-1, keepdims=True)   # (B, N, k, 1)
    geo = jnp.concatenate([diff, dist], axis=-1)           # (B, N, k, 4)
    mlp_out = _smlp(geo, W, b)                             # (B, N, k, d)
    feat_exp = features[bidx, knn_indices]                 # (B, N, k, F_D)
    cat = jnp.concatenate([mlp_out, feat_exp], axis=-1)    # (B, N, k, d+F_D)
    pooled = cat.mean(axis=2)                              # (B, N, d+F_D)
    return jnp.squeeze(pooled)


def setup_inputs(seed: int = 0):
    key = jax.random.key(seed)
    ks = jax.random.split(key, 13)
    B, N, k, d = 2, 10000, 32, 64
    points = jax.random.normal(ks[0], (B, N, 3), dtype=jnp.float32)
    features = jax.random.normal(ks[1], (B, N, d), dtype=jnp.float32)
    knn_indices = jax.random.randint(ks[2], (B, N, k), 0, N)

    def lin(kw, kb, out_d, in_d):
        s = 1.0 / np.sqrt(in_d)
        W = jax.random.uniform(kw, (out_d, in_d), minval=-s, maxval=s, dtype=jnp.float32)
        b = jax.random.uniform(kb, (out_d,), minval=-s, maxval=s, dtype=jnp.float32)
        return W, b

    W_init, b_init = lin(ks[3], ks[4], d // 4, d)       # 64 -> 16
    W_lfa1, b_lfa1 = lin(ks[5], ks[6], d // 4, 4)       # 4 -> 16
    W_lfa2, b_lfa2 = lin(ks[7], ks[8], d // 2, 4)       # 4 -> 32
    W_final, b_final = lin(ks[9], ks[10], d, d)         # 64 -> 64
    W_res, b_res = lin(ks[11], ks[12], d, d)            # 64 -> 64
    return {
        'points': points, 'features': features, 'knn_indices': knn_indices,
        'W_init': W_init, 'b_init': b_init,
        'W_lfa1': W_lfa1, 'b_lfa1': b_lfa1,
        'W_lfa2': W_lfa2, 'b_lfa2': b_lfa2,
        'W_final': W_final, 'b_final': b_final,
        'W_res': W_res, 'b_res': b_res,
    }


def reference(points, features, knn_indices, W_init, b_init, W_lfa1, b_lfa1,
              W_lfa2, b_lfa2, W_final, b_final, W_res, b_res):
    x = _smlp(features, W_init, b_init)                    # (B, N, 16)
    x = _lfa(points, x, knn_indices, W_lfa1, b_lfa1)       # (B, N, 32)
    x = _lfa(points, x, knn_indices, W_lfa2, b_lfa2)       # (B, N, 64)
    x = _smlp(x, W_final, b_final)                         # (B, N, 64)
    residual = _smlp(features, W_res, b_res)               # (B, N, 64)
    return x + residual

if __name__ == "__main__":
    import jax
    _d = setup_inputs()
    print(jax.jit(kernel)(*tuple(_d.values())))

</pallas_src>

<mosaic_0001>
#map = affine_map<(d0, d1) -> (0)>
#map1 = affine_map<(d0, d1) -> (0, 0)>
module attributes {stable_mosaic.version = 14 : i64} {
  func.func @sck(%arg0: i32, %arg1: i32, %arg2: memref<640000xi32, #tpu.memory_space<hbm>>, %arg3: memref<20000x16xf32, #tpu.memory_space<hbm>>, %arg4: memref<640000x16xf32, #tpu.memory_space<hbm>>, %arg5: memref<320000xf32, #tpu.memory_space<hbm>>, %arg6: memref<800xi32, #tpu.memory_space<vmem>>, %arg7: memref<800xi32, #tpu.memory_space<vmem>>, %arg8: memref<800x16xf32, #tpu.memory_space<vmem>>, %arg9: memref<800x16xf32, #tpu.memory_space<vmem>>, %arg10: memref<400xf32, #tpu.memory_space<vmem>>, %arg11: memref<400xf32, #tpu.memory_space<vmem>>, %arg12: memref<!tpu.dma_semaphore, #tpu.memory_space<semaphore_mem>>, %arg13: memref<!tpu.dma_semaphore, #tpu.memory_space<semaphore_mem>>, %arg14: memref<!tpu.dma_semaphore, #tpu.memory_space<semaphore_mem>>, %arg15: memref<!tpu.dma_semaphore, #tpu.memory_space<semaphore_mem>>, %arg16: memref<!tpu.dma_semaphore, #tpu.memory_space<semaphore_mem>>, %arg17: memref<!tpu.dma_semaphore, #tpu.memory_space<semaphore_mem>>) attributes {dimension_semantics = [#tpu.dimension_semantics<core_parallel>, #tpu.dimension_semantics<subcore_parallel>], iteration_bounds = array<i64: 2, 16>, scalar_prefetch = 0 : i64, scratch_operands = 12 : i64, tpu.core_type = #tpu.core_type<sc_vector_subcore>, window_params = [{transform_indices = #map}, {transform_indices = #map1}, {transform_indices = #map1}, {transform_indices = #map}]} {
    %mul3A = arith.constant 16 : i32
    %mul3A_0 = arith.muli %arg0, %mul3A : i32
    %add3A = arith.addi %mul3A_0, %arg1 : i32
    %mul3A_1 = arith.constant 625 : i32
    %mul3A_2 = arith.muli %add3A, %mul3A_1 : i32
    %mul3A_3 = arith.constant 32 : i32
    %mul3A_4 = arith.muli %mul3A_2, %mul3A_3 : i32
    %add3A_5 = arith.constant 0 : i32
    %add3A_6 = arith.addi %mul3A_4, %add3A_5 : i32
    "tpu.region"() ({
      %run_scoped3A = tpu.sem_alloc : memref<!tpu.dma_semaphore, #tpu.memory_space<semaphore_mem>>
      %dma_start3A_100 = tpu.memref_slice %arg2[%add3A_6] : memref<640000xi32, #tpu.memory_space<hbm>> -> memref<800xi32, #tpu.memory_space<hbm>>
      %dma_start3A_101 = tpu.memref_slice %arg2[%add3A_6] : memref<640000xi32, #tpu.memory_space<hbm>> -> memref<800xi32, #tpu.memory_space<hbm>>
      tpu.enqueue_dma source(%dma_start3A_101 : memref<800xi32, #tpu.memory_space<hbm>>) target(%arg6 : memref<800xi32, #tpu.memory_space<vmem>>) target_semaphore(%run_scoped3A : memref<!tpu.dma_semaphore, #tpu.memory_space<semaphore_mem>>)
      %dma_wait3A_102 = tpu.memref_slice %arg2[%add3A_6] : memref<640000xi32, #tpu.memory_space<hbm>> -> memref<800xi32, #tpu.memory_space<hbm>>
      %dma_wait3A_103 = tpu.memref_slice %arg2[%add3A_6] : memref<640000xi32, #tpu.memory_space<hbm>> -> memref<800xi32, #tpu.memory_space<hbm>>
      tpu.wait_dma2 semaphore(%run_scoped3A : memref<!tpu.dma_semaphore, #tpu.memory_space<semaphore_mem>>) src(%dma_wait3A_103 : memref<800xi32, #tpu.memory_space<hbm>>) dst(%arg6 : memref<800xi32, #tpu.memory_space<vmem>>)
      tpu.yield
    }) : () -> ()
    %dma_start3A = arith.constant 0 : i32
    %dma_start3A_7 = arith.constant 0 : i32
    %dma_start3A_8 = tpu.memref_slice %arg8[%dma_start3A, %dma_start3A_7] : memref<800x16xf32, #tpu.memory_space<vmem>> -> memref<128x16xf32, #tpu.memory_space<vmem>>
    %dma_start3A_9 = arith.constant 0 : i32
    %dma_start3A_10 = tpu.memref_slice %arg6[%dma_start3A_9] : memref<800xi32, #tpu.memory_space<vmem>> -> memref<128xi32, #tpu.memory_space<vmem>>
    %dma_start3A_11 = arith.constant 0 : i32
    %dma_start3A_12 = arith.constant 0 : i32
    %dma_start3A_13 = tpu.memref_slice %arg3[%dma_start3A_11, %dma_start3A_12] : memref<20000x16xf32, #tpu.memory_space<hbm>> -> memref<20000x16xf32, #tpu.memory_space<hbm>>
    tpu.enqueue_indirect_dma source(%dma_start3A_13 : memref<20000x16xf32, #tpu.memory_space<hbm>>) target(%dma_start3A_8 : memref<128x16xf32, #tpu.memory_space<vmem>>) offsets(%dma_start3A_10 : memref<128xi32, #tpu.memory_space<vmem>>) semaphore(%arg12 : memref<!tpu.dma_semaphore, #tpu.memory_space<semaphore_mem>>)
    %dma_start3A_14 = arith.constant 128 : i32
    %dma_start3A_15 = arith.constant 0 : i32
    %dma_start3A_16 = tpu.memref_slice %arg8[%dma_start3A_14, %dma_start3A_15] : memref<800x16xf32, #tpu.memory_space<vmem>> -> memref<128x16xf32, #tpu.memory_space<vmem>>
    %dma_start3A_17 = arith.constant 128 : i32
    %dma_start3A_18 = tpu.memref_slice %arg6[%dma_start3A_17] : memref<800xi32, #tpu.memory_space<vmem>> -> memref<128xi32, #tpu.memory_space<vmem>>
    %dma_start3A_19 = arith.constant 0 : i32
    %dma_start3A_20 = arith.constant 0 : i32
    %dma_start3A_21 = tpu.memref_slice %arg3[%dma_start3A_19, %dma_start3A_20] : memref<20000x16xf32, #tpu.memory_space<hbm>> -> memref<20000x16xf32, #tpu.memory_space<hbm>>
    tpu.enqueue_indirect_dma source(%dma_start3A_21 : memref<20000x16xf32, #tpu.memory_space<hbm>>) target(%dma_start3A_16 : memref<128x16xf32, #tpu.memory_space<vmem>>) offsets(%dma_start3A_18 : memref<128xi32, #tpu.memory_space<vmem>>) semaphore(%arg12 : memref<!tpu.dma_semaphore, #tpu.memory_space<semaphore_mem>>)
    %dma_start3A_22 = arith.constant 256 : i32
    %dma_start3A_23 = arith.constant 0 : i32
    %dma_start3A_24 = tpu.memref_slice %arg8[%dma_start3A_22, %dma_start3A_23] : memref<800x16xf32, #tpu.memory_space<vmem>> -> memref<128x16xf32, #tpu.memory_space<vmem>>
    %dma_start3A_25 = arith.constant 256 : i32
    %dma_start3A_26 = tpu.memref_slice %arg6[%dma_start3A_25] : memref<800xi32, #tpu.memory_space<vmem>> -> memref<128xi32, #tpu.memory_space<vmem>>
    %dma_start3A_27 = arith.constant 0 : i32
    %dma_start3A_28 = arith.constant 0 : i32
    %dma_start3A_29 = tpu.memref_slice %arg3[%dma_start3A_27, %dma_start3A_28] : memref<20000x16xf32, #tpu.memory_space<hbm>> -> memref<20000x16xf32, #tpu.memory_space<hbm>>
    tpu.enqueue_indirect_dma source(%dma_start3A_29 : memref<20000x16xf32, #tpu.memory_space<hbm>>) target(%dma_start3A_24 : memref<128x16xf32, #tpu.memory_space<vmem>>) offsets(%dma_start3A_26 : memref<128xi32, #tpu.memory_space<vmem>>) semaphore(%arg12 : memref<!tpu.dma_semaphore, #tpu.memory_space<semaphore_mem>>)
    %dma_start3A_30 = arith.constant 384 : i32
    %dma_start3A_31 = arith.constant 0 : i32
    %dma_start3A_32 = tpu.memref_slice %arg8[%dma_start3A_30, %dma_start3A_31] : memref<800x16xf32, #tpu.memory_space<vmem>> -> memref<128x16xf32, #tpu.memory_space<vmem>>
    %dma_start3A_33 = arith.constant 384 : i32
    %dma_start3A_34 = tpu.memref_slice %arg6[%dma_start3A_33] : memref<800xi32, #tpu.memory_space<vmem>> -> memref<128xi32, #tpu.memory_space<vmem>>
    %dma_start3A_35 = arith.constant 0 : i32
    %dma_start3A_36 = arith.constant 0 : i32
    %dma_start3A_37 = tpu.memref_slice %arg3[%dma_start3A_35, %dma_start3A_36] : memref<20000x16xf32, #tpu.memory_space<hbm>> -> memref<20000x16xf32, #tpu.memory_space<hbm>>
    tpu.enqueue_indirect_dma source(%dma_start3A_37 : memref<20000x16xf32, #tpu.memory_space<hbm>>) target(%dma_start3A_32 : memref<128x16xf32, #tpu.memory_space<vmem>>) offsets(%dma_start3A_34 : memref<128xi32, #tpu.memory_space<vmem>>) semaphore(%arg12 : memref<!tpu.dma_semaphore, #tpu.memory_space<semaphore_mem>>)
    %dma_start3A_38 = arith.constant 512 : i32
    %dma_start3A_39 = arith.constant 0 : i32
    %dma_start3A_40 = tpu.memref_slice %arg8[%dma_start3A_38, %dma_start3A_39] : memref<800x16xf32, #tpu.memory_space<vmem>> -> memref<128x16xf32, #tpu.memory_space<vmem>>
    %dma_start3A_41 = arith.constant 512 : i32
    %dma_start3A_42 = tpu.memref_slice %arg6[%dma_start3A_41] : memref<800xi32, #tpu.memory_space<vmem>> -> memref<128xi32, #tpu.memory_space<vmem>>
    %dma_start3A_43 = arith.constant 0 : i32
    %dma_start3A_44 = arith.constant 0 : i32
    %dma_start3A_45 = tpu.memref_slice %arg3[%dma_start3A_43, %dma_start3A_44] : memref<20000x16xf32, #tpu.memory_space<hbm>> -> memref<20000x16xf32, #tpu.memory_space<hbm>>
    tpu.enqueue_indirect_dma source(%dma_start3A_45 : memref<20000x16xf32, #tpu.memory_space<hbm>>) target(%dma_start3A_40 : memref<128x16xf32, #tpu.memory_space<vmem>>) offsets(%dma_start3A_42 : memref<128xi32, #tpu.memory_space<vmem>>) semaphore(%arg12 : memref<!tpu.dma_semaphore, #tpu.memory_space<semaphore_mem>>)
    %dma_start3A_46 = arith.constant 640 : i32
    %dma_start3A_47 = arith.constant 0 : i32
    %dma_start3A_48 = tpu.memref_slice %arg8[%dma_start3A_46, %dma_start3A_47] : memref<800x16xf32, #tpu.memory_space<vmem>> -> memref<128x16xf32, #tpu.memory_space<vmem>>
    %dma_start3A_49 = arith.constant 640 : i32
    %dma_start3A_50 = tpu.memref_slice %arg6[%dma_start3A_49] : memref<800xi32, #tpu.memory_space<vmem>> -> memref<128xi32, #tpu.memory_space<vmem>>
    %dma_start3A_51 = arith.constant 0 : i32
    %dma_start3A_52 = arith.constant 0 : i32
    %dma_start3A_53 = tpu.memref_slice %arg3[%dma_start3A_51, %dma_start3A_52] : memref<20000x16xf32, #tpu.memory_space<hbm>> -> memref<20000x16xf32, #tpu.memory_space<hbm>>
    tpu.enqueue_indirect_dma source(%dma_start3A_53 : memref<20000x16xf32, #tpu.memory_space<hbm>>) target(%dma_start3A_48 : memref<128x16xf32, #tpu.memory_space<vmem>>) offsets(%dma_start3A_50 : memref<128xi32, #tpu.memory_space<vmem>>) semaphore(%arg12 : memref<!tpu.dma_semaphore, #tpu.memory_space<semaphore_mem>>)
    %dma_start3A_54 = arith.constant 768 : i32
    %dma_start3A_55 = arith.constant 0 : i32
    %dma_start3A_56 = tpu.memref_slice %arg8[%dma_start3A_54, %dma_start3A_55] : memref<800x16xf32, #tpu.memory_space<vmem>> -> memref<32x16xf32, #tpu.memory_space<vmem>>
    %dma_start3A_57 = arith.constant 768 : i32
    %dma_start3A_58 = tpu.memref_slice %arg6[%dma_start3A_57] : memref<800xi32, #tpu.memory_space<vmem>> -> memref<32xi32, #tpu.memory_space<vmem>>
    %dma_start3A_59 = arith.constant 0 : i32
    %dma_start3A_60 = arith.constant 0 : i32
    %dma_start3A_61 = tpu.memref_slice %arg3[%dma_start3A_59, %dma_start3A_60] : memref<20000x16xf32, #tpu.memory_space<hbm>> -> memref<20000x16xf32, #tpu.memory_space<hbm>>
    tpu.enqueue_indirect_dma source(%dma_start3A_61 : memref<20000x16xf32, #tpu.memory_space<hbm>>) target(%dma_start3A_56 : memref<32x16xf32, #tpu.memory_space<vmem>>) offsets(%dma_start3A_58 : memref<32xi32, #tpu.memory_space<vmem>>) semaphore(%arg12 : memref<!tpu.dma_semaphore, #tpu.memory_space<semaphore_mem>>)
    %scan3A = arith.constant 0 : i32
    %scan3A_62 = arith.constant 0 : i32
    %scan3A_63 = arith.constant 12 : i32
    %scan3A_64 = arith.addi %scan3A_62, %scan3A_63 : i32
    %scan3A_65 = arith.constant 1 : i32
    scf.for %scan3A_100 = %scan3A_62 to %scan3A_64 step %scan3A_65  : i32 {
      %mul3A_101 = arith.constant 2 : i32
      %mul3A_102 = arith.muli %scan3A_100, %mul3A_101 : i32
      %add3A_103 = arith.constant 1 : i32
      %add3A_104 = arith.addi %mul3A_102, %add3A_103 : i32
      %mul3A_105 = arith.constant 800 : i32
      %mul3A_106 = arith.muli %add3A_104, %mul3A_105 : i32
      %add3A_107 = arith.addi %mul3A_4, %mul3A_106 : i32
      "tpu.region"() ({
        %run_scoped3A = tpu.sem_alloc : memref<!tpu.dma_semaphore, #tpu.memory_space<semaphore_mem>>
        %dma_start3A_299 = tpu.memref_slice %arg2[%add3A_107] : memref<640000xi32, #tpu.memory_space<hbm>> -> memref<800xi32, #tpu.memory_space<hbm>>
        %dma_start3A_300 = tpu.memref_slice %arg2[%add3A_107] : memref<640000xi32, #tpu.memory_space<hbm>> -> memref<800xi32, #tpu.memory_space<hbm>>
        tpu.enqueue_dma source(%dma_start3A_300 : memref<800xi32, #tpu.memory_space<hbm>>) target(%arg7 : memref<800xi32, #tpu.memory_space<vmem>>) target_semaphore(%run_scoped3A : memref<!tpu.dma_semaphore, #tpu.memory_space<semaphore_mem>>)
        %dma_wait3A_301 = tpu.memref_slice %arg2[%add3A_107] : memref<640000xi32, #tpu.memory_space<hbm>> -> memref<800xi32, #tpu.memory_space<hbm>>
        %dma_wait3A_302 = tpu.memref_slice %arg2[%add3A_107] : memref<640000xi32, #tpu.memory_space<hbm>> -> memref<800xi32, #tpu.memory_space<hbm>>
        tpu.wait_dma2 semaphore(%run_scoped3A : memref<!tpu.dma_semaphore, #tpu.memory_space<semaphore_mem>>) src(%dma_wait3A_302 : memref<800xi32, #tpu.memory_space<hbm>>) dst(%arg7 : memref<800xi32, #tpu.memory_space<vmem>>)
        tpu.yield
      }) : () -> ()
      %dma_start3A_108 = arith.constant 0 : i32
      %dma_start3A_109 = arith.constant 0 : i32
      %dma_start3A_110 = tpu.memref_slice %arg9[%dma_start3A_108, %dma_start3A_109] : memref<800x16xf32, #tpu.memory_space<vmem>> -> memref<128x16xf32, #tpu.memory_space<vmem>>
      %dma_start3A_111 = arith.constant 0 : i32
      %dma_start3A_112 = tpu.memref_slice %arg7[%dma_start3A_111] : memref<800xi32, #tpu.memory_space<vmem>> -> memref<128xi32, #tpu.memory_space<vmem>>
      %dma_start3A_113 = arith.constant 0 : i32
      %dma_start3A_114 = arith.constant 0 : i32
      %dma_start3A_115 = tpu.memref_slice %arg3[%dma_start3A_113, %dma_start3A_114] : memref<20000x16xf32, #tpu.memory_space<hbm>> -> memref<20000x16xf32, #tpu.memory_space<hbm>>
      tpu.enqueue_indirect_dma source(%dma_start3A_115 : memref<20000x16xf32, #tpu.memory_space<hbm>>) target(%dma_start3A_110 : memref<128x16xf32, #tpu.memory_space<vmem>>) offsets(%dma_start3A_112 : memref<128xi32, #tpu.memory_space<vmem>>) semaphore(%arg13 : memref<!tpu.dma_semaphore, #tpu.memory_space<semaphore_mem>>)
      %dma_start3A_116 = arith.constant 128 : i32
      %dma_start3A_117 = arith.constant 0 : i32
      %dma_start3A_118 = tpu.memref_slice %arg9[%dma_start3A_116, %dma_start3A_117] : memref<800x16xf32, #tpu.memory_space<vmem>> -> memref<128x16xf32, #tpu.memory_space<vmem>>
      %dma_start3A_119 = arith.constant 128 : i32
      %dma_start3A_120 = tpu.memref_slice %arg7[%dma_start3A_119] : memref<800xi32, #tpu.memory_space<vmem>> -> memref<128xi32, #tpu.memory_space<vmem>>
      %dma_start3A_121 = arith.constant 0 : i32
      %dma_start3A_122 = arith.constant 0 : i32
      %dma_start3A_123 = tpu.memref_slice %arg3[%dma_start3A_121, %dma_start3A_122] : memref<20000x16xf32, #tpu.memory_space<hbm>> -> memref<20000x16xf32, #tpu.memory_space<hbm>>
      tpu.enqueue_indirect_dma source(%dma_start3A_123 : memref<20000x16xf32, #tpu.memory_space<hbm>>) target(%dma_start3A_118 : memref<128x16xf32, #tpu.memory_space<vmem>>) offsets(%dma_start3A_120 : memref<128xi32, #tpu.memory_space<vmem>>) semaphore(%arg13 : memref<!tpu.dma_semaphore, #tpu.memory_space<semaphore_mem>>)
      %dma_start3A_124 = arith.constant 256 : i32
      %dma_start3A_125 = arith.constant 0 : i32
      %dma_start3A_126 = tpu.memref_slice %arg9[%dma_start3A_124, %dma_start3A_125] : memref<800x16xf32, #tpu.memory_space<vmem>> -> memref<128x16xf32, #tpu.memory_space<vmem>>
      %dma_start3A_127 = arith.constant 256 : i32
      %dma_start3A_128 = tpu.memref_slice %arg7[%dma_start3A_127] : memref<800xi32, #tpu.memory_space<vmem>> -> memref<128xi32, #tpu.memory_space<vmem>>
      %dma_start3A_129 = arith.constant 0 : i32
      %dma_start3A_130 = arith.constant 0 : i32
      %dma_start3A_131 = tpu.memref_slice %arg3[%dma_start3A_129, %dma_start3A_130] : memref<20000x16xf32, #tpu.memory_space<hbm>> -> memref<20000x16xf32, #tpu.memory_space<hbm>>
      tpu.enqueue_indirect_dma source(%dma_start3A_131 : memref<20000x16xf32, #tpu.memory_space<hbm>>) target(%dma_start3A_126 : memref<128x16xf32, #tpu.memory_space<vmem>>) offsets(%dma_start3A_128 : memref<128xi32, #tpu.memory_space<vmem>>) semaphore(%arg13 : memref<!tpu.dma_semaphore, #tpu.memory_space<semaphore_mem>>)
      %dma_start3A_132 = arith.constant 384 : i32
      %dma_start3A_133 = arith.constant 0 : i32
      %dma_start3A_134 = tpu.memref_slice %arg9[%dma_start3A_132, %dma_start3A_133] : memref<800x16xf32, #tpu.memory_space<vmem>> -> memref<128x16xf32, #tpu.memory_space<vmem>>
      %dma_start3A_135 = arith.constant 384 : i32
      %dma_start3A_136 = tpu.memref_slice %arg7[%dma_start3A_135] : memref<800xi32, #tpu.memory_space<vmem>> -> memref<128xi32, #tpu.memory_space<vmem>>
      %dma_start3A_137 = arith.constant 0 : i32
      %dma_start3A_138 = arith.constant 0 : i32
      %dma_start3A_139 = tpu.memref_slice %arg3[%dma_start3A_137, %dma_start3A_138] : memref<20000x16xf32, #tpu.memory_space<hbm>> -> memref<20000x16xf32, #tpu.memory_space<hbm>>
      tpu.enqueue_indirect_dma source(%dma_start3A_139 : memref<20000x16xf32, #tpu.memory_space<hbm>>) target(%dma_start3A_134 : memref<128x16xf32, #tpu.memory_space<vmem>>) offsets(%dma_start3A_136 : memref<128xi32, #tpu.memory_space<vmem>>) semaphore(%arg13 : memref<!tpu.dma_semaphore, #tpu.memory_space<semaphore_mem>>)
      %dma_start3A_140 = arith.constant 512 : i32
      %dma_start3A_141 = arith.constant 0 : i32
      %dma_start3A_142 = tpu.memref_slice %arg9[%dma_start3A_140, %dma_start3A_141] : memref<800x16xf32, #tpu.memory_space<vmem>> -> memref<128x16xf32, #tpu.memory_space<vmem>>
      %dma_start3A_143 = arith.constant 512 : i32
      %dma_start3A_144 = tpu.memref_slice %arg7[%dma_start3A_143] : memref<800xi32, #tpu.memory_space<vmem>> -> memref<128xi32, #tpu.memory_space<vmem>>
      %dma_start3A_145 = arith.constant 0 : i32
      %dma_start3A_146 = arith.constant 0 : i32
      %dma_start3A_147 = tpu.memref_slice %arg3[%dma_start3A_145, %dma_start3A_146] : memref<20000x16xf32, #tpu.memory_space<hbm>> -> memref<20000x16xf32, #tpu.memory_space<hbm>>
      tpu.enqueue_indirect_dma source(%dma_start3A_147 : memref<20000x16xf32, #tpu.memory_space<hbm>>) target(%dma_start3A_142 : memref<128x16xf32, #tpu.memory_space<vmem>>) offsets(%dma_start3A_144 : memref<128xi32, #tpu.memory_space<vmem>>) semaphore(%arg13 : memref<!tpu.dma_semaphore, #tpu.memory_space<semaphore_mem>>)
      %dma_start3A_148 = arith.constant 640 : i32
      %dma_start3A_149 = arith.constant 0 : i32
      %dma_start3A_150 = tpu.memref_slice %arg9[%dma_start3A_148, %dma_start3A_149] : memref<800x16xf32, #tpu.memory_space<vmem>> -> memref<128x16xf32, #tpu.memory_space<vmem>>
      %dma_start3A_151 = arith.constant 640 : i32
      %dma_start3A_152 = tpu.memref_slice %arg7[%dma_start3A_151] : memref<800xi32, #tpu.memory_space<vmem>> -> memref<128xi32, #tpu.memory_space<vmem>>
      %dma_start3A_153 = arith.constant 0 : i32
      %dma_start3A_154 = arith.constant 0 : i32
      %dma_start3A_155 = tpu.memref_slice %arg3[%dma_start3A_153, %dma_start3A_154] : memref<20000x16xf32, #tpu.memory_space<hbm>> -> memref<20000x16xf32, #tpu.memory_space<hbm>>
      tpu.enqueue_indirect_dma source(%dma_start3A_155 : memref<20000x16xf32, #tpu.memory_space<hbm>>) target(%dma_start3A_150 : memref<128x16xf32, #tpu.memory_space<vmem>>) offsets(%dma_start3A_152 : memref<128xi32, #tpu.memory_space<vmem>>) semaphore(%arg13 : memref<!tpu.dma_semaphore, #tpu.memory_space<semaphore_mem>>)
      %dma_start3A_156 = arith.constant 768 : i32
      %dma_start3A_157 = arith.constant 0 : i32
      %dma_start3A_158 = tpu.memref_slice %arg9[%dma_start3A_156, %dma_start3A_157] : memref<800x16xf32, #tpu.memory_space<vmem>> -> memref<32x16xf32, #tpu.memory_space<vmem>>
      %dma_start3A_159 = arith.constant 768 : i32
      %dma_start3A_160 = tpu.memref_slice %arg7[%dma_start3A_159] : memref<800xi32, #tpu.memory_space<vmem>> -> memref<32xi32, #tpu.memory_space<vmem>>
      %dma_start3A_161 = arith.constant 0 : i32
      %dma_start3A_162 = arith.constant 0 : i32
      %dma_start3A_163 = tpu.memref_slice %arg3[%dma_start3A_161, %dma_start3A_162] : memref<20000x16xf32, #tpu.memory_space<hbm>> -> memref<20000x16xf32, #tpu.memory_space<hbm>>
      tpu.enqueue_indirect_dma source(%dma_start3A_163 : memref<20000x16xf32, #tpu.memory_space<hbm>>) target(%dma_start3A_158 : memref<32x16xf32, #tpu.memory_space<vmem>>) offsets(%dma_start3A_160 : memref<32xi32, #tpu.memory_space<vmem>>) semaphore(%arg13 : memref<!tpu.dma_semaphore, #tpu.memory_space<semaphore_mem>>)
      %mul3A_164 = arith.constant 800 : i32
      %mul3A_165 = arith.muli %mul3A_102, %mul3A_164 : i32
      %add3A_166 = arith.addi %mul3A_4, %mul3A_165 : i32
      %mul3A_167 = arith.constant 25 : i32
      %mul3A_168 = arith.muli %mul3A_102, %mul3A_167 : i32
      %add3A_169 = arith.addi %mul3A_2, %mul3A_168 : i32
      %dma_wait3A_170 = arith.constant 0 : i32
      %dma_wait3A_171 = arith.constant 0 : i32
      %dma_wait3A_172 = tpu.memref_slice %arg3[%dma_wait3A_170, %dma_wait3A_171] : memref<20000x16xf32, #tpu.memory_space<hbm>> -> memref<800x16xf32, #tpu.memory_space<hbm>>
      %dma_wait3A_173 = arith.constant 0 : i32
      %dma_wait3A_174 = arith.constant 0 : i32
      %dma_wait3A_175 = tpu.memref_slice %arg3[%dma_wait3A_173, %dma_wait3A_174] : memref<20000x16xf32, #tpu.memory_space<hbm>> -> memref<800x16xf32, #tpu.memory_space<hbm>>
      tpu.wait_dma2 semaphore(%arg12 : memref<!tpu.dma_semaphore, #tpu.memory_space<semaphore_mem>>) src(%dma_wait3A_175 : memref<800x16xf32, #tpu.memory_space<hbm>>) dst(%arg8 : memref<800x16xf32, #tpu.memory_space<vmem>>)
      %dma_start3A_176 = arith.constant 0 : i32
      %dma_start3A_177 = tpu.memref_slice %arg4[%add3A_166, %dma_start3A_176] : memref<640000x16xf32, #tpu.memory_space<hbm>> -> memref<800x16xf32, #tpu.memory_space<hbm>>
      %dma_start3A_178 = arith.constant 0 : i32
      %dma_start3A_179 = tpu.memref_slice %arg4[%add3A_166, %dma_start3A_178] : memref<640000x16xf32, #tpu.memory_space<hbm>> -> memref<800x16xf32, #tpu.memory_space<hbm>>
      tpu.enqueue_dma source(%arg8 : memref<800x16xf32, #tpu.memory_space<vmem>>) target(%dma_start3A_179 : memref<800x16xf32, #tpu.memory_space<hbm>>) target_semaphore(%arg14 : memref<!tpu.dma_semaphore, #tpu.memory_space<semaphore_mem>>)
      %scan3A_180 = arith.constant 0 : i32
      %scan3A_181 = arith.constant 0 : i32
      %scan3A_182 = arith.constant 25 : i32
      %scan3A_183 = arith.addi %scan3A_181, %scan3A_182 : i32
      %scan3A_184 = arith.constant 1 : i32
      scf.for %scan3A_299 = %scan3A_181 to %scan3A_183 step %scan3A_184  : i32 {
        %mul3A_300 = arith.constant 32 : i32
        %mul3A_301 = arith.muli %scan3A_299, %mul3A_300 : i32
        %add3A_302 = arith.constant 0 : i32
        %add3A_303 = arith.addi %mul3A_301, %add3A_302 : i32
        %get3A = arith.index_cast %add3A_303 : i32 to index
        %get3A_304 = arith.constant 0 : index
        %get3A_305 = tpu.vector_load %arg8[%get3A, %get3A_304] {strides = array<i32>} : memref<800x16xf32, #tpu.memory_space<vmem>>, vector<16xf32>,
        %bitcast3A = vector.bitcast %get3A_305 : vector<16xf32> to vector<32xbf16>
        %unpack3A = tpu.unpack_subelements %bitcast3A, 0 {pack_format = #tpu.pack_format<interleaved>} : vector<32xbf16> -> vector<16xf32>
        %unpack3A_306 = tpu.unpack_subelements %bitcast3A, 1 {pack_format = #tpu.pack_format<interleaved>} : vector<32xbf16> -> vector<16xf32>
        %mul3A_307 = arith.constant 32 : i32
        %mul3A_308 = arith.muli %scan3A_299, %mul3A_307 : i32
        %add3A_309 = arith.constant 1 : i32
        %add3A_310 = arith.addi %mul3A_308, %add3A_309 : i32
        %get3A_311 = arith.index_cast %add3A_310 : i32 to index
        %get3A_312 = arith.constant 0 : index
        %get3A_313 = tpu.vector_load %arg8[%get3A_311, %get3A_312] {strides = array<i32>} : memref<800x16xf32, #tpu.memory_space<vmem>>, vector<16xf32>,
        %bitcast3A_314 = vector.bitcast %get3A_313 : vector<16xf32> to vector<32xbf16>
        %unpack3A_315 = tpu.unpack_subelements %bitcast3A_314, 0 {pack_format = #tpu.pack_format<interleaved>} : vector<32xbf16> -> vector<16xf32>
        %unpack3A_316 = tpu.unpack_subelements %bitcast3A_314, 1 {pack_format = #tpu.pack_format<interleaved>} : vector<32xbf16> -> vector<16xf32>
        %mul3A_317 = arith.constant 32 : i32
        %mul3A_318 = arith.muli %scan3A_299, %mul3A_317 : i32
        %add3A_319 = arith.constant 2 : i32
        %add3A_320 = arith.addi %mul3A_318, %add3A_319 : i32
        %get3A_321 = arith.index_cast %add3A_320 : i32 to index
        %get3A_322 = arith.constant 0 : index
        %get3A_323 = tpu.vector_load %arg8[%get3A_321, %get3A_322] {strides = array<i32>} : memref<800x16xf32, #tpu.memory_space<vmem>>, vector<16xf32>,
        %bitcast3A_324 = vector.bitcast %get3A_323 : vector<16xf32> to vector<32xbf16>
        %unpack3A_325 = tpu.unpack_subelements %bitcast3A_324, 0 {pack_format = #tpu.pack_format<interleaved>} : vector<32xbf16> -> vector<16xf32>
        %unpack3A_326 = tpu.unpack_subelements %bitcast3A_324, 1 {pack_format = #tpu.pack_format<interleaved>} : vector<32xbf16> -> vector<16xf32>
        %mul3A_327 = arith.constant 32 : i32
        %mul3A_328 = arith.muli %scan3A_299, %mul3A_327 : i32
        %add3A_329 = arith.constant 3 : i32
        %add3A_330 = arith.addi %mul3A_328, %add3A_329 : i32
        %get3A_331 = arith.index_cast %add3A_330 : i32 to index
        %get3A_332 = arith.constant 0 : index
        %get3A_333 = tpu.vector_load %arg8[%get3A_331, %get3A_332] {strides = array<i32>} : memref<800x16xf32, #tpu.memory_space<vmem>>, vector<16xf32>,
        %bitcast3A_334 = vector.bitcast %get3A_333 : vector<16xf32> to vector<32xbf16>
        %unpack3A_335 = tpu.unpack_subelements %bitcast3A_334, 0 {pack_format = #tpu.pack_format<interleaved>} : vector<32xbf16> -> vector<16xf32>
        %unpack3A_336 = tpu.unpack_subelements %bitcast3A_334, 1 {pack_format = #tpu.pack_format<interleaved>} : vector<32xbf16> -> vector<16xf32>
        %mul3A_337 = arith.constant 32 : i32
        %mul3A_338 = arith.muli %scan3A_299, %mul3A_337 : i32
        %add3A_339 = arith.constant 4 : i32
        %add3A_340 = arith.addi %mul3A_338, %add3A_339 : i32
        %get3A_341 = arith.index_cast %add3A_340 : i32 to index
        %get3A_342 = arith.constant 0 : index
        %get3A_343 = tpu.vector_load %arg8[%get3A_341, %get3A_342] {strides = array<i32>} : memref<800x16xf32, #tpu.memory_space<vmem>>, vector<16xf32>,
        %bitcast3A_344 = vector.bitcast %get3A_343 : vector<16xf32> to vector<32xbf16>
        %unpack3A_345 = tpu.unpack_subelements %bitcast3A_344, 0 {pack_format = #tpu.pack_format<interleaved>} : vector<32xbf16> -> vector<16xf32>
        %unpack3A_346 = tpu.unpack_subelements %bitcast3A_344, 1 {pack_format = #tpu.pack_format<interleaved>} : vector<32xbf16> -> vector<16xf32>
        %mul3A_347 = arith.constant 32 : i32
        %mul3A_348 = arith.muli %scan3A_299, %mul3A_347 : i32
        %add3A_349 = arith.constant 5 : i32
        %add3A_350 = arith.addi %mul3A_348, %add3A_349 : i32
        %get3A_351 = arith.index_cast %add3A_350 : i32 to index
        %get3A_352 = arith.constant 0 : index
        %get3A_353 = tpu.vector_load %arg8[%get3A_351, %get3A_352] {strides = array<i32>} : memref<800x16xf32, #tpu.memory_space<vmem>>, vector<16xf32>,
        %bitcast3A_354 = vector.bitcast %get3A_353 : vector<16xf32> to vector<32xbf16>
        %unpack3A_355 = tpu.unpack_subelements %bitcast3A_354, 0 {pack_format = #tpu.pack_format<interleaved>} : vector<32xbf16> -> vector<16xf32>
        %unpack3A_356 = tpu.unpack_subelements %bitcast3A_354, 1 {pack_format = #tpu.pack_format<interleaved>} : vector<32xbf16> -> vector<16xf32>
        %mul3A_357 = arith.constant 32 : i32
        %mul3A_358 = arith.muli %scan3A_299, %mul3A_357 : i32
        %add3A_359 = arith.constant 6 : i32
        %add3A_360 = arith.addi %mul3A_358, %add3A_359 : i32
        %get3A_361 = arith.index_cast %add3A_360 : i32 to index
        %get3A_362 = arith.constant 0 : index
        %get3A_363 = tpu.vector_load %arg8[%get3A_361, %get3A_362] {strides = array<i32>} : memref<800x16xf32, #tpu.memory_space<vmem>>, vector<16xf32>,
        %bitcast3A_364 = vector.bitcast %get3A_363 : vector<16xf32> to vector<32xbf16>
        %unpack3A_365 = tpu.unpack_subelements %bitcast3A_364, 0 {pack_format = #tpu.pack_format<interleaved>} : vector<32xbf16> -> vector<16xf32>
        %unpack3A_366 = tpu.unpack_subelements %bitcast3A_364, 1 {pack_format = #tpu.pack_format<interleaved>} : vector<32xbf16> -> vector<16xf32>
        %mul3A_367 = arith.constant 32 : i32
        %mul3A_368 = arith.muli %scan3A_299, %mul3A_367 : i32
        %add3A_369 = arith.constant 7 : i32
        %add3A_370 = arith.addi %mul3A_368, %add3A_369 : i32
        %get3A_371 = arith.index_cast %add3A_370 : i32 to index
        %get3A_372 = arith.constant 0 : index
        %get3A_373 = tpu.vector_load %arg8[%get3A_371, %get3A_372] {strides = array<i32>} : memref<800x16xf32, #tpu.memory_space<vmem>>, vector<16xf32>,
        %bitcast3A_374 = vector.bitcast %get3A_373 : vector<16xf32> to vector<32xbf16>
        %unpack3A_375 = tpu.unpack_subelements %bitcast3A_374, 0 {pack_format = #tpu.pack_format<interleaved>} : vector<32xbf16> -> vector<16xf32>
        %unpack3A_376 = tpu.unpack_subelements %bitcast3A_374, 1 {pack_format = #tpu.pack_format<interleaved>} : vector<32xbf16> -> vector<16xf32>
        %mul3A_377 = arith.constant 32 : i32
        %mul3A_378 = arith.muli %scan3A_299, %mul3A_377 : i32
        %add3A_379 = arith.constant 8 : i32
        %add3A_380 = arith.addi %mul3A_378, %add3A_379 : i32
        %get3A_381 = arith.index_cast %add3A_380 : i32 to index
        %get3A_382 = arith.constant 0 : index
        %get3A_383 = tpu.vector_load %arg8[%get3A_381, %get3A_382] {strides = array<i32>} : memref<800x16xf32, #tpu.memory_space<vmem>>, vector<16xf32>,
        %bitcast3A_384 = vector.bitcast %get3A_383 : vector<16xf32> to vector<32xbf16>
        %unpack3A_385 = tpu.unpack_subelements %bitcast3A_384, 0 {pack_format = #tpu.pack_format<interleaved>} : vector<32xbf16> -> vector<16xf32>
        %unpack3A_386 = tpu.unpack_subelements %bitcast3A_384, 1 {pack_format = #tpu.pack_format<interleaved>} : vector<32xbf16> -> vector<16xf32>
        %mul3A_387 = arith.constant 32 : i32
        %mul3A_388 = arith.muli %scan3A_299, %mul3A_387 : i32
        %add3A_389 = arith.constant 9 : i32
        %add3A_390 = arith.addi %mul3A_388, %add3A_389 : i32
        %get3A_391 = arith.index_cast %add3A_390 : i32 to index
        %get3A_392 = arith.constant 0 : index
        %get3A_393 = tpu.vector_load %arg8[%get3A_391, %get3A_392] {strides = array<i32>} : memref<800x16xf32, #tpu.memory_space<vmem>>, vector<16xf32>,
        %bitcast3A_394 = vector.bitcast %get3A_393 : vector<16xf32> to vector<32xbf16>
        %unpack3A_395 = tpu.unpack_subelements %bitcast3A_394, 0 {pack_format = #tpu.pack_format<interleaved>} : vector<32xbf16> -> vector<16xf32>
        %unpack3A_396 = tpu.unpack_subelements %bitcast3A_394, 1 {pack_format = #tpu.pack_format<interleaved>} : vector<32xbf16> -> vector<16xf32>
        %mul3A_397 = arith.constant 32 : i32
        %mul3A_398 = arith.muli %scan3A_299, %mul3A_397 : i32
        %add3A_399 = arith.constant 10 : i32
        %add3A_400 = arith.addi %mul3A_398, %add3A_399 : i32
        %get3A_401 = arith.index_cast %add3A_400 : i32 to index
        %get3A_402 = arith.constant 0 : index
        %get3A_403 = tpu.vector_load %arg8[%get3A_401, %get3A_402] {strides = array<i32>} : memref<800x16xf32, #tpu.memory_space<vmem>>, vector<16xf32>,
        %bitcast3A_404 = vector.bitcast %get3A_403 : vector<16xf32> to vector<32xbf16>
        %unpack3A_405 = tpu.unpack_subelements %bitcast3A_404, 0 {pack_format = #tpu.pack_format<interleaved>} : vector<32xbf16> -> vector<16xf32>
        %unpack3A_406 = tpu.unpack_subelements %bitcast3A_404, 1 {pack_format = #tpu.pack_format<interleaved>} : vector<32xbf16> -> vector<16xf32>
        %mul3A_407 = arith.constant 32 : i32
        %mul3A_408 = arith.muli %scan3A_299, %mul3A_407 : i32
        %add3A_409 = arith.constant 11 : i32
        %add3A_410 = arith.addi %mul3A_408, %add3A_409 : i32
        %get3A_411 = arith.index_cast %add3A_410 : i32 to index
        %get3A_412 = arith.constant 0 : index
        %get3A_413 = tpu.vector_load %arg8[%get3A_411, %get3A_412] {strides = array<i32>} : memref<800x16xf32, #tpu.memory_space<vmem>>, vector<16xf32>,
        %bitcast3A_414 = vector.bitcast %get3A_413 : vector<16xf32> to vector<32xbf16>
        %unpack3A_415 = tpu.unpack_subelements %bitcast3A_414, 0 {pack_format = #tpu.pack_format<interleaved>} : vector<32xbf16> -> vector<16xf32>
        %unpack3A_416 = tpu.unpack_subelements %bitcast3A_414, 1 {pack_format = #tpu.pack_format<interleaved>} : vector<32xbf16> -> vector<16xf32>
        %mul3A_417 = arith.constant 32 : i32
        %mul3A_418 = arith.muli %scan3A_299, %mul3A_417 : i32
        %add3A_419 = arith.constant 12 : i32
        %add3A_420 = arith.addi %mul3A_418, %add3A_419 : i32
        %get3A_421 = arith.index_cast %add3A_420 : i32 to index
        %get3A_422 = arith.constant 0 : index
        %get3A_423 = tpu.vector_load %arg8[%get3A_421, %get3A_422] {strides = array<i32>} : memref<800x16xf32, #tpu.memory_space<vmem>>, vector<16xf32>,
        %bitcast3A_424 = vector.bitcast %get3A_423 : vector<16xf32> to vector<32xbf16>
        %unpack3A_425 = tpu.unpack_subelements %bitcast3A_424, 0 {pack_format = #tpu.pack_format<interleaved>} : vector<32xbf16> -> vector<16xf32>
        %unpack3A_426 = tpu.unpack_subelements %bitcast3A_424, 1 {pack_format = #tpu.pack_format<interleaved>} : vector<32xbf16> -> vector<16xf32>
        %mul3A_427 = arith.constant 32 : i32
        %mul3A_428 = arith.muli %scan3A_299, %mul3A_427 : i32
        %add3A_429 = arith.constant 13 : i32
        %add3A_430 = arith.addi %mul3A_428, %add3A_429 : i32
        %get3A_431 = arith.index_cast %add3A_430 : i32 to index
        %get3A_432 = arith.constant 0 : index
        %get3A_433 = tpu.vector_load %arg8[%get3A_431, %get3A_432] {strides = array<i32>} : memref<800x16xf32, #tpu.memory_space<vmem>>, vector<16xf32>,
        %bitcast3A_434 = vector.bitcast %get3A_433 : vector<16xf32> to vector<32xbf16>
        %unpack3A_435 = tpu.unpack_subelements %bitcast3A_434, 0 {pack_format = #tpu.pack_format<interleaved>} : vector<32xbf16> -> vector<16xf32>
        %unpack3A_436 = tpu.unpack_subelements %bitcast3A_434, 1 {pack_format = #tpu.pack_format<interleaved>} : vector<32xbf16> -> vector<16xf32>
        %mul3A_437 = arith.constant 32 : i32
        %mul3A_438 = arith.muli %scan3A_299, %mul3A_437 : i32
        %add3A_439 = arith.constant 14 : i32
        %add3A_440 = arith.addi %mul3A_438, %add3A_439 : i32
        %get3A_441 = arith.index_cast %add3A_440 : i32 to index
        %get3A_442 = arith.constant 0 : index
        %get3A_443 = tpu.vector_load %arg8[%get3A_441, %get3A_442] {strides = array<i32>} : memref<800x16xf32, #tpu.memory_space<vmem>>, vector<16xf32>,
        %bitcast3A_444 = vector.bitcast %get3A_443 : vector<16xf32> to vector<32xbf16>
        %unpack3A_445 = tpu.unpack_subelements %bitcast3A_444, 0 {pack_format = #tpu.pack_format<interleaved>} : vector<32xbf16> -> vector<16xf32>
        %unpack3A_446 = tpu.unpack_subelements %bitcast3A_444, 1 {pack_format = #tpu.pack_format<interleaved>} : vector<32xbf16> -> vector<16xf32>
        %mul3A_447 = arith.constant 32 : i32
        %mul3A_448 = arith.muli %scan3A_299, %mul3A_447 : i32
        %add3A_449 = arith.constant 15 : i32
        %add3A_450 = arith.addi %mul3A_448, %add3A_449 : i32
        %get3A_451 = arith.index_cast %add3A_450 : i32 to index
        %get3A_452 = arith.constant 0 : index
        %get3A_453 = tpu.vector_load %arg8[%get3A_451, %get3A_452] {strides = array<i32>} : memref<800x16xf32, #tpu.memory_space<vmem>>, vector<16xf32>,
        %bitcast3A_454 = vector.bitcast %get3A_453 : vector<16xf32> to vector<32xbf16>
        %unpack3A_455 = tpu.unpack_subelements %bitcast3A_454, 0 {pack_format = #tpu.pack_format<interleaved>} : vector<32xbf16> -> vector<16xf32>
        %unpack3A_456 = tpu.unpack_subelements %bitcast3A_454, 1 {pack_format = #tpu.pack_format<interleaved>} : vector<32xbf16> -> vector<16xf32>
        %mul3A_457 = arith.constant 32 : i32
        %mul3A_458 = arith.muli %scan3A_299, %mul3A_457 : i32
        %add3A_459 = arith.constant 16 : i32
        %add3A_460 = arith.addi %mul3A_458, %add3A_459 : i32
        %get3A_461 = arith.index_cast %add3A_460 : i32 to index
        %get3A_462 = arith.constant 0 : index
        %get3A_463 = tpu.vector_load %arg8[%get3A_461, %get3A_462] {strides = array<i32>} : memref<800x16xf32, #tpu.memory_space<vmem>>, vector<16xf32>,
        %bitcast3A_464 = vector.bitcast %get3A_463 : vector<16xf32> to vector<32xbf16>
        %unpack3A_465 = tpu.unpack_subelements %bitcast3A_464, 0 {pack_format = #tpu.pack_format<interleaved>} : vector<32xbf16> -> vector<16xf32>
        %unpack3A_466 = tpu.unpack_subelements %bitcast3A_464, 1 {pack_format = #tpu.pack_format<interleaved>} : vector<32xbf16> -> vector<16xf32>
        %mul3A_467 = arith.constant 32 : i32
        %mul3A_468 = arith.muli %scan3A_299, %mul3A_467 : i32
        %add3A_469 = arith.constant 17 : i32
        %add3A_470 = arith.addi %mul3A_468, %add3A_469 : i32
        %get3A_471 = arith.index_cast %add3A_470 : i32 to index
        %get3A_472 = arith.constant 0 : index
        %get3A_473 = tpu.vector_load %arg8[%get3A_471, %get3A_472] {strides = array<i32>} : memref<800x16xf32, #tpu.memory_space<vmem>>, vector<16xf32>,
        %bitcast3A_474 = vector.bitcast %get3A_473 : vector<16xf32> to vector<32xbf16>
        %unpack3A_475 = tpu.unpack_subelements %bitcast3A_474, 0 {pack_format = #tpu.pack_format<interleaved>} : vector<32xbf16> -> vector<16xf32>
        %unpack3A_476 = tpu.unpack_subelements %bitcast3A_474, 1 {pack_format = #tpu.pack_format<interleaved>} : vector<32xbf16> -> vector<16xf32>
        %mul3A_477 = arith.constant 32 : i32
        %mul3A_478 = arith.muli %scan3A_299, %mul3A_477 : i32
        %add3A_479 = arith.constant 18 : i32
        %add3A_480 = arith.addi %mul3A_478, %add3A_479 : i32
        %get3A_481 = arith.index_cast %add3A_480 : i32 to index
        %get3A_482 = arith.constant 0 : index
        %get3A_483 = tpu.vector_load %arg8[%get3A_481, %get3A_482] {strides = array<i32>} : memref<800x16xf32, #tpu.memory_space<vmem>>, vector<16xf32>,
        %bitcast3A_484 = vector.bitcast %get3A_483 : vector<16xf32> to vector<32xbf16>
        %unpack3A_485 = tpu.unpack_subelements %bitcast3A_484, 0 {pack_format = #tpu.pack_format<interleaved>} : vector<32xbf16> -> vector<16xf32>
        %unpack3A_486 = tpu.unpack_subelements %bitcast3A_484, 1 {pack_format = #tpu.pack_format<interleaved>} : vector<32xbf16> -> vector<16xf32>
        %mul3A_487 = arith.constant 32 : i32
        %mul3A_488 = arith.muli %scan3A_299, %mul3A_487 : i32
        %add3A_489 = arith.constant 19 : i32
        %add3A_490 = arith.addi %mul3A_488, %add3A_489 : i32
        %get3A_491 = arith.index_cast %add3A_490 : i32 to index
        %get3A_492 = arith.constant 0 : index
        %get3A_493 = tpu.vector_load %arg8[%get3A_491, %get3A_492] {strides = array<i32>} : memref<800x16xf32, #tpu.memory_space<vmem>>, vector<16xf32>,
        %bitcast3A_494 = vector.bitcast %get3A_493 : vector<16xf32> to vector<32xbf16>
        %unpack3A_495 = tpu.unpack_subelements %bitcast3A_494, 0 {pack_format = #tpu.pack_format<interleaved>} : vector<32xbf16> -> vector<16xf32>
        %unpack3A_496 = tpu.unpack_subelements %bitcast3A_494, 1 {pack_format = #tpu.pack_format<interleaved>} : vector<32xbf16> -> vector<16xf32>
        %mul3A_497 = arith.constant 32 : i32
        %mul3A_498 = arith.muli %scan3A_299, %mul3A_497 : i32
        %add3A_499 = arith.constant 20 : i32
        %add3A_500 = arith.addi %mul3A_498, %add3A_499 : i32
        %get3A_501 = arith.index_cast %add3A_500 : i32 to index
        %get3A_502 = arith.constant 0 : index
        %get3A_503 = tpu.vector_load %arg8[%get3A_501, %get3A_502] {strides = array<i32>} : memref<800x16xf32, #tpu.memory_space<vmem>>, vector<16xf32>,
        %bitcast3A_504 = vector.bitcast %get3A_503 : vector<16xf32> to vector<32xbf16>
        %unpack3A_505 = tpu.unpack_subelements %bitcast3A_504, 0 {pack_format = #tpu.pack_format<interleaved>} : vector<32xbf16> -> vector<16xf32>
        %unpack3A_506 = tpu.unpack_subelements %bitcast3A_504, 1 {pack_format = #tpu.pack_format<interleaved>} : vector<32xbf16> -> vector<16xf32>
        %mul3A_507 = arith.constant 32 : i32
        %mul3A_508 = arith.muli %scan3A_299, %mul3A_507 : i32
        %add3A_509 = arith.constant 21 : i32
        %add3A_510 = arith.addi %mul3A_508, %add3A_509 : i32
        %get3A_511 = arith.index_cast %add3A_510 : i32 to index
        %get3A_512 = arith.constant 0 : index
        %get3A_513 = tpu.vector_load %arg8[%get3A_511, %get3A_512] {strides = array<i32>} : memref<800x16xf32, #tpu.memory_space<vmem>>, vector<16xf32>,
        %bitcast3A_514 = vector.bitcast %get3A_513 : vector<16xf32> to vector<32xbf16>
        %unpack3A_515 = tpu.unpack_subelements %bitcast3A_514, 0 {pack_format = #tpu.pack_format<interleaved>} : vector<32xbf16> -> vector<16xf32>
        %unpack3A_516 = tpu.unpack_subelements %bitcast3A_514, 1 {pack_format = #tpu.pack_format<interleaved>} : vector<32xbf16> -> vector<16xf32>
        %mul3A_517 = arith.constant 32 : i32
        %mul3A_518 = arith.muli %scan3A_299, %mul3A_517 : i32
        %add3A_519 = arith.constant 22 : i32
        %add3A_520 = arith.addi %mul3A_518, %add3A_519 : i32
        %get3A_521 = arith.index_cast %add3A_520 : i32 to index
        %get3A_522 = arith.constant 0 : index
        %get3A_523 = tpu.vector_load %arg8[%get3A_521, %get3A_522] {strides = array<i32>} : memref<800x16xf32, #tpu.memory_space<vmem>>, vector<16xf32>,
        %bitcast3A_524 = vector.bitcast %get3A_523 : vector<16xf32> to vector<32xbf16>
        %unpack3A_525 = tpu.unpack_subelements %bitcast3A_524, 0 {pack_format = #tpu.pack_format<interleaved>} : vector<32xbf16> -> vector<16xf32>
        %unpack3A_526 = tpu.unpack_subelements %bitcast3A_524, 1 {pack_format = #tpu.pack_format<interleaved>} : vector<32xbf16> -> vector<16xf32>
        %mul3A_527 = arith.constant 32 : i32
        %mul3A_528 = arith.muli %scan3A_299, %mul3A_527 : i32
        %add3A_529 = arith.constant 23 : i32
        %add3A_530 = arith.addi %mul3A_528, %add3A_529 : i32
        %get3A_531 = arith.index_cast %add3A_530 : i32 to index
        %get3A_532 = arith.constant 0 : index
        %get3A_533 = tpu.vector_load %arg8[%get3A_531, %get3A_532] {strides = array<i32>} : memref<800x16xf32, #tpu.memory_space<vmem>>, vector<16xf32>,
        %bitcast3A_534 = vector.bitcast %get3A_533 : vector<16xf32> to vector<32xbf16>
        %unpack3A_535 = tpu.unpack_subelements %bitcast3A_534, 0 {pack_format = #tpu.pack_format<interleaved>} : vector<32xbf16> -> vector<16xf32>
        %unpack3A_536 = tpu.unpack_subelements %bitcast3A_534, 1 {pack_format = #tpu.pack_format<interleaved>} : vector<32xbf16> -> vector<16xf32>
        %mul3A_537 = arith.constant 32 : i32
        %mul3A_538 = arith.muli %scan3A_299, %mul3A_537 : i32
        %add3A_539 = arith.constant 24 : i32
        %add3A_540 = arith.addi %mul3A_538, %add3A_539 : i32
        %get3A_541 = arith.index_cast %add3A_540 : i32 to index
        %get3A_542 = arith.constant 0 : index
        %get3A_543 = tpu.vector_load %arg8[%get3A_541, %get3A_542] {strides = array<i32>} : memref<800x16xf32, #tpu.memory_space<vmem>>, vector<16xf32>,
        %bitcast3A_544 = vector.bitcast %get3A_543 : vector<16xf32> to vector<32xbf16>
        %unpack3A_545 = tpu.unpack_subelements %bitcast3A_544, 0 {pack_format = #tpu.pack_format<interleaved>} : vector<32xbf16> -> vector<16xf32>
        %unpack3A_546 = tpu.unpack_subelements %bitcast3A_544, 1 {pack_format = #tpu.pack_format<interleaved>} : vector<32xbf16> -> vector<16xf32>
        %mul3A_547 = arith.constant 32 : i32
        %mul3A_548 = arith.muli %scan3A_299, %mul3A_547 : i32
        %add3A_549 = arith.constant 25 : i32
        %add3A_550 = arith.addi %mul3A_548, %add3A_549 : i32
        %get3A_551 = arith.index_cast %add3A_550 : i32 to index
        %get3A_552 = arith.constant 0 : index
        %get3A_553 = tpu.vector_load %arg8[%get3A_551, %get3A_552] {strides = array<i32>} : memref<800x16xf32, #tpu.memory_space<vmem>>, vector<16xf32>,
        %bitcast3A_554 = vector.bitcast %get3A_553 : vector<16xf32> to vector<32xbf16>
        %unpack3A_555 = tpu.unpack_subelements %bitcast3A_554, 0 {pack_format = #tpu.pack_format<interleaved>} : vector<32xbf16> -> vector<16xf32>
        %unpack3A_556 = tpu.unpack_subelements %bitcast3A_554, 1 {pack_format = #tpu.pack_format<interleaved>} : vector<32xbf16> -> vector<16xf32>
        %mul3A_557 = arith.constant 32 : i32
        %mul3A_558 = arith.muli %scan3A_299, %mul3A_557 : i32
        %add3A_559 = arith.constant 26 : i32
        %add3A_560 = arith.addi %mul3A_558, %add3A_559 : i32
        %get3A_561 = arith.index_cast %add3A_560 : i32 to index
        %get3A_562 = arith.constant 0 : index
        %get3A_563 = tpu.vector_load %arg8[%get3A_561, %get3A_562] {strides = array<i32>} : memref<800x16xf32, #tpu.memory_space<vmem>>, vector<16xf32>,
        %bitcast3A_564 = vector.bitcast %get3A_563 : vector<16xf32> to vector<32xbf16>
        %unpack3A_565 = tpu.unpack_subelements %bitcast3A_564, 0 {pack_format = #tpu.pack_format<interleaved>} : vector<32xbf16> -> vector<16xf32>
        %unpack3A_566 = tpu.unpack_subelements %bitcast3A_564, 1 {pack_format = #tpu.pack_format<interleaved>} : vector<32xbf16> -> vector<16xf32>
        %mul3A_567 = arith.constant 32 : i32
        %mul3A_568 = arith.muli %scan3A_299, %mul3A_567 : i32
        %add3A_569 = arith.constant 27 : i32
        %add3A_570 = arith.addi %mul3A_568, %add3A_569 : i32
        %get3A_571 = arith.index_cast %add3A_570 : i32 to index
        %get3A_572 = arith.constant 0 : index
        %get3A_573 = tpu.vector_load %arg8[%get3A_571, %get3A_572] {strides = array<i32>} : memref<800x16xf32, #tpu.memory_space<vmem>>, vector<16xf32>,
        %bitcast3A_574 = vector.bitcast %get3A_573 : vector<16xf32> to vector<32xbf16>
        %unpack3A_575 = tpu.unpack_subelements %bitcast3A_574, 0 {pack_format = #tpu.pack_format<interleaved>} : vector<32xbf16> -> vector<16xf32>
        %unpack3A_576 = tpu.unpack_subelements %bitcast3A_574, 1 {pack_format = #tpu.pack_format<interleaved>} : vector<32xbf16> -> vector<16xf32>
        %mul3A_577 = arith.constant 32 : i32
        %mul3A_578 = arith.muli %scan3A_299, %mul3A_577 : i32
        %add3A_579 = arith.constant 28 : i32
        %add3A_580 = arith.addi %mul3A_578, %add3A_579 : i32
        %get3A_581 = arith.index_cast %add3A_580 : i32 to index
        %get3A_582 = arith.constant 0 : index
        %get3A_583 = tpu.vector_load %arg8[%get3A_581, %get3A_582] {strides = array<i32>} : memref<800x16xf32, #tpu.memory_space<vmem>>, vector<16xf32>,
        %bitcast3A_584 = vector.bitcast %get3A_583 : vector<16xf32> to vector<32xbf16>
        %unpack3A_585 = tpu.unpack_subelements %bitcast3A_584, 0 {pack_format = #tpu.pack_format<interleaved>} : vector<32xbf16> -> vector<16xf32>
        %unpack3A_586 = tpu.unpack_subelements %bitcast3A_584, 1 {pack_format = #tpu.pack_format<interleaved>} : vector<32xbf16> -> vector<16xf32>
        %mul3A_587 = arith.constant 32 : i32
        %mul3A_588 = arith.muli %scan3A_299, %mul3A_587 : i32
        %add3A_589 = arith.constant 29 : i32
        %add3A_590 = arith.addi %mul3A_588, %add3A_589 : i32
        %get3A_591 = arith.index_cast %add3A_590 : i32 to index
        %get3A_592 = arith.constant 0 : index
        %get3A_593 = tpu.vector_load %arg8[%get3A_591, %get3A_592] {strides = array<i32>} : memref<800x16xf32, #tpu.memory_space<vmem>>, vector<16xf32>,
        %bitcast3A_594 = vector.bitcast %get3A_593 : vector<16xf32> to vector<32xbf16>
        %unpack3A_595 = tpu.unpack_subelements %bitcast3A_594, 0 {pack_format = #tpu.pack_format<interleaved>} : vector<32xbf16> -> vector<16xf32>
        %unpack3A_596 = tpu.unpack_subelements %bitcast3A_594, 1 {pack_format = #tpu.pack_format<interleaved>} : vector<32xbf16> -> vector<16xf32>
        %mul3A_597 = arith.constant 32 : i32
        %mul3A_598 = arith.muli %scan3A_299, %mul3A_597 : i32
        %add3A_599 = arith.constant 30 : i32
        %add3A_600 = arith.addi %mul3A_598, %add3A_599 : i32
        %get3A_601 = arith.index_cast %add3A_600 : i32 to index
        %get3A_602 = arith.constant 0 : index
        %get3A_603 = tpu.vector_load %arg8[%get3A_601, %get3A_602] {strides = array<i32>} : memref<800x16xf32, #tpu.memory_space<vmem>>, vector<16xf32>,
        %bitcast3A_604 = vector.bitcast %get3A_603 : vector<16xf32> to vector<32xbf16>
        %unpack3A_605 = tpu.unpack_subelements %bitcast3A_604, 0 {pack_format = #tpu.pack_format<interleaved>} : vector<32xbf16> -> vector<16xf32>
        %unpack3A_606 = tpu.unpack_subelements %bitcast3A_604, 1 {pack_format = #tpu.pack_format<interleaved>} : vector<32xbf16> -> vector<16xf32>
        %mul3A_607 = arith.constant 32 : i32
        %mul3A_608 = arith.muli %scan3A_299, %mul3A_607 : i32
        %add3A_609 = arith.constant 31 : i32
        %add3A_610 = arith.addi %mul3A_608, %add3A_609 : i32
        %get3A_611 = arith.index_cast %add3A_610 : i32 to index
        %get3A_612 = arith.constant 0 : index
        %get3A_613 = tpu.vector_load %arg8[%get3A_611, %get3A_612] {strides = array<i32>} : memref<800x16xf32, #tpu.memory_space<vmem>>, vector<16xf32>,
        %bitcast3A_614 = vector.bitcast %get3A_613 : vector<16xf32> to vector<32xbf16>
        %unpack3A_615 = tpu.unpack_subelements %bitcast3A_614, 0 {pack_format = #tpu.pack_format<interleaved>} : vector<32xbf16> -> vector<16xf32>
        %unpack3A_616 = tpu.unpack_subelements %bitcast3A_614, 1 {pack_format = #tpu.pack_format<interleaved>} : vector<32xbf16> -> vector<16xf32>
        %add3A_617 = arith.addf %unpack3A, %unpack3A_315 : vector<16xf32>
        %add3A_618 = arith.addf %unpack3A_325, %unpack3A_335 : vector<16xf32>
        %add3A_619 = arith.addf %unpack3A_345, %unpack3A_355 : vector<16xf32>
        %add3A_620 = arith.addf %unpack3A_365, %unpack3A_375 : vector<16xf32>
        %add3A_621 = arith.addf %unpack3A_385, %unpack3A_395 : vector<16xf32>
        %add3A_622 = arith.addf %unpack3A_405, %unpack3A_415 : vector<16xf32>
        %add3A_623 = arith.addf %unpack3A_425, %unpack3A_435 : vector<16xf32>
        %add3A_624 = arith.addf %unpack3A_445, %unpack3A_455 : vector<16xf32>
        %add3A_625 = arith.addf %unpack3A_465, %unpack3A_475 : vector<16xf32>
        %add3A_626 = arith.addf %unpack3A_485, %unpack3A_495 : vector<16xf32>
        %add3A_627 = arith.addf %unpack3A_505, %unpack3A_515 : vector<16xf32>
        %add3A_628 = arith.addf %unpack3A_525, %unpack3A_535 : vector<16xf32>
        %add3A_629 = arith.addf %unpack3A_545, %unpack3A_555 : vector<16xf32>
        %add3A_630 = arith.addf %unpack3A_565, %unpack3A_575 : vector<16xf32>
        %add3A_631 = arith.addf %unpack3A_585, %unpack3A_595 : vector<16xf32>
        %add3A_632 = arith.addf %unpack3A_605, %unpack3A_615 : vector<16xf32>
        %add3A_633 = arith.addf %unpack3A_306, %unpack3A_316 : vector<16xf32>
        %add3A_634 = arith.addf %unpack3A_326, %unpack3A_336 : vector<16xf32>
        %add3A_635 = arith.addf %unpack3A_346, %unpack3A_356 : vector<16xf32>
        %add3A_636 = arith.addf %unpack3A_366, %unpack3A_376 : vector<16xf32>
        %add3A_637 = arith.addf %unpack3A_386, %unpack3A_396 : vector<16xf32>
        %add3A_638 = arith.addf %unpack3A_406, %unpack3A_416 : vector<16xf32>
        %add3A_639 = arith.addf %unpack3A_426, %unpack3A_436 : vector<16xf32>
        %add3A_640 = arith.addf %unpack3A_446, %unpack3A_456 : vector<16xf32>
        %add3A_641 = arith.addf %unpack3A_466, %unpack3A_476 : vector<16xf32>
        %add3A_642 = arith.addf %unpack3A_486, %unpack3A_496 : vector<16xf32>
        %add3A_643 = arith.addf %unpack3A_506, %unpack3A_516 : vector<16xf32>
        %add3A_644 = arith.addf %unpack3A_526, %unpack3A_536 : vector<16xf32>
        %add3A_645 = arith.addf %unpack3A_546, %unpack3A_556 : vector<16xf32>
        %add3A_646 = arith.addf %unpack3A_566, %unpack3A_576 : vector<16xf32>
        %add3A_647 = arith.addf %unpack3A_586, %unpack3A_596 : vector<16xf32>
        %add3A_648 = arith.addf %unpack3A_606, %unpack3A_616 : vector<16xf32>
        %add3A_649 = arith.addf %add3A_617, %add3A_618 : vector<16xf32>
        %add3A_650 = arith.addf %add3A_619, %add3A_620 : vector<16xf32>
        %add3A_651 = arith.addf %add3A_621, %add3A_622 : vector<16xf32>
        %add3A_652 = arith.addf %add3A_623, %add3A_624 : vector<16xf32>
        %add3A_653 = arith.addf %add3A_625, %add3A_626 : vector<16xf32>
        %add3A_654 = arith.addf %add3A_627, %add3A_628 : vector<16xf32>
        %add3A_655 = arith.addf %add3A_629, %add3A_630 : vector<16xf32>
        %add3A_656 = arith.addf %add3A_631, %add3A_632 : vector<16xf32>
        %add3A_657 = arith.addf %add3A_633, %add3A_634 : vector<16xf32>
        %add3A_658 = arith.addf %add3A_635, %add3A_636 : vector<16xf32>
        %add3A_659 = arith.addf %add3A_637, %add3A_638 : vector<16xf32>
        %add3A_660 = arith.addf %add3A_639, %add3A_640 : vector<16xf32>
        %add3A_661 = arith.addf %add3A_641, %add3A_642 : vector<16xf32>
        %add3A_662 = arith.addf %add3A_643, %add3A_644 : vector<16xf32>
        %add3A_663 = arith.addf %add3A_645, %add3A_646 : vector<16xf32>
        %add3A_664 = arith.addf %add3A_647, %add3A_648 : vector<16xf32>
        %add3A_665 = arith.addf %add3A_649, %add3A_650 : vector<16xf32>
        %add3A_666 = arith.addf %add3A_651, %add3A_652 : vector<16xf32>
        %add3A_667 = arith.addf %add3A_653, %add3A_654 : vector<16xf32>
        %add3A_668 = arith.addf %add3A_655, %add3A_656 : vector<16xf32>
        %add3A_669 = arith.addf %add3A_657, %add3A_658 : vector<16xf32>
        %add3A_670 = arith.addf %add3A_659, %add3A_660 : vector<16xf32>
        %add3A_671 = arith.addf %add3A_661, %add3A_662 : vector<16xf32>
        %add3A_672 = arith.addf %add3A_663, %add3A_664 : vector<16xf32>
        %add3A_673 = arith.addf %add3A_665, %add3A_666 : vector<16xf32>
        %add3A_674 = arith.addf %add3A_667, %add3A_668 : vector<16xf32>
        %add3A_675 = arith.addf %add3A_669, %add3A_670 : vector<16xf32>
        %add3A_676 = arith.addf %add3A_671, %add3A_672 : vector<16xf32>
        %add3A_677 = arith.addf %add3A_673, %add3A_674 : vector<16xf32>
        %add3A_678 = arith.addf %add3A_675, %add3A_676 : vector<16xf32>
        %mul3A_679 = arith.constant 3.125000e-02 : f32
        %mul3A_680 = vector.broadcast %mul3A_679 : f32 to vector<16xf32>
        %mul3A_681 = arith.mulf %add3A_677, %mul3A_680 : vector<16xf32>
        %mul3A_682 = arith.constant 3.125000e-02 : f32
        %mul3A_683 = vector.broadcast %mul3A_682 : f32 to vector<16xf32>
        %mul3A_684 = arith.mulf %add3A_678, %mul3A_683 : vector<16xf32>
        %pack3A = tpu.pack_subelements %mul3A_681, %mul3A_684 {pack_format = #tpu.pack_format<interleaved>, positions = array<i32: 0, 1>} : vector<16xf32>, vector<16xf32> -> vector<32xbf16>
        %bitcast3A_685 = vector.bitcast %pack3A : vector<32xbf16> to vector<16xf32>
        %mul3A_686 = arith.constant 16 : i32
        %mul3A_687 = arith.muli %scan3A_299, %mul3A_686 : i32
        %swap3A = arith.index_cast %mul3A_687 : i32 to index
        %swap3A_688 = tpu.vector_load %arg10[%swap3A] {strides = array<i32>} : memref<400xf32, #tpu.memory_space<vmem>>, vector<16xf32>,
        tpu.vector_store %arg10[%swap3A], %bitcast3A_685 {strides = array<i32>} : memref<400xf32, #tpu.memory_space<vmem>>, vector<16xf32>,
      }
      %scan3A_185 = arith.constant 25 : i32
      %mul3A_186 = arith.constant 16 : i32
      %mul3A_187 = arith.muli %add3A_169, %mul3A_186 : i32
      %dma_start3A_188 = tpu.memref_slice %arg5[%mul3A_187] : memref<320000xf32, #tpu.memory_space<hbm>> -> memref<400xf32, #tpu.memory_space<hbm>>
      %dma_start3A_189 = tpu.memref_slice %arg5[%mul3A_187] : memref<320000xf32, #tpu.memory_space<hbm>> -> memref<400xf32, #tpu.memory_space<hbm>>
      tpu.enqueue_dma source(%arg10 : memref<400xf32, #tpu.memory_space<vmem>>) target(%dma_start3A_189 : memref<400xf32, #tpu.memory_space<hbm>>) target_semaphore(%arg16 : memref<!tpu.dma_semaphore, #tpu.memory_space<semaphore_mem>>)
      %dma_wait3A_190 = arith.constant 0 : i32
      %dma_wait3A_191 = arith.constant 0 : i32
      %dma_wait3A_192 = tpu.memref_slice %arg4[%dma_wait3A_190, %dma_wait3A_191] : memref<640000x16xf32, #tpu.memory_space<hbm>> -> memref<800x16xf32, #tpu.memory_space<hbm>>
      %dma_wait3A_193 = arith.constant 0 : i32
      %dma_wait3A_194 = arith.constant 0 : i32
      %dma_wait3A_195 = tpu.memref_slice %arg4[%dma_wait3A_193, %dma_wait3A_194] : memref<640000x16xf32, #tpu.memory_space<hbm>> -> memref<800x16xf32, #tpu.memory_space<hbm>>
      tpu.wait_dma2 semaphore(%arg14 : memref<!tpu.dma_semaphore, #tpu.memory_space<semaphore_mem>>) src(%arg8 : memref<800x16xf32, #tpu.memory_space<vmem>>) dst(%dma_wait3A_195 : memref<800x16xf32, #tpu.memory_space<hbm>>)
      %dma_wait3A_196 = arith.constant 0 : i32
      %dma_wait3A_197 = tpu.memref_slice %arg5[%dma_wait3A_196] : memref<320000xf32, #tpu.memory_space<hbm>> -> memref<400xf32, #tpu.memory_space<hbm>>
      %dma_wait3A_198 = arith.constant 0 : i32
      %dma_wait3A_199 = tpu.memref_slice %arg5[%dma_wait3A_198] : memref<320000xf32, #tpu.memory_space<hbm>> -> memref<400xf32, #tpu.memory_space<hbm>>
      tpu.wait_dma2 semaphore(%arg16 : memref<!tpu.dma_semaphore, #tpu.memory_space<semaphore_mem>>) src(%arg10 : memref<400xf32, #tpu.memory_space<vmem>>) dst(%dma_wait3A_199 : memref<400xf32, #tpu.memory_space<hbm>>)
      %add3A_200 = arith.constant 2 : i32
      %add3A_201 = arith.addi %mul3A_102, %add3A_200 : i32
      %mul3A_202 = arith.constant 800 : i32
      %mul3A_203 = arith.muli %add3A_201, %mul3A_202 : i32
      %add3A_204 = arith.addi %mul3A_4, %mul3A_203 : i32
      "tpu.region"() ({
        %run_scoped3A = tpu.sem_alloc : memref<!tpu.dma_semaphore, #tpu.memory_space<semaphore_mem>>
        %dma_start3A_299 = tpu.memref_slice %arg2[%add3A_204] : memref<640000xi32, #tpu.memory_space<hbm>> -> memref<800xi32, #tpu.memory_space<hbm>>
        %dma_start3A_300 = tpu.memref_slice %arg2[%add3A_204] : memref<640000xi32, #tpu.memory_space<hbm>> -> memref<800xi32, #tpu.memory_space<hbm>>
        tpu.enqueue_dma source(%dma_start3A_300 : memref<800xi32, #tpu.memory_space<hbm>>) target(%arg6 : memref<800xi32, #tpu.memory_space<vmem>>) target_semaphore(%run_scoped3A : memref<!tpu.dma_semaphore, #tpu.memory_space<semaphore_mem>>)
        %dma_wait3A_301 = tpu.memref_slice %arg2[%add3A_204] : memref<640000xi32, #tpu.memory_space<hbm>> -> memref<800xi32, #tpu.memory_space<hbm>>
        %dma_wait3A_302 = tpu.memref_slice %arg2[%add3A_204] : memref<640000xi32, #tpu.memory_space<hbm>> -> memref<800xi32, #tpu.memory_space<hbm>>
        tpu.wait_dma2 semaphore(%run_scoped3A : memref<!tpu.dma_semaphore, #tpu.memory_space<semaphore_mem>>) src(%dma_wait3A_302 : memref<800xi32, #tpu.memory_space<hbm>>) dst(%arg6 : memref<800xi32, #tpu.memory_space<vmem>>)
        tpu.yield
      }) : () -> ()
      %dma_start3A_205 = arith.constant 0 : i32
      %dma_start3A_206 = arith.constant 0 : i32
      %dma_start3A_207 = tpu.memref_slice %arg8[%dma_start3A_205, %dma_start3A_206] : memref<800x16xf32, #tpu.memory_space<vmem>> -> memref<128x16xf32, #tpu.memory_space<vmem>>
      %dma_start3A_208 = arith.constant 0 : i32
      %dma_start3A_209 = tpu.memref_slice %arg6[%dma_start3A_208] : memref<800xi32, #tpu.memory_space<vmem>> -> memref<128xi32, #tpu.memory_space<vmem>>
      %dma_start3A_210 = arith.constant 0 : i32
      %dma_start3A_211 = arith.constant 0 : i32
      %dma_start3A_212 = tpu.memref_slice %arg3[%dma_start3A_210, %dma_start3A_211] : memref<20000x16xf32, #tpu.memory_space<hbm>> -> memref<20000x16xf32, #tpu.memory_space<hbm>>
      tpu.enqueue_indirect_dma source(%dma_start3A_212 : memref<20000x16xf32, #tpu.memory_space<hbm>>) target(%dma_start3A_207 : memref<128x16xf32, #tpu.memory_space<vmem>>) offsets(%dma_start3A_209 : memref<128xi32, #tpu.memory_space<vmem>>) semaphore(%arg12 : memref<!tpu.dma_semaphore, #tpu.memory_space<semaphore_mem>>)
      %dma_start3A_213 = arith.constant 128 : i32
      %dma_start3A_214 = arith.constant 0 : i32
      %dma_start3A_215 = tpu.memref_slice %arg8[%dma_start3A_213, %dma_start3A_214] : memref<800x16xf32, #tpu.memory_space<vmem>> -> memref<128x16xf32, #tpu.memory_space<vmem>>
      %dma_start3A_216 = arith.constant 128 : i32
      %dma_start3A_217 = tpu.memref_slice %arg6[%dma_start3A_216] : memref<800xi32, #tpu.memory_space<vmem>> -> memref<128xi32, #tpu.memory_space<vmem>>
      %dma_start3A_218 = arith.constant 0 : i32
      %dma_start3A_219 = arith.constant 0 : i32
      %dma_start3A_220 = tpu.memref_slice %arg3[%dma_start3A_218, %dma_start3A_219] : memref<20000x16xf32, #tpu.memory_space<hbm>> -> memref<20000x16xf32, #tpu.memory_space<hbm>>
      tpu.enqueue_indirect_dma source(%dma_start3A_220 : memref<20000x16xf32, #tpu.memory_space<hbm>>) target(%dma_start3A_215 : memref<128x16xf32, #tpu.memory_space<vmem>>) offsets(%dma_start3A_217 : memref<128xi32, #tpu.memory_space<vmem>>) semaphore(%arg12 : memref<!tpu.dma_semaphore, #tpu.memory_space<semaphore_mem>>)
      %dma_start3A_221 = arith.constant 256 : i32
      %dma_start3A_222 = arith.constant 0 : i32
      %dma_start3A_223 = tpu.memref_slice %arg8[%dma_start3A_221, %dma_start3A_222] : memref<800x16xf32, #tpu.memory_space<vmem>> -> memref<128x16xf32, #tpu.memory_space<vmem>>
      %dma_start3A_224 = arith.constant 256 : i32
      %dma_start3A_225 = tpu.memref_slice %arg6[%dma_start3A_224] : memref<800xi32, #tpu.memory_space<vmem>> -> memref<128xi32, #tpu.memory_space<vmem>>
      %dma_start3A_226 = arith.constant 0 : i32
      %dma_start3A_227 = arith.constant 0 : i32
      %dma_start3A_228 = tpu.memref_slice %arg3[%dma_start3A_226, %dma_start3A_227] : memref<20000x16xf32, #tpu.memory_space<hbm>> -> memref<20000x16xf32, #tpu.memory_space<hbm>>
      tpu.enqueue_indirect_dma source(%dma_start3A_228 : memref<20000x16xf32, #tpu.memory_space<hbm>>) target(%dma_start3A_223 : memref<128x16xf32, #tpu.memory_space<vmem>>) offsets(%dma_start3A_225 : memref<128xi32, #tpu.memory_space<vmem>>) semaphore(%arg12 : memref<!tpu.dma_semaphore, #tpu.memory_space<semaphore_mem>>)
      %dma_start3A_229 = arith.constant 384 : i32
      %dma_start3A_230 = arith.constant 0 : i32
      %dma_start3A_231 = tpu.memref_slice %arg8[%dma_start3A_229, %dma_start3A_230] : memref<800x16xf32, #tpu.memory_space<vmem>> -> memref<128x16xf32, #tpu.memory_space<vmem>>
      %dma_start3A_232 = arith.constant 384 : i32
      %dma_start3A_233 = tpu.memref_slice %arg6[%dma_start3A_232] : memref<800xi32, #tpu.memory_space<vmem>> -> memref<128xi32, #tpu.memory_space<vmem>>
      %dma_start3A_234 = arith.constant 0 : i32
      %dma_start3A_235 = arith.constant 0 : i32
      %dma_start3A_236 = tpu.memref_slice %arg3[%dma_start3A_234, %dma_start3A_235] : memref<20000x16xf32, #tpu.memory_space<hbm>> -> memref<20000x16xf32, #tpu.memory_space<hbm>>
      tpu.enqueue_indirect_dma source(%dma_start3A_236 : memref<20000x16xf32, #tpu.memory_space<hbm>>) target(%dma_start3A_231 : memref<128x16xf32, #tpu.memory_space<vmem>>) offsets(%dma_start3A_233 : memref<128xi32, #tpu.memory_space<vmem>>) semaphore(%arg12 : memref<!tpu.dma_semaphore, #tpu.memory_space<semaphore_mem>>)
      %dma_start3A_237 = arith.constant 512 : i32
      %dma_start3A_238 = arith.constant 0 : i32
      %dma_start3A_239 = tpu.memref_slice %arg8[%dma_start3A_237, %dma_start3A_238] : memref<800x16xf32, #tpu.memory_space<vmem>> -> memref<128x16xf32, #tpu.memory_space<vmem>>
      %dma_start3A_240 = arith.constant 512 : i32
      %dma_start3A_241 = tpu.memref_slice %arg6[%dma_start3A_240] : memref<800xi32, #tpu.memory_space<vmem>> -> memref<128xi32, #tpu.memory_space<vmem>>
      %dma_start3A_242 = arith.constant 0 : i32
      %dma_start3A_243 = arith.constant 0 : i32
      %dma_start3A_244 = tpu.memref_slice %arg3[%dma_start3A_242, %dma_start3A_243] : memref<20000x16xf32, #tpu.memory_space<hbm>> -> memref<20000x16xf32, #tpu.memory_space<hbm>>
      tpu.enqueue_indirect_dma source(%dma_start3A_244 : memref<20000x16xf32, #tpu.memory_space<hbm>>) target(%dma_start3A_239 : memref<128x16xf32, #tpu.memory_space<vmem>>) offsets(%dma_start3A_241 : memref<128xi32, #tpu.memory_space<vmem>>) semaphore(%arg12 : memref<!tpu.dma_semaphore, #tpu.memory_space<semaphore_mem>>)
      %dma_start3A_245 = arith.constant 640 : i32
      %dma_start3A_246 = arith.constant 0 : i32
      %dma_start3A_247 = tpu.memref_slice %arg8[%dma_start3A_245, %dma_start3A_246] : memref<800x16xf32, #tpu.memory_space<vmem>> -> memref<128x16xf32, #tpu.memory_space<vmem>>
      %dma_start3A_248 = arith.constant 640 : i32
      %dma_start3A_249 = tpu.memref_slice %arg6[%dma_start3A_248] : memref<800xi32, #tpu.memory_space<vmem>> -> memref<128xi32, #tpu.memory_space<vmem>>
      %dma_start3A_250 = arith.constant 0 : i32
      %dma_start3A_251 = arith.constant 0 : i32
      %dma_start3A_252 = tpu.memref_slice %arg3[%dma_start3A_250, %dma_start3A_251] : memref<20000x16xf32, #tpu.memory_space<hbm>> -> memref<20000x16xf32, #tpu.memory_space<hbm>>
      tpu.enqueue_indirect_dma source(%dma_start3A_252 : memref<20000x16xf32, #tpu.memory_space<hbm>>) target(%dma_start3A_247 : memref<128x16xf32, #tpu.memory_space<vmem>>) offsets(%dma_start3A_249 : memref<128xi32, #tpu.memory_space<vmem>>) semaphore(%arg12 : memref<!tpu.dma_semaphore, #tpu.memory_space<semaphore_mem>>)
      %dma_start3A_253 = arith.constant 768 : i32
      %dma_start3A_254 = arith.constant 0 : i32
      %dma_start3A_255 = tpu.memref_slice %arg8[%dma_start3A_253, %dma_start3A_254] : memref<800x16xf32, #tpu.memory_space<vmem>> -> memref<32x16xf32, #tpu.memory_space<vmem>>
      %dma_start3A_256 = arith.constant 768 : i32
      %dma_start3A_257 = tpu.memref_slice %arg6[%dma_start3A_256] : memref<800xi32, #tpu.memory_space<vmem>> -> memref<32xi32, #tpu.memory_space<vmem>>
      %dma_start3A_258 = arith.constant 0 : i32
      %dma_start3A_259 = arith.constant 0 : i32
      %dma_start3A_260 = tpu.memref_slice %arg3[%dma_start3A_258, %dma_start3A_259] : memref<20000x16xf32, #tpu.memory_space<hbm>> -> memref<20000x16xf32, #tpu.memory_space<hbm>>
      tpu.enqueue_indirect_dma source(%dma_start3A_260 : memref<20000x16xf32, #tpu.memory_space<hbm>>) target(%dma_start3A_255 : memref<32x16xf32, #tpu.memory_space<vmem>>) offsets(%dma_start3A_257 : memref<32xi32, #tpu.memory_space<vmem>>) semaphore(%arg12 : memref<!tpu.dma_semaphore, #tpu.memory_space<semaphore_mem>>)
      %add3A_261 = arith.constant 1 : i32
      %add3A_262 = arith.addi %mul3A_102, %add3A_261 : i32
      %mul3A_263 = arith.constant 800 : i32
      %mul3A_264 = arith.muli %add3A_262, %mul3A_263 : i32
      %add3A_265 = arith.addi %mul3A_4, %mul3A_264 : i32
      %mul3A_266 = arith.constant 25 : i32
      %mul3A_267 = arith.muli %add3A_262, %mul3A_266 : i32
      %add3A_268 = arith.addi %mul3A_2, %mul3A_267 : i32
      %dma_wait3A_269 = arith.constant 0 : i32
      %dma_wait3A_270 = arith.constant 0 : i32
      %dma_wait3A_271 = tpu.memref_slice %arg3[%dma_wait3A_269, %dma_wait3A_270] : memref<20000x16xf32, #tpu.memory_space<hbm>> -> memref<800x16xf32, #tpu.memory_space<hbm>>
      %dma_wait3A_272 = arith.constant 0 : i32
      %dma_wait3A_273 = arith.constant 0 : i32
      %dma_wait3A_274 = tpu.memref_slice %arg3[%dma_wait3A_272, %dma_wait3A_273] : memref<20000x16xf32, #tpu.memory_space<hbm>> -> memref<800x16xf32, #tpu.memory_space<hbm>>
      tpu.wait_dma2 semaphore(%arg13 : memref<!tpu.dma_semaphore, #tpu.memory_space<semaphore_mem>>) src(%dma_wait3A_274 : memref<800x16xf32, #tpu.memory_space<hbm>>) dst(%arg9 : memref<800x16xf32, #tpu.memory_space<vmem>>)
      %dma_start3A_275 = arith.constant 0 : i32
      %dma_start3A_276 = tpu.memref_slice %arg4[%add3A_265, %dma_start3A_275] : memref<640000x16xf32, #tpu.memory_space<hbm>> -> memref<800x16xf32, #tpu.memory_space<hbm>>
      %dma_start3A_277 = arith.constant 0 : i32
      %dma_start3A_278 = tpu.memref_slice %arg4[%add3A_265, %dma_start3A_277] : memref<640000x16xf32, #tpu.memory_space<hbm>> -> memref<800x16xf32, #tpu.memory_space<hbm>>
      tpu.enqueue_dma source(%arg9 : memref<800x16xf32, #tpu.memory_space<vmem>>) target(%dma_start3A_278 : memref<800x16xf32, #tpu.memory_space<hbm>>) target_semaphore(%arg15 : memref<!tpu.dma_semaphore, #tpu.memory_space<semaphore_mem>>)
      %scan3A_279 = arith.constant 0 : i32
      %scan3A_280 = arith.constant 0 : i32
      %scan3A_281 = arith.constant 25 : i32
      %scan3A_282 = arith.addi %scan3A_280, %scan3A_281 : i32
      %scan3A_283 = arith.constant 1 : i32
      scf.for %scan3A_299 = %scan3A_280 to %scan3A_282 step %scan3A_283  : i32 {
        %mul3A_300 = arith.constant 32 : i32
        %mul3A_301 = arith.muli %scan3A_299, %mul3A_300 : i32
        %add3A_302 = arith.constant 0 : i32
        %add3A_303 = arith.addi %mul3A_301, %add3A_302 : i32
        %get3A = arith.index_cast %add3A_303 : i32 to index
        %get3A_304 = arith.constant 0 : index
        %get3A_305 = tpu.vector_load %arg9[%get3A, %get3A_304] {strides = array<i32>} : memref<800x16xf32, #tpu.memory_space<vmem>>, vector<16xf32>,
        %bitcast3A = vector.bitcast %get3A_305 : vector<16xf32> to vector<32xbf16>
        %unpack3A = tpu.unpack_subelements %bitcast3A, 0 {pack_format = #tpu.pack_format<interleaved>} : vector<32xbf16> -> vector<16xf32>
        %unpack3A_306 = tpu.unpack_subelements %bitcast3A, 1 {pack_format = #tpu.pack_format<interleaved>} : vector<32xbf16> -> vector<16xf32>
        %mul3A_307 = arith.constant 32 : i32
        %mul3A_308 = arith.muli %scan3A_299, %mul3A_307 : i32
        %add3A_309 = arith.constant 1 : i32
        %add3A_310 = arith.addi %mul3A_308, %add3A_309 : i32
        %get3A_311 = arith.index_cast %add3A_310 : i32 to index
        %get3A_312 = arith.constant 0 : index
        %get3A_313 = tpu.vector_load %arg9[%get3A_311, %get3A_312] {strides = array<i32>} : memref<800x16xf32, #tpu.memory_space<vmem>>, vector<16xf32>,
        %bitcast3A_314 = vector.bitcast %get3A_313 : vector<16xf32> to vector<32xbf16>
        %unpack3A_315 = tpu.unpack_subelements %bitcast3A_314, 0 {pack_format = #tpu.pack_format<interleaved>} : vector<32xbf16> -> vector<16xf32>
        %unpack3A_316 = tpu.unpack_subelements %bitcast3A_314, 1 {pack_format = #tpu.pack_format<interleaved>} : vector<32xbf16> -> vector<16xf32>
        %mul3A_317 = arith.constant 32 : i32
        %mul3A_318 = arith.muli %scan3A_299, %mul3A_317 : i32
        %add3A_319 = arith.constant 2 : i32
        %add3A_320 = arith.addi %mul3A_318, %add3A_319 : i32
        %get3A_321 = arith.index_cast %add3A_320 : i32 to index
        %get3A_322 = arith.constant 0 : index
        %get3A_323 = tpu.vector_load %arg9[%get3A_321, %get3A_322] {strides = array<i32>} : memref<800x16xf32, #tpu.memory_space<vmem>>, vector<16xf32>,
        %bitcast3A_324 = vector.bitcast %get3A_323 : vector<16xf32> to vector<32xbf16>
        %unpack3A_325 = tpu.unpack_subelements %bitcast3A_324, 0 {pack_format = #tpu.pack_format<interleaved>} : vector<32xbf16> -> vector<16xf32>
        %unpack3A_326 = tpu.unpack_subelements %bitcast3A_324, 1 {pack_format = #tpu.pack_format<interleaved>} : vector<32xbf16> -> vector<16xf32>
        %mul3A_327 = arith.constant 32 : i32
        %mul3A_328 = arith.muli %scan3A_299, %mul3A_327 : i32
        %add3A_329 = arith.constant 3 : i32
        %add3A_330 = arith.addi %mul3A_328, %add3A_329 : i32
        %get3A_331 = arith.index_cast %add3A_330 : i32 to index
        %get3A_332 = arith.constant 0 : index
        %get3A_333 = tpu.vector_load %arg9[%get3A_331, %get3A_332] {strides = array<i32>} : memref<800x16xf32, #tpu.memory_space<vmem>>, vector<16xf32>,
        %bitcast3A_334 = vector.bitcast %get3A_333 : vector<16xf32> to vector<32xbf16>
        %unpack3A_335 = tpu.unpack_subelements %bitcast3A_334, 0 {pack_format = #tpu.pack_format<interleaved>} : vector<32xbf16> -> vector<16xf32>
        %unpack3A_336 = tpu.unpack_subelements %bitcast3A_334, 1 {pack_format = #tpu.pack_format<interleaved>} : vector<32xbf16> -> vector<16xf32>
        %mul3A_337 = arith.constant 32 : i32
        %mul3A_338 = arith.muli %scan3A_299, %mul3A_337 : i32
        %add3A_339 = arith.constant 4 : i32
        %add3A_340 = arith.addi %mul3A_338, %add3A_339 : i32
        %get3A_341 = arith.index_cast %add3A_340 : i32 to index
        %get3A_342 = arith.constant 0 : index
        %get3A_343 = tpu.vector_load %arg9[%get3A_341, %get3A_342] {strides = array<i32>} : memref<800x16xf32, #tpu.memory_space<vmem>>, vector<16xf32>,
        %bitcast3A_344 = vector.bitcast %get3A_343 : vector<16xf32> to vector<32xbf16>
        %unpack3A_345 = tpu.unpack_subelements %bitcast3A_344, 0 {pack_format = #tpu.pack_format<interleaved>} : vector<32xbf16> -> vector<16xf32>
        %unpack3A_346 = tpu.unpack_subelements %bitcast3A_344, 1 {pack_format = #tpu.pack_format<interleaved>} : vector<32xbf16> -> vector<16xf32>
        %mul3A_347 = arith.constant 32 : i32
        %mul3A_348 = arith.muli %scan3A_299, %mul3A_347 : i32
        %add3A_349 = arith.constant 5 : i32
        %add3A_350 = arith.addi %mul3A_348, %add3A_349 : i32
        %get3A_351 = arith.index_cast %add3A_350 : i32 to index
        %get3A_352 = arith.constant 0 : index
        %get3A_353 = tpu.vector_load %arg9[%get3A_351, %get3A_352] {strides = array<i32>} : memref<800x16xf32, #tpu.memory_space<vmem>>, vector<16xf32>,
        %bitcast3A_354 = vector.bitcast %get3A_353 : vector<16xf32> to vector<32xbf16>
        %unpack3A_355 = tpu.unpack_subelements %bitcast3A_354, 0 {pack_format = #tpu.pack_format<interleaved>} : vector<32xbf16> -> vector<16xf32>
        %unpack3A_356 = tpu.unpack_subelements %bitcast3A_354, 1 {pack_format = #tpu.pack_format<interleaved>} : vector<32xbf16> -> vector<16xf32>
        %mul3A_357 = arith.constant 32 : i32
        %mul3A_358 = arith.muli %scan3A_299, %mul3A_357 : i32
        %add3A_359 = arith.constant 6 : i32
        %add3A_360 = arith.addi %mul3A_358, %add3A_359 : i32
        %get3A_361 = arith.index_cast %add3A_360 : i32 to index
        %get3A_362 = arith.constant 0 : index
        %get3A_363 = tpu.vector_load %arg9[%get3A_361, %get3A_362] {strides = array<i32>} : memref<800x16xf32, #tpu.memory_space<vmem>>, vector<16xf32>,
        %bitcast3A_364 = vector.bitcast %get3A_363 : vector<16xf32> to vector<32xbf16>
        %unpack3A_365 = tpu.unpack_subelements %bitcast3A_364, 0 {pack_format = #tpu.pack_format<interleaved>} : vector<32xbf16> -> vector<16xf32>
        %unpack3A_366 = tpu.unpack_subelements %bitcast3A_364, 1 {pack_format = #tpu.pack_format<interleaved>} : vector<32xbf16> -> vector<16xf32>
        %mul3A_367 = arith.constant 32 : i32
        %mul3A_368 = arith.muli %scan3A_299, %mul3A_367 : i32
        %add3A_369 = arith.constant 7 : i32
        %add3A_370 = arith.addi %mul3A_368, %add3A_369 : i32
        %get3A_371 = arith.index_cast %add3A_370 : i32 to index
        %get3A_372 = arith.constant 0 : index
        %get3A_373 = tpu.vector_load %arg9[%get3A_371, %get3A_372] {strides = array<i32>} : memref<800x16xf32, #tpu.memory_space<vmem>>, vector<16xf32>,
        %bitcast3A_374 = vector.bitcast %get3A_373 : vector<16xf32> to vector<32xbf16>
        %unpack3A_375 = tpu.unpack_subelements %bitcast3A_374, 0 {pack_format = #tpu.pack_format<interleaved>} : vector<32xbf16> -> vector<16xf32>
        %unpack3A_376 = tpu.unpack_subelements %bitcast3A_374, 1 {pack_format = #tpu.pack_format<interleaved>} : vector<32xbf16> -> vector<16xf32>
        %mul3A_377 = arith.constant 32 : i32
        %mul3A_378 = arith.muli %scan3A_299, %mul3A_377 : i32
        %add3A_379 = arith.constant 8 : i32
        %add3A_380 = arith.addi %mul3A_378, %add3A_379 : i32
        %get3A_381 = arith.index_cast %add3A_380 : i32 to index
        %get3A_382 = arith.constant 0 : index
        %get3A_383 = tpu.vector_load %arg9[%get3A_381, %get3A_382] {strides = array<i32>} : memref<800x16xf32, #tpu.memory_space<vmem>>, vector<16xf32>,
        %bitcast3A_384 = vector.bitcast %get3A_383 : vector<16xf32> to vector<32xbf16>
        %unpack3A_385 = tpu.unpack_subelements %bitcast3A_384, 0 {pack_format = #tpu.pack_format<interleaved>} : vector<32xbf16> -> vector<16xf32>
        %unpack3A_386 = tpu.unpack_subelements %bitcast3A_384, 1 {pack_format = #tpu.pack_format<interleaved>} : vector<32xbf16> -> vector<16xf32>
        %mul3A_387 = arith.constant 32 : i32
        %mul3A_388 = arith.muli %scan3A_299, %mul3A_387 : i32
        %add3A_389 = arith.constant 9 : i32
        %add3A_390 = arith.addi %mul3A_388, %add3A_389 : i32
        %get3A_391 = arith.index_cast %add3A_390 : i32 to index
        %get3A_392 = arith.constant 0 : index
        %get3A_393 = tpu.vector_load %arg9[%get3A_391, %get3A_392] {strides = array<i32>} : memref<800x16xf32, #tpu.memory_space<vmem>>, vector<16xf32>,
        %bitcast3A_394 = vector.bitcast %get3A_393 : vector<16xf32> to vector<32xbf16>
        %unpack3A_395 = tpu.unpack_subelements %bitcast3A_394, 0 {pack_format = #tpu.pack_format<interleaved>} : vector<32xbf16> -> vector<16xf32>
        %unpack3A_396 = tpu.unpack_subelements %bitcast3A_394, 1 {pack_format = #tpu.pack_format<interleaved>} : vector<32xbf16> -> vector<16xf32>
        %mul3A_397 = arith.constant 32 : i32
        %mul3A_398 = arith.muli %scan3A_299, %mul3A_397 : i32
        %add3A_399 = arith.constant 10 : i32
        %add3A_400 = arith.addi %mul3A_398, %add3A_399 : i32
        %get3A_401 = arith.index_cast %add3A_400 : i32 to index
        %get3A_402 = arith.constant 0 : index
        %get3A_403 = tpu.vector_load %arg9[%get3A_401, %get3A_402] {strides = array<i32>} : memref<800x16xf32, #tpu.memory_space<vmem>>, vector<16xf32>,
        %bitcast3A_404 = vector.bitcast %get3A_403 : vector<16xf32> to vector<32xbf16>
        %unpack3A_405 = tpu.unpack_subelements %bitcast3A_404, 0 {pack_format = #tpu.pack_format<interleaved>} : vector<32xbf16> -> vector<16xf32>
        %unpack3A_406 = tpu.unpack_subelements %bitcast3A_404, 1 {pack_format = #tpu.pack_format<interleaved>} : vector<32xbf16> -> vector<16xf32>
        %mul3A_407 = arith.constant 32 : i32
        %mul3A_408 = arith.muli %scan3A_299, %mul3A_407 : i32
        %add3A_409 = arith.constant 11 : i32
        %add3A_410 = arith.addi %mul3A_408, %add3A_409 : i32
        %get3A_411 = arith.index_cast %add3A_410 : i32 to index
        %get3A_412 = arith.constant 0 : index
        %get3A_413 = tpu.vector_load %arg9[%get3A_411, %get3A_412] {strides = array<i32>} : memref<800x16xf32, #tpu.memory_space<vmem>>, vector<16xf32>,
        %bitcast3A_414 = vector.bitcast %get3A_413 : vector<16xf32> to vector<32xbf16>
        %unpack3A_415 = tpu.unpack_subelements %bitcast3A_414, 0 {pack_format = #tpu.pack_format<interleaved>} : vector<32xbf16> -> vector<16xf32>
        %unpack3A_416 = tpu.unpack_subelements %bitcast3A_414, 1 {pack_format = #tpu.pack_format<interleaved>} : vector<32xbf16> -> vector<16xf32>
        %mul3A_417 = arith.constant 32 : i32
        %mul3A_418 = arith.muli %scan3A_299, %mul3A_417 : i32
        %add3A_419 = arith.constant 12 : i32
        %add3A_420 = arith.addi %mul3A_418, %add3A_419 : i32
        %get3A_421 = arith.index_cast %add3A_420 : i32 to index
        %get3A_422 = arith.constant 0 : index
        %get3A_423 = tpu.vector_load %arg9[%get3A_421, %get3A_422] {strides = array<i32>} : memref<800x16xf32, #tpu.memory_space<vmem>>, vector<16xf32>,
        %bitcast3A_424 = vector.bitcast %get3A_423 : vector<16xf32> to vector<32xbf16>
        %unpack3A_425 = tpu.unpack_subelements %bitcast3A_424, 0 {pack_format = #tpu.pack_format<interleaved>} : vector<32xbf16> -> vector<16xf32>
        %unpack3A_426 = tpu.unpack_subelements %bitcast3A_424, 1 {pack_format = #tpu.pack_format<interleaved>} : vector<32xbf16> -> vector<16xf32>
        %mul3A_427 = arith.constant 32 : i32
        %mul3A_428 = arith.muli %scan3A_299, %mul3A_427 : i32
        %add3A_429 = arith.constant 13 : i32
        %add3A_430 = arith.addi %mul3A_428, %add3A_429 : i32
        %get3A_431 = arith.index_cast %add3A_430 : i32 to index
        %get3A_432 = arith.constant 0 : index
        %get3A_433 = tpu.vector_load %arg9[%get3A_431, %get3A_432] {strides = array<i32>} : memref<800x16xf32, #tpu.memory_space<vmem>>, vector<16xf32>,
        %bitcast3A_434 = vector.bitcast %get3A_433 : vector<16xf32> to vector<32xbf16>
        %unpack3A_435 = tpu.unpack_subelements %bitcast3A_434, 0 {pack_format = #tpu.pack_format<interleaved>} : vector<32xbf16> -> vector<16xf32>
        %unpack3A_436 = tpu.unpack_subelements %bitcast3A_434, 1 {pack_format = #tpu.pack_format<interleaved>} : vector<32xbf16> -> vector<16xf32>
        %mul3A_437 = arith.constant 32 : i32
        %mul3A_438 = arith.muli %scan3A_299, %mul3A_437 : i32
        %add3A_439 = arith.constant 14 : i32
        %add3A_440 = arith.addi %mul3A_438, %add3A_439 : i32
        %get3A_441 = arith.index_cast %add3A_440 : i32 to index
        %get3A_442 = arith.constant 0 : index
        %get3A_443 = tpu.vector_load %arg9[%get3A_441, %get3A_442] {strides = array<i32>} : memref<800x16xf32, #tpu.memory_space<vmem>>, vector<16xf32>,
        %bitcast3A_444 = vector.bitcast %get3A_443 : vector<16xf32> to vector<32xbf16>
        %unpack3A_445 = tpu.unpack_subelements %bitcast3A_444, 0 {pack_format = #tpu.pack_format<interleaved>} : vector<32xbf16> -> vector<16xf32>
        %unpack3A_446 = tpu.unpack_subelements %bitcast3A_444, 1 {pack_format = #tpu.pack_format<interleaved>} : vector<32xbf16> -> vector<16xf32>
        %mul3A_447 = arith.constant 32 : i32
        %mul3A_448 = arith.muli %scan3A_299, %mul3A_447 : i32
        %add3A_449 = arith.constant 15 : i32
        %add3A_450 = arith.addi %mul3A_448, %add3A_449 : i32
        %get3A_451 = arith.index_cast %add3A_450 : i32 to index
        %get3A_452 = arith.constant 0 : index
        %get3A_453 = tpu.vector_load %arg9[%get3A_451, %get3A_452] {strides = array<i32>} : memref<800x16xf32, #tpu.memory_space<vmem>>, vector<16xf32>,
        %bitcast3A_454 = vector.bitcast %get3A_453 : vector<16xf32> to vector<32xbf16>
        %unpack3A_455 = tpu.unpack_subelements %bitcast3A_454, 0 {pack_format = #tpu.pack_format<interleaved>} : vector<32xbf16> -> vector<16xf32>
        %unpack3A_456 = tpu.unpack_subelements %bitcast3A_454, 1 {pack_format = #tpu.pack_format<interleaved>} : vector<32xbf16> -> vector<16xf32>
        %mul3A_457 = arith.constant 32 : i32
        %mul3A_458 = arith.muli %scan3A_299, %mul3A_457 : i32
        %add3A_459 = arith.constant 16 : i32
        %add3A_460 = arith.addi %mul3A_458, %add3A_459 : i32
        %get3A_461 = arith.index_cast %add3A_460 : i32 to index
        %get3A_462 = arith.constant 0 : index
        %get3A_463 = tpu.vector_load %arg9[%get3A_461, %get3A_462] {strides = array<i32>} : memref<800x16xf32, #tpu.memory_space<vmem>>, vector<16xf32>,
        %bitcast3A_464 = vector.bitcast %get3A_463 : vector<16xf32> to vector<32xbf16>
        %unpack3A_465 = tpu.unpack_subelements %bitcast3A_464, 0 {pack_format = #tpu.pack_format<interleaved>} : vector<32xbf16> -> vector<16xf32>
        %unpack3A_466 = tpu.unpack_subelements %bitcast3A_464, 1 {pack_format = #tpu.pack_format<interleaved>} : vector<32xbf16> -> vector<16xf32>
        %mul3A_467 = arith.constant 32 : i32
        %mul3A_468 = arith.muli %scan3A_299, %mul3A_467 : i32
        %add3A_469 = arith.constant 17 : i32
        %add3A_470 = arith.addi %mul3A_468, %add3A_469 : i32
        %get3A_471 = arith.index_cast %add3A_470 : i32 to index
        %get3A_472 = arith.constant 0 : index
        %get3A_473 = tpu.vector_load %arg9[%get3A_471, %get3A_472] {strides = array<i32>} : memref<800x16xf32, #tpu.memory_space<vmem>>, vector<16xf32>,
        %bitcast3A_474 = vector.bitcast %get3A_473 : vector<16xf32> to vector<32xbf16>
        %unpack3A_475 = tpu.unpack_subelements %bitcast3A_474, 0 {pack_format = #tpu.pack_format<interleaved>} : vector<32xbf16> -> vector<16xf32>
        %unpack3A_476 = tpu.unpack_subelements %bitcast3A_474, 1 {pack_format = #tpu.pack_format<interleaved>} : vector<32xbf16> -> vector<16xf32>
        %mul3A_477 = arith.constant 32 : i32
        %mul3A_478 = arith.muli %scan3A_299, %mul3A_477 : i32
        %add3A_479 = arith.constant 18 : i32
        %add3A_480 = arith.addi %mul3A_478, %add3A_479 : i32
        %get3A_481 = arith.index_cast %add3A_480 : i32 to index
        %get3A_482 = arith.constant 0 : index
        %get3A_483 = tpu.vector_load %arg9[%get3A_481, %get3A_482] {strides = array<i32>} : memref<800x16xf32, #tpu.memory_space<vmem>>, vector<16xf32>,
        %bitcast3A_484 = vector.bitcast %get3A_483 : vector<16xf32> to vector<32xbf16>
        %unpack3A_485 = tpu.unpack_subelements %bitcast3A_484, 0 {pack_format = #tpu.pack_format<interleaved>} : vector<32xbf16> -> vector<16xf32>
        %unpack3A_486 = tpu.unpack_subelements %bitcast3A_484, 1 {pack_format = #tpu.pack_format<interleaved>} : vector<32xbf16> -> vector<16xf32>
        %mul3A_487 = arith.constant 32 : i32
        %mul3A_488 = arith.muli %scan3A_299, %mul3A_487 : i32
        %add3A_489 = arith.constant 19 : i32
        %add3A_490 = arith.addi %mul3A_488, %add3A_489 : i32
        %get3A_491 = arith.index_cast %add3A_490 : i32 to index
        %get3A_492 = arith.constant 0 : index
        %get3A_493 = tpu.vector_load %arg9[%get3A_491, %get3A_492] {strides = array<i32>} : memref<800x16xf32, #tpu.memory_space<vmem>>, vector<16xf32>,
        %bitcast3A_494 = vector.bitcast %get3A_493 : vector<16xf32> to vector<32xbf16>
        %unpack3A_495 = tpu.unpack_subelements %bitcast3A_494, 0 {pack_format = #tpu.pack_format<interleaved>} : vector<32xbf16> -> vector<16xf32>
        %unpack3A_496 = tpu.unpack_subelements %bitcast3A_494, 1 {pack_format = #tpu.pack_format<interleaved>} : vector<32xbf16> -> vector<16xf32>
        %mul3A_497 = arith.constant 32 : i32
        %mul3A_498 = arith.muli %scan3A_299, %mul3A_497 : i32
        %add3A_499 = arith.constant 20 : i32
        %add3A_500 = arith.addi %mul3A_498, %add3A_499 : i32
        %get3A_501 = arith.index_cast %add3A_500 : i32 to index
        %get3A_502 = arith.constant 0 : index
        %get3A_503 = tpu.vector_load %arg9[%get3A_501, %get3A_502] {strides = array<i32>} : memref<800x16xf32, #tpu.memory_space<vmem>>, vector<16xf32>,
        %bitcast3A_504 = vector.bitcast %get3A_503 : vector<16xf32> to vector<32xbf16>
        %unpack3A_505 = tpu.unpack_subelements %bitcast3A_504, 0 {pack_format = #tpu.pack_format<interleaved>} : vector<32xbf16> -> vector<16xf32>
        %unpack3A_506 = tpu.unpack_subelements %bitcast3A_504, 1 {pack_format = #tpu.pack_format<interleaved>} : vector<32xbf16> -> vector<16xf32>
        %mul3A_507 = arith.constant 32 : i32
        %mul3A_508 = arith.muli %scan3A_299, %mul3A_507 : i32
        %add3A_509 = arith.constant 21 : i32
        %add3A_510 = arith.addi %mul3A_508, %add3A_509 : i32
        %get3A_511 = arith.index_cast %add3A_510 : i32 to index
        %get3A_512 = arith.constant 0 : index
        %get3A_513 = tpu.vector_load %arg9[%get3A_511, %get3A_512] {strides = array<i32>} : memref<800x16xf32, #tpu.memory_space<vmem>>, vector<16xf32>,
        %bitcast3A_514 = vector.bitcast %get3A_513 : vector<16xf32> to vector<32xbf16>
        %unpack3A_515 = tpu.unpack_subelements %bitcast3A_514, 0 {pack_format = #tpu.pack_format<interleaved>} : vector<32xbf16> -> vector<16xf32>
        %unpack3A_516 = tpu.unpack_subelements %bitcast3A_514, 1 {pack_format = #tpu.pack_format<interleaved>} : vector<32xbf16> -> vector<16xf32>
        %mul3A_517 = arith.constant 32 : i32
        %mul3A_518 = arith.muli %scan3A_299, %mul3A_517 : i32
        %add3A_519 = arith.constant 22 : i32
        %add3A_520 = arith.addi %mul3A_518, %add3A_519 : i32
        %get3A_521 = arith.index_cast %add3A_520 : i32 to index
        %get3A_522 = arith.constant 0 : index
        %get3A_523 = tpu.vector_load %arg9[%get3A_521, %get3A_522] {strides = array<i32>} : memref<800x16xf32, #tpu.memory_space<vmem>>, vector<16xf32>,
        %bitcast3A_524 = vector.bitcast %get3A_523 : vector<16xf32> to vector<32xbf16>
        %unpack3A_525 = tpu.unpack_subelements %bitcast3A_524, 0 {pack_format = #tpu.pack_format<interleaved>} : vector<32xbf16> -> vector<16xf32>
        %unpack3A_526 = tpu.unpack_subelements %bitcast3A_524, 1 {pack_format = #tpu.pack_format<interleaved>} : vector<32xbf16> -> vector<16xf32>
        %mul3A_527 = arith.constant 32 : i32
        %mul3A_528 = arith.muli %scan3A_299, %mul3A_527 : i32
        %add3A_529 = arith.constant 23 : i32
        %add3A_530 = arith.addi %mul3A_528, %add3A_529 : i32
        %get3A_531 = arith.index_cast %add3A_530 : i32 to index
        %get3A_532 = arith.constant 0 : index
        %get3A_533 = tpu.vector_load %arg9[%get3A_531, %get3A_532] {strides = array<i32>} : memref<800x16xf32, #tpu.memory_space<vmem>>, vector<16xf32>,
        %bitcast3A_534 = vector.bitcast %get3A_533 : vector<16xf32> to vector<32xbf16>
        %unpack3A_535 = tpu.unpack_subelements %bitcast3A_534, 0 {pack_format = #tpu.pack_format<interleaved>} : vector<32xbf16> -> vector<16xf32>
        %unpack3A_536 = tpu.unpack_subelements %bitcast3A_534, 1 {pack_format = #tpu.pack_format<interleaved>} : vector<32xbf16> -> vector<16xf32>
        %mul3A_537 = arith.constant 32 : i32
        %mul3A_538 = arith.muli %scan3A_299, %mul3A_537 : i32
        %add3A_539 = arith.constant 24 : i32
        %add3A_540 = arith.addi %mul3A_538, %add3A_539 : i32
        %get3A_541 = arith.index_cast %add3A_540 : i32 to index
        %get3A_542 = arith.constant 0 : index
        %get3A_543 = tpu.vector_load %arg9[%get3A_541, %get3A_542] {strides = array<i32>} : memref<800x16xf32, #tpu.memory_space<vmem>>, vector<16xf32>,
        %bitcast3A_544 = vector.bitcast %get3A_543 : vector<16xf32> to vector<32xbf16>
        %unpack3A_545 = tpu.unpack_subelements %bitcast3A_544, 0 {pack_format = #tpu.pack_format<interleaved>} : vector<32xbf16> -> vector<16xf32>
        %unpack3A_546 = tpu.unpack_subelements %bitcast3A_544, 1 {pack_format = #tpu.pack_format<interleaved>} : vector<32xbf16> -> vector<16xf32>
        %mul3A_547 = arith.constant 32 : i32
        %mul3A_548 = arith.muli %scan3A_299, %mul3A_547 : i32
        %add3A_549 = arith.constant 25 : i32
        %add3A_550 = arith.addi %mul3A_548, %add3A_549 : i32
        %get3A_551 = arith.index_cast %add3A_550 : i32 to index
        %get3A_552 = arith.constant 0 : index
        %get3A_553 = tpu.vector_load %arg9[%get3A_551, %get3A_552] {strides = array<i32>} : memref<800x16xf32, #tpu.memory_space<vmem>>, vector<16xf32>,
        %bitcast3A_554 = vector.bitcast %get3A_553 : vector<16xf32> to vector<32xbf16>
        %unpack3A_555 = tpu.unpack_subelements %bitcast3A_554, 0 {pack_format = #tpu.pack_format<interleaved>} : vector<32xbf16> -> vector<16xf32>
        %unpack3A_556 = tpu.unpack_subelements %bitcast3A_554, 1 {pack_format = #tpu.pack_format<interleaved>} : vector<32xbf16> -> vector<16xf32>
        %mul3A_557 = arith.constant 32 : i32
        %mul3A_558 = arith.muli %scan3A_299, %mul3A_557 : i32
        %add3A_559 = arith.constant 26 : i32
        %add3A_560 = arith.addi %mul3A_558, %add3A_559 : i32
        %get3A_561 = arith.index_cast %add3A_560 : i32 to index
        %get3A_562 = arith.constant 0 : index
        %get3A_563 = tpu.vector_load %arg9[%get3A_561, %get3A_562] {strides = array<i32>} : memref<800x16xf32, #tpu.memory_space<vmem>>, vector<16xf32>,
        %bitcast3A_564 = vector.bitcast %get3A_563 : vector<16xf32> to vector<32xbf16>
        %unpack3A_565 = tpu.unpack_subelements %bitcast3A_564, 0 {pack_format = #tpu.pack_format<interleaved>} : vector<32xbf16> -> vector<16xf32>
        %unpack3A_566 = tpu.unpack_subelements %bitcast3A_564, 1 {pack_format = #tpu.pack_format<interleaved>} : vector<32xbf16> -> vector<16xf32>
        %mul3A_567 = arith.constant 32 : i32
        %mul3A_568 = arith.muli %scan3A_299, %mul3A_567 : i32
        %add3A_569 = arith.constant 27 : i32
        %add3A_570 = arith.addi %mul3A_568, %add3A_569 : i32
        %get3A_571 = arith.index_cast %add3A_570 : i32 to index
        %get3A_572 = arith.constant 0 : index
        %get3A_573 = tpu.vector_load %arg9[%get3A_571, %get3A_572] {strides = array<i32>} : memref<800x16xf32, #tpu.memory_space<vmem>>, vector<16xf32>,
        %bitcast3A_574 = vector.bitcast %get3A_573 : vector<16xf32> to vector<32xbf16>
        %unpack3A_575 = tpu.unpack_subelements %bitcast3A_574, 0 {pack_format = #tpu.pack_format<interleaved>} : vector<32xbf16> -> vector<16xf32>
        %unpack3A_576 = tpu.unpack_subelements %bitcast3A_574, 1 {pack_format = #tpu.pack_format<interleaved>} : vector<32xbf16> -> vector<16xf32>
        %mul3A_577 = arith.constant 32 : i32
        %mul3A_578 = arith.muli %scan3A_299, %mul3A_577 : i32
        %add3A_579 = arith.constant 28 : i32
        %add3A_580 = arith.addi %mul3A_578, %add3A_579 : i32
        %get3A_581 = arith.index_cast %add3A_580 : i32 to index
        %get3A_582 = arith.constant 0 : index
        %get3A_583 = tpu.vector_load %arg9[%get3A_581, %get3A_582] {strides = array<i32>} : memref<800x16xf32, #tpu.memory_space<vmem>>, vector<16xf32>,
        %bitcast3A_584 = vector.bitcast %get3A_583 : vector<16xf32> to vector<32xbf16>
        %unpack3A_585 = tpu.unpack_subelements %bitcast3A_584, 0 {pack_format = #tpu.pack_format<interleaved>} : vector<32xbf16> -> vector<16xf32>
        %unpack3A_586 = tpu.unpack_subelements %bitcast3A_584, 1 {pack_format = #tpu.pack_format<interleaved>} : vector<32xbf16> -> vector<16xf32>
        %mul3A_587 = arith.constant 32 : i32
        %mul3A_588 = arith.muli %scan3A_299, %mul3A_587 : i32
        %add3A_589 = arith.constant 29 : i32
        %add3A_590 = arith.addi %mul3A_588, %add3A_589 : i32
        %get3A_591 = arith.index_cast %add3A_590 : i32 to index
        %get3A_592 = arith.constant 0 : index
        %get3A_593 = tpu.vector_load %arg9[%get3A_591, %get3A_592] {strides = array<i32>} : memref<800x16xf32, #tpu.memory_space<vmem>>, vector<16xf32>,
        %bitcast3A_594 = vector.bitcast %get3A_593 : vector<16xf32> to vector<32xbf16>
        %unpack3A_595 = tpu.unpack_subelements %bitcast3A_594, 0 {pack_format = #tpu.pack_format<interleaved>} : vector<32xbf16> -> vector<16xf32>
        %unpack3A_596 = tpu.unpack_subelements %bitcast3A_594, 1 {pack_format = #tpu.pack_format<interleaved>} : vector<32xbf16> -> vector<16xf32>
        %mul3A_597 = arith.constant 32 : i32
        %mul3A_598 = arith.muli %scan3A_299, %mul3A_597 : i32
        %add3A_599 = arith.constant 30 : i32
        %add3A_600 = arith.addi %mul3A_598, %add3A_599 : i32
        %get3A_601 = arith.index_cast %add3A_600 : i32 to index
        %get3A_602 = arith.constant 0 : index
        %get3A_603 = tpu.vector_load %arg9[%get3A_601, %get3A_602] {strides = array<i32>} : memref<800x16xf32, #tpu.memory_space<vmem>>, vector<16xf32>,
        %bitcast3A_604 = vector.bitcast %get3A_603 : vector<16xf32> to vector<32xbf16>
        %unpack3A_605 = tpu.unpack_subelements %bitcast3A_604, 0 {pack_format = #tpu.pack_format<interleaved>} : vector<32xbf16> -> vector<16xf32>
        %unpack3A_606 = tpu.unpack_subelements %bitcast3A_604, 1 {pack_format = #tpu.pack_format<interleaved>} : vector<32xbf16> -> vector<16xf32>
        %mul3A_607 = arith.constant 32 : i32
        %mul3A_608 = arith.muli %scan3A_299, %mul3A_607 : i32
        %add3A_609 = arith.constant 31 : i32
        %add3A_610 = arith.addi %mul3A_608, %add3A_609 : i32
        %get3A_611 = arith.index_cast %add3A_610 : i32 to index
        %get3A_612 = arith.constant 0 : index
        %get3A_613 = tpu.vector_load %arg9[%get3A_611, %get3A_612] {strides = array<i32>} : memref<800x16xf32, #tpu.memory_space<vmem>>, vector<16xf32>,
        %bitcast3A_614 = vector.bitcast %get3A_613 : vector<16xf32> to vector<32xbf16>
        %unpack3A_615 = tpu.unpack_subelements %bitcast3A_614, 0 {pack_format = #tpu.pack_format<interleaved>} : vector<32xbf16> -> vector<16xf32>
        %unpack3A_616 = tpu.unpack_subelements %bitcast3A_614, 1 {pack_format = #tpu.pack_format<interleaved>} : vector<32xbf16> -> vector<16xf32>
        %add3A_617 = arith.addf %unpack3A, %unpack3A_315 : vector<16xf32>
        %add3A_618 = arith.addf %unpack3A_325, %unpack3A_335 : vector<16xf32>
        %add3A_619 = arith.addf %unpack3A_345, %unpack3A_355 : vector<16xf32>
        %add3A_620 = arith.addf %unpack3A_365, %unpack3A_375 : vector<16xf32>
        %add3A_621 = arith.addf %unpack3A_385, %unpack3A_395 : vector<16xf32>
        %add3A_622 = arith.addf %unpack3A_405, %unpack3A_415 : vector<16xf32>
        %add3A_623 = arith.addf %unpack3A_425, %unpack3A_435 : vector<16xf32>
        %add3A_624 = arith.addf %unpack3A_445, %unpack3A_455 : vector<16xf32>
        %add3A_625 = arith.addf %unpack3A_465, %unpack3A_475 : vector<16xf32>
        %add3A_626 = arith.addf %unpack3A_485, %unpack3A_495 : vector<16xf32>
        %add3A_627 = arith.addf %unpack3A_505, %unpack3A_515 : vector<16xf32>
        %add3A_628 = arith.addf %unpack3A_525, %unpack3A_535 : vector<16xf32>
        %add3A_629 = arith.addf %unpack3A_545, %unpack3A_555 : vector<16xf32>
        %add3A_630 = arith.addf %unpack3A_565, %unpack3A_575 : vector<16xf32>
        %add3A_631 = arith.addf %unpack3A_585, %unpack3A_595 : vector<16xf32>
        %add3A_632 = arith.addf %unpack3A_605, %unpack3A_615 : vector<16xf32>
        %add3A_633 = arith.addf %unpack3A_306, %unpack3A_316 : vector<16xf32>
        %add3A_634 = arith.addf %unpack3A_326, %unpack3A_336 : vector<16xf32>
        %add3A_635 = arith.addf %unpack3A_346, %unpack3A_356 : vector<16xf32>
        %add3A_636 = arith.addf %unpack3A_366, %unpack3A_376 : vector<16xf32>
        %add3A_637 = arith.addf %unpack3A_386, %unpack3A_396 : vector<16xf32>
        %add3A_638 = arith.addf %unpack3A_406, %unpack3A_416 : vector<16xf32>
        %add3A_639 = arith.addf %unpack3A_426, %unpack3A_436 : vector<16xf32>
        %add3A_640 = arith.addf %unpack3A_446, %unpack3A_456 : vector<16xf32>
        %add3A_641 = arith.addf %unpack3A_466, %unpack3A_476 : vector<16xf32>
        %add3A_642 = arith.addf %unpack3A_486, %unpack3A_496 : vector<16xf32>
        %add3A_643 = arith.addf %unpack3A_506, %unpack3A_516 : vector<16xf32>
        %add3A_644 = arith.addf %unpack3A_526, %unpack3A_536 : vector<16xf32>
        %add3A_645 = arith.addf %unpack3A_546, %unpack3A_556 : vector<16xf32>
        %add3A_646 = arith.addf %unpack3A_566, %unpack3A_576 : vector<16xf32>
        %add3A_647 = arith.addf %unpack3A_586, %unpack3A_596 : vector<16xf32>
        %add3A_648 = arith.addf %unpack3A_606, %unpack3A_616 : vector<16xf32>
        %add3A_649 = arith.addf %add3A_617, %add3A_618 : vector<16xf32>
        %add3A_650 = arith.addf %add3A_619, %add3A_620 : vector<16xf32>
        %add3A_651 = arith.addf %add3A_621, %add3A_622 : vector<16xf32>
        %add3A_652 = arith.addf %add3A_623, %add3A_624 : vector<16xf32>
        %add3A_653 = arith.addf %add3A_625, %add3A_626 : vector<16xf32>
        %add3A_654 = arith.addf %add3A_627, %add3A_628 : vector<16xf32>
        %add3A_655 = arith.addf %add3A_629, %add3A_630 : vector<16xf32>
        %add3A_656 = arith.addf %add3A_631, %add3A_632 : vector<16xf32>
        %add3A_657 = arith.addf %add3A_633, %add3A_634 : vector<16xf32>
        %add3A_658 = arith.addf %add3A_635, %add3A_636 : vector<16xf32>
        %add3A_659 = arith.addf %add3A_637, %add3A_638 : vector<16xf32>
        %add3A_660 = arith.addf %add3A_639, %add3A_640 : vector<16xf32>
        %add3A_661 = arith.addf %add3A_641, %add3A_642 : vector<16xf32>
        %add3A_662 = arith.addf %add3A_643, %add3A_644 : vector<16xf32>
        %add3A_663 = arith.addf %add3A_645, %add3A_646 : vector<16xf32>
        %add3A_664 = arith.addf %add3A_647, %add3A_648 : vector<16xf32>
        %add3A_665 = arith.addf %add3A_649, %add3A_650 : vector<16xf32>
        %add3A_666 = arith.addf %add3A_651, %add3A_652 : vector<16xf32>
        %add3A_667 = arith.addf %add3A_653, %add3A_654 : vector<16xf32>
        %add3A_668 = arith.addf %add3A_655, %add3A_656 : vector<16xf32>
        %add3A_669 = arith.addf %add3A_657, %add3A_658 : vector<16xf32>
        %add3A_670 = arith.addf %add3A_659, %add3A_660 : vector<16xf32>
        %add3A_671 = arith.addf %add3A_661, %add3A_662 : vector<16xf32>
        %add3A_672 = arith.addf %add3A_663, %add3A_664 : vector<16xf32>
        %add3A_673 = arith.addf %add3A_665, %add3A_666 : vector<16xf32>
        %add3A_674 = arith.addf %add3A_667, %add3A_668 : vector<16xf32>
        %add3A_675 = arith.addf %add3A_669, %add3A_670 : vector<16xf32>
        %add3A_676 = arith.addf %add3A_671, %add3A_672 : vector<16xf32>
        %add3A_677 = arith.addf %add3A_673, %add3A_674 : vector<16xf32>
        %add3A_678 = arith.addf %add3A_675, %add3A_676 : vector<16xf32>
        %mul3A_679 = arith.constant 3.125000e-02 : f32
        %mul3A_680 = vector.broadcast %mul3A_679 : f32 to vector<16xf32>
        %mul3A_681 = arith.mulf %add3A_677, %mul3A_680 : vector<16xf32>
        %mul3A_682 = arith.constant 3.125000e-02 : f32
        %mul3A_683 = vector.broadcast %mul3A_682 : f32 to vector<16xf32>
        %mul3A_684 = arith.mulf %add3A_678, %mul3A_683 : vector<16xf32>
        %pack3A = tpu.pack_subelements %mul3A_681, %mul3A_684 {pack_format = #tpu.pack_format<interleaved>, positions = array<i32: 0, 1>} : vector<16xf32>, vector<16xf32> -> vector<32xbf16>
        %bitcast3A_685 = vector.bitcast %pack3A : vector<32xbf16> to vector<16xf32>
        %mul3A_686 = arith.constant 16 : i32
        %mul3A_687 = arith.muli %scan3A_299, %mul3A_686 : i32
        %swap3A = arith.index_cast %mul3A_687 : i32 to index
        %swap3A_688 = tpu.vector_load %arg11[%swap3A] {strides = array<i32>} : memref<400xf32, #tpu.memory_space<vmem>>, vector<16xf32>,
        tpu.vector_store %arg11[%swap3A], %bitcast3A_685 {strides = array<i32>} : memref<400xf32, #tpu.memory_space<vmem>>, vector<16xf32>,
      }
      %scan3A_284 = arith.constant 25 : i32
      %mul3A_285 = arith.constant 16 : i32
      %mul3A_286 = arith.muli %add3A_268, %mul3A_285 : i32
      %dma_start3A_287 = tpu.memref_slice %arg5[%mul3A_286] : memref<320000xf32, #tpu.memory_space<hbm>> -> memref<400xf32, #tpu.memory_space<hbm>>
      %dma_start3A_288 = tpu.memref_slice %arg5[%mul3A_286] : memref<320000xf32, #tpu.memory_space<hbm>> -> memref<400xf32, #tpu.memory_space<hbm>>
      tpu.enqueue_dma source(%arg11 : memref<400xf32, #tpu.memory_space<vmem>>) target(%dma_start3A_288 : memref<400xf32, #tpu.memory_space<hbm>>) target_semaphore(%arg17 : memref<!tpu.dma_semaphore, #tpu.memory_space<semaphore_mem>>)
      %dma_wait3A_289 = arith.constant 0 : i32
      %dma_wait3A_290 = arith.constant 0 : i32
      %dma_wait3A_291 = tpu.memref_slice %arg4[%dma_wait3A_289, %dma_wait3A_290] : memref<640000x16xf32, #tpu.memory_space<hbm>> -> memref<800x16xf32, #tpu.memory_space<hbm>>
      %dma_wait3A_292 = arith.constant 0 : i32
      %dma_wait3A_293 = arith.constant 0 : i32
      %dma_wait3A_294 = tpu.memref_slice %arg4[%dma_wait3A_292, %dma_wait3A_293] : memref<640000x16xf32, #tpu.memory_space<hbm>> -> memref<800x16xf32, #tpu.memory_space<hbm>>
      tpu.wait_dma2 semaphore(%arg15 : memref<!tpu.dma_semaphore, #tpu.memory_space<semaphore_mem>>) src(%arg9 : memref<800x16xf32, #tpu.memory_space<vmem>>) dst(%dma_wait3A_294 : memref<800x16xf32, #tpu.memory_space<hbm>>)
      %dma_wait3A_295 = arith.constant 0 : i32
      %dma_wait3A_296 = tpu.memref_slice %arg5[%dma_wait3A_295] : memref<320000xf32, #tpu.memory_space<hbm>> -> memref<400xf32, #tpu.memory_space<hbm>>
      %dma_wait3A_297 = arith.constant 0 : i32
      %dma_wait3A_298 = tpu.memref_slice %arg5[%dma_wait3A_297] : memref<320000xf32, #tpu.memory_space<hbm>> -> memref<400xf32, #tpu.memory_space<hbm>>
      tpu.wait_dma2 semaphore(%arg17 : memref<!tpu.dma_semaphore, #tpu.memory_space<semaphore_mem>>) src(%arg11 : memref<400xf32, #tpu.memory_space<vmem>>) dst(%dma_wait3A_298 : memref<400xf32, #tpu.memory_space<hbm>>)
    }
    %scan3A_66 = arith.constant 12 : i32
    %add3A_67 = arith.constant 19200 : i32
    %add3A_68 = arith.addi %mul3A_4, %add3A_67 : i32
    %add3A_69 = arith.constant 600 : i32
    %add3A_70 = arith.addi %mul3A_2, %add3A_69 : i32
    %dma_wait3A = arith.constant 0 : i32
    %dma_wait3A_71 = arith.constant 0 : i32
    %dma_wait3A_72 = tpu.memref_slice %arg3[%dma_wait3A, %dma_wait3A_71] : memref<20000x16xf32, #tpu.memory_space<hbm>> -> memref<800x16xf32, #tpu.memory_space<hbm>>
    %dma_wait3A_73 = arith.constant 0 : i32
    %dma_wait3A_74 = arith.constant 0 : i32
    %dma_wait3A_75 = tpu.memref_slice %arg3[%dma_wait3A_73, %dma_wait3A_74] : memref<20000x16xf32, #tpu.memory_space<hbm>> -> memref<800x16xf32, #tpu.memory_space<hbm>>
    tpu.wait_dma2 semaphore(%arg12 : memref<!tpu.dma_semaphore, #tpu.memory_space<semaphore_mem>>) src(%dma_wait3A_75 : memref<800x16xf32, #tpu.memory_space<hbm>>) dst(%arg8 : memref<800x16xf32, #tpu.memory_space<vmem>>)
    %dma_start3A_76 = arith.constant 0 : i32
    %dma_start3A_77 = tpu.memref_slice %arg4[%add3A_68, %dma_start3A_76] : memref<640000x16xf32, #tpu.memory_space<hbm>> -> memref<800x16xf32, #tpu.memory_space<hbm>>
    %dma_start3A_78 = arith.constant 0 : i32
    %dma_start3A_79 = tpu.memref_slice %arg4[%add3A_68, %dma_start3A_78] : memref<640000x16xf32, #tpu.memory_space<hbm>> -> memref<800x16xf32, #tpu.memory_space<hbm>>
    tpu.enqueue_dma source(%arg8 : memref<800x16xf32, #tpu.memory_space<vmem>>) target(%dma_start3A_79 : memref<800x16xf32, #tpu.memory_space<hbm>>) target_semaphore(%arg14 : memref<!tpu.dma_semaphore, #tpu.memory_space<semaphore_mem>>)
    %scan3A_80 = arith.constant 0 : i32
    %scan3A_81 = arith.constant 0 : i32
    %scan3A_82 = arith.constant 25 : i32
    %scan3A_83 = arith.addi %scan3A_81, %scan3A_82 : i32
    %scan3A_84 = arith.constant 1 : i32
    scf.for %scan3A_100 = %scan3A_81 to %scan3A_83 step %scan3A_84  : i32 {
      %mul3A_101 = arith.constant 32 : i32
      %mul3A_102 = arith.muli %scan3A_100, %mul3A_101 : i32
      %add3A_103 = arith.constant 0 : i32
      %add3A_104 = arith.addi %mul3A_102, %add3A_103 : i32
      %get3A = arith.index_cast %add3A_104 : i32 to index
      %get3A_105 = arith.constant 0 : index
      %get3A_106 = tpu.vector_load %arg8[%get3A, %get3A_105] {strides = array<i32>} : memref<800x16xf32, #tpu.memory_space<vmem>>, vector<16xf32>,
      %bitcast3A = vector.bitcast %get3A_106 : vector<16xf32> to vector<32xbf16>
      %unpack3A = tpu.unpack_subelements %bitcast3A, 0 {pack_format = #tpu.pack_format<interleaved>} : vector<32xbf16> -> vector<16xf32>
      %unpack3A_107 = tpu.unpack_subelements %bitcast3A, 1 {pack_format = #tpu.pack_format<interleaved>} : vector<32xbf16> -> vector<16xf32>
      %mul3A_108 = arith.constant 32 : i32
      %mul3A_109 = arith.muli %scan3A_100, %mul3A_108 : i32
      %add3A_110 = arith.constant 1 : i32
      %add3A_111 = arith.addi %mul3A_109, %add3A_110 : i32
      %get3A_112 = arith.index_cast %add3A_111 : i32 to index
      %get3A_113 = arith.constant 0 : index
      %get3A_114 = tpu.vector_load %arg8[%get3A_112, %get3A_113] {strides = array<i32>} : memref<800x16xf32, #tpu.memory_space<vmem>>, vector<16xf32>,
      %bitcast3A_115 = vector.bitcast %get3A_114 : vector<16xf32> to vector<32xbf16>
      %unpack3A_116 = tpu.unpack_subelements %bitcast3A_115, 0 {pack_format = #tpu.pack_format<interleaved>} : vector<32xbf16> -> vector<16xf32>
      %unpack3A_117 = tpu.unpack_subelements %bitcast3A_115, 1 {pack_format = #tpu.pack_format<interleaved>} : vector<32xbf16> -> vector<16xf32>
      %mul3A_118 = arith.constant 32 : i32
      %mul3A_119 = arith.muli %scan3A_100, %mul3A_118 : i32
      %add3A_120 = arith.constant 2 : i32
      %add3A_121 = arith.addi %mul3A_119, %add3A_120 : i32
      %get3A_122 = arith.index_cast %add3A_121 : i32 to index
      %get3A_123 = arith.constant 0 : index
      %get3A_124 = tpu.vector_load %arg8[%get3A_122, %get3A_123] {strides = array<i32>} : memref<800x16xf32, #tpu.memory_space<vmem>>, vector<16xf32>,
      %bitcast3A_125 = vector.bitcast %get3A_124 : vector<16xf32> to vector<32xbf16>
      %unpack3A_126 = tpu.unpack_subelements %bitcast3A_125, 0 {pack_format = #tpu.pack_format<interleaved>} : vector<32xbf16> -> vector<16xf32>
      %unpack3A_127 = tpu.unpack_subelements %bitcast3A_125, 1 {pack_format = #tpu.pack_format<interleaved>} : vector<32xbf16> -> vector<16xf32>
      %mul3A_128 = arith.constant 32 : i32
      %mul3A_129 = arith.muli %scan3A_100, %mul3A_128 : i32
      %add3A_130 = arith.constant 3 : i32
      %add3A_131 = arith.addi %mul3A_129, %add3A_130 : i32
      %get3A_132 = arith.index_cast %add3A_131 : i32 to index
      %get3A_133 = arith.constant 0 : index
      %get3A_134 = tpu.vector_load %arg8[%get3A_132, %get3A_133] {strides = array<i32>} : memref<800x16xf32, #tpu.memory_space<vmem>>, vector<16xf32>,
      %bitcast3A_135 = vector.bitcast %get3A_134 : vector<16xf32> to vector<32xbf16>
      %unpack3A_136 = tpu.unpack_subelements %bitcast3A_135, 0 {pack_format = #tpu.pack_format<interleaved>} : vector<32xbf16> -> vector<16xf32>
      %unpack3A_137 = tpu.unpack_subelements %bitcast3A_135, 1 {pack_format = #tpu.pack_format<interleaved>} : vector<32xbf16> -> vector<16xf32>
      %mul3A_138 = arith.constant 32 : i32
      %mul3A_139 = arith.muli %scan3A_100, %mul3A_138 : i32
      %add3A_140 = arith.constant 4 : i32
      %add3A_141 = arith.addi %mul3A_139, %add3A_140 : i32
      %get3A_142 = arith.index_cast %add3A_141 : i32 to index
      %get3A_143 = arith.constant 0 : index
      %get3A_144 = tpu.vector_load %arg8[%get3A_142, %get3A_143] {strides = array<i32>} : memref<800x16xf32, #tpu.memory_space<vmem>>, vector<16xf32>,
      %bitcast3A_145 = vector.bitcast %get3A_144 : vector<16xf32> to vector<32xbf16>
      %unpack3A_146 = tpu.unpack_subelements %bitcast3A_145, 0 {pack_format = #tpu.pack_format<interleaved>} : vector<32xbf16> -> vector<16xf32>
      %unpack3A_147 = tpu.unpack_subelements %bitcast3A_145, 1 {pack_format = #tpu.pack_format<interleaved>} : vector<32xbf16> -> vector<16xf32>
      %mul3A_148 = arith.constant 32 : i32
      %mul3A_149 = arith.muli %scan3A_100, %mul3A_148 : i32
      %add3A_150 = arith.constant 5 : i32
      %add3A_151 = arith.addi %mul3A_149, %add3A_150 : i32
      %get3A_152 = arith.index_cast %add3A_151 : i32 to index
      %get3A_153 = arith.constant 0 : index
      %get3A_154 = tpu.vector_load %arg8[%get3A_152, %get3A_153] {strides = array<i32>} : memref<800x16xf32, #tpu.memory_space<vmem>>, vector<16xf32>,
      %bitcast3A_155 = vector.bitcast %get3A_154 : vector<16xf32> to vector<32xbf16>
      %unpack3A_156 = tpu.unpack_subelements %bitcast3A_155, 0 {pack_format = #tpu.pack_format<interleaved>} : vector<32xbf16> -> vector<16xf32>
      %unpack3A_157 = tpu.unpack_subelements %bitcast3A_155, 1 {pack_format = #tpu.pack_format<interleaved>} : vector<32xbf16> -> vector<16xf32>
      %mul3A_158 = arith.constant 32 : i32
      %mul3A_159 = arith.muli %scan3A_100, %mul3A_158 : i32
      %add3A_160 = arith.constant 6 : i32
      %add3A_161 = arith.addi %mul3A_159, %add3A_160 : i32
      %get3A_162 = arith.index_cast %add3A_161 : i32 to index
      %get3A_163 = arith.constant 0 : index
      %get3A_164 = tpu.vector_load %arg8[%get3A_162, %get3A_163] {strides = array<i32>} : memref<800x16xf32, #tpu.memory_space<vmem>>, vector<16xf32>,
      %bitcast3A_165 = vector.bitcast %get3A_164 : vector<16xf32> to vector<32xbf16>
      %unpack3A_166 = tpu.unpack_subelements %bitcast3A_165, 0 {pack_format = #tpu.pack_format<interleaved>} : vector<32xbf16> -> vector<16xf32>
      %unpack3A_167 = tpu.unpack_subelements %bitcast3A_165, 1 {pack_format = #tpu.pack_format<interleaved>} : vector<32xbf16> -> vector<16xf32>
      %mul3A_168 = arith.constant 32 : i32
      %mul3A_169 = arith.muli %scan3A_100, %mul3A_168 : i32
      %add3A_170 = arith.constant 7 : i32
      %add3A_171 = arith.addi %mul3A_169, %add3A_170 : i32
      %get3A_172 = arith.index_cast %add3A_171 : i32 to index
      %get3A_173 = arith.constant 0 : index
      %get3A_174 = tpu.vector_load %arg8[%get3A_172, %get3A_173] {strides = array<i32>} : memref<800x16xf32, #tpu.memory_space<vmem>>, vector<16xf32>,
      %bitcast3A_175 = vector.bitcast %get3A_174 : vector<16xf32> to vector<32xbf16>
      %unpack3A_176 = tpu.unpack_subelements %bitcast3A_175, 0 {pack_format = #tpu.pack_format<interleaved>} : vector<32xbf16> -> vector<16xf32>
      %unpack3A_177 = tpu.unpack_subelements %bitcast3A_175, 1 {pack_format = #tpu.pack_format<interleaved>} : vector<32xbf16> -> vector<16xf32>
      %mul3A_178 = arith.constant 32 : i32
      %mul3A_179 = arith.muli %scan3A_100, %mul3A_178 : i32
      %add3A_180 = arith.constant 8 : i32
      %add3A_181 = arith.addi %mul3A_179, %add3A_180 : i32
      %get3A_182 = arith.index_cast %add3A_181 : i32 to index
      %get3A_183 = arith.constant 0 : index
      %get3A_184 = tpu.vector_load %arg8[%get3A_182, %get3A_183] {strides = array<i32>} : memref<800x16xf32, #tpu.memory_space<vmem>>, vector<16xf32>,
      %bitcast3A_185 = vector.bitcast %get3A_184 : vector<16xf32> to vector<32xbf16>
      %unpack3A_186 = tpu.unpack_subelements %bitcast3A_185, 0 {pack_format = #tpu.pack_format<interleaved>} : vector<32xbf16> -> vector<16xf32>
      %unpack3A_187 = tpu.unpack_subelements %bitcast3A_185, 1 {pack_format = #tpu.pack_format<interleaved>} : vector<32xbf16> -> vector<16xf32>
      %mul3A_188 = arith.constant 32 : i32
      %mul3A_189 = arith.muli %scan3A_100, %mul3A_188 : i32
      %add3A_190 = arith.constant 9 : i32
      %add3A_191 = arith.addi %mul3A_189, %add3A_190 : i32
      %get3A_192 = arith.index_cast %add3A_191 : i32 to index
      %get3A_193 = arith.constant 0 : index
      %get3A_194 = tpu.vector_load %arg8[%get3A_192, %get3A_193] {strides = array<i32>} : memref<800x16xf32, #tpu.memory_space<vmem>>, vector<16xf32>,
      %bitcast3A_195 = vector.bitcast %get3A_194 : vector<16xf32> to vector<32xbf16>
      %unpack3A_196 = tpu.unpack_subelements %bitcast3A_195, 0 {pack_format = #tpu.pack_format<interleaved>} : vector<32xbf16> -> vector<16xf32>
      %unpack3A_197 = tpu.unpack_subelements %bitcast3A_195, 1 {pack_format = #tpu.pack_format<interleaved>} : vector<32xbf16> -> vector<16xf32>
      %mul3A_198 = arith.constant 32 : i32
      %mul3A_199 = arith.muli %scan3A_100, %mul3A_198 : i32
      %add3A_200 = arith.constant 10 : i32
      %add3A_201 = arith.addi %mul3A_199, %add3A_200 : i32
      %get3A_202 = arith.index_cast %add3A_201 : i32 to index
      %get3A_203 = arith.constant 0 : index
      %get3A_204 = tpu.vector_load %arg8[%get3A_202, %get3A_203] {strides = array<i32>} : memref<800x16xf32, #tpu.memory_space<vmem>>, vector<16xf32>,
      %bitcast3A_205 = vector.bitcast %get3A_204 : vector<16xf32> to vector<32xbf16>
      %unpack3A_206 = tpu.unpack_subelements %bitcast3A_205, 0 {pack_format = #tpu.pack_format<interleaved>} : vector<32xbf16> -> vector<16xf32>
      %unpack3A_207 = tpu.unpack_subelements %bitcast3A_205, 1 {pack_format = #tpu.pack_format<interleaved>} : vector<32xbf16> -> vector<16xf32>
      %mul3A_208 = arith.constant 32 : i32
      %mul3A_209 = arith.muli %scan3A_100, %mul3A_208 : i32
      %add3A_210 = arith.constant 11 : i32
      %add3A_211 = arith.addi %mul3A_209, %add3A_210 : i32
      %get3A_212 = arith.index_cast %add3A_211 : i32 to index
      %get3A_213 = arith.constant 0 : index
      %get3A_214 = tpu.vector_load %arg8[%get3A_212, %get3A_213] {strides = array<i32>} : memref<800x16xf32, #tpu.memory_space<vmem>>, vector<16xf32>,
      %bitcast3A_215 = vector.bitcast %get3A_214 : vector<16xf32> to vector<32xbf16>
      %unpack3A_216 = tpu.unpack_subelements %bitcast3A_215, 0 {pack_format = #tpu.pack_format<interleaved>} : vector<32xbf16> -> vector<16xf32>
      %unpack3A_217 = tpu.unpack_subelements %bitcast3A_215, 1 {pack_format = #tpu.pack_format<interleaved>} : vector<32xbf16> -> vector<16xf32>
      %mul3A_218 = arith.constant 32 : i32
      %mul3A_219 = arith.muli %scan3A_100, %mul3A_218 : i32
      %add3A_220 = arith.constant 12 : i32
      %add3A_221 = arith.addi %mul3A_219, %add3A_220 : i32
      %get3A_222 = arith.index_cast %add3A_221 : i32 to index
      %get3A_223 = arith.constant 0 : index
      %get3A_224 = tpu.vector_load %arg8[%get3A_222, %get3A_223] {strides = array<i32>} : memref<800x16xf32, #tpu.memory_space<vmem>>, vector<16xf32>,
      %bitcast3A_225 = vector.bitcast %get3A_224 : vector<16xf32> to vector<32xbf16>
      %unpack3A_226 = tpu.unpack_subelements %bitcast3A_225, 0 {pack_format = #tpu.pack_format<interleaved>} : vector<32xbf16> -> vector<16xf32>
      %unpack3A_227 = tpu.unpack_subelements %bitcast3A_225, 1 {pack_format = #tpu.pack_format<interleaved>} : vector<32xbf16> -> vector<16xf32>
      %mul3A_228 = arith.constant 32 : i32
      %mul3A_229 = arith.muli %scan3A_100, %mul3A_228 : i32
      %add3A_230 = arith.constant 13 : i32
      %add3A_231 = arith.addi %mul3A_229, %add3A_230 : i32
      %get3A_232 = arith.index_cast %add3A_231 : i32 to index
      %get3A_233 = arith.constant 0 : index
      %get3A_234 = tpu.vector_load %arg8[%get3A_232, %get3A_233] {strides = array<i32>} : memref<800x16xf32, #tpu.memory_space<vmem>>, vector<16xf32>,
      %bitcast3A_235 = vector.bitcast %get3A_234 : vector<16xf32> to vector<32xbf16>
      %unpack3A_236 = tpu.unpack_subelements %bitcast3A_235, 0 {pack_format = #tpu.pack_format<interleaved>} : vector<32xbf16> -> vector<16xf32>
      %unpack3A_237 = tpu.unpack_subelements %bitcast3A_235, 1 {pack_format = #tpu.pack_format<interleaved>} : vector<32xbf16> -> vector<16xf32>
      %mul3A_238 = arith.constant 32 : i32
      %mul3A_239 = arith.muli %scan3A_100, %mul3A_238 : i32
      %add3A_240 = arith.constant 14 : i32
      %add3A_241 = arith.addi %mul3A_239, %add3A_240 : i32
      %get3A_242 = arith.index_cast %add3A_241 : i32 to index
      %get3A_243 = arith.constant 0 : index
      %get3A_244 = tpu.vector_load %arg8[%get3A_242, %get3A_243] {strides = array<i32>} : memref<800x16xf32, #tpu.memory_space<vmem>>, vector<16xf32>,
      %bitcast3A_245 = vector.bitcast %get3A_244 : vector<16xf32> to vector<32xbf16>
      %unpack3A_246 = tpu.unpack_subelements %bitcast3A_245, 0 {pack_format = #tpu.pack_format<interleaved>} : vector<32xbf16> -> vector<16xf32>
      %unpack3A_247 = tpu.unpack_subelements %bitcast3A_245, 1 {pack_format = #tpu.pack_format<interleaved>} : vector<32xbf16> -> vector<16xf32>
      %mul3A_248 = arith.constant 32 : i32
      %mul3A_249 = arith.muli %scan3A_100, %mul3A_248 : i32
      %add3A_250 = arith.constant 15 : i32
      %add3A_251 = arith.addi %mul3A_249, %add3A_250 : i32
      %get3A_252 = arith.index_cast %add3A_251 : i32 to index
      %get3A_253 = arith.constant 0 : index
      %get3A_254 = tpu.vector_load %arg8[%get3A_252, %get3A_253] {strides = array<i32>} : memref<800x16xf32, #tpu.memory_space<vmem>>, vector<16xf32>,
      %bitcast3A_255 = vector.bitcast %get3A_254 : vector<16xf32> to vector<32xbf16>
      %unpack3A_256 = tpu.unpack_subelements %bitcast3A_255, 0 {pack_format = #tpu.pack_format<interleaved>} : vector<32xbf16> -> vector<16xf32>
      %unpack3A_257 = tpu.unpack_subelements %bitcast3A_255, 1 {pack_format = #tpu.pack_format<interleaved>} : vector<32xbf16> -> vector<16xf32>
      %mul3A_258 = arith.constant 32 : i32
      %mul3A_259 = arith.muli %scan3A_100, %mul3A_258 : i32
      %add3A_260 = arith.constant 16 : i32
      %add3A_261 = arith.addi %mul3A_259, %add3A_260 : i32
      %get3A_262 = arith.index_cast %add3A_261 : i32 to index
      %get3A_263 = arith.constant 0 : index
      %get3A_264 = tpu.vector_load %arg8[%get3A_262, %get3A_263] {strides = array<i32>} : memref<800x16xf32, #tpu.memory_space<vmem>>, vector<16xf32>,
      %bitcast3A_265 = vector.bitcast %get3A_264 : vector<16xf32> to vector<32xbf16>
      %unpack3A_266 = tpu.unpack_subelements %bitcast3A_265, 0 {pack_format = #tpu.pack_format<interleaved>} : vector<32xbf16> -> vector<16xf32>
      %unpack3A_267 = tpu.unpack_subelements %bitcast3A_265, 1 {pack_format = #tpu.pack_format<interleaved>} : vector<32xbf16> -> vector<16xf32>
      %mul3A_268 = arith.constant 32 : i32
      %mul3A_269 = arith.muli %scan3A_100, %mul3A_268 : i32
      %add3A_270 = arith.constant 17 : i32
      %add3A_271 = arith.addi %mul3A_269, %add3A_270 : i32
      %get3A_272 = arith.index_cast %add3A_271 : i32 to index
      %get3A_273 = arith.constant 0 : index
      %get3A_274 = tpu.vector_load %arg8[%get3A_272, %get3A_273] {strides = array<i32>} : memref<800x16xf32, #tpu.memory_space<vmem>>, vector<16xf32>,
      %bitcast3A_275 = vector.bitcast %get3A_274 : vector<16xf32> to vector<32xbf16>
      %unpack3A_276 = tpu.unpack_subelements %bitcast3A_275, 0 {pack_format = #tpu.pack_format<interleaved>} : vector<32xbf16> -> vector<16xf32>
      %unpack3A_277 = tpu.unpack_subelements %bitcast3A_275, 1 {pack_format = #tpu.pack_format<interleaved>} : vector<32xbf16> -> vector<16xf32>
      %mul3A_278 = arith.constant 32 : i32
      %mul3A_279 = arith.muli %scan3A_100, %mul3A_278 : i32
      %add3A_280 = arith.constant 18 : i32
      %add3A_281 = arith.addi %mul3A_279, %add3A_280 : i32
      %get3A_282 = arith.index_cast %add3A_281 : i32 to index
      %get3A_283 = arith.constant 0 : index
      %get3A_284 = tpu.vector_load %arg8[%get3A_282, %get3A_283] {strides = array<i32>} : memref<800x16xf32, #tpu.memory_space<vmem>>, vector<16xf32>,
      %bitcast3A_285 = vector.bitcast %get3A_284 : vector<16xf32> to vector<32xbf16>
      %unpack3A_286 = tpu.unpack_subelements %bitcast3A_285, 0 {pack_format = #tpu.pack_format<interleaved>} : vector<32xbf16> -> vector<16xf32>
      %unpack3A_287 = tpu.unpack_subelements %bitcast3A_285, 1 {pack_format = #tpu.pack_format<interleaved>} : vector<32xbf16> -> vector<16xf32>
      %mul3A_288 = arith.constant 32 : i32
      %mul3A_289 = arith.muli %scan3A_100, %mul3A_288 : i32
      %add3A_290 = arith.constant 19 : i32
      %add3A_291 = arith.addi %mul3A_289, %add3A_290 : i32
      %get3A_292 = arith.index_cast %add3A_291 : i32 to index
      %get3A_293 = arith.constant 0 : index
      %get3A_294 = tpu.vector_load %arg8[%get3A_292, %get3A_293] {strides = array<i32>} : memref<800x16xf32, #tpu.memory_space<vmem>>, vector<16xf32>,
      %bitcast3A_295 = vector.bitcast %get3A_294 : vector<16xf32> to vector<32xbf16>
      %unpack3A_296 = tpu.unpack_subelements %bitcast3A_295, 0 {pack_format = #tpu.pack_format<interleaved>} : vector<32xbf16> -> vector<16xf32>
      %unpack3A_297 = tpu.unpack_subelements %bitcast3A_295, 1 {pack_format = #tpu.pack_format<interleaved>} : vector<32xbf16> -> vector<16xf32>
      %mul3A_298 = arith.constant 32 : i32
      %mul3A_299 = arith.muli %scan3A_100, %mul3A_298 : i32
      %add3A_300 = arith.constant 20 : i32
      %add3A_301 = arith.addi %mul3A_299, %add3A_300 : i32
      %get3A_302 = arith.index_cast %add3A_301 : i32 to index
      %get3A_303 = arith.constant 0 : index
      %get3A_304 = tpu.vector_load %arg8[%get3A_302, %get3A_303] {strides = array<i32>} : memref<800x16xf32, #tpu.memory_space<vmem>>, vector<16xf32>,
      %bitcast3A_305 = vector.bitcast %get3A_304 : vector<16xf32> to vector<32xbf16>
      %unpack3A_306 = tpu.unpack_subelements %bitcast3A_305, 0 {pack_format = #tpu.pack_format<interleaved>} : vector<32xbf16> -> vector<16xf32>
      %unpack3A_307 = tpu.unpack_subelements %bitcast3A_305, 1 {pack_format = #tpu.pack_format<interleaved>} : vector<32xbf16> -> vector<16xf32>
      %mul3A_308 = arith.constant 32 : i32
      %mul3A_309 = arith.muli %scan3A_100, %mul3A_308 : i32
      %add3A_310 = arith.constant 21 : i32
      %add3A_311 = arith.addi %mul3A_309, %add3A_310 : i32
      %get3A_312 = arith.index_cast %add3A_311 : i32 to index
      %get3A_313 = arith.constant 0 : index
      %get3A_314 = tpu.vector_load %arg8[%get3A_312, %get3A_313] {strides = array<i32>} : memref<800x16xf32, #tpu.memory_space<vmem>>, vector<16xf32>,
      %bitcast3A_315 = vector.bitcast %get3A_314 : vector<16xf32> to vector<32xbf16>
      %unpack3A_316 = tpu.unpack_subelements %bitcast3A_315, 0 {pack_format = #tpu.pack_format<interleaved>} : vector<32xbf16> -> vector<16xf32>
      %unpack3A_317 = tpu.unpack_subelements %bitcast3A_315, 1 {pack_format = #tpu.pack_format<interleaved>} : vector<32xbf16> -> vector<16xf32>
      %mul3A_318 = arith.constant 32 : i32
      %mul3A_319 = arith.muli %scan3A_100, %mul3A_318 : i32
      %add3A_320 = arith.constant 22 : i32
      %add3A_321 = arith.addi %mul3A_319, %add3A_320 : i32
      %get3A_322 = arith.index_cast %add3A_321 : i32 to index
      %get3A_323 = arith.constant 0 : index
      %get3A_324 = tpu.vector_load %arg8[%get3A_322, %get3A_323] {strides = array<i32>} : memref<800x16xf32, #tpu.memory_space<vmem>>, vector<16xf32>,
      %bitcast3A_325 = vector.bitcast %get3A_324 : vector<16xf32> to vector<32xbf16>
      %unpack3A_326 = tpu.unpack_subelements %bitcast3A_325, 0 {pack_format = #tpu.pack_format<interleaved>} : vector<32xbf16> -> vector<16xf32>
      %unpack3A_327 = tpu.unpack_subelements %bitcast3A_325, 1 {pack_format = #tpu.pack_format<interleaved>} : vector<32xbf16> -> vector<16xf32>
      %mul3A_328 = arith.constant 32 : i32
      %mul3A_329 = arith.muli %scan3A_100, %mul3A_328 : i32
      %add3A_330 = arith.constant 23 : i32
      %add3A_331 = arith.addi %mul3A_329, %add3A_330 : i32
      %get3A_332 = arith.index_cast %add3A_331 : i32 to index
      %get3A_333 = arith.constant 0 : index
      %get3A_334 = tpu.vector_load %arg8[%get3A_332, %get3A_333] {strides = array<i32>} : memref<800x16xf32, #tpu.memory_space<vmem>>, vector<16xf32>,
      %bitcast3A_335 = vector.bitcast %get3A_334 : vector<16xf32> to vector<32xbf16>
      %unpack3A_336 = tpu.unpack_subelements %bitcast3A_335, 0 {pack_format = #tpu.pack_format<interleaved>} : vector<32xbf16> -> vector<16xf32>
      %unpack3A_337 = tpu.unpack_subelements %bitcast3A_335, 1 {pack_format = #tpu.pack_format<interleaved>} : vector<32xbf16> -> vector<16xf32>
      %mul3A_338 = arith.constant 32 : i32
      %mul3A_339 = arith.muli %scan3A_100, %mul3A_338 : i32
      %add3A_340 = arith.constant 24 : i32
      %add3A_341 = arith.addi %mul3A_339, %add3A_340 : i32
      %get3A_342 = arith.index_cast %add3A_341 : i32 to index
      %get3A_343 = arith.constant 0 : index
      %get3A_344 = tpu.vector_load %arg8[%get3A_342, %get3A_343] {strides = array<i32>} : memref<800x16xf32, #tpu.memory_space<vmem>>, vector<16xf32>,
      %bitcast3A_345 = vector.bitcast %get3A_344 : vector<16xf32> to vector<32xbf16>
      %unpack3A_346 = tpu.unpack_subelements %bitcast3A_345, 0 {pack_format = #tpu.pack_format<interleaved>} : vector<32xbf16> -> vector<16xf32>
      %unpack3A_347 = tpu.unpack_subelements %bitcast3A_345, 1 {pack_format = #tpu.pack_format<interleaved>} : vector<32xbf16> -> vector<16xf32>
      %mul3A_348 = arith.constant 32 : i32
      %mul3A_349 = arith.muli %scan3A_100, %mul3A_348 : i32
      %add3A_350 = arith.constant 25 : i32
      %add3A_351 = arith.addi %mul3A_349, %add3A_350 : i32
      %get3A_352 = arith.index_cast %add3A_351 : i32 to index
      %get3A_353 = arith.constant 0 : index
      %get3A_354 = tpu.vector_load %arg8[%get3A_352, %get3A_353] {strides = array<i32>} : memref<800x16xf32, #tpu.memory_space<vmem>>, vector<16xf32>,
      %bitcast3A_355 = vector.bitcast %get3A_354 : vector<16xf32> to vector<32xbf16>
      %unpack3A_356 = tpu.unpack_subelements %bitcast3A_355, 0 {pack_format = #tpu.pack_format<interleaved>} : vector<32xbf16> -> vector<16xf32>
      %unpack3A_357 = tpu.unpack_subelements %bitcast3A_355, 1 {pack_format = #tpu.pack_format<interleaved>} : vector<32xbf16> -> vector<16xf32>
      %mul3A_358 = arith.constant 32 : i32
      %mul3A_359 = arith.muli %scan3A_100, %mul3A_358 : i32
      %add3A_360 = arith.constant 26 : i32
      %add3A_361 = arith.addi %mul3A_359, %add3A_360 : i32
      %get3A_362 = arith.index_cast %add3A_361 : i32 to index
      %get3A_363 = arith.constant 0 : index
      %get3A_364 = tpu.vector_load %arg8[%get3A_362, %get3A_363] {strides = array<i32>} : memref<800x16xf32, #tpu.memory_space<vmem>>, vector<16xf32>,
      %bitcast3A_365 = vector.bitcast %get3A_364 : vector<16xf32> to vector<32xbf16>
      %unpack3A_366 = tpu.unpack_subelements %bitcast3A_365, 0 {pack_format = #tpu.pack_format<interleaved>} : vector<32xbf16> -> vector<16xf32>
      %unpack3A_367 = tpu.unpack_subelements %bitcast3A_365, 1 {pack_format = #tpu.pack_format<interleaved>} : vector<32xbf16> -> vector<16xf32>
      %mul3A_368 = arith.constant 32 : i32
      %mul3A_369 = arith.muli %scan3A_100, %mul3A_368 : i32
      %add3A_370 = arith.constant 27 : i32
      %add3A_371 = arith.addi %mul3A_369, %add3A_370 : i32
      %get3A_372 = arith.index_cast %add3A_371 : i32 to index
      %get3A_373 = arith.constant 0 : index
      %get3A_374 = tpu.vector_load %arg8[%get3A_372, %get3A_373] {strides = array<i32>} : memref<800x16xf32, #tpu.memory_space<vmem>>, vector<16xf32>,
      %bitcast3A_375 = vector.bitcast %get3A_374 : vector<16xf32> to vector<32xbf16>
      %unpack3A_376 = tpu.unpack_subelements %bitcast3A_375, 0 {pack_format = #tpu.pack_format<interleaved>} : vector<32xbf16> -> vector<16xf32>
      %unpack3A_377 = tpu.unpack_subelements %bitcast3A_375, 1 {pack_format = #tpu.pack_format<interleaved>} : vector<32xbf16> -> vector<16xf32>
      %mul3A_378 = arith.constant 32 : i32
      %mul3A_379 = arith.muli %scan3A_100, %mul3A_378 : i32
      %add3A_380 = arith.constant 28 : i32
      %add3A_381 = arith.addi %mul3A_379, %add3A_380 : i32
      %get3A_382 = arith.index_cast %add3A_381 : i32 to index
      %get3A_383 = arith.constant 0 : index
      %get3A_384 = tpu.vector_load %arg8[%get3A_382, %get3A_383] {strides = array<i32>} : memref<800x16xf32, #tpu.memory_space<vmem>>, vector<16xf32>,
      %bitcast3A_385 = vector.bitcast %get3A_384 : vector<16xf32> to vector<32xbf16>
      %unpack3A_386 = tpu.unpack_subelements %bitcast3A_385, 0 {pack_format = #tpu.pack_format<interleaved>} : vector<32xbf16> -> vector<16xf32>
      %unpack3A_387 = tpu.unpack_subelements %bitcast3A_385, 1 {pack_format = #tpu.pack_format<interleaved>} : vector<32xbf16> -> vector<16xf32>
      %mul3A_388 = arith.constant 32 : i32
      %mul3A_389 = arith.muli %scan3A_100, %mul3A_388 : i32
      %add3A_390 = arith.constant 29 : i32
      %add3A_391 = arith.addi %mul3A_389, %add3A_390 : i32
      %get3A_392 = arith.index_cast %add3A_391 : i32 to index
      %get3A_393 = arith.constant 0 : index
      %get3A_394 = tpu.vector_load %arg8[%get3A_392, %get3A_393] {strides = array<i32>} : memref<800x16xf32, #tpu.memory_space<vmem>>, vector<16xf32>,
      %bitcast3A_395 = vector.bitcast %get3A_394 : vector<16xf32> to vector<32xbf16>
      %unpack3A_396 = tpu.unpack_subelements %bitcast3A_395, 0 {pack_format = #tpu.pack_format<interleaved>} : vector<32xbf16> -> vector<16xf32>
      %unpack3A_397 = tpu.unpack_subelements %bitcast3A_395, 1 {pack_format = #tpu.pack_format<interleaved>} : vector<32xbf16> -> vector<16xf32>
      %mul3A_398 = arith.constant 32 : i32
      %mul3A_399 = arith.muli %scan3A_100, %mul3A_398 : i32
      %add3A_400 = arith.constant 30 : i32
      %add3A_401 = arith.addi %mul3A_399, %add3A_400 : i32
      %get3A_402 = arith.index_cast %add3A_401 : i32 to index
      %get3A_403 = arith.constant 0 : index
      %get3A_404 = tpu.vector_load %arg8[%get3A_402, %get3A_403] {strides = array<i32>} : memref<800x16xf32, #tpu.memory_space<vmem>>, vector<16xf32>,
      %bitcast3A_405 = vector.bitcast %get3A_404 : vector<16xf32> to vector<32xbf16>
      %unpack3A_406 = tpu.unpack_subelements %bitcast3A_405, 0 {pack_format = #tpu.pack_format<interleaved>} : vector<32xbf16> -> vector<16xf32>
      %unpack3A_407 = tpu.unpack_subelements %bitcast3A_405, 1 {pack_format = #tpu.pack_format<interleaved>} : vector<32xbf16> -> vector<16xf32>
      %mul3A_408 = arith.constant 32 : i32
      %mul3A_409 = arith.muli %scan3A_100, %mul3A_408 : i32
      %add3A_410 = arith.constant 31 : i32
      %add3A_411 = arith.addi %mul3A_409, %add3A_410 : i32
      %get3A_412 = arith.index_cast %add3A_411 : i32 to index
      %get3A_413 = arith.constant 0 : index
      %get3A_414 = tpu.vector_load %arg8[%get3A_412, %get3A_413] {strides = array<i32>} : memref<800x16xf32, #tpu.memory_space<vmem>>, vector<16xf32>,
      %bitcast3A_415 = vector.bitcast %get3A_414 : vector<16xf32> to vector<32xbf16>
      %unpack3A_416 = tpu.unpack_subelements %bitcast3A_415, 0 {pack_format = #tpu.pack_format<interleaved>} : vector<32xbf16> -> vector<16xf32>
      %unpack3A_417 = tpu.unpack_subelements %bitcast3A_415, 1 {pack_format = #tpu.pack_format<interleaved>} : vector<32xbf16> -> vector<16xf32>
      %add3A_418 = arith.addf %unpack3A, %unpack3A_116 : vector<16xf32>
      %add3A_419 = arith.addf %unpack3A_126, %unpack3A_136 : vector<16xf32>
      %add3A_420 = arith.addf %unpack3A_146, %unpack3A_156 : vector<16xf32>
      %add3A_421 = arith.addf %unpack3A_166, %unpack3A_176 : vector<16xf32>
      %add3A_422 = arith.addf %unpack3A_186, %unpack3A_196 : vector<16xf32>
      %add3A_423 = arith.addf %unpack3A_206, %unpack3A_216 : vector<16xf32>
      %add3A_424 = arith.addf %unpack3A_226, %unpack3A_236 : vector<16xf32>
      %add3A_425 = arith.addf %unpack3A_246, %unpack3A_256 : vector<16xf32>
      %add3A_426 = arith.addf %unpack3A_266, %unpack3A_276 : vector<16xf32>
      %add3A_427 = arith.addf %unpack3A_286, %unpack3A_296 : vector<16xf32>
      %add3A_428 = arith.addf %unpack3A_306, %unpack3A_316 : vector<16xf32>
      %add3A_429 = arith.addf %unpack3A_326, %unpack3A_336 : vector<16xf32>
      %add3A_430 = arith.addf %unpack3A_346, %unpack3A_356 : vector<16xf32>
      %add3A_431 = arith.addf %unpack3A_366, %unpack3A_376 : vector<16xf32>
      %add3A_432 = arith.addf %unpack3A_386, %unpack3A_396 : vector<16xf32>
      %add3A_433 = arith.addf %unpack3A_406, %unpack3A_416 : vector<16xf32>
      %add3A_434 = arith.addf %unpack3A_107, %unpack3A_117 : vector<16xf32>
      %add3A_435 = arith.addf %unpack3A_127, %unpack3A_137 : vector<16xf32>
      %add3A_436 = arith.addf %unpack3A_147, %unpack3A_157 : vector<16xf32>
      %add3A_437 = arith.addf %unpack3A_167, %unpack3A_177 : vector<16xf32>
      %add3A_438 = arith.addf %unpack3A_187, %unpack3A_197 : vector<16xf32>
      %add3A_439 = arith.addf %unpack3A_207, %unpack3A_217 : vector<16xf32>
      %add3A_440 = arith.addf %unpack3A_227, %unpack3A_237 : vector<16xf32>
      %add3A_441 = arith.addf %unpack3A_247, %unpack3A_257 : vector<16xf32>
      %add3A_442 = arith.addf %unpack3A_267, %unpack3A_277 : vector<16xf32>
      %add3A_443 = arith.addf %unpack3A_287, %unpack3A_297 : vector<16xf32>
      %add3A_444 = arith.addf %unpack3A_307, %unpack3A_317 : vector<16xf32>
      %add3A_445 = arith.addf %unpack3A_327, %unpack3A_337 : vector<16xf32>
      %add3A_446 = arith.addf %unpack3A_347, %unpack3A_357 : vector<16xf32>
      %add3A_447 = arith.addf %unpack3A_367, %unpack3A_377 : vector<16xf32>
      %add3A_448 = arith.addf %unpack3A_387, %unpack3A_397 : vector<16xf32>
      %add3A_449 = arith.addf %unpack3A_407, %unpack3A_417 : vector<16xf32>
      %add3A_450 = arith.addf %add3A_418, %add3A_419 : vector<16xf32>
      %add3A_451 = arith.addf %add3A_420, %add3A_421 : vector<16xf32>
      %add3A_452 = arith.addf %add3A_422, %add3A_423 : vector<16xf32>
      %add3A_453 = arith.addf %add3A_424, %add3A_425 : vector<16xf32>
      %add3A_454 = arith.addf %add3A_426, %add3A_427 : vector<16xf32>
      %add3A_455 = arith.addf %add3A_428, %add3A_429 : vector<16xf32>
      %add3A_456 = arith.addf %add3A_430, %add3A_431 : vector<16xf32>
      %add3A_457 = arith.addf %add3A_432, %add3A_433 : vector<16xf32>
      %add3A_458 = arith.addf %add3A_434, %add3A_435 : vector<16xf32>
      %add3A_459 = arith.addf %add3A_436, %add3A_437 : vector<16xf32>
      %add3A_460 = arith.addf %add3A_438, %add3A_439 : vector<16xf32>
      %add3A_461 = arith.addf %add3A_440, %add3A_441 : vector<16xf32>
      %add3A_462 = arith.addf %add3A_442, %add3A_443 : vector<16xf32>
      %add3A_463 = arith.addf %add3A_444, %add3A_445 : vector<16xf32>
      %add3A_464 = arith.addf %add3A_446, %add3A_447 : vector<16xf32>
      %add3A_465 = arith.addf %add3A_448, %add3A_449 : vector<16xf32>
      %add3A_466 = arith.addf %add3A_450, %add3A_451 : vector<16xf32>
      %add3A_467 = arith.addf %add3A_452, %add3A_453 : vector<16xf32>
      %add3A_468 = arith.addf %add3A_454, %add3A_455 : vector<16xf32>
      %add3A_469 = arith.addf %add3A_456, %add3A_457 : vector<16xf32>
      %add3A_470 = arith.addf %add3A_458, %add3A_459 : vector<16xf32>
      %add3A_471 = arith.addf %add3A_460, %add3A_461 : vector<16xf32>
      %add3A_472 = arith.addf %add3A_462, %add3A_463 : vector<16xf32>
      %add3A_473 = arith.addf %add3A_464, %add3A_465 : vector<16xf32>
      %add3A_474 = arith.addf %add3A_466, %add3A_467 : vector<16xf32>
      %add3A_475 = arith.addf %add3A_468, %add3A_469 : vector<16xf32>
      %add3A_476 = arith.addf %add3A_470, %add3A_471 : vector<16xf32>
      %add3A_477 = arith.addf %add3A_472, %add3A_473 : vector<16xf32>
      %add3A_478 = arith.addf %add3A_474, %add3A_475 : vector<16xf32>
      %add3A_479 = arith.addf %add3A_476, %add3A_477 : vector<16xf32>
      %mul3A_480 = arith.constant 3.125000e-02 : f32
      %mul3A_481 = vector.broadcast %mul3A_480 : f32 to vector<16xf32>
      %mul3A_482 = arith.mulf %add3A_478, %mul3A_481 : vector<16xf32>
      %mul3A_483 = arith.constant 3.125000e-02 : f32
      %mul3A_484 = vector.broadcast %mul3A_483 : f32 to vector<16xf32>
      %mul3A_485 = arith.mulf %add3A_479, %mul3A_484 : vector<16xf32>
      %pack3A = tpu.pack_subelements %mul3A_482, %mul3A_485 {pack_format = #tpu.pack_format<interleaved>, positions = array<i32: 0, 1>} : vector<16xf32>, vector<16xf32> -> vector<32xbf16>
      %bitcast3A_486 = vector.bitcast %pack3A : vector<32xbf16> to vector<16xf32>
      %mul3A_487 = arith.constant 16 : i32
      %mul3A_488 = arith.muli %scan3A_100, %mul3A_487 : i32
      %swap3A = arith.index_cast %mul3A_488 : i32 to index
      %swap3A_489 = tpu.vector_load %arg10[%swap3A] {strides = array<i32>} : memref<400xf32, #tpu.memory_space<vmem>>, vector<16xf32>,
      tpu.vector_store %arg10[%swap3A], %bitcast3A_486 {strides = array<i32>} : memref<400xf32, #tpu.memory_space<vmem>>, vector<16xf32>,
    }
    %scan3A_85 = arith.constant 25 : i32
    %mul3A_86 = arith.constant 16 : i32
    %mul3A_87 = arith.muli %add3A_70, %mul3A_86 : i32
    %dma_start3A_88 = tpu.memref_slice %arg5[%mul3A_87] : memref<320000xf32, #tpu.memory_space<hbm>> -> memref<400xf32, #tpu.memory_space<hbm>>
    %dma_start3A_89 = tpu.memref_slice %arg5[%mul3A_87] : memref<320000xf32, #tpu.memory_space<hbm>> -> memref<400xf32, #tpu.memory_space<hbm>>
    tpu.enqueue_dma source(%arg10 : memref<400xf32, #tpu.memory_space<vmem>>) target(%dma_start3A_89 : memref<400xf32, #tpu.memory_space<hbm>>) target_semaphore(%arg16 : memref<!tpu.dma_semaphore, #tpu.memory_space<semaphore_mem>>)
    %dma_wait3A_90 = arith.constant 0 : i32
    %dma_wait3A_91 = arith.constant 0 : i32
    %dma_wait3A_92 = tpu.memref_slice %arg4[%dma_wait3A_90, %dma_wait3A_91] : memref<640000x16xf32, #tpu.memory_space<hbm>> -> memref<800x16xf32, #tpu.memory_space<hbm>>
    %dma_wait3A_93 = arith.constant 0 : i32
    %dma_wait3A_94 = arith.constant 0 : i32
    %dma_wait3A_95 = tpu.memref_slice %arg4[%dma_wait3A_93, %dma_wait3A_94] : memref<640000x16xf32, #tpu.memory_space<hbm>> -> memref<800x16xf32, #tpu.memory_space<hbm>>
    tpu.wait_dma2 semaphore(%arg14 : memref<!tpu.dma_semaphore, #tpu.memory_space<semaphore_mem>>) src(%arg8 : memref<800x16xf32, #tpu.memory_space<vmem>>) dst(%dma_wait3A_95 : memref<800x16xf32, #tpu.memory_space<hbm>>)
    %dma_wait3A_96 = arith.constant 0 : i32
    %dma_wait3A_97 = tpu.memref_slice %arg5[%dma_wait3A_96] : memref<320000xf32, #tpu.memory_space<hbm>> -> memref<400xf32, #tpu.memory_space<hbm>>
    %dma_wait3A_98 = arith.constant 0 : i32
    %dma_wait3A_99 = tpu.memref_slice %arg5[%dma_wait3A_98] : memref<320000xf32, #tpu.memory_space<hbm>> -> memref<400xf32, #tpu.memory_space<hbm>>
    tpu.wait_dma2 semaphore(%arg16 : memref<!tpu.dma_semaphore, #tpu.memory_space<semaphore_mem>>) src(%arg10 : memref<400xf32, #tpu.memory_space<vmem>>) dst(%dma_wait3A_99 : memref<400xf32, #tpu.memory_space<hbm>>)
    return
  }
}

#map = affine_map<(d0, d1) -> (0)>
#map1 = affine_map<(d0, d1) -> (0, 0)>
module attributes {stable_mosaic.version = 14 : i64} {
  func.func @sck(%arg0: i32, %arg1: i32, %arg2: memref<640000xi32, #tpu.memory_space<hbm>>, %arg3: memref<20000x16xf32, #tpu.memory_space<hbm>>, %arg4: memref<320000xf32, #tpu.memory_space<hbm>>, %arg5: memref<800xi32, #tpu.memory_space<vmem>>, %arg6: memref<800xi32, #tpu.memory_space<vmem>>, %arg7: memref<800x16xf32, #tpu.memory_space<vmem>>, %arg8: memref<800x16xf32, #tpu.memory_space<vmem>>, %arg9: memref<400xf32, #tpu.memory_space<vmem>>, %arg10: memref<400xf32, #tpu.memory_space<vmem>>, %arg11: memref<!tpu.dma_semaphore, #tpu.memory_space<semaphore_mem>>, %arg12: memref<!tpu.dma_semaphore, #tpu.memory_space<semaphore_mem>>, %arg13: memref<!tpu.dma_semaphore, #tpu.memory_space<semaphore_mem>>, %arg14: memref<!tpu.dma_semaphore, #tpu.memory_space<semaphore_mem>>, %arg15: memref<!tpu.dma_semaphore, #tpu.memory_space<semaphore_mem>>, %arg16: memref<!tpu.dma_semaphore, #tpu.memory_space<semaphore_mem>>) attributes {dimension_semantics = [#tpu.dimension_semantics<core_parallel>, #tpu.dimension_semantics<subcore_parallel>], iteration_bounds = array<i64: 2, 16>, scalar_prefetch = 0 : i64, scratch_operands = 12 : i64, tpu.core_type = #tpu.core_type<sc_vector_subcore>, window_params = [{transform_indices = #map}, {transform_indices = #map1}, {transform_indices = #map}]} {
    %mul3A = arith.constant 16 : i32
    %mul3A_0 = arith.muli %arg0, %mul3A : i32
    %add3A = arith.addi %mul3A_0, %arg1 : i32
    %mul3A_1 = arith.constant 625 : i32
    %mul3A_2 = arith.muli %add3A, %mul3A_1 : i32
    %mul3A_3 = arith.constant 32 : i32
    %mul3A_4 = arith.muli %mul3A_2, %mul3A_3 : i32
    %add3A_5 = arith.constant 0 : i32
    %add3A_6 = arith.addi %mul3A_4, %add3A_5 : i32
    "tpu.region"() ({
      %run_scoped3A = tpu.sem_alloc : memref<!tpu.dma_semaphore, #tpu.memory_space<semaphore_mem>>
      %dma_start3A_90 = tpu.memref_slice %arg2[%add3A_6] : memref<640000xi32, #tpu.memory_space<hbm>> -> memref<800xi32, #tpu.memory_space<hbm>>
      %dma_start3A_91 = tpu.memref_slice %arg2[%add3A_6] : memref<640000xi32, #tpu.memory_space<hbm>> -> memref<800xi32, #tpu.memory_space<hbm>>
      tpu.enqueue_dma source(%dma_start3A_91 : memref<800xi32, #tpu.memory_space<hbm>>) target(%arg5 : memref<800xi32, #tpu.memory_space<vmem>>) target_semaphore(%run_scoped3A : memref<!tpu.dma_semaphore, #tpu.memory_space<semaphore_mem>>)
      %dma_wait3A_92 = tpu.memref_slice %arg2[%add3A_6] : memref<640000xi32, #tpu.memory_space<hbm>> -> memref<800xi32, #tpu.memory_space<hbm>>
      %dma_wait3A_93 = tpu.memref_slice %arg2[%add3A_6] : memref<640000xi32, #tpu.memory_space<hbm>> -> memref<800xi32, #tpu.memory_space<hbm>>
      tpu.wait_dma2 semaphore(%run_scoped3A : memref<!tpu.dma_semaphore, #tpu.memory_space<semaphore_mem>>) src(%dma_wait3A_93 : memref<800xi32, #tpu.memory_space<hbm>>) dst(%arg5 : memref<800xi32, #tpu.memory_space<vmem>>)
      tpu.yield
    }) : () -> ()
    %dma_start3A = arith.constant 0 : i32
    %dma_start3A_7 = arith.constant 0 : i32
    %dma_start3A_8 = tpu.memref_slice %arg7[%dma_start3A, %dma_start3A_7] : memref<800x16xf32, #tpu.memory_space<vmem>> -> memref<128x16xf32, #tpu.memory_space<vmem>>
    %dma_start3A_9 = arith.constant 0 : i32
    %dma_start3A_10 = tpu.memref_slice %arg5[%dma_start3A_9] : memref<800xi32, #tpu.memory_space<vmem>> -> memref<128xi32, #tpu.memory_space<vmem>>
    %dma_start3A_11 = arith.constant 0 : i32
    %dma_start3A_12 = arith.constant 0 : i32
    %dma_start3A_13 = tpu.memref_slice %arg3[%dma_start3A_11, %dma_start3A_12] : memref<20000x16xf32, #tpu.memory_space<hbm>> -> memref<20000x16xf32, #tpu.memory_space<hbm>>
    tpu.enqueue_indirect_dma source(%dma_start3A_13 : memref<20000x16xf32, #tpu.memory_space<hbm>>) target(%dma_start3A_8 : memref<128x16xf32, #tpu.memory_space<vmem>>) offsets(%dma_start3A_10 : memref<128xi32, #tpu.memory_space<vmem>>) semaphore(%arg11 : memref<!tpu.dma_semaphore, #tpu.memory_space<semaphore_mem>>)
    %dma_start3A_14 = arith.constant 128 : i32
    %dma_start3A_15 = arith.constant 0 : i32
    %dma_start3A_16 = tpu.memref_slice %arg7[%dma_start3A_14, %dma_start3A_15] : memref<800x16xf32, #tpu.memory_space<vmem>> -> memref<128x16xf32, #tpu.memory_space<vmem>>
    %dma_start3A_17 = arith.constant 128 : i32
    %dma_start3A_18 = tpu.memref_slice %arg5[%dma_start3A_17] : memref<800xi32, #tpu.memory_space<vmem>> -> memref<128xi32, #tpu.memory_space<vmem>>
    %dma_start3A_19 = arith.constant 0 : i32
    %dma_start3A_20 = arith.constant 0 : i32
    %dma_start3A_21 = tpu.memref_slice %arg3[%dma_start3A_19, %dma_start3A_20] : memref<20000x16xf32, #tpu.memory_space<hbm>> -> memref<20000x16xf32, #tpu.memory_space<hbm>>
    tpu.enqueue_indirect_dma source(%dma_start3A_21 : memref<20000x16xf32, #tpu.memory_space<hbm>>) target(%dma_start3A_16 : memref<128x16xf32, #tpu.memory_space<vmem>>) offsets(%dma_start3A_18 : memref<128xi32, #tpu.memory_space<vmem>>) semaphore(%arg11 : memref<!tpu.dma_semaphore, #tpu.memory_space<semaphore_mem>>)
    %dma_start3A_22 = arith.constant 256 : i32
    %dma_start3A_23 = arith.constant 0 : i32
    %dma_start3A_24 = tpu.memref_slice %arg7[%dma_start3A_22, %dma_start3A_23] : memref<800x16xf32, #tpu.memory_space<vmem>> -> memref<128x16xf32, #tpu.memory_space<vmem>>
    %dma_start3A_25 = arith.constant 256 : i32
    %dma_start3A_26 = tpu.memref_slice %arg5[%dma_start3A_25] : memref<800xi32, #tpu.memory_space<vmem>> -> memref<128xi32, #tpu.memory_space<vmem>>
    %dma_start3A_27 = arith.constant 0 : i32
    %dma_start3A_28 = arith.constant 0 : i32
    %dma_start3A_29 = tpu.memref_slice %arg3[%dma_start3A_27, %dma_start3A_28] : memref<20000x16xf32, #tpu.memory_space<hbm>> -> memref<20000x16xf32, #tpu.memory_space<hbm>>
    tpu.enqueue_indirect_dma source(%dma_start3A_29 : memref<20000x16xf32, #tpu.memory_space<hbm>>) target(%dma_start3A_24 : memref<128x16xf32, #tpu.memory_space<vmem>>) offsets(%dma_start3A_26 : memref<128xi32, #tpu.memory_space<vmem>>) semaphore(%arg11 : memref<!tpu.dma_semaphore, #tpu.memory_space<semaphore_mem>>)
    %dma_start3A_30 = arith.constant 384 : i32
    %dma_start3A_31 = arith.constant 0 : i32
    %dma_start3A_32 = tpu.memref_slice %arg7[%dma_start3A_30, %dma_start3A_31] : memref<800x16xf32, #tpu.memory_space<vmem>> -> memref<128x16xf32, #tpu.memory_space<vmem>>
    %dma_start3A_33 = arith.constant 384 : i32
    %dma_start3A_34 = tpu.memref_slice %arg5[%dma_start3A_33] : memref<800xi32, #tpu.memory_space<vmem>> -> memref<128xi32, #tpu.memory_space<vmem>>
    %dma_start3A_35 = arith.constant 0 : i32
    %dma_start3A_36 = arith.constant 0 : i32
    %dma_start3A_37 = tpu.memref_slice %arg3[%dma_start3A_35, %dma_start3A_36] : memref<20000x16xf32, #tpu.memory_space<hbm>> -> memref<20000x16xf32, #tpu.memory_space<hbm>>
    tpu.enqueue_indirect_dma source(%dma_start3A_37 : memref<20000x16xf32, #tpu.memory_space<hbm>>) target(%dma_start3A_32 : memref<128x16xf32, #tpu.memory_space<vmem>>) offsets(%dma_start3A_34 : memref<128xi32, #tpu.memory_space<vmem>>) semaphore(%arg11 : memref<!tpu.dma_semaphore, #tpu.memory_space<semaphore_mem>>)
    %dma_start3A_38 = arith.constant 512 : i32
    %dma_start3A_39 = arith.constant 0 : i32
    %dma_start3A_40 = tpu.memref_slice %arg7[%dma_start3A_38, %dma_start3A_39] : memref<800x16xf32, #tpu.memory_space<vmem>> -> memref<128x16xf32, #tpu.memory_space<vmem>>
    %dma_start3A_41 = arith.constant 512 : i32
    %dma_start3A_42 = tpu.memref_slice %arg5[%dma_start3A_41] : memref<800xi32, #tpu.memory_space<vmem>> -> memref<128xi32, #tpu.memory_space<vmem>>
    %dma_start3A_43 = arith.constant 0 : i32
    %dma_start3A_44 = arith.constant 0 : i32
    %dma_start3A_45 = tpu.memref_slice %arg3[%dma_start3A_43, %dma_start3A_44] : memref<20000x16xf32, #tpu.memory_space<hbm>> -> memref<20000x16xf32, #tpu.memory_space<hbm>>
    tpu.enqueue_indirect_dma source(%dma_start3A_45 : memref<20000x16xf32, #tpu.memory_space<hbm>>) target(%dma_start3A_40 : memref<128x16xf32, #tpu.memory_space<vmem>>) offsets(%dma_start3A_42 : memref<128xi32, #tpu.memory_space<vmem>>) semaphore(%arg11 : memref<!tpu.dma_semaphore, #tpu.memory_space<semaphore_mem>>)
    %dma_start3A_46 = arith.constant 640 : i32
    %dma_start3A_47 = arith.constant 0 : i32
    %dma_start3A_48 = tpu.memref_slice %arg7[%dma_start3A_46, %dma_start3A_47] : memref<800x16xf32, #tpu.memory_space<vmem>> -> memref<128x16xf32, #tpu.memory_space<vmem>>
    %dma_start3A_49 = arith.constant 640 : i32
    %dma_start3A_50 = tpu.memref_slice %arg5[%dma_start3A_49] : memref<800xi32, #tpu.memory_space<vmem>> -> memref<128xi32, #tpu.memory_space<vmem>>
    %dma_start3A_51 = arith.constant 0 : i32
    %dma_start3A_52 = arith.constant 0 : i32
    %dma_start3A_53 = tpu.memref_slice %arg3[%dma_start3A_51, %dma_start3A_52] : memref<20000x16xf32, #tpu.memory_space<hbm>> -> memref<20000x16xf32, #tpu.memory_space<hbm>>
    tpu.enqueue_indirect_dma source(%dma_start3A_53 : memref<20000x16xf32, #tpu.memory_space<hbm>>) target(%dma_start3A_48 : memref<128x16xf32, #tpu.memory_space<vmem>>) offsets(%dma_start3A_50 : memref<128xi32, #tpu.memory_space<vmem>>) semaphore(%arg11 : memref<!tpu.dma_semaphore, #tpu.memory_space<semaphore_mem>>)
    %dma_start3A_54 = arith.constant 768 : i32
    %dma_start3A_55 = arith.constant 0 : i32
    %dma_start3A_56 = tpu.memref_slice %arg7[%dma_start3A_54, %dma_start3A_55] : memref<800x16xf32, #tpu.memory_space<vmem>> -> memref<32x16xf32, #tpu.memory_space<vmem>>
    %dma_start3A_57 = arith.constant 768 : i32
    %dma_start3A_58 = tpu.memref_slice %arg5[%dma_start3A_57] : memref<800xi32, #tpu.memory_space<vmem>> -> memref<32xi32, #tpu.memory_space<vmem>>
    %dma_start3A_59 = arith.constant 0 : i32
    %dma_start3A_60 = arith.constant 0 : i32
    %dma_start3A_61 = tpu.memref_slice %arg3[%dma_start3A_59, %dma_start3A_60] : memref<20000x16xf32, #tpu.memory_space<hbm>> -> memref<20000x16xf32, #tpu.memory_space<hbm>>
    tpu.enqueue_indirect_dma source(%dma_start3A_61 : memref<20000x16xf32, #tpu.memory_space<hbm>>) target(%dma_start3A_56 : memref<32x16xf32, #tpu.memory_space<vmem>>) offsets(%dma_start3A_58 : memref<32xi32, #tpu.memory_space<vmem>>) semaphore(%arg11 : memref<!tpu.dma_semaphore, #tpu.memory_space<semaphore_mem>>)
    %scan3A = arith.constant 0 : i32
    %scan3A_62 = arith.constant 0 : i32
    %scan3A_63 = arith.constant 12 : i32
    %scan3A_64 = arith.addi %scan3A_62, %scan3A_63 : i32
    %scan3A_65 = arith.constant 1 : i32
    scf.for %scan3A_90 = %scan3A_62 to %scan3A_64 step %scan3A_65  : i32 {
      %mul3A_91 = arith.constant 2 : i32
      %mul3A_92 = arith.muli %scan3A_90, %mul3A_91 : i32
      %add3A_93 = arith.constant 1 : i32
      %add3A_94 = arith.addi %mul3A_92, %add3A_93 : i32
      %mul3A_95 = arith.constant 800 : i32
      %mul3A_96 = arith.muli %add3A_94, %mul3A_95 : i32
      %add3A_97 = arith.addi %mul3A_4, %mul3A_96 : i32
      "tpu.region"() ({
        %run_scoped3A = tpu.sem_alloc : memref<!tpu.dma_semaphore, #tpu.memory_space<semaphore_mem>>
        %dma_start3A_269 = tpu.memref_slice %arg2[%add3A_97] : memref<640000xi32, #tpu.memory_space<hbm>> -> memref<800xi32, #tpu.memory_space<hbm>>
        %dma_start3A_270 = tpu.memref_slice %arg2[%add3A_97] : memref<640000xi32, #tpu.memory_space<hbm>> -> memref<800xi32, #tpu.memory_space<hbm>>
        tpu.enqueue_dma source(%dma_start3A_270 : memref<800xi32, #tpu.memory_space<hbm>>) target(%arg6 : memref<800xi32, #tpu.memory_space<vmem>>) target_semaphore(%run_scoped3A : memref<!tpu.dma_semaphore, #tpu.memory_space<semaphore_mem>>)
        %dma_wait3A_271 = tpu.memref_slice %arg2[%add3A_97] : memref<640000xi32, #tpu.memory_space<hbm>> -> memref<800xi32, #tpu.memory_space<hbm>>
        %dma_wait3A_272 = tpu.memref_slice %arg2[%add3A_97] : memref<640000xi32, #tpu.memory_space<hbm>> -> memref<800xi32, #tpu.memory_space<hbm>>
        tpu.wait_dma2 semaphore(%run_scoped3A : memref<!tpu.dma_semaphore, #tpu.memory_space<semaphore_mem>>) src(%dma_wait3A_272 : memref<800xi32, #tpu.memory_space<hbm>>) dst(%arg6 : memref<800xi32, #tpu.memory_space<vmem>>)
        tpu.yield
      }) : () -> ()
      %dma_start3A_98 = arith.constant 0 : i32
      %dma_start3A_99 = arith.constant 0 : i32
      %dma_start3A_100 = tpu.memref_slice %arg8[%dma_start3A_98, %dma_start3A_99] : memref<800x16xf32, #tpu.memory_space<vmem>> -> memref<128x16xf32, #tpu.memory_space<vmem>>
      %dma_start3A_101 = arith.constant 0 : i32
      %dma_start3A_102 = tpu.memref_slice %arg6[%dma_start3A_101] : memref<800xi32, #tpu.memory_space<vmem>> -> memref<128xi32, #tpu.memory_space<vmem>>
      %dma_start3A_103 = arith.constant 0 : i32
      %dma_start3A_104 = arith.constant 0 : i32
      %dma_start3A_105 = tpu.memref_slice %arg3[%dma_start3A_103, %dma_start3A_104] : memref<20000x16xf32, #tpu.memory_space<hbm>> -> memref<20000x16xf32, #tpu.memory_space<hbm>>
      tpu.enqueue_indirect_dma source(%dma_start3A_105 : memref<20000x16xf32, #tpu.memory_space<hbm>>) target(%dma_start3A_100 : memref<128x16xf32, #tpu.memory_space<vmem>>) offsets(%dma_start3A_102 : memref<128xi32, #tpu.memory_space<vmem>>) semaphore(%arg12 : memref<!tpu.dma_semaphore, #tpu.memory_space<semaphore_mem>>)
      %dma_start3A_106 = arith.constant 128 : i32
      %dma_start3A_107 = arith.constant 0 : i32
      %dma_start3A_108 = tpu.memref_slice %arg8[%dma_start3A_106, %dma_start3A_107] : memref<800x16xf32, #tpu.memory_space<vmem>> -> memref<128x16xf32, #tpu.memory_space<vmem>>
      %dma_start3A_109 = arith.constant 128 : i32
      %dma_start3A_110 = tpu.memref_slice %arg6[%dma_start3A_109] : memref<800xi32, #tpu.memory_space<vmem>> -> memref<128xi32, #tpu.memory_space<vmem>>
      %dma_start3A_111 = arith.constant 0 : i32
      %dma_start3A_112 = arith.constant 0 : i32
      %dma_start3A_113 = tpu.memref_slice %arg3[%dma_start3A_111, %dma_start3A_112] : memref<20000x16xf32, #tpu.memory_space<hbm>> -> memref<20000x16xf32, #tpu.memory_space<hbm>>
      tpu.enqueue_indirect_dma source(%dma_start3A_113 : memref<20000x16xf32, #tpu.memory_space<hbm>>) target(%dma_start3A_108 : memref<128x16xf32, #tpu.memory_space<vmem>>) offsets(%dma_start3A_110 : memref<128xi32, #tpu.memory_space<vmem>>) semaphore(%arg12 : memref<!tpu.dma_semaphore, #tpu.memory_space<semaphore_mem>>)
      %dma_start3A_114 = arith.constant 256 : i32
      %dma_start3A_115 = arith.constant 0 : i32
      %dma_start3A_116 = tpu.memref_slice %arg8[%dma_start3A_114, %dma_start3A_115] : memref<800x16xf32, #tpu.memory_space<vmem>> -> memref<128x16xf32, #tpu.memory_space<vmem>>
      %dma_start3A_117 = arith.constant 256 : i32
      %dma_start3A_118 = tpu.memref_slice %arg6[%dma_start3A_117] : memref<800xi32, #tpu.memory_space<vmem>> -> memref<128xi32, #tpu.memory_space<vmem>>
      %dma_start3A_119 = arith.constant 0 : i32
      %dma_start3A_120 = arith.constant 0 : i32
      %dma_start3A_121 = tpu.memref_slice %arg3[%dma_start3A_119, %dma_start3A_120] : memref<20000x16xf32, #tpu.memory_space<hbm>> -> memref<20000x16xf32, #tpu.memory_space<hbm>>
      tpu.enqueue_indirect_dma source(%dma_start3A_121 : memref<20000x16xf32, #tpu.memory_space<hbm>>) target(%dma_start3A_116 : memref<128x16xf32, #tpu.memory_space<vmem>>) offsets(%dma_start3A_118 : memref<128xi32, #tpu.memory_space<vmem>>) semaphore(%arg12 : memref<!tpu.dma_semaphore, #tpu.memory_space<semaphore_mem>>)
      %dma_start3A_122 = arith.constant 384 : i32
      %dma_start3A_123 = arith.constant 0 : i32
      %dma_start3A_124 = tpu.memref_slice %arg8[%dma_start3A_122, %dma_start3A_123] : memref<800x16xf32, #tpu.memory_space<vmem>> -> memref<128x16xf32, #tpu.memory_space<vmem>>
      %dma_start3A_125 = arith.constant 384 : i32
      %dma_start3A_126 = tpu.memref_slice %arg6[%dma_start3A_125] : memref<800xi32, #tpu.memory_space<vmem>> -> memref<128xi32, #tpu.memory_space<vmem>>
      %dma_start3A_127 = arith.constant 0 : i32
      %dma_start3A_128 = arith.constant 0 : i32
      %dma_start3A_129 = tpu.memref_slice %arg3[%dma_start3A_127, %dma_start3A_128] : memref<20000x16xf32, #tpu.memory_space<hbm>> -> memref<20000x16xf32, #tpu.memory_space<hbm>>
      tpu.enqueue_indirect_dma source(%dma_start3A_129 : memref<20000x16xf32, #tpu.memory_space<hbm>>) target(%dma_start3A_124 : memref<128x16xf32, #tpu.memory_space<vmem>>) offsets(%dma_start3A_126 : memref<128xi32, #tpu.memory_space<vmem>>) semaphore(%arg12 : memref<!tpu.dma_semaphore, #tpu.memory_space<semaphore_mem>>)
      %dma_start3A_130 = arith.constant 512 : i32
      %dma_start3A_131 = arith.constant 0 : i32
      %dma_start3A_132 = tpu.memref_slice %arg8[%dma_start3A_130, %dma_start3A_131] : memref<800x16xf32, #tpu.memory_space<vmem>> -> memref<128x16xf32, #tpu.memory_space<vmem>>
      %dma_start3A_133 = arith.constant 512 : i32
      %dma_start3A_134 = tpu.memref_slice %arg6[%dma_start3A_133] : memref<800xi32, #tpu.memory_space<vmem>> -> memref<128xi32, #tpu.memory_space<vmem>>
      %dma_start3A_135 = arith.constant 0 : i32
      %dma_start3A_136 = arith.constant 0 : i32
      %dma_start3A_137 = tpu.memref_slice %arg3[%dma_start3A_135, %dma_start3A_136] : memref<20000x16xf32, #tpu.memory_space<hbm>> -> memref<20000x16xf32, #tpu.memory_space<hbm>>
      tpu.enqueue_indirect_dma source(%dma_start3A_137 : memref<20000x16xf32, #tpu.memory_space<hbm>>) target(%dma_start3A_132 : memref<128x16xf32, #tpu.memory_space<vmem>>) offsets(%dma_start3A_134 : memref<128xi32, #tpu.memory_space<vmem>>) semaphore(%arg12 : memref<!tpu.dma_semaphore, #tpu.memory_space<semaphore_mem>>)
      %dma_start3A_138 = arith.constant 640 : i32
      %dma_start3A_139 = arith.constant 0 : i32
      %dma_start3A_140 = tpu.memref_slice %arg8[%dma_start3A_138, %dma_start3A_139] : memref<800x16xf32, #tpu.memory_space<vmem>> -> memref<128x16xf32, #tpu.memory_space<vmem>>
      %dma_start3A_141 = arith.constant 640 : i32
      %dma_start3A_142 = tpu.memref_slice %arg6[%dma_start3A_141] : memref<800xi32, #tpu.memory_space<vmem>> -> memref<128xi32, #tpu.memory_space<vmem>>
      %dma_start3A_143 = arith.constant 0 : i32
      %dma_start3A_144 = arith.constant 0 : i32
      %dma_start3A_145 = tpu.memref_slice %arg3[%dma_start3A_143, %dma_start3A_144] : memref<20000x16xf32, #tpu.memory_space<hbm>> -> memref<20000x16xf32, #tpu.memory_space<hbm>>
      tpu.enqueue_indirect_dma source(%dma_start3A_145 : memref<20000x16xf32, #tpu.memory_space<hbm>>) target(%dma_start3A_140 : memref<128x16xf32, #tpu.memory_space<vmem>>) offsets(%dma_start3A_142 : memref<128xi32, #tpu.memory_space<vmem>>) semaphore(%arg12 : memref<!tpu.dma_semaphore, #tpu.memory_space<semaphore_mem>>)
      %dma_start3A_146 = arith.constant 768 : i32
      %dma_start3A_147 = arith.constant 0 : i32
      %dma_start3A_148 = tpu.memref_slice %arg8[%dma_start3A_146, %dma_start3A_147] : memref<800x16xf32, #tpu.memory_space<vmem>> -> memref<32x16xf32, #tpu.memory_space<vmem>>
      %dma_start3A_149 = arith.constant 768 : i32
      %dma_start3A_150 = tpu.memref_slice %arg6[%dma_start3A_149] : memref<800xi32, #tpu.memory_space<vmem>> -> memref<32xi32, #tpu.memory_space<vmem>>
      %dma_start3A_151 = arith.constant 0 : i32
      %dma_start3A_152 = arith.constant 0 : i32
      %dma_start3A_153 = tpu.memref_slice %arg3[%dma_start3A_151, %dma_start3A_152] : memref<20000x16xf32, #tpu.memory_space<hbm>> -> memref<20000x16xf32, #tpu.memory_space<hbm>>
      tpu.enqueue_indirect_dma source(%dma_start3A_153 : memref<20000x16xf32, #tpu.memory_space<hbm>>) target(%dma_start3A_148 : memref<32x16xf32, #tpu.memory_space<vmem>>) offsets(%dma_start3A_150 : memref<32xi32, #tpu.memory_space<vmem>>) semaphore(%arg12 : memref<!tpu.dma_semaphore, #tpu.memory_space<semaphore_mem>>)
      %mul3A_154 = arith.constant 800 : i32
      %mul3A_155 = arith.muli %mul3A_92, %mul3A_154 : i32
      %add3A_156 = arith.addi %mul3A_4, %mul3A_155 : i32
      %mul3A_157 = arith.constant 25 : i32
      %mul3A_158 = arith.muli %mul3A_92, %mul3A_157 : i32
      %add3A_159 = arith.addi %mul3A_2, %mul3A_158 : i32
      %dma_wait3A_160 = arith.constant 0 : i32
      %dma_wait3A_161 = arith.constant 0 : i32
      %dma_wait3A_162 = tpu.memref_slice %arg3[%dma_wait3A_160, %dma_wait3A_161] : memref<20000x16xf32, #tpu.memory_space<hbm>> -> memref<800x16xf32, #tpu.memory_space<hbm>>
      %dma_wait3A_163 = arith.constant 0 : i32
      %dma_wait3A_164 = arith.constant 0 : i32
      %dma_wait3A_165 = tpu.memref_slice %arg3[%dma_wait3A_163, %dma_wait3A_164] : memref<20000x16xf32, #tpu.memory_space<hbm>> -> memref<800x16xf32, #tpu.memory_space<hbm>>
      tpu.wait_dma2 semaphore(%arg11 : memref<!tpu.dma_semaphore, #tpu.memory_space<semaphore_mem>>) src(%dma_wait3A_165 : memref<800x16xf32, #tpu.memory_space<hbm>>) dst(%arg7 : memref<800x16xf32, #tpu.memory_space<vmem>>)
      %scan3A_166 = arith.constant 0 : i32
      %scan3A_167 = arith.constant 0 : i32
      %scan3A_168 = arith.constant 25 : i32
      %scan3A_169 = arith.addi %scan3A_167, %scan3A_168 : i32
      %scan3A_170 = arith.constant 1 : i32
      scf.for %scan3A_269 = %scan3A_167 to %scan3A_169 step %scan3A_170  : i32 {
        %mul3A_270 = arith.constant 32 : i32
        %mul3A_271 = arith.muli %scan3A_269, %mul3A_270 : i32
        %add3A_272 = arith.constant 0 : i32
        %add3A_273 = arith.addi %mul3A_271, %add3A_272 : i32
        %get3A = arith.index_cast %add3A_273 : i32 to index
        %get3A_274 = arith.constant 0 : index
        %get3A_275 = tpu.vector_load %arg7[%get3A, %get3A_274] {strides = array<i32>} : memref<800x16xf32, #tpu.memory_space<vmem>>, vector<16xf32>,
        %bitcast3A = vector.bitcast %get3A_275 : vector<16xf32> to vector<32xbf16>
        %unpack3A = tpu.unpack_subelements %bitcast3A, 0 {pack_format = #tpu.pack_format<interleaved>} : vector<32xbf16> -> vector<16xf32>
        %unpack3A_276 = tpu.unpack_subelements %bitcast3A, 1 {pack_format = #tpu.pack_format<interleaved>} : vector<32xbf16> -> vector<16xf32>
        %mul3A_277 = arith.constant 32 : i32
        %mul3A_278 = arith.muli %scan3A_269, %mul3A_277 : i32
        %add3A_279 = arith.constant 1 : i32
        %add3A_280 = arith.addi %mul3A_278, %add3A_279 : i32
        %get3A_281 = arith.index_cast %add3A_280 : i32 to index
        %get3A_282 = arith.constant 0 : index
        %get3A_283 = tpu.vector_load %arg7[%get3A_281, %get3A_282] {strides = array<i32>} : memref<800x16xf32, #tpu.memory_space<vmem>>, vector<16xf32>,
        %bitcast3A_284 = vector.bitcast %get3A_283 : vector<16xf32> to vector<32xbf16>
        %unpack3A_285 = tpu.unpack_subelements %bitcast3A_284, 0 {pack_format = #tpu.pack_format<interleaved>} : vector<32xbf16> -> vector<16xf32>
        %unpack3A_286 = tpu.unpack_subelements %bitcast3A_284, 1 {pack_format = #tpu.pack_format<interleaved>} : vector<32xbf16> -> vector<16xf32>
        %mul3A_287 = arith.constant 32 : i32
        %mul3A_288 = arith.muli %scan3A_269, %mul3A_287 : i32
        %add3A_289 = arith.constant 2 : i32
        %add3A_290 = arith.addi %mul3A_288, %add3A_289 : i32
        %get3A_291 = arith.index_cast %add3A_290 : i32 to index
        %get3A_292 = arith.constant 0 : index
        %get3A_293 = tpu.vector_load %arg7[%get3A_291, %get3A_292] {strides = array<i32>} : memref<800x16xf32, #tpu.memory_space<vmem>>, vector<16xf32>,
        %bitcast3A_294 = vector.bitcast %get3A_293 : vector<16xf32> to vector<32xbf16>
        %unpack3A_295 = tpu.unpack_subelements %bitcast3A_294, 0 {pack_format = #tpu.pack_format<interleaved>} : vector<32xbf16> -> vector<16xf32>
        %unpack3A_296 = tpu.unpack_subelements %bitcast3A_294, 1 {pack_format = #tpu.pack_format<interleaved>} : vector<32xbf16> -> vector<16xf32>
        %mul3A_297 = arith.constant 32 : i32
        %mul3A_298 = arith.muli %scan3A_269, %mul3A_297 : i32
        %add3A_299 = arith.constant 3 : i32
        %add3A_300 = arith.addi %mul3A_298, %add3A_299 : i32
        %get3A_301 = arith.index_cast %add3A_300 : i32 to index
        %get3A_302 = arith.constant 0 : index
        %get3A_303 = tpu.vector_load %arg7[%get3A_301, %get3A_302] {strides = array<i32>} : memref<800x16xf32, #tpu.memory_space<vmem>>, vector<16xf32>,
        %bitcast3A_304 = vector.bitcast %get3A_303 : vector<16xf32> to vector<32xbf16>
        %unpack3A_305 = tpu.unpack_subelements %bitcast3A_304, 0 {pack_format = #tpu.pack_format<interleaved>} : vector<32xbf16> -> vector<16xf32>
        %unpack3A_306 = tpu.unpack_subelements %bitcast3A_304, 1 {pack_format = #tpu.pack_format<interleaved>} : vector<32xbf16> -> vector<16xf32>
        %mul3A_307 = arith.constant 32 : i32
        %mul3A_308 = arith.muli %scan3A_269, %mul3A_307 : i32
        %add3A_309 = arith.constant 4 : i32
        %add3A_310 = arith.addi %mul3A_308, %add3A_309 : i32
        %get3A_311 = arith.index_cast %add3A_310 : i32 to index
        %get3A_312 = arith.constant 0 : index
        %get3A_313 = tpu.vector_load %arg7[%get3A_311, %get3A_312] {strides = array<i32>} : memref<800x16xf32, #tpu.memory_space<vmem>>, vector<16xf32>,
        %bitcast3A_314 = vector.bitcast %get3A_313 : vector<16xf32> to vector<32xbf16>
        %unpack3A_315 = tpu.unpack_subelements %bitcast3A_314, 0 {pack_format = #tpu.pack_format<interleaved>} : vector<32xbf16> -> vector<16xf32>
        %unpack3A_316 = tpu.unpack_subelements %bitcast3A_314, 1 {pack_format = #tpu.pack_format<interleaved>} : vector<32xbf16> -> vector<16xf32>
        %mul3A_317 = arith.constant 32 : i32
        %mul3A_318 = arith.muli %scan3A_269, %mul3A_317 : i32
        %add3A_319 = arith.constant 5 : i32
        %add3A_320 = arith.addi %mul3A_318, %add3A_319 : i32
        %get3A_321 = arith.index_cast %add3A_320 : i32 to index
        %get3A_322 = arith.constant 0 : index
        %get3A_323 = tpu.vector_load %arg7[%get3A_321, %get3A_322] {strides = array<i32>} : memref<800x16xf32, #tpu.memory_space<vmem>>, vector<16xf32>,
        %bitcast3A_324 = vector.bitcast %get3A_323 : vector<16xf32> to vector<32xbf16>
        %unpack3A_325 = tpu.unpack_subelements %bitcast3A_324, 0 {pack_format = #tpu.pack_format<interleaved>} : vector<32xbf16> -> vector<16xf32>
        %unpack3A_326 = tpu.unpack_subelements %bitcast3A_324, 1 {pack_format = #tpu.pack_format<interleaved>} : vector<32xbf16> -> vector<16xf32>
        %mul3A_327 = arith.constant 32 : i32
        %mul3A_328 = arith.muli %scan3A_269, %mul3A_327 : i32
        %add3A_329 = arith.constant 6 : i32
        %add3A_330 = arith.addi %mul3A_328, %add3A_329 : i32
        %get3A_331 = arith.index_cast %add3A_330 : i32 to index
        %get3A_332 = arith.constant 0 : index
        %get3A_333 = tpu.vector_load %arg7[%get3A_331, %get3A_332] {strides = array<i32>} : memref<800x16xf32, #tpu.memory_space<vmem>>, vector<16xf32>,
        %bitcast3A_334 = vector.bitcast %get3A_333 : vector<16xf32> to vector<32xbf16>
        %unpack3A_335 = tpu.unpack_subelements %bitcast3A_334, 0 {pack_format = #tpu.pack_format<interleaved>} : vector<32xbf16> -> vector<16xf32>
        %unpack3A_336 = tpu.unpack_subelements %bitcast3A_334, 1 {pack_format = #tpu.pack_format<interleaved>} : vector<32xbf16> -> vector<16xf32>
        %mul3A_337 = arith.constant 32 : i32
        %mul3A_338 = arith.muli %scan3A_269, %mul3A_337 : i32
        %add3A_339 = arith.constant 7 : i32
        %add3A_340 = arith.addi %mul3A_338, %add3A_339 : i32
        %get3A_341 = arith.index_cast %add3A_340 : i32 to index
        %get3A_342 = arith.constant 0 : index
        %get3A_343 = tpu.vector_load %arg7[%get3A_341, %get3A_342] {strides = array<i32>} : memref<800x16xf32, #tpu.memory_space<vmem>>, vector<16xf32>,
        %bitcast3A_344 = vector.bitcast %get3A_343 : vector<16xf32> to vector<32xbf16>
        %unpack3A_345 = tpu.unpack_subelements %bitcast3A_344, 0 {pack_format = #tpu.pack_format<interleaved>} : vector<32xbf16> -> vector<16xf32>
        %unpack3A_346 = tpu.unpack_subelements %bitcast3A_344, 1 {pack_format = #tpu.pack_format<interleaved>} : vector<32xbf16> -> vector<16xf32>
        %mul3A_347 = arith.constant 32 : i32
        %mul3A_348 = arith.muli %scan3A_269, %mul3A_347 : i32
        %add3A_349 = arith.constant 8 : i32
        %add3A_350 = arith.addi %mul3A_348, %add3A_349 : i32
        %get3A_351 = arith.index_cast %add3A_350 : i32 to index
        %get3A_352 = arith.constant 0 : index
        %get3A_353 = tpu.vector_load %arg7[%get3A_351, %get3A_352] {strides = array<i32>} : memref<800x16xf32, #tpu.memory_space<vmem>>, vector<16xf32>,
        %bitcast3A_354 = vector.bitcast %get3A_353 : vector<16xf32> to vector<32xbf16>
        %unpack3A_355 = tpu.unpack_subelements %bitcast3A_354, 0 {pack_format = #tpu.pack_format<interleaved>} : vector<32xbf16> -> vector<16xf32>
        %unpack3A_356 = tpu.unpack_subelements %bitcast3A_354, 1 {pack_format = #tpu.pack_format<interleaved>} : vector<32xbf16> -> vector<16xf32>
        %mul3A_357 = arith.constant 32 : i32
        %mul3A_358 = arith.muli %scan3A_269, %mul3A_357 : i32
        %add3A_359 = arith.constant 9 : i32
        %add3A_360 = arith.addi %mul3A_358, %add3A_359 : i32
        %get3A_361 = arith.index_cast %add3A_360 : i32 to index
        %get3A_362 = arith.constant 0 : index
        %get3A_363 = tpu.vector_load %arg7[%get3A_361, %get3A_362] {strides = array<i32>} : memref<800x16xf32, #tpu.memory_space<vmem>>, vector<16xf32>,
        %bitcast3A_364 = vector.bitcast %get3A_363 : vector<16xf32> to vector<32xbf16>
        %unpack3A_365 = tpu.unpack_subelements %bitcast3A_364, 0 {pack_format = #tpu.pack_format<interleaved>} : vector<32xbf16> -> vector<16xf32>
        %unpack3A_366 = tpu.unpack_subelements %bitcast3A_364, 1 {pack_format = #tpu.pack_format<interleaved>} : vector<32xbf16> -> vector<16xf32>
        %mul3A_367 = arith.constant 32 : i32
        %mul3A_368 = arith.muli %scan3A_269, %mul3A_367 : i32
        %add3A_369 = arith.constant 10 : i32
        %add3A_370 = arith.addi %mul3A_368, %add3A_369 : i32
        %get3A_371 = arith.index_cast %add3A_370 : i32 to index
        %get3A_372 = arith.constant 0 : index
        %get3A_373 = tpu.vector_load %arg7[%get3A_371, %get3A_372] {strides = array<i32>} : memref<800x16xf32, #tpu.memory_space<vmem>>, vector<16xf32>,
        %bitcast3A_374 = vector.bitcast %get3A_373 : vector<16xf32> to vector<32xbf16>
        %unpack3A_375 = tpu.unpack_subelements %bitcast3A_374, 0 {pack_format = #tpu.pack_format<interleaved>} : vector<32xbf16> -> vector<16xf32>
        %unpack3A_376 = tpu.unpack_subelements %bitcast3A_374, 1 {pack_format = #tpu.pack_format<interleaved>} : vector<32xbf16> -> vector<16xf32>
        %mul3A_377 = arith.constant 32 : i32
        %mul3A_378 = arith.muli %scan3A_269, %mul3A_377 : i32
        %add3A_379 = arith.constant 11 : i32
        %add3A_380 = arith.addi %mul3A_378, %add3A_379 : i32
        %get3A_381 = arith.index_cast %add3A_380 : i32 to index
        %get3A_382 = arith.constant 0 : index
        %get3A_383 = tpu.vector_load %arg7[%get3A_381, %get3A_382] {strides = array<i32>} : memref<800x16xf32, #tpu.memory_space<vmem>>, vector<16xf32>,
        %bitcast3A_384 = vector.bitcast %get3A_383 : vector<16xf32> to vector<32xbf16>
        %unpack3A_385 = tpu.unpack_subelements %bitcast3A_384, 0 {pack_format = #tpu.pack_format<interleaved>} : vector<32xbf16> -> vector<16xf32>
        %unpack3A_386 = tpu.unpack_subelements %bitcast3A_384, 1 {pack_format = #tpu.pack_format<interleaved>} : vector<32xbf16> -> vector<16xf32>
        %mul3A_387 = arith.constant 32 : i32
        %mul3A_388 = arith.muli %scan3A_269, %mul3A_387 : i32
        %add3A_389 = arith.constant 12 : i32
        %add3A_390 = arith.addi %mul3A_388, %add3A_389 : i32
        %get3A_391 = arith.index_cast %add3A_390 : i32 to index
        %get3A_392 = arith.constant 0 : index
        %get3A_393 = tpu.vector_load %arg7[%get3A_391, %get3A_392] {strides = array<i32>} : memref<800x16xf32, #tpu.memory_space<vmem>>, vector<16xf32>,
        %bitcast3A_394 = vector.bitcast %get3A_393 : vector<16xf32> to vector<32xbf16>
        %unpack3A_395 = tpu.unpack_subelements %bitcast3A_394, 0 {pack_format = #tpu.pack_format<interleaved>} : vector<32xbf16> -> vector<16xf32>
        %unpack3A_396 = tpu.unpack_subelements %bitcast3A_394, 1 {pack_format = #tpu.pack_format<interleaved>} : vector<32xbf16> -> vector<16xf32>
        %mul3A_397 = arith.constant 32 : i32
        %mul3A_398 = arith.muli %scan3A_269, %mul3A_397 : i32
        %add3A_399 = arith.constant 13 : i32
        %add3A_400 = arith.addi %mul3A_398, %add3A_399 : i32
        %get3A_401 = arith.index_cast %add3A_400 : i32 to index
        %get3A_402 = arith.constant 0 : index
        %get3A_403 = tpu.vector_load %arg7[%get3A_401, %get3A_402] {strides = array<i32>} : memref<800x16xf32, #tpu.memory_space<vmem>>, vector<16xf32>,
        %bitcast3A_404 = vector.bitcast %get3A_403 : vector<16xf32> to vector<32xbf16>
        %unpack3A_405 = tpu.unpack_subelements %bitcast3A_404, 0 {pack_format = #tpu.pack_format<interleaved>} : vector<32xbf16> -> vector<16xf32>
        %unpack3A_406 = tpu.unpack_subelements %bitcast3A_404, 1 {pack_format = #tpu.pack_format<interleaved>} : vector<32xbf16> -> vector<16xf32>
        %mul3A_407 = arith.constant 32 : i32
        %mul3A_408 = arith.muli %scan3A_269, %mul3A_407 : i32
        %add3A_409 = arith.constant 14 : i32
        %add3A_410 = arith.addi %mul3A_408, %add3A_409 : i32
        %get3A_411 = arith.index_cast %add3A_410 : i32 to index
        %get3A_412 = arith.constant 0 : index
        %get3A_413 = tpu.vector_load %arg7[%get3A_411, %get3A_412] {strides = array<i32>} : memref<800x16xf32, #tpu.memory_space<vmem>>, vector<16xf32>,
        %bitcast3A_414 = vector.bitcast %get3A_413 : vector<16xf32> to vector<32xbf16>
        %unpack3A_415 = tpu.unpack_subelements %bitcast3A_414, 0 {pack_format = #tpu.pack_format<interleaved>} : vector<32xbf16> -> vector<16xf32>
        %unpack3A_416 = tpu.unpack_subelements %bitcast3A_414, 1 {pack_format = #tpu.pack_format<interleaved>} : vector<32xbf16> -> vector<16xf32>
        %mul3A_417 = arith.constant 32 : i32
        %mul3A_418 = arith.muli %scan3A_269, %mul3A_417 : i32
        %add3A_419 = arith.constant 15 : i32
        %add3A_420 = arith.addi %mul3A_418, %add3A_419 : i32
        %get3A_421 = arith.index_cast %add3A_420 : i32 to index
        %get3A_422 = arith.constant 0 : index
        %get3A_423 = tpu.vector_load %arg7[%get3A_421, %get3A_422] {strides = array<i32>} : memref<800x16xf32, #tpu.memory_space<vmem>>, vector<16xf32>,
        %bitcast3A_424 = vector.bitcast %get3A_423 : vector<16xf32> to vector<32xbf16>
        %unpack3A_425 = tpu.unpack_subelements %bitcast3A_424, 0 {pack_format = #tpu.pack_format<interleaved>} : vector<32xbf16> -> vector<16xf32>
        %unpack3A_426 = tpu.unpack_subelements %bitcast3A_424, 1 {pack_format = #tpu.pack_format<interleaved>} : vector<32xbf16> -> vector<16xf32>
        %mul3A_427 = arith.constant 32 : i32
        %mul3A_428 = arith.muli %scan3A_269, %mul3A_427 : i32
        %add3A_429 = arith.constant 16 : i32
        %add3A_430 = arith.addi %mul3A_428, %add3A_429 : i32
        %get3A_431 = arith.index_cast %add3A_430 : i32 to index
        %get3A_432 = arith.constant 0 : index
        %get3A_433 = tpu.vector_load %arg7[%get3A_431, %get3A_432] {strides = array<i32>} : memref<800x16xf32, #tpu.memory_space<vmem>>, vector<16xf32>,
        %bitcast3A_434 = vector.bitcast %get3A_433 : vector<16xf32> to vector<32xbf16>
        %unpack3A_435 = tpu.unpack_subelements %bitcast3A_434, 0 {pack_format = #tpu.pack_format<interleaved>} : vector<32xbf16> -> vector<16xf32>
        %unpack3A_436 = tpu.unpack_subelements %bitcast3A_434, 1 {pack_format = #tpu.pack_format<interleaved>} : vector<32xbf16> -> vector<16xf32>
        %mul3A_437 = arith.constant 32 : i32
        %mul3A_438 = arith.muli %scan3A_269, %mul3A_437 : i32
        %add3A_439 = arith.constant 17 : i32
        %add3A_440 = arith.addi %mul3A_438, %add3A_439 : i32
        %get3A_441 = arith.index_cast %add3A_440 : i32 to index
        %get3A_442 = arith.constant 0 : index
        %get3A_443 = tpu.vector_load %arg7[%get3A_441, %get3A_442] {strides = array<i32>} : memref<800x16xf32, #tpu.memory_space<vmem>>, vector<16xf32>,
        %bitcast3A_444 = vector.bitcast %get3A_443 : vector<16xf32> to vector<32xbf16>
        %unpack3A_445 = tpu.unpack_subelements %bitcast3A_444, 0 {pack_format = #tpu.pack_format<interleaved>} : vector<32xbf16> -> vector<16xf32>
        %unpack3A_446 = tpu.unpack_subelements %bitcast3A_444, 1 {pack_format = #tpu.pack_format<interleaved>} : vector<32xbf16> -> vector<16xf32>
        %mul3A_447 = arith.constant 32 : i32
        %mul3A_448 = arith.muli %scan3A_269, %mul3A_447 : i32
        %add3A_449 = arith.constant 18 : i32
        %add3A_450 = arith.addi %mul3A_448, %add3A_449 : i32
        %get3A_451 = arith.index_cast %add3A_450 : i32 to index
        %get3A_452 = arith.constant 0 : index
        %get3A_453 = tpu.vector_load %arg7[%get3A_451, %get3A_452] {strides = array<i32>} : memref<800x16xf32, #tpu.memory_space<vmem>>, vector<16xf32>,
        %bitcast3A_454 = vector.bitcast %get3A_453 : vector<16xf32> to vector<32xbf16>
        %unpack3A_455 = tpu.unpack_subelements %bitcast3A_454, 0 {pack_format = #tpu.pack_format<interleaved>} : vector<32xbf16> -> vector<16xf32>
        %unpack3A_456 = tpu.unpack_subelements %bitcast3A_454, 1 {pack_format = #tpu.pack_format<interleaved>} : vector<32xbf16> -> vector<16xf32>
        %mul3A_457 = arith.constant 32 : i32
        %mul3A_458 = arith.muli %scan3A_269, %mul3A_457 : i32
        %add3A_459 = arith.constant 19 : i32
        %add3A_460 = arith.addi %mul3A_458, %add3A_459 : i32
        %get3A_461 = arith.index_cast %add3A_460 : i32 to index
        %get3A_462 = arith.constant 0 : index
        %get3A_463 = tpu.vector_load %arg7[%get3A_461, %get3A_462] {strides = array<i32>} : memref<800x16xf32, #tpu.memory_space<vmem>>, vector<16xf32>,
        %bitcast3A_464 = vector.bitcast %get3A_463 : vector<16xf32> to vector<32xbf16>
        %unpack3A_465 = tpu.unpack_subelements %bitcast3A_464, 0 {pack_format = #tpu.pack_format<interleaved>} : vector<32xbf16> -> vector<16xf32>
        %unpack3A_466 = tpu.unpack_subelements %bitcast3A_464, 1 {pack_format = #tpu.pack_format<interleaved>} : vector<32xbf16> -> vector<16xf32>
        %mul3A_467 = arith.constant 32 : i32
        %mul3A_468 = arith.muli %scan3A_269, %mul3A_467 : i32
        %add3A_469 = arith.constant 20 : i32
        %add3A_470 = arith.addi %mul3A_468, %add3A_469 : i32
        %get3A_471 = arith.index_cast %add3A_470 : i32 to index
        %get3A_472 = arith.constant 0 : index
        %get3A_473 = tpu.vector_load %arg7[%get3A_471, %get3A_472] {strides = array<i32>} : memref<800x16xf32, #tpu.memory_space<vmem>>, vector<16xf32>,
        %bitcast3A_474 = vector.bitcast %get3A_473 : vector<16xf32> to vector<32xbf16>
        %unpack3A_475 = tpu.unpack_subelements %bitcast3A_474, 0 {pack_format = #tpu.pack_format<interleaved>} : vector<32xbf16> -> vector<16xf32>
        %unpack3A_476 = tpu.unpack_subelements %bitcast3A_474, 1 {pack_format = #tpu.pack_format<interleaved>} : vector<32xbf16> -> vector<16xf32>
        %mul3A_477 = arith.constant 32 : i32
        %mul3A_478 = arith.muli %scan3A_269, %mul3A_477 : i32
        %add3A_479 = arith.constant 21 : i32
        %add3A_480 = arith.addi %mul3A_478, %add3A_479 : i32
        %get3A_481 = arith.index_cast %add3A_480 : i32 to index
        %get3A_482 = arith.constant 0 : index
        %get3A_483 = tpu.vector_load %arg7[%get3A_481, %get3A_482] {strides = array<i32>} : memref<800x16xf32, #tpu.memory_space<vmem>>, vector<16xf32>,
        %bitcast3A_484 = vector.bitcast %get3A_483 : vector<16xf32> to vector<32xbf16>
        %unpack3A_485 = tpu.unpack_subelements %bitcast3A_484, 0 {pack_format = #tpu.pack_format<interleaved>} : vector<32xbf16> -> vector<16xf32>
        %unpack3A_486 = tpu.unpack_subelements %bitcast3A_484, 1 {pack_format = #tpu.pack_format<interleaved>} : vector<32xbf16> -> vector<16xf32>
        %mul3A_487 = arith.constant 32 : i32
        %mul3A_488 = arith.muli %scan3A_269, %mul3A_487 : i32
        %add3A_489 = arith.constant 22 : i32
        %add3A_490 = arith.addi %mul3A_488, %add3A_489 : i32
        %get3A_491 = arith.index_cast %add3A_490 : i32 to index
        %get3A_492 = arith.constant 0 : index
        %get3A_493 = tpu.vector_load %arg7[%get3A_491, %get3A_492] {strides = array<i32>} : memref<800x16xf32, #tpu.memory_space<vmem>>, vector<16xf32>,
        %bitcast3A_494 = vector.bitcast %get3A_493 : vector<16xf32> to vector<32xbf16>
        %unpack3A_495 = tpu.unpack_subelements %bitcast3A_494, 0 {pack_format = #tpu.pack_format<interleaved>} : vector<32xbf16> -> vector<16xf32>
        %unpack3A_496 = tpu.unpack_subelements %bitcast3A_494, 1 {pack_format = #tpu.pack_format<interleaved>} : vector<32xbf16> -> vector<16xf32>
        %mul3A_497 = arith.constant 32 : i32
        %mul3A_498 = arith.muli %scan3A_269, %mul3A_497 : i32
        %add3A_499 = arith.constant 23 : i32
        %add3A_500 = arith.addi %mul3A_498, %add3A_499 : i32
        %get3A_501 = arith.index_cast %add3A_500 : i32 to index
        %get3A_502 = arith.constant 0 : index
        %get3A_503 = tpu.vector_load %arg7[%get3A_501, %get3A_502] {strides = array<i32>} : memref<800x16xf32, #tpu.memory_space<vmem>>, vector<16xf32>,
        %bitcast3A_504 = vector.bitcast %get3A_503 : vector<16xf32> to vector<32xbf16>
        %unpack3A_505 = tpu.unpack_subelements %bitcast3A_504, 0 {pack_format = #tpu.pack_format<interleaved>} : vector<32xbf16> -> vector<16xf32>
        %unpack3A_506 = tpu.unpack_subelements %bitcast3A_504, 1 {pack_format = #tpu.pack_format<interleaved>} : vector<32xbf16> -> vector<16xf32>
        %mul3A_507 = arith.constant 32 : i32
        %mul3A_508 = arith.muli %scan3A_269, %mul3A_507 : i32
        %add3A_509 = arith.constant 24 : i32
        %add3A_510 = arith.addi %mul3A_508, %add3A_509 : i32
        %get3A_511 = arith.index_cast %add3A_510 : i32 to index
        %get3A_512 = arith.constant 0 : index
        %get3A_513 = tpu.vector_load %arg7[%get3A_511, %get3A_512] {strides = array<i32>} : memref<800x16xf32, #tpu.memory_space<vmem>>, vector<16xf32>,
        %bitcast3A_514 = vector.bitcast %get3A_513 : vector<16xf32> to vector<32xbf16>
        %unpack3A_515 = tpu.unpack_subelements %bitcast3A_514, 0 {pack_format = #tpu.pack_format<interleaved>} : vector<32xbf16> -> vector<16xf32>
        %unpack3A_516 = tpu.unpack_subelements %bitcast3A_514, 1 {pack_format = #tpu.pack_format<interleaved>} : vector<32xbf16> -> vector<16xf32>
        %mul3A_517 = arith.constant 32 : i32
        %mul3A_518 = arith.muli %scan3A_269, %mul3A_517 : i32
        %add3A_519 = arith.constant 25 : i32
        %add3A_520 = arith.addi %mul3A_518, %add3A_519 : i32
        %get3A_521 = arith.index_cast %add3A_520 : i32 to index
        %get3A_522 = arith.constant 0 : index
        %get3A_523 = tpu.vector_load %arg7[%get3A_521, %get3A_522] {strides = array<i32>} : memref<800x16xf32, #tpu.memory_space<vmem>>, vector<16xf32>,
        %bitcast3A_524 = vector.bitcast %get3A_523 : vector<16xf32> to vector<32xbf16>
        %unpack3A_525 = tpu.unpack_subelements %bitcast3A_524, 0 {pack_format = #tpu.pack_format<interleaved>} : vector<32xbf16> -> vector<16xf32>
        %unpack3A_526 = tpu.unpack_subelements %bitcast3A_524, 1 {pack_format = #tpu.pack_format<interleaved>} : vector<32xbf16> -> vector<16xf32>
        %mul3A_527 = arith.constant 32 : i32
        %mul3A_528 = arith.muli %scan3A_269, %mul3A_527 : i32
        %add3A_529 = arith.constant 26 : i32
        %add3A_530 = arith.addi %mul3A_528, %add3A_529 : i32
        %get3A_531 = arith.index_cast %add3A_530 : i32 to index
        %get3A_532 = arith.constant 0 : index
        %get3A_533 = tpu.vector_load %arg7[%get3A_531, %get3A_532] {strides = array<i32>} : memref<800x16xf32, #tpu.memory_space<vmem>>, vector<16xf32>,
        %bitcast3A_534 = vector.bitcast %get3A_533 : vector<16xf32> to vector<32xbf16>
        %unpack3A_535 = tpu.unpack_subelements %bitcast3A_534, 0 {pack_format = #tpu.pack_format<interleaved>} : vector<32xbf16> -> vector<16xf32>
        %unpack3A_536 = tpu.unpack_subelements %bitcast3A_534, 1 {pack_format = #tpu.pack_format<interleaved>} : vector<32xbf16> -> vector<16xf32>
        %mul3A_537 = arith.constant 32 : i32
        %mul3A_538 = arith.muli %scan3A_269, %mul3A_537 : i32
        %add3A_539 = arith.constant 27 : i32
        %add3A_540 = arith.addi %mul3A_538, %add3A_539 : i32
        %get3A_541 = arith.index_cast %add3A_540 : i32 to index
        %get3A_542 = arith.constant 0 : index
        %get3A_543 = tpu.vector_load %arg7[%get3A_541, %get3A_542] {strides = array<i32>} : memref<800x16xf32, #tpu.memory_space<vmem>>, vector<16xf32>,
        %bitcast3A_544 = vector.bitcast %get3A_543 : vector<16xf32> to vector<32xbf16>
        %unpack3A_545 = tpu.unpack_subelements %bitcast3A_544, 0 {pack_format = #tpu.pack_format<interleaved>} : vector<32xbf16> -> vector<16xf32>
        %unpack3A_546 = tpu.unpack_subelements %bitcast3A_544, 1 {pack_format = #tpu.pack_format<interleaved>} : vector<32xbf16> -> vector<16xf32>
        %mul3A_547 = arith.constant 32 : i32
        %mul3A_548 = arith.muli %scan3A_269, %mul3A_547 : i32
        %add3A_549 = arith.constant 28 : i32
        %add3A_550 = arith.addi %mul3A_548, %add3A_549 : i32
        %get3A_551 = arith.index_cast %add3A_550 : i32 to index
        %get3A_552 = arith.constant 0 : index
        %get3A_553 = tpu.vector_load %arg7[%get3A_551, %get3A_552] {strides = array<i32>} : memref<800x16xf32, #tpu.memory_space<vmem>>, vector<16xf32>,
        %bitcast3A_554 = vector.bitcast %get3A_553 : vector<16xf32> to vector<32xbf16>
        %unpack3A_555 = tpu.unpack_subelements %bitcast3A_554, 0 {pack_format = #tpu.pack_format<interleaved>} : vector<32xbf16> -> vector<16xf32>
        %unpack3A_556 = tpu.unpack_subelements %bitcast3A_554, 1 {pack_format = #tpu.pack_format<interleaved>} : vector<32xbf16> -> vector<16xf32>
        %mul3A_557 = arith.constant 32 : i32
        %mul3A_558 = arith.muli %scan3A_269, %mul3A_557 : i32
        %add3A_559 = arith.constant 29 : i32
        %add3A_560 = arith.addi %mul3A_558, %add3A_559 : i32
        %get3A_561 = arith.index_cast %add3A_560 : i32 to index
        %get3A_562 = arith.constant 0 : index
        %get3A_563 = tpu.vector_load %arg7[%get3A_561, %get3A_562] {strides = array<i32>} : memref<800x16xf32, #tpu.memory_space<vmem>>, vector<16xf32>,
        %bitcast3A_564 = vector.bitcast %get3A_563 : vector<16xf32> to vector<32xbf16>
        %unpack3A_565 = tpu.unpack_subelements %bitcast3A_564, 0 {pack_format = #tpu.pack_format<interleaved>} : vector<32xbf16> -> vector<16xf32>
        %unpack3A_566 = tpu.unpack_subelements %bitcast3A_564, 1 {pack_format = #tpu.pack_format<interleaved>} : vector<32xbf16> -> vector<16xf32>
        %mul3A_567 = arith.constant 32 : i32
        %mul3A_568 = arith.muli %scan3A_269, %mul3A_567 : i32
        %add3A_569 = arith.constant 30 : i32
        %add3A_570 = arith.addi %mul3A_568, %add3A_569 : i32
        %get3A_571 = arith.index_cast %add3A_570 : i32 to index
        %get3A_572 = arith.constant 0 : index
        %get3A_573 = tpu.vector_load %arg7[%get3A_571, %get3A_572] {strides = array<i32>} : memref<800x16xf32, #tpu.memory_space<vmem>>, vector<16xf32>,
        %bitcast3A_574 = vector.bitcast %get3A_573 : vector<16xf32> to vector<32xbf16>
        %unpack3A_575 = tpu.unpack_subelements %bitcast3A_574, 0 {pack_format = #tpu.pack_format<interleaved>} : vector<32xbf16> -> vector<16xf32>
        %unpack3A_576 = tpu.unpack_subelements %bitcast3A_574, 1 {pack_format = #tpu.pack_format<interleaved>} : vector<32xbf16> -> vector<16xf32>
        %mul3A_577 = arith.constant 32 : i32
        %mul3A_578 = arith.muli %scan3A_269, %mul3A_577 : i32
        %add3A_579 = arith.constant 31 : i32
        %add3A_580 = arith.addi %mul3A_578, %add3A_579 : i32
        %get3A_581 = arith.index_cast %add3A_580 : i32 to index
        %get3A_582 = arith.constant 0 : index
        %get3A_583 = tpu.vector_load %arg7[%get3A_581, %get3A_582] {strides = array<i32>} : memref<800x16xf32, #tpu.memory_space<vmem>>, vector<16xf32>,
        %bitcast3A_584 = vector.bitcast %get3A_583 : vector<16xf32> to vector<32xbf16>
        %unpack3A_585 = tpu.unpack_subelements %bitcast3A_584, 0 {pack_format = #tpu.pack_format<interleaved>} : vector<32xbf16> -> vector<16xf32>
        %unpack3A_586 = tpu.unpack_subelements %bitcast3A_584, 1 {pack_format = #tpu.pack_format<interleaved>} : vector<32xbf16> -> vector<16xf32>
        %add3A_587 = arith.addf %unpack3A, %unpack3A_285 : vector<16xf32>
        %add3A_588 = arith.addf %unpack3A_295, %unpack3A_305 : vector<16xf32>
        %add3A_589 = arith.addf %unpack3A_315, %unpack3A_325 : vector<16xf32>
        %add3A_590 = arith.addf %unpack3A_335, %unpack3A_345 : vector<16xf32>
        %add3A_591 = arith.addf %unpack3A_355, %unpack3A_365 : vector<16xf32>
        %add3A_592 = arith.addf %unpack3A_375, %unpack3A_385 : vector<16xf32>
        %add3A_593 = arith.addf %unpack3A_395, %unpack3A_405 : vector<16xf32>
        %add3A_594 = arith.addf %unpack3A_415, %unpack3A_425 : vector<16xf32>
        %add3A_595 = arith.addf %unpack3A_435, %unpack3A_445 : vector<16xf32>
        %add3A_596 = arith.addf %unpack3A_455, %unpack3A_465 : vector<16xf32>
        %add3A_597 = arith.addf %unpack3A_475, %unpack3A_485 : vector<16xf32>
        %add3A_598 = arith.addf %unpack3A_495, %unpack3A_505 : vector<16xf32>
        %add3A_599 = arith.addf %unpack3A_515, %unpack3A_525 : vector<16xf32>
        %add3A_600 = arith.addf %unpack3A_535, %unpack3A_545 : vector<16xf32>
        %add3A_601 = arith.addf %unpack3A_555, %unpack3A_565 : vector<16xf32>
        %add3A_602 = arith.addf %unpack3A_575, %unpack3A_585 : vector<16xf32>
        %add3A_603 = arith.addf %unpack3A_276, %unpack3A_286 : vector<16xf32>
        %add3A_604 = arith.addf %unpack3A_296, %unpack3A_306 : vector<16xf32>
        %add3A_605 = arith.addf %unpack3A_316, %unpack3A_326 : vector<16xf32>
        %add3A_606 = arith.addf %unpack3A_336, %unpack3A_346 : vector<16xf32>
        %add3A_607 = arith.addf %unpack3A_356, %unpack3A_366 : vector<16xf32>
        %add3A_608 = arith.addf %unpack3A_376, %unpack3A_386 : vector<16xf32>
        %add3A_609 = arith.addf %unpack3A_396, %unpack3A_406 : vector<16xf32>
        %add3A_610 = arith.addf %unpack3A_416, %unpack3A_426 : vector<16xf32>
        %add3A_611 = arith.addf %unpack3A_436, %unpack3A_446 : vector<16xf32>
        %add3A_612 = arith.addf %unpack3A_456, %unpack3A_466 : vector<16xf32>
        %add3A_613 = arith.addf %unpack3A_476, %unpack3A_486 : vector<16xf32>
        %add3A_614 = arith.addf %unpack3A_496, %unpack3A_506 : vector<16xf32>
        %add3A_615 = arith.addf %unpack3A_516, %unpack3A_526 : vector<16xf32>
        %add3A_616 = arith.addf %unpack3A_536, %unpack3A_546 : vector<16xf32>
        %add3A_617 = arith.addf %unpack3A_556, %unpack3A_566 : vector<16xf32>
        %add3A_618 = arith.addf %unpack3A_576, %unpack3A_586 : vector<16xf32>
        %add3A_619 = arith.addf %add3A_587, %add3A_588 : vector<16xf32>
        %add3A_620 = arith.addf %add3A_589, %add3A_590 : vector<16xf32>
        %add3A_621 = arith.addf %add3A_591, %add3A_592 : vector<16xf32>
        %add3A_622 = arith.addf %add3A_593, %add3A_594 : vector<16xf32>
        %add3A_623 = arith.addf %add3A_595, %add3A_596 : vector<16xf32>
        %add3A_624 = arith.addf %add3A_597, %add3A_598 : vector<16xf32>
        %add3A_625 = arith.addf %add3A_599, %add3A_600 : vector<16xf32>
        %add3A_626 = arith.addf %add3A_601, %add3A_602 : vector<16xf32>
        %add3A_627 = arith.addf %add3A_603, %add3A_604 : vector<16xf32>
        %add3A_628 = arith.addf %add3A_605, %add3A_606 : vector<16xf32>
        %add3A_629 = arith.addf %add3A_607, %add3A_608 : vector<16xf32>
        %add3A_630 = arith.addf %add3A_609, %add3A_610 : vector<16xf32>
        %add3A_631 = arith.addf %add3A_611, %add3A_612 : vector<16xf32>
        %add3A_632 = arith.addf %add3A_613, %add3A_614 : vector<16xf32>
        %add3A_633 = arith.addf %add3A_615, %add3A_616 : vector<16xf32>
        %add3A_634 = arith.addf %add3A_617, %add3A_618 : vector<16xf32>
        %add3A_635 = arith.addf %add3A_619, %add3A_620 : vector<16xf32>
        %add3A_636 = arith.addf %add3A_621, %add3A_622 : vector<16xf32>
        %add3A_637 = arith.addf %add3A_623, %add3A_624 : vector<16xf32>
        %add3A_638 = arith.addf %add3A_625, %add3A_626 : vector<16xf32>
        %add3A_639 = arith.addf %add3A_627, %add3A_628 : vector<16xf32>
        %add3A_640 = arith.addf %add3A_629, %add3A_630 : vector<16xf32>
        %add3A_641 = arith.addf %add3A_631, %add3A_632 : vector<16xf32>
        %add3A_642 = arith.addf %add3A_633, %add3A_634 : vector<16xf32>
        %add3A_643 = arith.addf %add3A_635, %add3A_636 : vector<16xf32>
        %add3A_644 = arith.addf %add3A_637, %add3A_638 : vector<16xf32>
        %add3A_645 = arith.addf %add3A_639, %add3A_640 : vector<16xf32>
        %add3A_646 = arith.addf %add3A_641, %add3A_642 : vector<16xf32>
        %add3A_647 = arith.addf %add3A_643, %add3A_644 : vector<16xf32>
        %add3A_648 = arith.addf %add3A_645, %add3A_646 : vector<16xf32>
        %mul3A_649 = arith.constant 3.125000e-02 : f32
        %mul3A_650 = vector.broadcast %mul3A_649 : f32 to vector<16xf32>
        %mul3A_651 = arith.mulf %add3A_647, %mul3A_650 : vector<16xf32>
        %mul3A_652 = arith.constant 3.125000e-02 : f32
        %mul3A_653 = vector.broadcast %mul3A_652 : f32 to vector<16xf32>
        %mul3A_654 = arith.mulf %add3A_648, %mul3A_653 : vector<16xf32>
        %pack3A = tpu.pack_subelements %mul3A_651, %mul3A_654 {pack_format = #tpu.pack_format<interleaved>, positions = array<i32: 0, 1>} : vector<16xf32>, vector<16xf32> -> vector<32xbf16>
        %bitcast3A_655 = vector.bitcast %pack3A : vector<32xbf16> to vector<16xf32>
        %mul3A_656 = arith.constant 16 : i32
        %mul3A_657 = arith.muli %scan3A_269, %mul3A_656 : i32
        %swap3A = arith.index_cast %mul3A_657 : i32 to index
        %swap3A_658 = tpu.vector_load %arg9[%swap3A] {strides = array<i32>} : memref<400xf32, #tpu.memory_space<vmem>>, vector<16xf32>,
        tpu.vector_store %arg9[%swap3A], %bitcast3A_655 {strides = array<i32>} : memref<400xf32, #tpu.memory_space<vmem>>, vector<16xf32>,
      }
      %scan3A_171 = arith.constant 25 : i32
      %mul3A_172 = arith.constant 16 : i32
      %mul3A_173 = arith.muli %add3A_159, %mul3A_172 : i32
      %dma_start3A_174 = tpu.memref_slice %arg4[%mul3A_173] : memref<320000xf32, #tpu.memory_space<hbm>> -> memref<400xf32, #tpu.memory_space<hbm>>
      %dma_start3A_175 = tpu.memref_slice %arg4[%mul3A_173] : memref<320000xf32, #tpu.memory_space<hbm>> -> memref<400xf32, #tpu.memory_space<hbm>>
      tpu.enqueue_dma source(%arg9 : memref<400xf32, #tpu.memory_space<vmem>>) target(%dma_start3A_175 : memref<400xf32, #tpu.memory_space<hbm>>) target_semaphore(%arg15 : memref<!tpu.dma_semaphore, #tpu.memory_space<semaphore_mem>>)
      %dma_wait3A_176 = arith.constant 0 : i32
      %dma_wait3A_177 = tpu.memref_slice %arg4[%dma_wait3A_176] : memref<320000xf32, #tpu.memory_space<hbm>> -> memref<400xf32, #tpu.memory_space<hbm>>
      %dma_wait3A_178 = arith.constant 0 : i32
      %dma_wait3A_179 = tpu.memref_slice %arg4[%dma_wait3A_178] : memref<320000xf32, #tpu.memory_space<hbm>> -> memref<400xf32, #tpu.memory_space<hbm>>
      tpu.wait_dma2 semaphore(%arg15 : memref<!tpu.dma_semaphore, #tpu.memory_space<semaphore_mem>>) src(%arg9 : memref<400xf32, #tpu.memory_space<vmem>>) dst(%dma_wait3A_179 : memref<400xf32, #tpu.memory_space<hbm>>)
      %add3A_180 = arith.constant 2 : i32
      %add3A_181 = arith.addi %mul3A_92, %add3A_180 : i32
      %mul3A_182 = arith.constant 800 : i32
      %mul3A_183 = arith.muli %add3A_181, %mul3A_182 : i32
      %add3A_184 = arith.addi %mul3A_4, %mul3A_183 : i32
      "tpu.region"() ({
        %run_scoped3A = tpu.sem_alloc : memref<!tpu.dma_semaphore, #tpu.memory_space<semaphore_mem>>
        %dma_start3A_269 = tpu.memref_slice %arg2[%add3A_184] : memref<640000xi32, #tpu.memory_space<hbm>> -> memref<800xi32, #tpu.memory_space<hbm>>
        %dma_start3A_270 = tpu.memref_slice %arg2[%add3A_184] : memref<640000xi32, #tpu.memory_space<hbm>> -> memref<800xi32, #tpu.memory_space<hbm>>
        tpu.enqueue_dma source(%dma_start3A_270 : memref<800xi32, #tpu.memory_space<hbm>>) target(%arg5 : memref<800xi32, #tpu.memory_space<vmem>>) target_semaphore(%run_scoped3A : memref<!tpu.dma_semaphore, #tpu.memory_space<semaphore_mem>>)
        %dma_wait3A_271 = tpu.memref_slice %arg2[%add3A_184] : memref<640000xi32, #tpu.memory_space<hbm>> -> memref<800xi32, #tpu.memory_space<hbm>>
        %dma_wait3A_272 = tpu.memref_slice %arg2[%add3A_184] : memref<640000xi32, #tpu.memory_space<hbm>> -> memref<800xi32, #tpu.memory_space<hbm>>
        tpu.wait_dma2 semaphore(%run_scoped3A : memref<!tpu.dma_semaphore, #tpu.memory_space<semaphore_mem>>) src(%dma_wait3A_272 : memref<800xi32, #tpu.memory_space<hbm>>) dst(%arg5 : memref<800xi32, #tpu.memory_space<vmem>>)
        tpu.yield
      }) : () -> ()
      %dma_start3A_185 = arith.constant 0 : i32
      %dma_start3A_186 = arith.constant 0 : i32
      %dma_start3A_187 = tpu.memref_slice %arg7[%dma_start3A_185, %dma_start3A_186] : memref<800x16xf32, #tpu.memory_space<vmem>> -> memref<128x16xf32, #tpu.memory_space<vmem>>
      %dma_start3A_188 = arith.constant 0 : i32
      %dma_start3A_189 = tpu.memref_slice %arg5[%dma_start3A_188] : memref<800xi32, #tpu.memory_space<vmem>> -> memref<128xi32, #tpu.memory_space<vmem>>
      %dma_start3A_190 = arith.constant 0 : i32
      %dma_start3A_191 = arith.constant 0 : i32
      %dma_start3A_192 = tpu.memref_slice %arg3[%dma_start3A_190, %dma_start3A_191] : memref<20000x16xf32, #tpu.memory_space<hbm>> -> memref<20000x16xf32, #tpu.memory_space<hbm>>
      tpu.enqueue_indirect_dma source(%dma_start3A_192 : memref<20000x16xf32, #tpu.memory_space<hbm>>) target(%dma_start3A_187 : memref<128x16xf32, #tpu.memory_space<vmem>>) offsets(%dma_start3A_189 : memref<128xi32, #tpu.memory_space<vmem>>) semaphore(%arg11 : memref<!tpu.dma_semaphore, #tpu.memory_space<semaphore_mem>>)
      %dma_start3A_193 = arith.constant 128 : i32
      %dma_start3A_194 = arith.constant 0 : i32
      %dma_start3A_195 = tpu.memref_slice %arg7[%dma_start3A_193, %dma_start3A_194] : memref<800x16xf32, #tpu.memory_space<vmem>> -> memref<128x16xf32, #tpu.memory_space<vmem>>
      %dma_start3A_196 = arith.constant 128 : i32
      %dma_start3A_197 = tpu.memref_slice %arg5[%dma_start3A_196] : memref<800xi32, #tpu.memory_space<vmem>> -> memref<128xi32, #tpu.memory_space<vmem>>
      %dma_start3A_198 = arith.constant 0 : i32
      %dma_start3A_199 = arith.constant 0 : i32
      %dma_start3A_200 = tpu.memref_slice %arg3[%dma_start3A_198, %dma_start3A_199] : memref<20000x16xf32, #tpu.memory_space<hbm>> -> memref<20000x16xf32, #tpu.memory_space<hbm>>
      tpu.enqueue_indirect_dma source(%dma_start3A_200 : memref<20000x16xf32, #tpu.memory_space<hbm>>) target(%dma_start3A_195 : memref<128x16xf32, #tpu.memory_space<vmem>>) offsets(%dma_start3A_197 : memref<128xi32, #tpu.memory_space<vmem>>) semaphore(%arg11 : memref<!tpu.dma_semaphore, #tpu.memory_space<semaphore_mem>>)
      %dma_start3A_201 = arith.constant 256 : i32
      %dma_start3A_202 = arith.constant 0 : i32
      %dma_start3A_203 = tpu.memref_slice %arg7[%dma_start3A_201, %dma_start3A_202] : memref<800x16xf32, #tpu.memory_space<vmem>> -> memref<128x16xf32, #tpu.memory_space<vmem>>
      %dma_start3A_204 = arith.constant 256 : i32
      %dma_start3A_205 = tpu.memref_slice %arg5[%dma_start3A_204] : memref<800xi32, #tpu.memory_space<vmem>> -> memref<128xi32, #tpu.memory_space<vmem>>
      %dma_start3A_206 = arith.constant 0 : i32
      %dma_start3A_207 = arith.constant 0 : i32
      %dma_start3A_208 = tpu.memref_slice %arg3[%dma_start3A_206, %dma_start3A_207] : memref<20000x16xf32, #tpu.memory_space<hbm>> -> memref<20000x16xf32, #tpu.memory_space<hbm>>
      tpu.enqueue_indirect_dma source(%dma_start3A_208 : memref<20000x16xf32, #tpu.memory_space<hbm>>) target(%dma_start3A_203 : memref<128x16xf32, #tpu.memory_space<vmem>>) offsets(%dma_start3A_205 : memref<128xi32, #tpu.memory_space<vmem>>) semaphore(%arg11 : memref<!tpu.dma_semaphore, #tpu.memory_space<semaphore_mem>>)
      %dma_start3A_209 = arith.constant 384 : i32
      %dma_start3A_210 = arith.constant 0 : i32
      %dma_start3A_211 = tpu.memref_slice %arg7[%dma_start3A_209, %dma_start3A_210] : memref<800x16xf32, #tpu.memory_space<vmem>> -> memref<128x16xf32, #tpu.memory_space<vmem>>
      %dma_start3A_212 = arith.constant 384 : i32
      %dma_start3A_213 = tpu.memref_slice %arg5[%dma_start3A_212] : memref<800xi32, #tpu.memory_space<vmem>> -> memref<128xi32, #tpu.memory_space<vmem>>
      %dma_start3A_214 = arith.constant 0 : i32
      %dma_start3A_215 = arith.constant 0 : i32
      %dma_start3A_216 = tpu.memref_slice %arg3[%dma_start3A_214, %dma_start3A_215] : memref<20000x16xf32, #tpu.memory_space<hbm>> -> memref<20000x16xf32, #tpu.memory_space<hbm>>
      tpu.enqueue_indirect_dma source(%dma_start3A_216 : memref<20000x16xf32, #tpu.memory_space<hbm>>) target(%dma_start3A_211 : memref<128x16xf32, #tpu.memory_space<vmem>>) offsets(%dma_start3A_213 : memref<128xi32, #tpu.memory_space<vmem>>) semaphore(%arg11 : memref<!tpu.dma_semaphore, #tpu.memory_space<semaphore_mem>>)
      %dma_start3A_217 = arith.constant 512 : i32
      %dma_start3A_218 = arith.constant 0 : i32
      %dma_start3A_219 = tpu.memref_slice %arg7[%dma_start3A_217, %dma_start3A_218] : memref<800x16xf32, #tpu.memory_space<vmem>> -> memref<128x16xf32, #tpu.memory_space<vmem>>
      %dma_start3A_220 = arith.constant 512 : i32
      %dma_start3A_221 = tpu.memref_slice %arg5[%dma_start3A_220] : memref<800xi32, #tpu.memory_space<vmem>> -> memref<128xi32, #tpu.memory_space<vmem>>
      %dma_start3A_222 = arith.constant 0 : i32
      %dma_start3A_223 = arith.constant 0 : i32
      %dma_start3A_224 = tpu.memref_slice %arg3[%dma_start3A_222, %dma_start3A_223] : memref<20000x16xf32, #tpu.memory_space<hbm>> -> memref<20000x16xf32, #tpu.memory_space<hbm>>
      tpu.enqueue_indirect_dma source(%dma_start3A_224 : memref<20000x16xf32, #tpu.memory_space<hbm>>) target(%dma_start3A_219 : memref<128x16xf32, #tpu.memory_space<vmem>>) offsets(%dma_start3A_221 : memref<128xi32, #tpu.memory_space<vmem>>) semaphore(%arg11 : memref<!tpu.dma_semaphore, #tpu.memory_space<semaphore_mem>>)
      %dma_start3A_225 = arith.constant 640 : i32
      %dma_start3A_226 = arith.constant 0 : i32
      %dma_start3A_227 = tpu.memref_slice %arg7[%dma_start3A_225, %dma_start3A_226] : memref<800x16xf32, #tpu.memory_space<vmem>> -> memref<128x16xf32, #tpu.memory_space<vmem>>
      %dma_start3A_228 = arith.constant 640 : i32
      %dma_start3A_229 = tpu.memref_slice %arg5[%dma_start3A_228] : memref<800xi32, #tpu.memory_space<vmem>> -> memref<128xi32, #tpu.memory_space<vmem>>
      %dma_start3A_230 = arith.constant 0 : i32
      %dma_start3A_231 = arith.constant 0 : i32
      %dma_start3A_232 = tpu.memref_slice %arg3[%dma_start3A_230, %dma_start3A_231] : memref<20000x16xf32, #tpu.memory_space<hbm>> -> memref<20000x16xf32, #tpu.memory_space<hbm>>
      tpu.enqueue_indirect_dma source(%dma_start3A_232 : memref<20000x16xf32, #tpu.memory_space<hbm>>) target(%dma_start3A_227 : memref<128x16xf32, #tpu.memory_space<vmem>>) offsets(%dma_start3A_229 : memref<128xi32, #tpu.memory_space<vmem>>) semaphore(%arg11 : memref<!tpu.dma_semaphore, #tpu.memory_space<semaphore_mem>>)
      %dma_start3A_233 = arith.constant 768 : i32
      %dma_start3A_234 = arith.constant 0 : i32
      %dma_start3A_235 = tpu.memref_slice %arg7[%dma_start3A_233, %dma_start3A_234] : memref<800x16xf32, #tpu.memory_space<vmem>> -> memref<32x16xf32, #tpu.memory_space<vmem>>
      %dma_start3A_236 = arith.constant 768 : i32
      %dma_start3A_237 = tpu.memref_slice %arg5[%dma_start3A_236] : memref<800xi32, #tpu.memory_space<vmem>> -> memref<32xi32, #tpu.memory_space<vmem>>
      %dma_start3A_238 = arith.constant 0 : i32
      %dma_start3A_239 = arith.constant 0 : i32
      %dma_start3A_240 = tpu.memref_slice %arg3[%dma_start3A_238, %dma_start3A_239] : memref<20000x16xf32, #tpu.memory_space<hbm>> -> memref<20000x16xf32, #tpu.memory_space<hbm>>
      tpu.enqueue_indirect_dma source(%dma_start3A_240 : memref<20000x16xf32, #tpu.memory_space<hbm>>) target(%dma_start3A_235 : memref<32x16xf32, #tpu.memory_space<vmem>>) offsets(%dma_start3A_237 : memref<32xi32, #tpu.memory_space<vmem>>) semaphore(%arg11 : memref<!tpu.dma_semaphore, #tpu.memory_space<semaphore_mem>>)
      %add3A_241 = arith.constant 1 : i32
      %add3A_242 = arith.addi %mul3A_92, %add3A_241 : i32
      %mul3A_243 = arith.constant 800 : i32
      %mul3A_244 = arith.muli %add3A_242, %mul3A_243 : i32
      %add3A_245 = arith.addi %mul3A_4, %mul3A_244 : i32
      %mul3A_246 = arith.constant 25 : i32
      %mul3A_247 = arith.muli %add3A_242, %mul3A_246 : i32
      %add3A_248 = arith.addi %mul3A_2, %mul3A_247 : i32
      %dma_wait3A_249 = arith.constant 0 : i32
      %dma_wait3A_250 = arith.constant 0 : i32
      %dma_wait3A_251 = tpu.memref_slice %arg3[%dma_wait3A_249, %dma_wait3A_250] : memref<20000x16xf32, #tpu.memory_space<hbm>> -> memref<800x16xf32, #tpu.memory_space<hbm>>
      %dma_wait3A_252 = arith.constant 0 : i32
      %dma_wait3A_253 = arith.constant 0 : i32
      %dma_wait3A_254 = tpu.memref_slice %arg3[%dma_wait3A_252, %dma_wait3A_253] : memref<20000x16xf32, #tpu.memory_space<hbm>> -> memref<800x16xf32, #tpu.memory_space<hbm>>
      tpu.wait_dma2 semaphore(%arg12 : memref<!tpu.dma_semaphore, #tpu.memory_space<semaphore_mem>>) src(%dma_wait3A_254 : memref<800x16xf32, #tpu.memory_space<hbm>>) dst(%arg8 : memref<800x16xf32, #tpu.memory_space<vmem>>)
      %scan3A_255 = arith.constant 0 : i32
      %scan3A_256 = arith.constant 0 : i32
      %scan3A_257 = arith.constant 25 : i32
      %scan3A_258 = arith.addi %scan3A_256, %scan3A_257 : i32
      %scan3A_259 = arith.constant 1 : i32
      scf.for %scan3A_269 = %scan3A_256 to %scan3A_258 step %scan3A_259  : i32 {
        %mul3A_270 = arith.constant 32 : i32
        %mul3A_271 = arith.muli %scan3A_269, %mul3A_270 : i32
        %add3A_272 = arith.constant 0 : i32
        %add3A_273 = arith.addi %mul3A_271, %add3A_272 : i32
        %get3A = arith.index_cast %add3A_273 : i32 to index
        %get3A_274 = arith.constant 0 : index
        %get3A_275 = tpu.vector_load %arg8[%get3A, %get3A_274] {strides = array<i32>} : memref<800x16xf32, #tpu.memory_space<vmem>>, vector<16xf32>,
        %bitcast3A = vector.bitcast %get3A_275 : vector<16xf32> to vector<32xbf16>
        %unpack3A = tpu.unpack_subelements %bitcast3A, 0 {pack_format = #tpu.pack_format<interleaved>} : vector<32xbf16> -> vector<16xf32>
        %unpack3A_276 = tpu.unpack_subelements %bitcast3A, 1 {pack_format = #tpu.pack_format<interleaved>} : vector<32xbf16> -> vector<16xf32>
        %mul3A_277 = arith.constant 32 : i32
        %mul3A_278 = arith.muli %scan3A_269, %mul3A_277 : i32
        %add3A_279 = arith.constant 1 : i32
        %add3A_280 = arith.addi %mul3A_278, %add3A_279 : i32
        %get3A_281 = arith.index_cast %add3A_280 : i32 to index
        %get3A_282 = arith.constant 0 : index
        %get3A_283 = tpu.vector_load %arg8[%get3A_281, %get3A_282] {strides = array<i32>} : memref<800x16xf32, #tpu.memory_space<vmem>>, vector<16xf32>,
        %bitcast3A_284 = vector.bitcast %get3A_283 : vector<16xf32> to vector<32xbf16>
        %unpack3A_285 = tpu.unpack_subelements %bitcast3A_284, 0 {pack_format = #tpu.pack_format<interleaved>} : vector<32xbf16> -> vector<16xf32>
        %unpack3A_286 = tpu.unpack_subelements %bitcast3A_284, 1 {pack_format = #tpu.pack_format<interleaved>} : vector<32xbf16> -> vector<16xf32>
        %mul3A_287 = arith.constant 32 : i32
        %mul3A_288 = arith.muli %scan3A_269, %mul3A_287 : i32
        %add3A_289 = arith.constant 2 : i32
        %add3A_290 = arith.addi %mul3A_288, %add3A_289 : i32
        %get3A_291 = arith.index_cast %add3A_290 : i32 to index
        %get3A_292 = arith.constant 0 : index
        %get3A_293 = tpu.vector_load %arg8[%get3A_291, %get3A_292] {strides = array<i32>} : memref<800x16xf32, #tpu.memory_space<vmem>>, vector<16xf32>,
        %bitcast3A_294 = vector.bitcast %get3A_293 : vector<16xf32> to vector<32xbf16>
        %unpack3A_295 = tpu.unpack_subelements %bitcast3A_294, 0 {pack_format = #tpu.pack_format<interleaved>} : vector<32xbf16> -> vector<16xf32>
        %unpack3A_296 = tpu.unpack_subelements %bitcast3A_294, 1 {pack_format = #tpu.pack_format<interleaved>} : vector<32xbf16> -> vector<16xf32>
        %mul3A_297 = arith.constant 32 : i32
        %mul3A_298 = arith.muli %scan3A_269, %mul3A_297 : i32
        %add3A_299 = arith.constant 3 : i32
        %add3A_300 = arith.addi %mul3A_298, %add3A_299 : i32
        %get3A_301 = arith.index_cast %add3A_300 : i32 to index
        %get3A_302 = arith.constant 0 : index
        %get3A_303 = tpu.vector_load %arg8[%get3A_301, %get3A_302] {strides = array<i32>} : memref<800x16xf32, #tpu.memory_space<vmem>>, vector<16xf32>,
        %bitcast3A_304 = vector.bitcast %get3A_303 : vector<16xf32> to vector<32xbf16>
        %unpack3A_305 = tpu.unpack_subelements %bitcast3A_304, 0 {pack_format = #tpu.pack_format<interleaved>} : vector<32xbf16> -> vector<16xf32>
        %unpack3A_306 = tpu.unpack_subelements %bitcast3A_304, 1 {pack_format = #tpu.pack_format<interleaved>} : vector<32xbf16> -> vector<16xf32>
        %mul3A_307 = arith.constant 32 : i32
        %mul3A_308 = arith.muli %scan3A_269, %mul3A_307 : i32
        %add3A_309 = arith.constant 4 : i32
        %add3A_310 = arith.addi %mul3A_308, %add3A_309 : i32
        %get3A_311 = arith.index_cast %add3A_310 : i32 to index
        %get3A_312 = arith.constant 0 : index
        %get3A_313 = tpu.vector_load %arg8[%get3A_311, %get3A_312] {strides = array<i32>} : memref<800x16xf32, #tpu.memory_space<vmem>>, vector<16xf32>,
        %bitcast3A_314 = vector.bitcast %get3A_313 : vector<16xf32> to vector<32xbf16>
        %unpack3A_315 = tpu.unpack_subelements %bitcast3A_314, 0 {pack_format = #tpu.pack_format<interleaved>} : vector<32xbf16> -> vector<16xf32>
        %unpack3A_316 = tpu.unpack_subelements %bitcast3A_314, 1 {pack_format = #tpu.pack_format<interleaved>} : vector<32xbf16> -> vector<16xf32>
        %mul3A_317 = arith.constant 32 : i32
        %mul3A_318 = arith.muli %scan3A_269, %mul3A_317 : i32
        %add3A_319 = arith.constant 5 : i32
        %add3A_320 = arith.addi %mul3A_318, %add3A_319 : i32
        %get3A_321 = arith.index_cast %add3A_320 : i32 to index
        %get3A_322 = arith.constant 0 : index
        %get3A_323 = tpu.vector_load %arg8[%get3A_321, %get3A_322] {strides = array<i32>} : memref<800x16xf32, #tpu.memory_space<vmem>>, vector<16xf32>,
        %bitcast3A_324 = vector.bitcast %get3A_323 : vector<16xf32> to vector<32xbf16>
        %unpack3A_325 = tpu.unpack_subelements %bitcast3A_324, 0 {pack_format = #tpu.pack_format<interleaved>} : vector<32xbf16> -> vector<16xf32>
        %unpack3A_326 = tpu.unpack_subelements %bitcast3A_324, 1 {pack_format = #tpu.pack_format<interleaved>} : vector<32xbf16> -> vector<16xf32>
        %mul3A_327 = arith.constant 32 : i32
        %mul3A_328 = arith.muli %scan3A_269, %mul3A_327 : i32
        %add3A_329 = arith.constant 6 : i32
        %add3A_330 = arith.addi %mul3A_328, %add3A_329 : i32
        %get3A_331 = arith.index_cast %add3A_330 : i32 to index
        %get3A_332 = arith.constant 0 : index
        %get3A_333 = tpu.vector_load %arg8[%get3A_331, %get3A_332] {strides = array<i32>} : memref<800x16xf32, #tpu.memory_space<vmem>>, vector<16xf32>,
        %bitcast3A_334 = vector.bitcast %get3A_333 : vector<16xf32> to vector<32xbf16>
        %unpack3A_335 = tpu.unpack_subelements %bitcast3A_334, 0 {pack_format = #tpu.pack_format<interleaved>} : vector<32xbf16> -> vector<16xf32>
        %unpack3A_336 = tpu.unpack_subelements %bitcast3A_334, 1 {pack_format = #tpu.pack_format<interleaved>} : vector<32xbf16> -> vector<16xf32>
        %mul3A_337 = arith.constant 32 : i32
        %mul3A_338 = arith.muli %scan3A_269, %mul3A_337 : i32
        %add3A_339 = arith.constant 7 : i32
        %add3A_340 = arith.addi %mul3A_338, %add3A_339 : i32
        %get3A_341 = arith.index_cast %add3A_340 : i32 to index
        %get3A_342 = arith.constant 0 : index
        %get3A_343 = tpu.vector_load %arg8[%get3A_341, %get3A_342] {strides = array<i32>} : memref<800x16xf32, #tpu.memory_space<vmem>>, vector<16xf32>,
        %bitcast3A_344 = vector.bitcast %get3A_343 : vector<16xf32> to vector<32xbf16>
        %unpack3A_345 = tpu.unpack_subelements %bitcast3A_344, 0 {pack_format = #tpu.pack_format<interleaved>} : vector<32xbf16> -> vector<16xf32>
        %unpack3A_346 = tpu.unpack_subelements %bitcast3A_344, 1 {pack_format = #tpu.pack_format<interleaved>} : vector<32xbf16> -> vector<16xf32>
        %mul3A_347 = arith.constant 32 : i32
        %mul3A_348 = arith.muli %scan3A_269, %mul3A_347 : i32
        %add3A_349 = arith.constant 8 : i32
        %add3A_350 = arith.addi %mul3A_348, %add3A_349 : i32
        %get3A_351 = arith.index_cast %add3A_350 : i32 to index
        %get3A_352 = arith.constant 0 : index
        %get3A_353 = tpu.vector_load %arg8[%get3A_351, %get3A_352] {strides = array<i32>} : memref<800x16xf32, #tpu.memory_space<vmem>>, vector<16xf32>,
        %bitcast3A_354 = vector.bitcast %get3A_353 : vector<16xf32> to vector<32xbf16>
        %unpack3A_355 = tpu.unpack_subelements %bitcast3A_354, 0 {pack_format = #tpu.pack_format<interleaved>} : vector<32xbf16> -> vector<16xf32>
        %unpack3A_356 = tpu.unpack_subelements %bitcast3A_354, 1 {pack_format = #tpu.pack_format<interleaved>} : vector<32xbf16> -> vector<16xf32>
        %mul3A_357 = arith.constant 32 : i32
        %mul3A_358 = arith.muli %scan3A_269, %mul3A_357 : i32
        %add3A_359 = arith.constant 9 : i32
        %add3A_360 = arith.addi %mul3A_358, %add3A_359 : i32
        %get3A_361 = arith.index_cast %add3A_360 : i32 to index
        %get3A_362 = arith.constant 0 : index
        %get3A_363 = tpu.vector_load %arg8[%get3A_361, %get3A_362] {strides = array<i32>} : memref<800x16xf32, #tpu.memory_space<vmem>>, vector<16xf32>,
        %bitcast3A_364 = vector.bitcast %get3A_363 : vector<16xf32> to vector<32xbf16>
        %unpack3A_365 = tpu.unpack_subelements %bitcast3A_364, 0 {pack_format = #tpu.pack_format<interleaved>} : vector<32xbf16> -> vector<16xf32>
        %unpack3A_366 = tpu.unpack_subelements %bitcast3A_364, 1 {pack_format = #tpu.pack_format<interleaved>} : vector<32xbf16> -> vector<16xf32>
        %mul3A_367 = arith.constant 32 : i32
        %mul3A_368 = arith.muli %scan3A_269, %mul3A_367 : i32
        %add3A_369 = arith.constant 10 : i32
        %add3A_370 = arith.addi %mul3A_368, %add3A_369 : i32
        %get3A_371 = arith.index_cast %add3A_370 : i32 to index
        %get3A_372 = arith.constant 0 : index
        %get3A_373 = tpu.vector_load %arg8[%get3A_371, %get3A_372] {strides = array<i32>} : memref<800x16xf32, #tpu.memory_space<vmem>>, vector<16xf32>,
        %bitcast3A_374 = vector.bitcast %get3A_373 : vector<16xf32> to vector<32xbf16>
        %unpack3A_375 = tpu.unpack_subelements %bitcast3A_374, 0 {pack_format = #tpu.pack_format<interleaved>} : vector<32xbf16> -> vector<16xf32>
        %unpack3A_376 = tpu.unpack_subelements %bitcast3A_374, 1 {pack_format = #tpu.pack_format<interleaved>} : vector<32xbf16> -> vector<16xf32>
        %mul3A_377 = arith.constant 32 : i32
        %mul3A_378 = arith.muli %scan3A_269, %mul3A_377 : i32
        %add3A_379 = arith.constant 11 : i32
        %add3A_380 = arith.addi %mul3A_378, %add3A_379 : i32
        %get3A_381 = arith.index_cast %add3A_380 : i32 to index
        %get3A_382 = arith.constant 0 : index
        %get3A_383 = tpu.vector_load %arg8[%get3A_381, %get3A_382] {strides = array<i32>} : memref<800x16xf32, #tpu.memory_space<vmem>>, vector<16xf32>,
        %bitcast3A_384 = vector.bitcast %get3A_383 : vector<16xf32> to vector<32xbf16>
        %unpack3A_385 = tpu.unpack_subelements %bitcast3A_384, 0 {pack_format = #tpu.pack_format<interleaved>} : vector<32xbf16> -> vector<16xf32>
        %unpack3A_386 = tpu.unpack_subelements %bitcast3A_384, 1 {pack_format = #tpu.pack_format<interleaved>} : vector<32xbf16> -> vector<16xf32>
        %mul3A_387 = arith.constant 32 : i32
        %mul3A_388 = arith.muli %scan3A_269, %mul3A_387 : i32
        %add3A_389 = arith.constant 12 : i32
        %add3A_390 = arith.addi %mul3A_388, %add3A_389 : i32
        %get3A_391 = arith.index_cast %add3A_390 : i32 to index
        %get3A_392 = arith.constant 0 : index
        %get3A_393 = tpu.vector_load %arg8[%get3A_391, %get3A_392] {strides = array<i32>} : memref<800x16xf32, #tpu.memory_space<vmem>>, vector<16xf32>,
        %bitcast3A_394 = vector.bitcast %get3A_393 : vector<16xf32> to vector<32xbf16>
        %unpack3A_395 = tpu.unpack_subelements %bitcast3A_394, 0 {pack_format = #tpu.pack_format<interleaved>} : vector<32xbf16> -> vector<16xf32>
        %unpack3A_396 = tpu.unpack_subelements %bitcast3A_394, 1 {pack_format = #tpu.pack_format<interleaved>} : vector<32xbf16> -> vector<16xf32>
        %mul3A_397 = arith.constant 32 : i32
        %mul3A_398 = arith.muli %scan3A_269, %mul3A_397 : i32
        %add3A_399 = arith.constant 13 : i32
        %add3A_400 = arith.addi %mul3A_398, %add3A_399 : i32
        %get3A_401 = arith.index_cast %add3A_400 : i32 to index
        %get3A_402 = arith.constant 0 : index
        %get3A_403 = tpu.vector_load %arg8[%get3A_401, %get3A_402] {strides = array<i32>} : memref<800x16xf32, #tpu.memory_space<vmem>>, vector<16xf32>,
        %bitcast3A_404 = vector.bitcast %get3A_403 : vector<16xf32> to vector<32xbf16>
        %unpack3A_405 = tpu.unpack_subelements %bitcast3A_404, 0 {pack_format = #tpu.pack_format<interleaved>} : vector<32xbf16> -> vector<16xf32>
        %unpack3A_406 = tpu.unpack_subelements %bitcast3A_404, 1 {pack_format = #tpu.pack_format<interleaved>} : vector<32xbf16> -> vector<16xf32>
        %mul3A_407 = arith.constant 32 : i32
        %mul3A_408 = arith.muli %scan3A_269, %mul3A_407 : i32
        %add3A_409 = arith.constant 14 : i32
        %add3A_410 = arith.addi %mul3A_408, %add3A_409 : i32
        %get3A_411 = arith.index_cast %add3A_410 : i32 to index
        %get3A_412 = arith.constant 0 : index
        %get3A_413 = tpu.vector_load %arg8[%get3A_411, %get3A_412] {strides = array<i32>} : memref<800x16xf32, #tpu.memory_space<vmem>>, vector<16xf32>,
        %bitcast3A_414 = vector.bitcast %get3A_413 : vector<16xf32> to vector<32xbf16>
        %unpack3A_415 = tpu.unpack_subelements %bitcast3A_414, 0 {pack_format = #tpu.pack_format<interleaved>} : vector<32xbf16> -> vector<16xf32>
        %unpack3A_416 = tpu.unpack_subelements %bitcast3A_414, 1 {pack_format = #tpu.pack_format<interleaved>} : vector<32xbf16> -> vector<16xf32>
        %mul3A_417 = arith.constant 32 : i32
        %mul3A_418 = arith.muli %scan3A_269, %mul3A_417 : i32
        %add3A_419 = arith.constant 15 : i32
        %add3A_420 = arith.addi %mul3A_418, %add3A_419 : i32
        %get3A_421 = arith.index_cast %add3A_420 : i32 to index
        %get3A_422 = arith.constant 0 : index
        %get3A_423 = tpu.vector_load %arg8[%get3A_421, %get3A_422] {strides = array<i32>} : memref<800x16xf32, #tpu.memory_space<vmem>>, vector<16xf32>,
        %bitcast3A_424 = vector.bitcast %get3A_423 : vector<16xf32> to vector<32xbf16>
        %unpack3A_425 = tpu.unpack_subelements %bitcast3A_424, 0 {pack_format = #tpu.pack_format<interleaved>} : vector<32xbf16> -> vector<16xf32>
        %unpack3A_426 = tpu.unpack_subelements %bitcast3A_424, 1 {pack_format = #tpu.pack_format<interleaved>} : vector<32xbf16> -> vector<16xf32>
        %mul3A_427 = arith.constant 32 : i32
        %mul3A_428 = arith.muli %scan3A_269, %mul3A_427 : i32
        %add3A_429 = arith.constant 16 : i32
        %add3A_430 = arith.addi %mul3A_428, %add3A_429 : i32
        %get3A_431 = arith.index_cast %add3A_430 : i32 to index
        %get3A_432 = arith.constant 0 : index
        %get3A_433 = tpu.vector_load %arg8[%get3A_431, %get3A_432] {strides = array<i32>} : memref<800x16xf32, #tpu.memory_space<vmem>>, vector<16xf32>,
        %bitcast3A_434 = vector.bitcast %get3A_433 : vector<16xf32> to vector<32xbf16>
        %unpack3A_435 = tpu.unpack_subelements %bitcast3A_434, 0 {pack_format = #tpu.pack_format<interleaved>} : vector<32xbf16> -> vector<16xf32>
        %unpack3A_436 = tpu.unpack_subelements %bitcast3A_434, 1 {pack_format = #tpu.pack_format<interleaved>} : vector<32xbf16> -> vector<16xf32>
        %mul3A_437 = arith.constant 32 : i32
        %mul3A_438 = arith.muli %scan3A_269, %mul3A_437 : i32
        %add3A_439 = arith.constant 17 : i32
        %add3A_440 = arith.addi %mul3A_438, %add3A_439 : i32
        %get3A_441 = arith.index_cast %add3A_440 : i32 to index
        %get3A_442 = arith.constant 0 : index
        %get3A_443 = tpu.vector_load %arg8[%get3A_441, %get3A_442] {strides = array<i32>} : memref<800x16xf32, #tpu.memory_space<vmem>>, vector<16xf32>,
        %bitcast3A_444 = vector.bitcast %get3A_443 : vector<16xf32> to vector<32xbf16>
        %unpack3A_445 = tpu.unpack_subelements %bitcast3A_444, 0 {pack_format = #tpu.pack_format<interleaved>} : vector<32xbf16> -> vector<16xf32>
        %unpack3A_446 = tpu.unpack_subelements %bitcast3A_444, 1 {pack_format = #tpu.pack_format<interleaved>} : vector<32xbf16> -> vector<16xf32>
        %mul3A_447 = arith.constant 32 : i32
        %mul3A_448 = arith.muli %scan3A_269, %mul3A_447 : i32
        %add3A_449 = arith.constant 18 : i32
        %add3A_450 = arith.addi %mul3A_448, %add3A_449 : i32
        %get3A_451 = arith.index_cast %add3A_450 : i32 to index
        %get3A_452 = arith.constant 0 : index
        %get3A_453 = tpu.vector_load %arg8[%get3A_451, %get3A_452] {strides = array<i32>} : memref<800x16xf32, #tpu.memory_space<vmem>>, vector<16xf32>,
        %bitcast3A_454 = vector.bitcast %get3A_453 : vector<16xf32> to vector<32xbf16>
        %unpack3A_455 = tpu.unpack_subelements %bitcast3A_454, 0 {pack_format = #tpu.pack_format<interleaved>} : vector<32xbf16> -> vector<16xf32>
        %unpack3A_456 = tpu.unpack_subelements %bitcast3A_454, 1 {pack_format = #tpu.pack_format<interleaved>} : vector<32xbf16> -> vector<16xf32>
        %mul3A_457 = arith.constant 32 : i32
        %mul3A_458 = arith.muli %scan3A_269, %mul3A_457 : i32
        %add3A_459 = arith.constant 19 : i32
        %add3A_460 = arith.addi %mul3A_458, %add3A_459 : i32
        %get3A_461 = arith.index_cast %add3A_460 : i32 to index
        %get3A_462 = arith.constant 0 : index
        %get3A_463 = tpu.vector_load %arg8[%get3A_461, %get3A_462] {strides = array<i32>} : memref<800x16xf32, #tpu.memory_space<vmem>>, vector<16xf32>,
        %bitcast3A_464 = vector.bitcast %get3A_463 : vector<16xf32> to vector<32xbf16>
        %unpack3A_465 = tpu.unpack_subelements %bitcast3A_464, 0 {pack_format = #tpu.pack_format<interleaved>} : vector<32xbf16> -> vector<16xf32>
        %unpack3A_466 = tpu.unpack_subelements %bitcast3A_464, 1 {pack_format = #tpu.pack_format<interleaved>} : vector<32xbf16> -> vector<16xf32>
        %mul3A_467 = arith.constant 32 : i32
        %mul3A_468 = arith.muli %scan3A_269, %mul3A_467 : i32
        %add3A_469 = arith.constant 20 : i32
        %add3A_470 = arith.addi %mul3A_468, %add3A_469 : i32
        %get3A_471 = arith.index_cast %add3A_470 : i32 to index
        %get3A_472 = arith.constant 0 : index
        %get3A_473 = tpu.vector_load %arg8[%get3A_471, %get3A_472] {strides = array<i32>} : memref<800x16xf32, #tpu.memory_space<vmem>>, vector<16xf32>,
        %bitcast3A_474 = vector.bitcast %get3A_473 : vector<16xf32> to vector<32xbf16>
        %unpack3A_475 = tpu.unpack_subelements %bitcast3A_474, 0 {pack_format = #tpu.pack_format<interleaved>} : vector<32xbf16> -> vector<16xf32>
        %unpack3A_476 = tpu.unpack_subelements %bitcast3A_474, 1 {pack_format = #tpu.pack_format<interleaved>} : vector<32xbf16> -> vector<16xf32>
        %mul3A_477 = arith.constant 32 : i32
        %mul3A_478 = arith.muli %scan3A_269, %mul3A_477 : i32
        %add3A_479 = arith.constant 21 : i32
        %add3A_480 = arith.addi %mul3A_478, %add3A_479 : i32
        %get3A_481 = arith.index_cast %add3A_480 : i32 to index
        %get3A_482 = arith.constant 0 : index
        %get3A_483 = tpu.vector_load %arg8[%get3A_481, %get3A_482] {strides = array<i32>} : memref<800x16xf32, #tpu.memory_space<vmem>>, vector<16xf32>,
        %bitcast3A_484 = vector.bitcast %get3A_483 : vector<16xf32> to vector<32xbf16>
        %unpack3A_485 = tpu.unpack_subelements %bitcast3A_484, 0 {pack_format = #tpu.pack_format<interleaved>} : vector<32xbf16> -> vector<16xf32>
        %unpack3A_486 = tpu.unpack_subelements %bitcast3A_484, 1 {pack_format = #tpu.pack_format<interleaved>} : vector<32xbf16> -> vector<16xf32>
        %mul3A_487 = arith.constant 32 : i32
        %mul3A_488 = arith.muli %scan3A_269, %mul3A_487 : i32
        %add3A_489 = arith.constant 22 : i32
        %add3A_490 = arith.addi %mul3A_488, %add3A_489 : i32
        %get3A_491 = arith.index_cast %add3A_490 : i32 to index
        %get3A_492 = arith.constant 0 : index
        %get3A_493 = tpu.vector_load %arg8[%get3A_491, %get3A_492] {strides = array<i32>} : memref<800x16xf32, #tpu.memory_space<vmem>>, vector<16xf32>,
        %bitcast3A_494 = vector.bitcast %get3A_493 : vector<16xf32> to vector<32xbf16>
        %unpack3A_495 = tpu.unpack_subelements %bitcast3A_494, 0 {pack_format = #tpu.pack_format<interleaved>} : vector<32xbf16> -> vector<16xf32>
        %unpack3A_496 = tpu.unpack_subelements %bitcast3A_494, 1 {pack_format = #tpu.pack_format<interleaved>} : vector<32xbf16> -> vector<16xf32>
        %mul3A_497 = arith.constant 32 : i32
        %mul3A_498 = arith.muli %scan3A_269, %mul3A_497 : i32
        %add3A_499 = arith.constant 23 : i32
        %add3A_500 = arith.addi %mul3A_498, %add3A_499 : i32
        %get3A_501 = arith.index_cast %add3A_500 : i32 to index
        %get3A_502 = arith.constant 0 : index
        %get3A_503 = tpu.vector_load %arg8[%get3A_501, %get3A_502] {strides = array<i32>} : memref<800x16xf32, #tpu.memory_space<vmem>>, vector<16xf32>,
        %bitcast3A_504 = vector.bitcast %get3A_503 : vector<16xf32> to vector<32xbf16>
        %unpack3A_505 = tpu.unpack_subelements %bitcast3A_504, 0 {pack_format = #tpu.pack_format<interleaved>} : vector<32xbf16> -> vector<16xf32>
        %unpack3A_506 = tpu.unpack_subelements %bitcast3A_504, 1 {pack_format = #tpu.pack_format<interleaved>} : vector<32xbf16> -> vector<16xf32>
        %mul3A_507 = arith.constant 32 : i32
        %mul3A_508 = arith.muli %scan3A_269, %mul3A_507 : i32
        %add3A_509 = arith.constant 24 : i32
        %add3A_510 = arith.addi %mul3A_508, %add3A_509 : i32
        %get3A_511 = arith.index_cast %add3A_510 : i32 to index
        %get3A_512 = arith.constant 0 : index
        %get3A_513 = tpu.vector_load %arg8[%get3A_511, %get3A_512] {strides = array<i32>} : memref<800x16xf32, #tpu.memory_space<vmem>>, vector<16xf32>,
        %bitcast3A_514 = vector.bitcast %get3A_513 : vector<16xf32> to vector<32xbf16>
        %unpack3A_515 = tpu.unpack_subelements %bitcast3A_514, 0 {pack_format = #tpu.pack_format<interleaved>} : vector<32xbf16> -> vector<16xf32>
        %unpack3A_516 = tpu.unpack_subelements %bitcast3A_514, 1 {pack_format = #tpu.pack_format<interleaved>} : vector<32xbf16> -> vector<16xf32>
        %mul3A_517 = arith.constant 32 : i32
        %mul3A_518 = arith.muli %scan3A_269, %mul3A_517 : i32
        %add3A_519 = arith.constant 25 : i32
        %add3A_520 = arith.addi %mul3A_518, %add3A_519 : i32
        %get3A_521 = arith.index_cast %add3A_520 : i32 to index
        %get3A_522 = arith.constant 0 : index
        %get3A_523 = tpu.vector_load %arg8[%get3A_521, %get3A_522] {strides = array<i32>} : memref<800x16xf32, #tpu.memory_space<vmem>>, vector<16xf32>,
        %bitcast3A_524 = vector.bitcast %get3A_523 : vector<16xf32> to vector<32xbf16>
        %unpack3A_525 = tpu.unpack_subelements %bitcast3A_524, 0 {pack_format = #tpu.pack_format<interleaved>} : vector<32xbf16> -> vector<16xf32>
        %unpack3A_526 = tpu.unpack_subelements %bitcast3A_524, 1 {pack_format = #tpu.pack_format<interleaved>} : vector<32xbf16> -> vector<16xf32>
        %mul3A_527 = arith.constant 32 : i32
        %mul3A_528 = arith.muli %scan3A_269, %mul3A_527 : i32
        %add3A_529 = arith.constant 26 : i32
        %add3A_530 = arith.addi %mul3A_528, %add3A_529 : i32
        %get3A_531 = arith.index_cast %add3A_530 : i32 to index
        %get3A_532 = arith.constant 0 : index
        %get3A_533 = tpu.vector_load %arg8[%get3A_531, %get3A_532] {strides = array<i32>} : memref<800x16xf32, #tpu.memory_space<vmem>>, vector<16xf32>,
        %bitcast3A_534 = vector.bitcast %get3A_533 : vector<16xf32> to vector<32xbf16>
        %unpack3A_535 = tpu.unpack_subelements %bitcast3A_534, 0 {pack_format = #tpu.pack_format<interleaved>} : vector<32xbf16> -> vector<16xf32>
        %unpack3A_536 = tpu.unpack_subelements %bitcast3A_534, 1 {pack_format = #tpu.pack_format<interleaved>} : vector<32xbf16> -> vector<16xf32>
        %mul3A_537 = arith.constant 32 : i32
        %mul3A_538 = arith.muli %scan3A_269, %mul3A_537 : i32
        %add3A_539 = arith.constant 27 : i32
        %add3A_540 = arith.addi %mul3A_538, %add3A_539 : i32
        %get3A_541 = arith.index_cast %add3A_540 : i32 to index
        %get3A_542 = arith.constant 0 : index
        %get3A_543 = tpu.vector_load %arg8[%get3A_541, %get3A_542] {strides = array<i32>} : memref<800x16xf32, #tpu.memory_space<vmem>>, vector<16xf32>,
        %bitcast3A_544 = vector.bitcast %get3A_543 : vector<16xf32> to vector<32xbf16>
        %unpack3A_545 = tpu.unpack_subelements %bitcast3A_544, 0 {pack_format = #tpu.pack_format<interleaved>} : vector<32xbf16> -> vector<16xf32>
        %unpack3A_546 = tpu.unpack_subelements %bitcast3A_544, 1 {pack_format = #tpu.pack_format<interleaved>} : vector<32xbf16> -> vector<16xf32>
        %mul3A_547 = arith.constant 32 : i32
        %mul3A_548 = arith.muli %scan3A_269, %mul3A_547 : i32
        %add3A_549 = arith.constant 28 : i32
        %add3A_550 = arith.addi %mul3A_548, %add3A_549 : i32
        %get3A_551 = arith.index_cast %add3A_550 : i32 to index
        %get3A_552 = arith.constant 0 : index
        %get3A_553 = tpu.vector_load %arg8[%get3A_551, %get3A_552] {strides = array<i32>} : memref<800x16xf32, #tpu.memory_space<vmem>>, vector<16xf32>,
        %bitcast3A_554 = vector.bitcast %get3A_553 : vector<16xf32> to vector<32xbf16>
        %unpack3A_555 = tpu.unpack_subelements %bitcast3A_554, 0 {pack_format = #tpu.pack_format<interleaved>} : vector<32xbf16> -> vector<16xf32>
        %unpack3A_556 = tpu.unpack_subelements %bitcast3A_554, 1 {pack_format = #tpu.pack_format<interleaved>} : vector<32xbf16> -> vector<16xf32>
        %mul3A_557 = arith.constant 32 : i32
        %mul3A_558 = arith.muli %scan3A_269, %mul3A_557 : i32
        %add3A_559 = arith.constant 29 : i32
        %add3A_560 = arith.addi %mul3A_558, %add3A_559 : i32
        %get3A_561 = arith.index_cast %add3A_560 : i32 to index
        %get3A_562 = arith.constant 0 : index
        %get3A_563 = tpu.vector_load %arg8[%get3A_561, %get3A_562] {strides = array<i32>} : memref<800x16xf32, #tpu.memory_space<vmem>>, vector<16xf32>,
        %bitcast3A_564 = vector.bitcast %get3A_563 : vector<16xf32> to vector<32xbf16>
        %unpack3A_565 = tpu.unpack_subelements %bitcast3A_564, 0 {pack_format = #tpu.pack_format<interleaved>} : vector<32xbf16> -> vector<16xf32>
        %unpack3A_566 = tpu.unpack_subelements %bitcast3A_564, 1 {pack_format = #tpu.pack_format<interleaved>} : vector<32xbf16> -> vector<16xf32>
        %mul3A_567 = arith.constant 32 : i32
        %mul3A_568 = arith.muli %scan3A_269, %mul3A_567 : i32
        %add3A_569 = arith.constant 30 : i32
        %add3A_570 = arith.addi %mul3A_568, %add3A_569 : i32
        %get3A_571 = arith.index_cast %add3A_570 : i32 to index
        %get3A_572 = arith.constant 0 : index
        %get3A_573 = tpu.vector_load %arg8[%get3A_571, %get3A_572] {strides = array<i32>} : memref<800x16xf32, #tpu.memory_space<vmem>>, vector<16xf32>,
        %bitcast3A_574 = vector.bitcast %get3A_573 : vector<16xf32> to vector<32xbf16>
        %unpack3A_575 = tpu.unpack_subelements %bitcast3A_574, 0 {pack_format = #tpu.pack_format<interleaved>} : vector<32xbf16> -> vector<16xf32>
        %unpack3A_576 = tpu.unpack_subelements %bitcast3A_574, 1 {pack_format = #tpu.pack_format<interleaved>} : vector<32xbf16> -> vector<16xf32>
        %mul3A_577 = arith.constant 32 : i32
        %mul3A_578 = arith.muli %scan3A_269, %mul3A_577 : i32
        %add3A_579 = arith.constant 31 : i32
        %add3A_580 = arith.addi %mul3A_578, %add3A_579 : i32
        %get3A_581 = arith.index_cast %add3A_580 : i32 to index
        %get3A_582 = arith.constant 0 : index
        %get3A_583 = tpu.vector_load %arg8[%get3A_581, %get3A_582] {strides = array<i32>} : memref<800x16xf32, #tpu.memory_space<vmem>>, vector<16xf32>,
        %bitcast3A_584 = vector.bitcast %get3A_583 : vector<16xf32> to vector<32xbf16>
        %unpack3A_585 = tpu.unpack_subelements %bitcast3A_584, 0 {pack_format = #tpu.pack_format<interleaved>} : vector<32xbf16> -> vector<16xf32>
        %unpack3A_586 = tpu.unpack_subelements %bitcast3A_584, 1 {pack_format = #tpu.pack_format<interleaved>} : vector<32xbf16> -> vector<16xf32>
        %add3A_587 = arith.addf %unpack3A, %unpack3A_285 : vector<16xf32>
        %add3A_588 = arith.addf %unpack3A_295, %unpack3A_305 : vector<16xf32>
        %add3A_589 = arith.addf %unpack3A_315, %unpack3A_325 : vector<16xf32>
        %add3A_590 = arith.addf %unpack3A_335, %unpack3A_345 : vector<16xf32>
        %add3A_591 = arith.addf %unpack3A_355, %unpack3A_365 : vector<16xf32>
        %add3A_592 = arith.addf %unpack3A_375, %unpack3A_385 : vector<16xf32>
        %add3A_593 = arith.addf %unpack3A_395, %unpack3A_405 : vector<16xf32>
        %add3A_594 = arith.addf %unpack3A_415, %unpack3A_425 : vector<16xf32>
        %add3A_595 = arith.addf %unpack3A_435, %unpack3A_445 : vector<16xf32>
        %add3A_596 = arith.addf %unpack3A_455, %unpack3A_465 : vector<16xf32>
        %add3A_597 = arith.addf %unpack3A_475, %unpack3A_485 : vector<16xf32>
        %add3A_598 = arith.addf %unpack3A_495, %unpack3A_505 : vector<16xf32>
        %add3A_599 = arith.addf %unpack3A_515, %unpack3A_525 : vector<16xf32>
        %add3A_600 = arith.addf %unpack3A_535, %unpack3A_545 : vector<16xf32>
        %add3A_601 = arith.addf %unpack3A_555, %unpack3A_565 : vector<16xf32>
        %add3A_602 = arith.addf %unpack3A_575, %unpack3A_585 : vector<16xf32>
        %add3A_603 = arith.addf %unpack3A_276, %unpack3A_286 : vector<16xf32>
        %add3A_604 = arith.addf %unpack3A_296, %unpack3A_306 : vector<16xf32>
        %add3A_605 = arith.addf %unpack3A_316, %unpack3A_326 : vector<16xf32>
        %add3A_606 = arith.addf %unpack3A_336, %unpack3A_346 : vector<16xf32>
        %add3A_607 = arith.addf %unpack3A_356, %unpack3A_366 : vector<16xf32>
        %add3A_608 = arith.addf %unpack3A_376, %unpack3A_386 : vector<16xf32>
        %add3A_609 = arith.addf %unpack3A_396, %unpack3A_406 : vector<16xf32>
        %add3A_610 = arith.addf %unpack3A_416, %unpack3A_426 : vector<16xf32>
        %add3A_611 = arith.addf %unpack3A_436, %unpack3A_446 : vector<16xf32>
        %add3A_612 = arith.addf %unpack3A_456, %unpack3A_466 : vector<16xf32>
        %add3A_613 = arith.addf %unpack3A_476, %unpack3A_486 : vector<16xf32>
        %add3A_614 = arith.addf %unpack3A_496, %unpack3A_506 : vector<16xf32>
        %add3A_615 = arith.addf %unpack3A_516, %unpack3A_526 : vector<16xf32>
        %add3A_616 = arith.addf %unpack3A_536, %unpack3A_546 : vector<16xf32>
        %add3A_617 = arith.addf %unpack3A_556, %unpack3A_566 : vector<16xf32>
        %add3A_618 = arith.addf %unpack3A_576, %unpack3A_586 : vector<16xf32>
        %add3A_619 = arith.addf %add3A_587, %add3A_588 : vector<16xf32>
        %add3A_620 = arith.addf %add3A_589, %add3A_590 : vector<16xf32>
        %add3A_621 = arith.addf %add3A_591, %add3A_592 : vector<16xf32>
        %add3A_622 = arith.addf %add3A_593, %add3A_594 : vector<16xf32>
        %add3A_623 = arith.addf %add3A_595, %add3A_596 : vector<16xf32>
        %add3A_624 = arith.addf %add3A_597, %add3A_598 : vector<16xf32>
        %add3A_625 = arith.addf %add3A_599, %add3A_600 : vector<16xf32>
        %add3A_626 = arith.addf %add3A_601, %add3A_602 : vector<16xf32>
        %add3A_627 = arith.addf %add3A_603, %add3A_604 : vector<16xf32>
        %add3A_628 = arith.addf %add3A_605, %add3A_606 : vector<16xf32>
        %add3A_629 = arith.addf %add3A_607, %add3A_608 : vector<16xf32>
        %add3A_630 = arith.addf %add3A_609, %add3A_610 : vector<16xf32>
        %add3A_631 = arith.addf %add3A_611, %add3A_612 : vector<16xf32>
        %add3A_632 = arith.addf %add3A_613, %add3A_614 : vector<16xf32>
        %add3A_633 = arith.addf %add3A_615, %add3A_616 : vector<16xf32>
        %add3A_634 = arith.addf %add3A_617, %add3A_618 : vector<16xf32>
        %add3A_635 = arith.addf %add3A_619, %add3A_620 : vector<16xf32>
        %add3A_636 = arith.addf %add3A_621, %add3A_622 : vector<16xf32>
        %add3A_637 = arith.addf %add3A_623, %add3A_624 : vector<16xf32>
        %add3A_638 = arith.addf %add3A_625, %add3A_626 : vector<16xf32>
        %add3A_639 = arith.addf %add3A_627, %add3A_628 : vector<16xf32>
        %add3A_640 = arith.addf %add3A_629, %add3A_630 : vector<16xf32>
        %add3A_641 = arith.addf %add3A_631, %add3A_632 : vector<16xf32>
        %add3A_642 = arith.addf %add3A_633, %add3A_634 : vector<16xf32>
        %add3A_643 = arith.addf %add3A_635, %add3A_636 : vector<16xf32>
        %add3A_644 = arith.addf %add3A_637, %add3A_638 : vector<16xf32>
        %add3A_645 = arith.addf %add3A_639, %add3A_640 : vector<16xf32>
        %add3A_646 = arith.addf %add3A_641, %add3A_642 : vector<16xf32>
        %add3A_647 = arith.addf %add3A_643, %add3A_644 : vector<16xf32>
        %add3A_648 = arith.addf %add3A_645, %add3A_646 : vector<16xf32>
        %mul3A_649 = arith.constant 3.125000e-02 : f32
        %mul3A_650 = vector.broadcast %mul3A_649 : f32 to vector<16xf32>
        %mul3A_651 = arith.mulf %add3A_647, %mul3A_650 : vector<16xf32>
        %mul3A_652 = arith.constant 3.125000e-02 : f32
        %mul3A_653 = vector.broadcast %mul3A_652 : f32 to vector<16xf32>
        %mul3A_654 = arith.mulf %add3A_648, %mul3A_653 : vector<16xf32>
        %pack3A = tpu.pack_subelements %mul3A_651, %mul3A_654 {pack_format = #tpu.pack_format<interleaved>, positions = array<i32: 0, 1>} : vector<16xf32>, vector<16xf32> -> vector<32xbf16>
        %bitcast3A_655 = vector.bitcast %pack3A : vector<32xbf16> to vector<16xf32>
        %mul3A_656 = arith.constant 16 : i32
        %mul3A_657 = arith.muli %scan3A_269, %mul3A_656 : i32
        %swap3A = arith.index_cast %mul3A_657 : i32 to index
        %swap3A_658 = tpu.vector_load %arg10[%swap3A] {strides = array<i32>} : memref<400xf32, #tpu.memory_space<vmem>>, vector<16xf32>,
        tpu.vector_store %arg10[%swap3A], %bitcast3A_655 {strides = array<i32>} : memref<400xf32, #tpu.memory_space<vmem>>, vector<16xf32>,
      }
      %scan3A_260 = arith.constant 25 : i32
      %mul3A_261 = arith.constant 16 : i32
      %mul3A_262 = arith.muli %add3A_248, %mul3A_261 : i32
      %dma_start3A_263 = tpu.memref_slice %arg4[%mul3A_262] : memref<320000xf32, #tpu.memory_space<hbm>> -> memref<400xf32, #tpu.memory_space<hbm>>
      %dma_start3A_264 = tpu.memref_slice %arg4[%mul3A_262] : memref<320000xf32, #tpu.memory_space<hbm>> -> memref<400xf32, #tpu.memory_space<hbm>>
      tpu.enqueue_dma source(%arg10 : memref<400xf32, #tpu.memory_space<vmem>>) target(%dma_start3A_264 : memref<400xf32, #tpu.memory_space<hbm>>) target_semaphore(%arg16 : memref<!tpu.dma_semaphore, #tpu.memory_space<semaphore_mem>>)
      %dma_wait3A_265 = arith.constant 0 : i32
      %dma_wait3A_266 = tpu.memref_slice %arg4[%dma_wait3A_265] : memref<320000xf32, #tpu.memory_space<hbm>> -> memref<400xf32, #tpu.memory_space<hbm>>
      %dma_wait3A_267 = arith.constant 0 : i32
      %dma_wait3A_268 = tpu.memref_slice %arg4[%dma_wait3A_267] : memref<320000xf32, #tpu.memory_space<hbm>> -> memref<400xf32, #tpu.memory_space<hbm>>
      tpu.wait_dma2 semaphore(%arg16 : memref<!tpu.dma_semaphore, #tpu.memory_space<semaphore_mem>>) src(%arg10 : memref<400xf32, #tpu.memory_space<vmem>>) dst(%dma_wait3A_268 : memref<400xf32, #tpu.memory_space<hbm>>)
    }
    %scan3A_66 = arith.constant 12 : i32
    %add3A_67 = arith.constant 19200 : i32
    %add3A_68 = arith.addi %mul3A_4, %add3A_67 : i32
    %add3A_69 = arith.constant 600 : i32
    %add3A_70 = arith.addi %mul3A_2, %add3A_69 : i32
    %dma_wait3A = arith.constant 0 : i32
    %dma_wait3A_71 = arith.constant 0 : i32
    %dma_wait3A_72 = tpu.memref_slice %arg3[%dma_wait3A, %dma_wait3A_71] : memref<20000x16xf32, #tpu.memory_space<hbm>> -> memref<800x16xf32, #tpu.memory_space<hbm>>
    %dma_wait3A_73 = arith.constant 0 : i32
    %dma_wait3A_74 = arith.constant 0 : i32
    %dma_wait3A_75 = tpu.memref_slice %arg3[%dma_wait3A_73, %dma_wait3A_74] : memref<20000x16xf32, #tpu.memory_space<hbm>> -> memref<800x16xf32, #tpu.memory_space<hbm>>
    tpu.wait_dma2 semaphore(%arg11 : memref<!tpu.dma_semaphore, #tpu.memory_space<semaphore_mem>>) src(%dma_wait3A_75 : memref<800x16xf32, #tpu.memory_space<hbm>>) dst(%arg7 : memref<800x16xf32, #tpu.memory_space<vmem>>)
    %scan3A_76 = arith.constant 0 : i32
    %scan3A_77 = arith.constant 0 : i32
    %scan3A_78 = arith.constant 25 : i32
    %scan3A_79 = arith.addi %scan3A_77, %scan3A_78 : i32
    %scan3A_80 = arith.constant 1 : i32
    scf.for %scan3A_90 = %scan3A_77 to %scan3A_79 step %scan3A_80  : i32 {
      %mul3A_91 = arith.constant 32 : i32
      %mul3A_92 = arith.muli %scan3A_90, %mul3A_91 : i32
      %add3A_93 = arith.constant 0 : i32
      %add3A_94 = arith.addi %mul3A_92, %add3A_93 : i32
      %get3A = arith.index_cast %add3A_94 : i32 to index
      %get3A_95 = arith.constant 0 : index
      %get3A_96 = tpu.vector_load %arg7[%get3A, %get3A_95] {strides = array<i32>} : memref<800x16xf32, #tpu.memory_space<vmem>>, vector<16xf32>,
      %bitcast3A = vector.bitcast %get3A_96 : vector<16xf32> to vector<32xbf16>
      %unpack3A = tpu.unpack_subelements %bitcast3A, 0 {pack_format = #tpu.pack_format<interleaved>} : vector<32xbf16> -> vector<16xf32>
      %unpack3A_97 = tpu.unpack_subelements %bitcast3A, 1 {pack_format = #tpu.pack_format<interleaved>} : vector<32xbf16> -> vector<16xf32>
      %mul3A_98 = arith.constant 32 : i32
      %mul3A_99 = arith.muli %scan3A_90, %mul3A_98 : i32
      %add3A_100 = arith.constant 1 : i32
      %add3A_101 = arith.addi %mul3A_99, %add3A_100 : i32
      %get3A_102 = arith.index_cast %add3A_101 : i32 to index
      %get3A_103 = arith.constant 0 : index
      %get3A_104 = tpu.vector_load %arg7[%get3A_102, %get3A_103] {strides = array<i32>} : memref<800x16xf32, #tpu.memory_space<vmem>>, vector<16xf32>,
      %bitcast3A_105 = vector.bitcast %get3A_104 : vector<16xf32> to vector<32xbf16>
      %unpack3A_106 = tpu.unpack_subelements %bitcast3A_105, 0 {pack_format = #tpu.pack_format<interleaved>} : vector<32xbf16> -> vector<16xf32>
      %unpack3A_107 = tpu.unpack_subelements %bitcast3A_105, 1 {pack_format = #tpu.pack_format<interleaved>} : vector<32xbf16> -> vector<16xf32>
      %mul3A_108 = arith.constant 32 : i32
      %mul3A_109 = arith.muli %scan3A_90, %mul3A_108 : i32
      %add3A_110 = arith.constant 2 : i32
      %add3A_111 = arith.addi %mul3A_109, %add3A_110 : i32
      %get3A_112 = arith.index_cast %add3A_111 : i32 to index
      %get3A_113 = arith.constant 0 : index
      %get3A_114 = tpu.vector_load %arg7[%get3A_112, %get3A_113] {strides = array<i32>} : memref<800x16xf32, #tpu.memory_space<vmem>>, vector<16xf32>,
      %bitcast3A_115 = vector.bitcast %get3A_114 : vector<16xf32> to vector<32xbf16>
      %unpack3A_116 = tpu.unpack_subelements %bitcast3A_115, 0 {pack_format = #tpu.pack_format<interleaved>} : vector<32xbf16> -> vector<16xf32>
      %unpack3A_117 = tpu.unpack_subelements %bitcast3A_115, 1 {pack_format = #tpu.pack_format<interleaved>} : vector<32xbf16> -> vector<16xf32>
      %mul3A_118 = arith.constant 32 : i32
      %mul3A_119 = arith.muli %scan3A_90, %mul3A_118 : i32
      %add3A_120 = arith.constant 3 : i32
      %add3A_121 = arith.addi %mul3A_119, %add3A_120 : i32
      %get3A_122 = arith.index_cast %add3A_121 : i32 to index
      %get3A_123 = arith.constant 0 : index
      %get3A_124 = tpu.vector_load %arg7[%get3A_122, %get3A_123] {strides = array<i32>} : memref<800x16xf32, #tpu.memory_space<vmem>>, vector<16xf32>,
      %bitcast3A_125 = vector.bitcast %get3A_124 : vector<16xf32> to vector<32xbf16>
      %unpack3A_126 = tpu.unpack_subelements %bitcast3A_125, 0 {pack_format = #tpu.pack_format<interleaved>} : vector<32xbf16> -> vector<16xf32>
      %unpack3A_127 = tpu.unpack_subelements %bitcast3A_125, 1 {pack_format = #tpu.pack_format<interleaved>} : vector<32xbf16> -> vector<16xf32>
      %mul3A_128 = arith.constant 32 : i32
      %mul3A_129 = arith.muli %scan3A_90, %mul3A_128 : i32
      %add3A_130 = arith.constant 4 : i32
      %add3A_131 = arith.addi %mul3A_129, %add3A_130 : i32
      %get3A_132 = arith.index_cast %add3A_131 : i32 to index
      %get3A_133 = arith.constant 0 : index
      %get3A_134 = tpu.vector_load %arg7[%get3A_132, %get3A_133] {strides = array<i32>} : memref<800x16xf32, #tpu.memory_space<vmem>>, vector<16xf32>,
      %bitcast3A_135 = vector.bitcast %get3A_134 : vector<16xf32> to vector<32xbf16>
      %unpack3A_136 = tpu.unpack_subelements %bitcast3A_135, 0 {pack_format = #tpu.pack_format<interleaved>} : vector<32xbf16> -> vector<16xf32>
      %unpack3A_137 = tpu.unpack_subelements %bitcast3A_135, 1 {pack_format = #tpu.pack_format<interleaved>} : vector<32xbf16> -> vector<16xf32>
      %mul3A_138 = arith.constant 32 : i32
      %mul3A_139 = arith.muli %scan3A_90, %mul3A_138 : i32
      %add3A_140 = arith.constant 5 : i32
      %add3A_141 = arith.addi %mul3A_139, %add3A_140 : i32
      %get3A_142 = arith.index_cast %add3A_141 : i32 to index
      %get3A_143 = arith.constant 0 : index
      %get3A_144 = tpu.vector_load %arg7[%get3A_142, %get3A_143] {strides = array<i32>} : memref<800x16xf32, #tpu.memory_space<vmem>>, vector<16xf32>,
      %bitcast3A_145 = vector.bitcast %get3A_144 : vector<16xf32> to vector<32xbf16>
      %unpack3A_146 = tpu.unpack_subelements %bitcast3A_145, 0 {pack_format = #tpu.pack_format<interleaved>} : vector<32xbf16> -> vector<16xf32>
      %unpack3A_147 = tpu.unpack_subelements %bitcast3A_145, 1 {pack_format = #tpu.pack_format<interleaved>} : vector<32xbf16> -> vector<16xf32>
      %mul3A_148 = arith.constant 32 : i32
      %mul3A_149 = arith.muli %scan3A_90, %mul3A_148 : i32
      %add3A_150 = arith.constant 6 : i32
      %add3A_151 = arith.addi %mul3A_149, %add3A_150 : i32
      %get3A_152 = arith.index_cast %add3A_151 : i32 to index
      %get3A_153 = arith.constant 0 : index
      %get3A_154 = tpu.vector_load %arg7[%get3A_152, %get3A_153] {strides = array<i32>} : memref<800x16xf32, #tpu.memory_space<vmem>>, vector<16xf32>,
      %bitcast3A_155 = vector.bitcast %get3A_154 : vector<16xf32> to vector<32xbf16>
      %unpack3A_156 = tpu.unpack_subelements %bitcast3A_155, 0 {pack_format = #tpu.pack_format<interleaved>} : vector<32xbf16> -> vector<16xf32>
      %unpack3A_157 = tpu.unpack_subelements %bitcast3A_155, 1 {pack_format = #tpu.pack_format<interleaved>} : vector<32xbf16> -> vector<16xf32>
      %mul3A_158 = arith.constant 32 : i32
      %mul3A_159 = arith.muli %scan3A_90, %mul3A_158 : i32
      %add3A_160 = arith.constant 7 : i32
      %add3A_161 = arith.addi %mul3A_159, %add3A_160 : i32
      %get3A_162 = arith.index_cast %add3A_161 : i32 to index
      %get3A_163 = arith.constant 0 : index
      %get3A_164 = tpu.vector_load %arg7[%get3A_162, %get3A_163] {strides = array<i32>} : memref<800x16xf32, #tpu.memory_space<vmem>>, vector<16xf32>,
      %bitcast3A_165 = vector.bitcast %get3A_164 : vector<16xf32> to vector<32xbf16>
      %unpack3A_166 = tpu.unpack_subelements %bitcast3A_165, 0 {pack_format = #tpu.pack_format<interleaved>} : vector<32xbf16> -> vector<16xf32>
      %unpack3A_167 = tpu.unpack_subelements %bitcast3A_165, 1 {pack_format = #tpu.pack_format<interleaved>} : vector<32xbf16> -> vector<16xf32>
      %mul3A_168 = arith.constant 32 : i32
      %mul3A_169 = arith.muli %scan3A_90, %mul3A_168 : i32
      %add3A_170 = arith.constant 8 : i32
      %add3A_171 = arith.addi %mul3A_169, %add3A_170 : i32
      %get3A_172 = arith.index_cast %add3A_171 : i32 to index
      %get3A_173 = arith.constant 0 : index
      %get3A_174 = tpu.vector_load %arg7[%get3A_172, %get3A_173] {strides = array<i32>} : memref<800x16xf32, #tpu.memory_space<vmem>>, vector<16xf32>,
      %bitcast3A_175 = vector.bitcast %get3A_174 : vector<16xf32> to vector<32xbf16>
      %unpack3A_176 = tpu.unpack_subelements %bitcast3A_175, 0 {pack_format = #tpu.pack_format<interleaved>} : vector<32xbf16> -> vector<16xf32>
      %unpack3A_177 = tpu.unpack_subelements %bitcast3A_175, 1 {pack_format = #tpu.pack_format<interleaved>} : vector<32xbf16> -> vector<16xf32>
      %mul3A_178 = arith.constant 32 : i32
      %mul3A_179 = arith.muli %scan3A_90, %mul3A_178 : i32
      %add3A_180 = arith.constant 9 : i32
      %add3A_181 = arith.addi %mul3A_179, %add3A_180 : i32
      %get3A_182 = arith.index_cast %add3A_181 : i32 to index
      %get3A_183 = arith.constant 0 : index
      %get3A_184 = tpu.vector_load %arg7[%get3A_182, %get3A_183] {strides = array<i32>} : memref<800x16xf32, #tpu.memory_space<vmem>>, vector<16xf32>,
      %bitcast3A_185 = vector.bitcast %get3A_184 : vector<16xf32> to vector<32xbf16>
      %unpack3A_186 = tpu.unpack_subelements %bitcast3A_185, 0 {pack_format = #tpu.pack_format<interleaved>} : vector<32xbf16> -> vector<16xf32>
      %unpack3A_187 = tpu.unpack_subelements %bitcast3A_185, 1 {pack_format = #tpu.pack_format<interleaved>} : vector<32xbf16> -> vector<16xf32>
      %mul3A_188 = arith.constant 32 : i32
      %mul3A_189 = arith.muli %scan3A_90, %mul3A_188 : i32
      %add3A_190 = arith.constant 10 : i32
      %add3A_191 = arith.addi %mul3A_189, %add3A_190 : i32
      %get3A_192 = arith.index_cast %add3A_191 : i32 to index
      %get3A_193 = arith.constant 0 : index
      %get3A_194 = tpu.vector_load %arg7[%get3A_192, %get3A_193] {strides = array<i32>} : memref<800x16xf32, #tpu.memory_space<vmem>>, vector<16xf32>,
      %bitcast3A_195 = vector.bitcast %get3A_194 : vector<16xf32> to vector<32xbf16>
      %unpack3A_196 = tpu.unpack_subelements %bitcast3A_195, 0 {pack_format = #tpu.pack_format<interleaved>} : vector<32xbf16> -> vector<16xf32>
      %unpack3A_197 = tpu.unpack_subelements %bitcast3A_195, 1 {pack_format = #tpu.pack_format<interleaved>} : vector<32xbf16> -> vector<16xf32>
      %mul3A_198 = arith.constant 32 : i32
      %mul3A_199 = arith.muli %scan3A_90, %mul3A_198 : i32
      %add3A_200 = arith.constant 11 : i32
      %add3A_201 = arith.addi %mul3A_199, %add3A_200 : i32
      %get3A_202 = arith.index_cast %add3A_201 : i32 to index
      %get3A_203 = arith.constant 0 : index
      %get3A_204 = tpu.vector_load %arg7[%get3A_202, %get3A_203] {strides = array<i32>} : memref<800x16xf32, #tpu.memory_space<vmem>>, vector<16xf32>,
      %bitcast3A_205 = vector.bitcast %get3A_204 : vector<16xf32> to vector<32xbf16>
      %unpack3A_206 = tpu.unpack_subelements %bitcast3A_205, 0 {pack_format = #tpu.pack_format<interleaved>} : vector<32xbf16> -> vector<16xf32>
      %unpack3A_207 = tpu.unpack_subelements %bitcast3A_205, 1 {pack_format = #tpu.pack_format<interleaved>} : vector<32xbf16> -> vector<16xf32>
      %mul3A_208 = arith.constant 32 : i32
      %mul3A_209 = arith.muli %scan3A_90, %mul3A_208 : i32
      %add3A_210 = arith.constant 12 : i32
      %add3A_211 = arith.addi %mul3A_209, %add3A_210 : i32
      %get3A_212 = arith.index_cast %add3A_211 : i32 to index
      %get3A_213 = arith.constant 0 : index
      %get3A_214 = tpu.vector_load %arg7[%get3A_212, %get3A_213] {strides = array<i32>} : memref<800x16xf32, #tpu.memory_space<vmem>>, vector<16xf32>,
      %bitcast3A_215 = vector.bitcast %get3A_214 : vector<16xf32> to vector<32xbf16>
      %unpack3A_216 = tpu.unpack_subelements %bitcast3A_215, 0 {pack_format = #tpu.pack_format<interleaved>} : vector<32xbf16> -> vector<16xf32>
      %unpack3A_217 = tpu.unpack_subelements %bitcast3A_215, 1 {pack_format = #tpu.pack_format<interleaved>} : vector<32xbf16> -> vector<16xf32>
      %mul3A_218 = arith.constant 32 : i32
      %mul3A_219 = arith.muli %scan3A_90, %mul3A_218 : i32
      %add3A_220 = arith.constant 13 : i32
      %add3A_221 = arith.addi %mul3A_219, %add3A_220 : i32
      %get3A_222 = arith.index_cast %add3A_221 : i32 to index
      %get3A_223 = arith.constant 0 : index
      %get3A_224 = tpu.vector_load %arg7[%get3A_222, %get3A_223] {strides = array<i32>} : memref<800x16xf32, #tpu.memory_space<vmem>>, vector<16xf32>,
      %bitcast3A_225 = vector.bitcast %get3A_224 : vector<16xf32> to vector<32xbf16>
      %unpack3A_226 = tpu.unpack_subelements %bitcast3A_225, 0 {pack_format = #tpu.pack_format<interleaved>} : vector<32xbf16> -> vector<16xf32>
      %unpack3A_227 = tpu.unpack_subelements %bitcast3A_225, 1 {pack_format = #tpu.pack_format<interleaved>} : vector<32xbf16> -> vector<16xf32>
      %mul3A_228 = arith.constant 32 : i32
      %mul3A_229 = arith.muli %scan3A_90, %mul3A_228 : i32
      %add3A_230 = arith.constant 14 : i32
      %add3A_231 = arith.addi %mul3A_229, %add3A_230 : i32
      %get3A_232 = arith.index_cast %add3A_231 : i32 to index
      %get3A_233 = arith.constant 0 : index
      %get3A_234 = tpu.vector_load %arg7[%get3A_232, %get3A_233] {strides = array<i32>} : memref<800x16xf32, #tpu.memory_space<vmem>>, vector<16xf32>,
      %bitcast3A_235 = vector.bitcast %get3A_234 : vector<16xf32> to vector<32xbf16>
      %unpack3A_236 = tpu.unpack_subelements %bitcast3A_235, 0 {pack_format = #tpu.pack_format<interleaved>} : vector<32xbf16> -> vector<16xf32>
      %unpack3A_237 = tpu.unpack_subelements %bitcast3A_235, 1 {pack_format = #tpu.pack_format<interleaved>} : vector<32xbf16> -> vector<16xf32>
      %mul3A_238 = arith.constant 32 : i32
      %mul3A_239 = arith.muli %scan3A_90, %mul3A_238 : i32
      %add3A_240 = arith.constant 15 : i32
      %add3A_241 = arith.addi %mul3A_239, %add3A_240 : i32
      %get3A_242 = arith.index_cast %add3A_241 : i32 to index
      %get3A_243 = arith.constant 0 : index
      %get3A_244 = tpu.vector_load %arg7[%get3A_242, %get3A_243] {strides = array<i32>} : memref<800x16xf32, #tpu.memory_space<vmem>>, vector<16xf32>,
      %bitcast3A_245 = vector.bitcast %get3A_244 : vector<16xf32> to vector<32xbf16>
      %unpack3A_246 = tpu.unpack_subelements %bitcast3A_245, 0 {pack_format = #tpu.pack_format<interleaved>} : vector<32xbf16> -> vector<16xf32>
      %unpack3A_247 = tpu.unpack_subelements %bitcast3A_245, 1 {pack_format = #tpu.pack_format<interleaved>} : vector<32xbf16> -> vector<16xf32>
      %mul3A_248 = arith.constant 32 : i32
      %mul3A_249 = arith.muli %scan3A_90, %mul3A_248 : i32
      %add3A_250 = arith.constant 16 : i32
      %add3A_251 = arith.addi %mul3A_249, %add3A_250 : i32
      %get3A_252 = arith.index_cast %add3A_251 : i32 to index
      %get3A_253 = arith.constant 0 : index
      %get3A_254 = tpu.vector_load %arg7[%get3A_252, %get3A_253] {strides = array<i32>} : memref<800x16xf32, #tpu.memory_space<vmem>>, vector<16xf32>,
      %bitcast3A_255 = vector.bitcast %get3A_254 : vector<16xf32> to vector<32xbf16>
      %unpack3A_256 = tpu.unpack_subelements %bitcast3A_255, 0 {pack_format = #tpu.pack_format<interleaved>} : vector<32xbf16> -> vector<16xf32>
      %unpack3A_257 = tpu.unpack_subelements %bitcast3A_255, 1 {pack_format = #tpu.pack_format<interleaved>} : vector<32xbf16> -> vector<16xf32>
      %mul3A_258 = arith.constant 32 : i32
      %mul3A_259 = arith.muli %scan3A_90, %mul3A_258 : i32
      %add3A_260 = arith.constant 17 : i32
      %add3A_261 = arith.addi %mul3A_259, %add3A_260 : i32
      %get3A_262 = arith.index_cast %add3A_261 : i32 to index
      %get3A_263 = arith.constant 0 : index
      %get3A_264 = tpu.vector_load %arg7[%get3A_262, %get3A_263] {strides = array<i32>} : memref<800x16xf32, #tpu.memory_space<vmem>>, vector<16xf32>,
      %bitcast3A_265 = vector.bitcast %get3A_264 : vector<16xf32> to vector<32xbf16>
      %unpack3A_266 = tpu.unpack_subelements %bitcast3A_265, 0 {pack_format = #tpu.pack_format<interleaved>} : vector<32xbf16> -> vector<16xf32>
      %unpack3A_267 = tpu.unpack_subelements %bitcast3A_265, 1 {pack_format = #tpu.pack_format<interleaved>} : vector<32xbf16> -> vector<16xf32>
      %mul3A_268 = arith.constant 32 : i32
      %mul3A_269 = arith.muli %scan3A_90, %mul3A_268 : i32
      %add3A_270 = arith.constant 18 : i32
      %add3A_271 = arith.addi %mul3A_269, %add3A_270 : i32
      %get3A_272 = arith.index_cast %add3A_271 : i32 to index
      %get3A_273 = arith.constant 0 : index
      %get3A_274 = tpu.vector_load %arg7[%get3A_272, %get3A_273] {strides = array<i32>} : memref<800x16xf32, #tpu.memory_space<vmem>>, vector<16xf32>,
      %bitcast3A_275 = vector.bitcast %get3A_274 : vector<16xf32> to vector<32xbf16>
      %unpack3A_276 = tpu.unpack_subelements %bitcast3A_275, 0 {pack_format = #tpu.pack_format<interleaved>} : vector<32xbf16> -> vector<16xf32>
      %unpack3A_277 = tpu.unpack_subelements %bitcast3A_275, 1 {pack_format = #tpu.pack_format<interleaved>} : vector<32xbf16> -> vector<16xf32>
      %mul3A_278 = arith.constant 32 : i32
      %mul3A_279 = arith.muli %scan3A_90, %mul3A_278 : i32
      %add3A_280 = arith.constant 19 : i32
      %add3A_281 = arith.addi %mul3A_279, %add3A_280 : i32
      %get3A_282 = arith.index_cast %add3A_281 : i32 to index
      %get3A_283 = arith.constant 0 : index
      %get3A_284 = tpu.vector_load %arg7[%get3A_282, %get3A_283] {strides = array<i32>} : memref<800x16xf32, #tpu.memory_space<vmem>>, vector<16xf32>,
      %bitcast3A_285 = vector.bitcast %get3A_284 : vector<16xf32> to vector<32xbf16>
      %unpack3A_286 = tpu.unpack_subelements %bitcast3A_285, 0 {pack_format = #tpu.pack_format<interleaved>} : vector<32xbf16> -> vector<16xf32>
      %unpack3A_287 = tpu.unpack_subelements %bitcast3A_285, 1 {pack_format = #tpu.pack_format<interleaved>} : vector<32xbf16> -> vector<16xf32>
      %mul3A_288 = arith.constant 32 : i32
      %mul3A_289 = arith.muli %scan3A_90, %mul3A_288 : i32
      %add3A_290 = arith.constant 20 : i32
      %add3A_291 = arith.addi %mul3A_289, %add3A_290 : i32
      %get3A_292 = arith.index_cast %add3A_291 : i32 to index
      %get3A_293 = arith.constant 0 : index
      %get3A_294 = tpu.vector_load %arg7[%get3A_292, %get3A_293] {strides = array<i32>} : memref<800x16xf32, #tpu.memory_space<vmem>>, vector<16xf32>,
      %bitcast3A_295 = vector.bitcast %get3A_294 : vector<16xf32> to vector<32xbf16>
      %unpack3A_296 = tpu.unpack_subelements %bitcast3A_295, 0 {pack_format = #tpu.pack_format<interleaved>} : vector<32xbf16> -> vector<16xf32>
      %unpack3A_297 = tpu.unpack_subelements %bitcast3A_295, 1 {pack_format = #tpu.pack_format<interleaved>} : vector<32xbf16> -> vector<16xf32>
      %mul3A_298 = arith.constant 32 : i32
      %mul3A_299 = arith.muli %scan3A_90, %mul3A_298 : i32
      %add3A_300 = arith.constant 21 : i32
      %add3A_301 = arith.addi %mul3A_299, %add3A_300 : i32
      %get3A_302 = arith.index_cast %add3A_301 : i32 to index
      %get3A_303 = arith.constant 0 : index
      %get3A_304 = tpu.vector_load %arg7[%get3A_302, %get3A_303] {strides = array<i32>} : memref<800x16xf32, #tpu.memory_space<vmem>>, vector<16xf32>,
      %bitcast3A_305 = vector.bitcast %get3A_304 : vector<16xf32> to vector<32xbf16>
      %unpack3A_306 = tpu.unpack_subelements %bitcast3A_305, 0 {pack_format = #tpu.pack_format<interleaved>} : vector<32xbf16> -> vector<16xf32>
      %unpack3A_307 = tpu.unpack_subelements %bitcast3A_305, 1 {pack_format = #tpu.pack_format<interleaved>} : vector<32xbf16> -> vector<16xf32>
      %mul3A_308 = arith.constant 32 : i32
      %mul3A_309 = arith.muli %scan3A_90, %mul3A_308 : i32
      %add3A_310 = arith.constant 22 : i32
      %add3A_311 = arith.addi %mul3A_309, %add3A_310 : i32
      %get3A_312 = arith.index_cast %add3A_311 : i32 to index
      %get3A_313 = arith.constant 0 : index
      %get3A_314 = tpu.vector_load %arg7[%get3A_312, %get3A_313] {strides = array<i32>} : memref<800x16xf32, #tpu.memory_space<vmem>>, vector<16xf32>,
      %bitcast3A_315 = vector.bitcast %get3A_314 : vector<16xf32> to vector<32xbf16>
      %unpack3A_316 = tpu.unpack_subelements %bitcast3A_315, 0 {pack_format = #tpu.pack_format<interleaved>} : vector<32xbf16> -> vector<16xf32>
      %unpack3A_317 = tpu.unpack_subelements %bitcast3A_315, 1 {pack_format = #tpu.pack_format<interleaved>} : vector<32xbf16> -> vector<16xf32>
      %mul3A_318 = arith.constant 32 : i32
      %mul3A_319 = arith.muli %scan3A_90, %mul3A_318 : i32
      %add3A_320 = arith.constant 23 : i32
      %add3A_321 = arith.addi %mul3A_319, %add3A_320 : i32
      %get3A_322 = arith.index_cast %add3A_321 : i32 to index
      %get3A_323 = arith.constant 0 : index
      %get3A_324 = tpu.vector_load %arg7[%get3A_322, %get3A_323] {strides = array<i32>} : memref<800x16xf32, #tpu.memory_space<vmem>>, vector<16xf32>,
      %bitcast3A_325 = vector.bitcast %get3A_324 : vector<16xf32> to vector<32xbf16>
      %unpack3A_326 = tpu.unpack_subelements %bitcast3A_325, 0 {pack_format = #tpu.pack_format<interleaved>} : vector<32xbf16> -> vector<16xf32>
      %unpack3A_327 = tpu.unpack_subelements %bitcast3A_325, 1 {pack_format = #tpu.pack_format<interleaved>} : vector<32xbf16> -> vector<16xf32>
      %mul3A_328 = arith.constant 32 : i32
      %mul3A_329 = arith.muli %scan3A_90, %mul3A_328 : i32
      %add3A_330 = arith.constant 24 : i32
      %add3A_331 = arith.addi %mul3A_329, %add3A_330 : i32
      %get3A_332 = arith.index_cast %add3A_331 : i32 to index
      %get3A_333 = arith.constant 0 : index
      %get3A_334 = tpu.vector_load %arg7[%get3A_332, %get3A_333] {strides = array<i32>} : memref<800x16xf32, #tpu.memory_space<vmem>>, vector<16xf32>,
      %bitcast3A_335 = vector.bitcast %get3A_334 : vector<16xf32> to vector<32xbf16>
      %unpack3A_336 = tpu.unpack_subelements %bitcast3A_335, 0 {pack_format = #tpu.pack_format<interleaved>} : vector<32xbf16> -> vector<16xf32>
      %unpack3A_337 = tpu.unpack_subelements %bitcast3A_335, 1 {pack_format = #tpu.pack_format<interleaved>} : vector<32xbf16> -> vector<16xf32>
      %mul3A_338 = arith.constant 32 : i32
      %mul3A_339 = arith.muli %scan3A_90, %mul3A_338 : i32
      %add3A_340 = arith.constant 25 : i32
      %add3A_341 = arith.addi %mul3A_339, %add3A_340 : i32
      %get3A_342 = arith.index_cast %add3A_341 : i32 to index
      %get3A_343 = arith.constant 0 : index
      %get3A_344 = tpu.vector_load %arg7[%get3A_342, %get3A_343] {strides = array<i32>} : memref<800x16xf32, #tpu.memory_space<vmem>>, vector<16xf32>,
      %bitcast3A_345 = vector.bitcast %get3A_344 : vector<16xf32> to vector<32xbf16>
      %unpack3A_346 = tpu.unpack_subelements %bitcast3A_345, 0 {pack_format = #tpu.pack_format<interleaved>} : vector<32xbf16> -> vector<16xf32>
      %unpack3A_347 = tpu.unpack_subelements %bitcast3A_345, 1 {pack_format = #tpu.pack_format<interleaved>} : vector<32xbf16> -> vector<16xf32>
      %mul3A_348 = arith.constant 32 : i32
      %mul3A_349 = arith.muli %scan3A_90, %mul3A_348 : i32
      %add3A_350 = arith.constant 26 : i32
      %add3A_351 = arith.addi %mul3A_349, %add3A_350 : i32
      %get3A_352 = arith.index_cast %add3A_351 : i32 to index
      %get3A_353 = arith.constant 0 : index
      %get3A_354 = tpu.vector_load %arg7[%get3A_352, %get3A_353] {strides = array<i32>} : memref<800x16xf32, #tpu.memory_space<vmem>>, vector<16xf32>,
      %bitcast3A_355 = vector.bitcast %get3A_354 : vector<16xf32> to vector<32xbf16>
      %unpack3A_356 = tpu.unpack_subelements %bitcast3A_355, 0 {pack_format = #tpu.pack_format<interleaved>} : vector<32xbf16> -> vector<16xf32>
      %unpack3A_357 = tpu.unpack_subelements %bitcast3A_355, 1 {pack_format = #tpu.pack_format<interleaved>} : vector<32xbf16> -> vector<16xf32>
      %mul3A_358 = arith.constant 32 : i32
      %mul3A_359 = arith.muli %scan3A_90, %mul3A_358 : i32
      %add3A_360 = arith.constant 27 : i32
      %add3A_361 = arith.addi %mul3A_359, %add3A_360 : i32
      %get3A_362 = arith.index_cast %add3A_361 : i32 to index
      %get3A_363 = arith.constant 0 : index
      %get3A_364 = tpu.vector_load %arg7[%get3A_362, %get3A_363] {strides = array<i32>} : memref<800x16xf32, #tpu.memory_space<vmem>>, vector<16xf32>,
      %bitcast3A_365 = vector.bitcast %get3A_364 : vector<16xf32> to vector<32xbf16>
      %unpack3A_366 = tpu.unpack_subelements %bitcast3A_365, 0 {pack_format = #tpu.pack_format<interleaved>} : vector<32xbf16> -> vector<16xf32>
      %unpack3A_367 = tpu.unpack_subelements %bitcast3A_365, 1 {pack_format = #tpu.pack_format<interleaved>} : vector<32xbf16> -> vector<16xf32>
      %mul3A_368 = arith.constant 32 : i32
      %mul3A_369 = arith.muli %scan3A_90, %mul3A_368 : i32
      %add3A_370 = arith.constant 28 : i32
      %add3A_371 = arith.addi %mul3A_369, %add3A_370 : i32
      %get3A_372 = arith.index_cast %add3A_371 : i32 to index
      %get3A_373 = arith.constant 0 : index
      %get3A_374 = tpu.vector_load %arg7[%get3A_372, %get3A_373] {strides = array<i32>} : memref<800x16xf32, #tpu.memory_space<vmem>>, vector<16xf32>,
      %bitcast3A_375 = vector.bitcast %get3A_374 : vector<16xf32> to vector<32xbf16>
      %unpack3A_376 = tpu.unpack_subelements %bitcast3A_375, 0 {pack_format = #tpu.pack_format<interleaved>} : vector<32xbf16> -> vector<16xf32>
      %unpack3A_377 = tpu.unpack_subelements %bitcast3A_375, 1 {pack_format = #tpu.pack_format<interleaved>} : vector<32xbf16> -> vector<16xf32>
      %mul3A_378 = arith.constant 32 : i32
      %mul3A_379 = arith.muli %scan3A_90, %mul3A_378 : i32
      %add3A_380 = arith.constant 29 : i32
      %add3A_381 = arith.addi %mul3A_379, %add3A_380 : i32
      %get3A_382 = arith.index_cast %add3A_381 : i32 to index
      %get3A_383 = arith.constant 0 : index
      %get3A_384 = tpu.vector_load %arg7[%get3A_382, %get3A_383] {strides = array<i32>} : memref<800x16xf32, #tpu.memory_space<vmem>>, vector<16xf32>,
      %bitcast3A_385 = vector.bitcast %get3A_384 : vector<16xf32> to vector<32xbf16>
      %unpack3A_386 = tpu.unpack_subelements %bitcast3A_385, 0 {pack_format = #tpu.pack_format<interleaved>} : vector<32xbf16> -> vector<16xf32>
      %unpack3A_387 = tpu.unpack_subelements %bitcast3A_385, 1 {pack_format = #tpu.pack_format<interleaved>} : vector<32xbf16> -> vector<16xf32>
      %mul3A_388 = arith.constant 32 : i32
      %mul3A_389 = arith.muli %scan3A_90, %mul3A_388 : i32
      %add3A_390 = arith.constant 30 : i32
      %add3A_391 = arith.addi %mul3A_389, %add3A_390 : i32
      %get3A_392 = arith.index_cast %add3A_391 : i32 to index
      %get3A_393 = arith.constant 0 : index
      %get3A_394 = tpu.vector_load %arg7[%get3A_392, %get3A_393] {strides = array<i32>} : memref<800x16xf32, #tpu.memory_space<vmem>>, vector<16xf32>,
      %bitcast3A_395 = vector.bitcast %get3A_394 : vector<16xf32> to vector<32xbf16>
      %unpack3A_396 = tpu.unpack_subelements %bitcast3A_395, 0 {pack_format = #tpu.pack_format<interleaved>} : vector<32xbf16> -> vector<16xf32>
      %unpack3A_397 = tpu.unpack_subelements %bitcast3A_395, 1 {pack_format = #tpu.pack_format<interleaved>} : vector<32xbf16> -> vector<16xf32>
      %mul3A_398 = arith.constant 32 : i32
      %mul3A_399 = arith.muli %scan3A_90, %mul3A_398 : i32
      %add3A_400 = arith.constant 31 : i32
      %add3A_401 = arith.addi %mul3A_399, %add3A_400 : i32
      %get3A_402 = arith.index_cast %add3A_401 : i32 to index
      %get3A_403 = arith.constant 0 : index
      %get3A_404 = tpu.vector_load %arg7[%get3A_402, %get3A_403] {strides = array<i32>} : memref<800x16xf32, #tpu.memory_space<vmem>>, vector<16xf32>,
      %bitcast3A_405 = vector.bitcast %get3A_404 : vector<16xf32> to vector<32xbf16>
      %unpack3A_406 = tpu.unpack_subelements %bitcast3A_405, 0 {pack_format = #tpu.pack_format<interleaved>} : vector<32xbf16> -> vector<16xf32>
      %unpack3A_407 = tpu.unpack_subelements %bitcast3A_405, 1 {pack_format = #tpu.pack_format<interleaved>} : vector<32xbf16> -> vector<16xf32>
      %add3A_408 = arith.addf %unpack3A, %unpack3A_106 : vector<16xf32>
      %add3A_409 = arith.addf %unpack3A_116, %unpack3A_126 : vector<16xf32>
      %add3A_410 = arith.addf %unpack3A_136, %unpack3A_146 : vector<16xf32>
      %add3A_411 = arith.addf %unpack3A_156, %unpack3A_166 : vector<16xf32>
      %add3A_412 = arith.addf %unpack3A_176, %unpack3A_186 : vector<16xf32>
      %add3A_413 = arith.addf %unpack3A_196, %unpack3A_206 : vector<16xf32>
      %add3A_414 = arith.addf %unpack3A_216, %unpack3A_226 : vector<16xf32>
      %add3A_415 = arith.addf %unpack3A_236, %unpack3A_246 : vector<16xf32>
      %add3A_416 = arith.addf %unpack3A_256, %unpack3A_266 : vector<16xf32>
      %add3A_417 = arith.addf %unpack3A_276, %unpack3A_286 : vector<16xf32>
      %add3A_418 = arith.addf %unpack3A_296, %unpack3A_306 : vector<16xf32>
      %add3A_419 = arith.addf %unpack3A_316, %unpack3A_326 : vector<16xf32>
      %add3A_420 = arith.addf %unpack3A_336, %unpack3A_346 : vector<16xf32>
      %add3A_421 = arith.addf %unpack3A_356, %unpack3A_366 : vector<16xf32>
      %add3A_422 = arith.addf %unpack3A_376, %unpack3A_386 : vector<16xf32>
      %add3A_423 = arith.addf %unpack3A_396, %unpack3A_406 : vector<16xf32>
      %add3A_424 = arith.addf %unpack3A_97, %unpack3A_107 : vector<16xf32>
      %add3A_425 = arith.addf %unpack3A_117, %unpack3A_127 : vector<16xf32>
      %add3A_426 = arith.addf %unpack3A_137, %unpack3A_147 : vector<16xf32>
      %add3A_427 = arith.addf %unpack3A_157, %unpack3A_167 : vector<16xf32>
      %add3A_428 = arith.addf %unpack3A_177, %unpack3A_187 : vector<16xf32>
      %add3A_429 = arith.addf %unpack3A_197, %unpack3A_207 : vector<16xf32>
      %add3A_430 = arith.addf %unpack3A_217, %unpack3A_227 : vector<16xf32>
      %add3A_431 = arith.addf %unpack3A_237, %unpack3A_247 : vector<16xf32>
      %add3A_432 = arith.addf %unpack3A_257, %unpack3A_267 : vector<16xf32>
      %add3A_433 = arith.addf %unpack3A_277, %unpack3A_287 : vector<16xf32>
      %add3A_434 = arith.addf %unpack3A_297, %unpack3A_307 : vector<16xf32>
      %add3A_435 = arith.addf %unpack3A_317, %unpack3A_327 : vector<16xf32>
      %add3A_436 = arith.addf %unpack3A_337, %unpack3A_347 : vector<16xf32>
      %add3A_437 = arith.addf %unpack3A_357, %unpack3A_367 : vector<16xf32>
      %add3A_438 = arith.addf %unpack3A_377, %unpack3A_387 : vector<16xf32>
      %add3A_439 = arith.addf %unpack3A_397, %unpack3A_407 : vector<16xf32>
      %add3A_440 = arith.addf %add3A_408, %add3A_409 : vector<16xf32>
      %add3A_441 = arith.addf %add3A_410, %add3A_411 : vector<16xf32>
      %add3A_442 = arith.addf %add3A_412, %add3A_413 : vector<16xf32>
      %add3A_443 = arith.addf %add3A_414, %add3A_415 : vector<16xf32>
      %add3A_444 = arith.addf %add3A_416, %add3A_417 : vector<16xf32>
      %add3A_445 = arith.addf %add3A_418, %add3A_419 : vector<16xf32>
      %add3A_446 = arith.addf %add3A_420, %add3A_421 : vector<16xf32>
      %add3A_447 = arith.addf %add3A_422, %add3A_423 : vector<16xf32>
      %add3A_448 = arith.addf %add3A_424, %add3A_425 : vector<16xf32>
      %add3A_449 = arith.addf %add3A_426, %add3A_427 : vector<16xf32>
      %add3A_450 = arith.addf %add3A_428, %add3A_429 : vector<16xf32>
      %add3A_451 = arith.addf %add3A_430, %add3A_431 : vector<16xf32>
      %add3A_452 = arith.addf %add3A_432, %add3A_433 : vector<16xf32>
      %add3A_453 = arith.addf %add3A_434, %add3A_435 : vector<16xf32>
      %add3A_454 = arith.addf %add3A_436, %add3A_437 : vector<16xf32>
      %add3A_455 = arith.addf %add3A_438, %add3A_439 : vector<16xf32>
      %add3A_456 = arith.addf %add3A_440, %add3A_441 : vector<16xf32>
      %add3A_457 = arith.addf %add3A_442, %add3A_443 : vector<16xf32>
      %add3A_458 = arith.addf %add3A_444, %add3A_445 : vector<16xf32>
      %add3A_459 = arith.addf %add3A_446, %add3A_447 : vector<16xf32>
      %add3A_460 = arith.addf %add3A_448, %add3A_449 : vector<16xf32>
      %add3A_461 = arith.addf %add3A_450, %add3A_451 : vector<16xf32>
      %add3A_462 = arith.addf %add3A_452, %add3A_453 : vector<16xf32>
      %add3A_463 = arith.addf %add3A_454, %add3A_455 : vector<16xf32>
      %add3A_464 = arith.addf %add3A_456, %add3A_457 : vector<16xf32>
      %add3A_465 = arith.addf %add3A_458, %add3A_459 : vector<16xf32>
      %add3A_466 = arith.addf %add3A_460, %add3A_461 : vector<16xf32>
      %add3A_467 = arith.addf %add3A_462, %add3A_463 : vector<16xf32>
      %add3A_468 = arith.addf %add3A_464, %add3A_465 : vector<16xf32>
      %add3A_469 = arith.addf %add3A_466, %add3A_467 : vector<16xf32>
      %mul3A_470 = arith.constant 3.125000e-02 : f32
      %mul3A_471 = vector.broadcast %mul3A_470 : f32 to vector<16xf32>
      %mul3A_472 = arith.mulf %add3A_468, %mul3A_471 : vector<16xf32>
      %mul3A_473 = arith.constant 3.125000e-02 : f32
      %mul3A_474 = vector.broadcast %mul3A_473 : f32 to vector<16xf32>
      %mul3A_475 = arith.mulf %add3A_469, %mul3A_474 : vector<16xf32>
      %pack3A = tpu.pack_subelements %mul3A_472, %mul3A_475 {pack_format = #tpu.pack_format<interleaved>, positions = array<i32: 0, 1>} : vector<16xf32>, vector<16xf32> -> vector<32xbf16>
      %bitcast3A_476 = vector.bitcast %pack3A : vector<32xbf16> to vector<16xf32>
      %mul3A_477 = arith.constant 16 : i32
      %mul3A_478 = arith.muli %scan3A_90, %mul3A_477 : i32
      %swap3A = arith.index_cast %mul3A_478 : i32 to index
      %swap3A_479 = tpu.vector_load %arg9[%swap3A] {strides = array<i32>} : memref<400xf32, #tpu.memory_space<vmem>>, vector<16xf32>,
      tpu.vector_store %arg9[%swap3A], %bitcast3A_476 {strides = array<i32>} : memref<400xf32, #tpu.memory_space<vmem>>, vector<16xf32>,
    }
    %scan3A_81 = arith.constant 25 : i32
    %mul3A_82 = arith.constant 16 : i32
    %mul3A_83 = arith.muli %add3A_70, %mul3A_82 : i32
    %dma_start3A_84 = tpu.memref_slice %arg4[%mul3A_83] : memref<320000xf32, #tpu.memory_space<hbm>> -> memref<400xf32, #tpu.memory_space<hbm>>
    %dma_start3A_85 = tpu.memref_slice %arg4[%mul3A_83] : memref<320000xf32, #tpu.memory_space<hbm>> -> memref<400xf32, #tpu.memory_space<hbm>>
    tpu.enqueue_dma source(%arg9 : memref<400xf32, #tpu.memory_space<vmem>>) target(%dma_start3A_85 : memref<400xf32, #tpu.memory_space<hbm>>) target_semaphore(%arg15 : memref<!tpu.dma_semaphore, #tpu.memory_space<semaphore_mem>>)
    %dma_wait3A_86 = arith.constant 0 : i32
    %dma_wait3A_87 = tpu.memref_slice %arg4[%dma_wait3A_86] : memref<320000xf32, #tpu.memory_space<hbm>> -> memref<400xf32, #tpu.memory_space<hbm>>
    %dma_wait3A_88 = arith.constant 0 : i32
    %dma_wait3A_89 = tpu.memref_slice %arg4[%dma_wait3A_88] : memref<320000xf32, #tpu.memory_space<hbm>> -> memref<400xf32, #tpu.memory_space<hbm>>
    tpu.wait_dma2 semaphore(%arg15 : memref<!tpu.dma_semaphore, #tpu.memory_space<semaphore_mem>>) src(%arg9 : memref<400xf32, #tpu.memory_space<vmem>>) dst(%dma_wait3A_89 : memref<400xf32, #tpu.memory_space<hbm>>)
    return
  }
}

module attributes {stable_mosaic.version = 14 : i64} {
  func.func @_k1_body(%arg0: i32, %arg1: memref<2000x64xf32, #tpu.memory_space<vmem>>, %arg2: memref<64x16xf32, #tpu.memory_space<vmem>>, %arg3: memref<1x16xf32, #tpu.memory_space<vmem>>, %arg4: memref<2000x16xf32, #tpu.memory_space<vmem>>) attributes {dimension_semantics = [#tpu.dimension_semantics<arbitrary>], iteration_bounds = array<i64: 10>, scalar_prefetch = 0 : i64, scratch_operands = 0 : i64, tpu.core_type = #tpu.core_type<tc>, window_params = [{transform_indices = @transform_0, window_bounds = array<i64: 2000, 64>}, {pipeline_mode = #tpu.pipeline_mode<synchronous>, transform_indices = @transform_1, window_bounds = array<i64: 64, 16>}, {pipeline_mode = #tpu.pipeline_mode<synchronous>, transform_indices = @transform_2, window_bounds = array<i64: 1, 16>}, {transform_indices = @transform_3, window_bounds = array<i64: 2000, 16>}]} {
    %get3A = arith.constant 0 : index
    %get3A_0 = arith.constant 0 : index
    %get3A_1 = vector.load %arg1[%get3A, %get3A_0] : memref<2000x64xf32, #tpu.memory_space<vmem>>, vector<2000x64xf32>
    %get3A_2 = arith.constant 0 : index
    %get3A_3 = arith.constant 0 : index
    %get3A_4 = vector.load %arg2[%get3A_2, %get3A_3] : memref<64x16xf32, #tpu.memory_space<vmem>>, vector<64x16xf32>
    %dot_general3A = arith.constant dense<0.000000e+00> : vector<2000x16xf32>
    %dot_general3A_5 = tpu.matmul %get3A_1, %get3A_4, %dot_general3A {dimension_numbers = #tpu.dot_dimension_numbers<[1], [0], [0], [1], [0, 0, 1, 1], [], []>, transpose_lhs_hint = false} : vector<2000x64xf32>, vector<64x16xf32>, vector<2000x16xf32> -> vector<2000x16xf32>
    %get3A_6 = arith.constant 0 : index
    %get3A_7 = arith.constant 0 : index
    %get3A_8 = vector.load %arg3[%get3A_6, %get3A_7] : memref<1x16xf32, #tpu.memory_space<vmem>>, vector<1x16xf32>
    %add3A = vector.broadcast %get3A_8 : vector<1x16xf32> to vector<2000x16xf32>
    %add3A_9 = arith.addf %dot_general3A_5, %add3A : vector<2000x16xf32>
    %ge3A = arith.constant 0.000000e+00 : f32
    %ge3A_10 = vector.broadcast %ge3A : f32 to vector<2000x16xf32>
    %ge3A_11 = arith.cmpf oge, %add3A_9, %ge3A_10 : vector<2000x16xf32>
    %mul3A = arith.constant 2.000000e-01 : f32
    %mul3A_12 = vector.broadcast %mul3A : f32 to vector<2000x16xf32>
    %mul3A_13 = arith.mulf %mul3A_12, %add3A_9 : vector<2000x16xf32>
    %select_n3A = arith.select %ge3A_11, %add3A_9, %mul3A_13 : vector<2000x16xi1>, vector<2000x16xf32>
    %swap3A = arith.constant 0 : index
    %swap3A_14 = arith.constant 0 : index
    %swap3A_15 = vector.load %arg4[%swap3A, %swap3A_14] : memref<2000x16xf32, #tpu.memory_space<vmem>>, vector<2000x16xf32>
    tpu.vector_store %arg4[%swap3A, %swap3A_14], %select_n3A {strides = array<i32>} : memref<2000x16xf32, #tpu.memory_space<vmem>>, vector<2000x16xf32>,
    return
  }
  func.func @transform_0(%arg0: i32) -> (i32, i32) {
    %c0_i32 = arith.constant 0 : i32
    %c0_i32_0 = arith.constant 0 : i32
    return %arg0, %c0_i32 : i32, i32
  }
  func.func @transform_1(%arg0: i32) -> (i32, i32) {
    %c0_i32 = arith.constant 0 : i32
    %c0_i32_0 = arith.constant 0 : i32
    %c0_i32_1 = arith.constant 0 : i32
    return %c0_i32, %c0_i32_0 : i32, i32
  }
  func.func @transform_2(%arg0: i32) -> (i32, i32) {
    %c0_i32 = arith.constant 0 : i32
    %c0_i32_0 = arith.constant 0 : i32
    %c0_i32_1 = arith.constant 0 : i32
    return %c0_i32, %c0_i32_0 : i32, i32
  }
  func.func @transform_3(%arg0: i32) -> (i32, i32) {
    %c0_i32 = arith.constant 0 : i32
    %c0_i32_0 = arith.constant 0 : i32
    return %arg0, %c0_i32 : i32, i32
  }
}

module attributes {stable_mosaic.version = 14 : i64} {
  func.func @_k2_body(%arg0: i32, %arg1: memref<1000x512xf32, #tpu.memory_space<vmem>>, %arg2: memref<1000x4xf32, #tpu.memory_space<vmem>>, %arg3: memref<1000x32xbf16, #tpu.memory_space<vmem>>, %arg4: memref<512x128xf32, #tpu.memory_space<vmem>>, %arg5: memref<4x128xf32, #tpu.memory_space<vmem>>, %arg6: memref<128x128xf32, #tpu.memory_space<vmem>>, %arg7: memref<128x1536xf32, #tpu.memory_space<vmem>>, %arg8: memref<1x1536xf32, #tpu.memory_space<vmem>>, %arg9: memref<1536x48xf32, #tpu.memory_space<vmem>>, %arg10: memref<1000x32xf32, #tpu.memory_space<vmem>>, %arg11: memref<1000x32xf32, #tpu.memory_space<vmem>>) attributes {dimension_semantics = [#tpu.dimension_semantics<arbitrary>], iteration_bounds = array<i64: 20>, scalar_prefetch = 0 : i64, scratch_operands = 0 : i64, tpu.core_type = #tpu.core_type<tc>, window_params = [{transform_indices = @transform_0, window_bounds = array<i64: 1000, 512>}, {transform_indices = @transform_1, window_bounds = array<i64: 1000, 4>}, {transform_indices = @transform_2, window_bounds = array<i64: 1000, 32>}, {pipeline_mode = #tpu.pipeline_mode<synchronous>, transform_indices = @transform_3, window_bounds = array<i64: 512, 128>}, {pipeline_mode = #tpu.pipeline_mode<synchronous>, transform_indices = @transform_4, window_bounds = array<i64: 4, 128>}, {pipeline_mode = #tpu.pipeline_mode<synchronous>, transform_indices = @transform_5, window_bounds = array<i64: 128, 128>}, {pipeline_mode = #tpu.pipeline_mode<synchronous>, transform_indices = @transform_6, window_bounds = array<i64: 128, 1536>}, {pipeline_mode = #tpu.pipeline_mode<synchronous>, transform_indices = @transform_7, window_bounds = array<i64: 1, 1536>}, {pipeline_mode = #tpu.pipeline_mode<synchronous>, transform_indices = @transform_8, window_bounds = array<i64: 1536, 48>}, {transform_indices = @transform_9, window_bounds = array<i64: 1000, 32>}, {transform_indices = @transform_10, window_bounds = array<i64: 1000, 32>}]} {
    %get3A = arith.constant 0 : index
    %get3A_0 = arith.constant 0 : index
    %get3A_1 = vector.load %arg1[%get3A, %get3A_0] : memref<1000x512xf32, #tpu.memory_space<vmem>>, vector<1000x512xf32>
    %get3A_2 = arith.constant 0 : index
    %get3A_3 = arith.constant 0 : index
    %get3A_4 = vector.load %arg4[%get3A_2, %get3A_3] : memref<512x128xf32, #tpu.memory_space<vmem>>, vector<512x128xf32>
    %dot_general3A = arith.constant dense<0.000000e+00> : vector<1000x128xf32>
    %dot_general3A_5 = tpu.matmul %get3A_1, %get3A_4, %dot_general3A {dimension_numbers = #tpu.dot_dimension_numbers<[1], [0], [0], [1], [0, 0, 1, 1], [], []>, transpose_lhs_hint = false} : vector<1000x512xf32>, vector<512x128xf32>, vector<1000x128xf32> -> vector<1000x128xf32>
    %get3A_6 = arith.constant 0 : index
    %get3A_7 = arith.constant 0 : index
    %get3A_8 = vector.load %arg2[%get3A_6, %get3A_7] : memref<1000x4xf32, #tpu.memory_space<vmem>>, vector<1000x4xf32>
    %get3A_9 = arith.constant 0 : index
    %get3A_10 = arith.constant 0 : index
    %get3A_11 = vector.load %arg5[%get3A_9, %get3A_10] : memref<4x128xf32, #tpu.memory_space<vmem>>, vector<4x128xf32>
    %dot_general3A_12 = arith.constant dense<0.000000e+00> : vector<1000x128xf32>
    %dot_general3A_13 = tpu.matmul %get3A_8, %get3A_11, %dot_general3A_12 {dimension_numbers = #tpu.dot_dimension_numbers<[1], [0], [0], [1], [0, 0, 1, 1], [], []>, transpose_lhs_hint = false} : vector<1000x4xf32>, vector<4x128xf32>, vector<1000x128xf32> -> vector<1000x128xf32>
    %sub3A = arith.subf %dot_general3A_13, %dot_general3A_5 : vector<1000x128xf32>
    %iota3A = tpu.iota {dimensions = array<i32: 1>} : vector<1000x128xi32>
    %jit3A = arith.constant 4 : i32
    %eq3A = arith.constant 0 : i32
    %eq3A_14 = arith.cmpi eq, %jit3A, %eq3A : i32
    %jit3A_15 = arith.constant 1 : i32
    %select_n3A = arith.select %eq3A_14, %jit3A_15, %jit3A : i32
    %rem3A = vector.broadcast %select_n3A : i32 to vector<1000x128xi32>
    %rem3A_16 = arith.remsi %iota3A, %rem3A : vector<1000x128xi32>
    %ne3A = arith.constant 0 : i32
    %ne3A_17 = vector.broadcast %ne3A : i32 to vector<1000x128xi32>
    %ne3A_18 = arith.cmpi ne, %rem3A_16, %ne3A_17 : vector<1000x128xi32>
    %lt3A = arith.constant 0 : i32
    %lt3A_19 = vector.broadcast %lt3A : i32 to vector<1000x128xi32>
    %lt3A_20 = arith.cmpi slt, %rem3A_16, %lt3A_19 : vector<1000x128xi32>
    %lt3A_21 = arith.constant 0 : i32
    %lt3A_22 = arith.cmpi slt, %select_n3A, %lt3A_21 : i32
    %ne3A_23 = vector.broadcast %lt3A_22 : i1 to vector<1000x128xi1>
    %ne3A_24 = vector.broadcast %ne3A_23 : vector<1000x128xi1> to vector<1000x128xi1>
    %ne3A_25 = arith.xori %lt3A_20, %ne3A_24 : vector<1000x128xi1>
    %and3A = arith.andi %ne3A_25, %ne3A_18 : vector<1000x128xi1>
    %add3A = vector.broadcast %select_n3A : i32 to vector<1000x128xi32>
    %add3A_26 = arith.addi %rem3A_16, %add3A : vector<1000x128xi32>
    %select_n3A_27 = arith.select %and3A, %add3A_26, %rem3A_16 : vector<1000x128xi1>, vector<1000x128xi32>
    %eq3A_28 = arith.constant 3 : i32
    %eq3A_29 = vector.broadcast %eq3A_28 : i32 to vector<1000x128xi32>
    %eq3A_30 = arith.cmpi eq, %select_n3A_27, %eq3A_29 : vector<1000x128xi32>
    %mul3A = arith.mulf %sub3A, %sub3A : vector<1000x128xf32>
    %jit3A_31 = arith.constant 0.000000e+00 : f32
    %broadcast_in_dim3A = vector.broadcast %jit3A_31 : f32 to vector<1000x128xf32>
    %select_n3A_32 = arith.select %eq3A_30, %broadcast_in_dim3A, %mul3A : vector<1000x128xi1>, vector<1000x128xf32>
    %get3A_33 = arith.constant 0 : index
    %get3A_34 = arith.constant 0 : index
    %get3A_35 = vector.load %arg6[%get3A_33, %get3A_34] : memref<128x128xf32, #tpu.memory_space<vmem>>, vector<128x128xf32>
    %dot_general3A_36 = arith.constant dense<0.000000e+00> : vector<1000x128xf32>
    %dot_general3A_37 = tpu.matmul %select_n3A_32, %get3A_35, %dot_general3A_36 {dimension_numbers = #tpu.dot_dimension_numbers<[1], [0], [0], [1], [0, 0, 1, 1], [], []>, transpose_lhs_hint = false} : vector<1000x128xf32>, vector<128x128xf32>, vector<1000x128xf32> -> vector<1000x128xf32>
    %sqrt3A = math.sqrt %dot_general3A_37 : vector<1000x128xf32>
    %select_n3A_38 = arith.select %eq3A_30, %sqrt3A, %sub3A : vector<1000x128xi1>, vector<1000x128xf32>
    %get3A_39 = arith.constant 0 : index
    %get3A_40 = arith.constant 0 : index
    %get3A_41 = vector.load %arg7[%get3A_39, %get3A_40] : memref<128x1536xf32, #tpu.memory_space<vmem>>, vector<128x1536xf32>
    %dot_general3A_42 = arith.constant dense<0.000000e+00> : vector<1000x1536xf32>
    %dot_general3A_43 = tpu.matmul %select_n3A_38, %get3A_41, %dot_general3A_42 {dimension_numbers = #tpu.dot_dimension_numbers<[1], [0], [0], [1], [0, 0, 1, 1], [], []>, transpose_lhs_hint = false} : vector<1000x128xf32>, vector<128x1536xf32>, vector<1000x1536xf32> -> vector<1000x1536xf32>
    %get3A_44 = arith.constant 0 : index
    %get3A_45 = arith.constant 0 : index
    %get3A_46 = vector.load %arg8[%get3A_44, %get3A_45] : memref<1x1536xf32, #tpu.memory_space<vmem>>, vector<1x1536xf32>
    %add3A_47 = vector.broadcast %get3A_46 : vector<1x1536xf32> to vector<1000x1536xf32>
    %add3A_48 = arith.addf %dot_general3A_43, %add3A_47 : vector<1000x1536xf32>
    %ge3A = arith.constant 0.000000e+00 : f32
    %ge3A_49 = vector.broadcast %ge3A : f32 to vector<1000x1536xf32>
    %ge3A_50 = arith.cmpf oge, %add3A_48, %ge3A_49 : vector<1000x1536xf32>
    %mul3A_51 = arith.constant 2.000000e-01 : f32
    %mul3A_52 = vector.broadcast %mul3A_51 : f32 to vector<1000x1536xf32>
    %mul3A_53 = arith.mulf %mul3A_52, %add3A_48 : vector<1000x1536xf32>
    %select_n3A_54 = arith.select %ge3A_50, %add3A_48, %mul3A_53 : vector<1000x1536xi1>, vector<1000x1536xf32>
    %get3A_55 = arith.constant 0 : index
    %get3A_56 = arith.constant 0 : index
    %get3A_57 = vector.load %arg9[%get3A_55, %get3A_56] : memref<1536x48xf32, #tpu.memory_space<vmem>>, vector<1536x48xf32>
    %dot_general3A_58 = arith.constant dense<0.000000e+00> : vector<1000x48xf32>
    %dot_general3A_59 = tpu.matmul %select_n3A_54, %get3A_57, %dot_general3A_58 {dimension_numbers = #tpu.dot_dimension_numbers<[1], [0], [0], [1], [0, 0, 1, 1], [], []>, transpose_lhs_hint = false} : vector<1000x1536xf32>, vector<1536x48xf32>, vector<1000x48xf32> -> vector<1000x48xf32>
    %get3A_60 = arith.constant 0 : index
    %get3A_61 = arith.constant 0 : index
    %get3A_62 = vector.load %arg3[%get3A_60, %get3A_61] : memref<1000x32xbf16, #tpu.memory_space<vmem>>, vector<1000x32xbf16>
    %slice3A = vector.extract_strided_slice %get3A_62 {offsets = [0, 8], sizes = [1000, 16], strides = [1, 1]} : vector<1000x32xbf16> to vector<1000x16xbf16>
    %convert_element_type3A = arith.extf %slice3A : vector<1000x16xbf16> to vector<1000x16xf32>
    %slice3A_63 = vector.extract_strided_slice %dot_general3A_59 {offsets = [0, 0], sizes = [1000, 16], strides = [1, 1]} : vector<1000x48xf32> to vector<1000x16xf32>
    %concatenate3A = tpu.concatenate %slice3A_63, %convert_element_type3A in 1 : vector<1000x16xf32>, vector<1000x16xf32> -> vector<1000x32xf32>
    %swap3A = arith.constant 0 : index
    %swap3A_64 = arith.constant 0 : index
    %swap3A_65 = vector.load %arg10[%swap3A, %swap3A_64] : memref<1000x32xf32, #tpu.memory_space<vmem>>, vector<1000x32xf32>
    tpu.vector_store %arg10[%swap3A, %swap3A_64], %concatenate3A {strides = array<i32>} : memref<1000x32xf32, #tpu.memory_space<vmem>>, vector<1000x32xf32>,
    %slice3A_66 = vector.extract_strided_slice %dot_general3A_59 {offsets = [0, 16], sizes = [1000, 32], strides = [1, 1]} : vector<1000x48xf32> to vector<1000x32xf32>
    %swap3A_67 = arith.constant 0 : index
    %swap3A_68 = arith.constant 0 : index
    %swap3A_69 = vector.load %arg11[%swap3A_67, %swap3A_68] : memref<1000x32xf32, #tpu.memory_space<vmem>>, vector<1000x32xf32>
    tpu.vector_store %arg11[%swap3A_67, %swap3A_68], %slice3A_66 {strides = array<i32>} : memref<1000x32xf32, #tpu.memory_space<vmem>>, vector<1000x32xf32>,
    return
  }
  func.func @transform_0(%arg0: i32) -> (i32, i32) {
    %c0_i32 = arith.constant 0 : i32
    %c0_i32_0 = arith.constant 0 : i32
    return %arg0, %c0_i32 : i32, i32
  }
  func.func @transform_1(%arg0: i32) -> (i32, i32) {
    %c0_i32 = arith.constant 0 : i32
    %c0_i32_0 = arith.constant 0 : i32
    return %arg0, %c0_i32 : i32, i32
  }
  func.func @transform_2(%arg0: i32) -> (i32, i32) {
    %c0_i32 = arith.constant 0 : i32
    %c0_i32_0 = arith.constant 0 : i32
    return %arg0, %c0_i32 : i32, i32
  }
  func.func @transform_3(%arg0: i32) -> (i32, i32) {
    %c0_i32 = arith.constant 0 : i32
    %c0_i32_0 = arith.constant 0 : i32
    %c0_i32_1 = arith.constant 0 : i32
    return %c0_i32, %c0_i32_0 : i32, i32
  }
  func.func @transform_4(%arg0: i32) -> (i32, i32) {
    %c0_i32 = arith.constant 0 : i32
    %c0_i32_0 = arith.constant 0 : i32
    %c0_i32_1 = arith.constant 0 : i32
    return %c0_i32, %c0_i32_0 : i32, i32
  }
  func.func @transform_5(%arg0: i32) -> (i32, i32) {
    %c0_i32 = arith.constant 0 : i32
    %c0_i32_0 = arith.constant 0 : i32
    %c0_i32_1 = arith.constant 0 : i32
    return %c0_i32, %c0_i32_0 : i32, i32
  }
  func.func @transform_6(%arg0: i32) -> (i32, i32) {
    %c0_i32 = arith.constant 0 : i32
    %c0_i32_0 = arith.constant 0 : i32
    %c0_i32_1 = arith.constant 0 : i32
    return %c0_i32, %c0_i32_0 : i32, i32
  }
  func.func @transform_7(%arg0: i32) -> (i32, i32) {
    %c0_i32 = arith.constant 0 : i32
    %c0_i32_0 = arith.constant 0 : i32
    %c0_i32_1 = arith.constant 0 : i32
    return %c0_i32, %c0_i32_0 : i32, i32
  }
  func.func @transform_8(%arg0: i32) -> (i32, i32) {
    %c0_i32 = arith.constant 0 : i32
    %c0_i32_0 = arith.constant 0 : i32
    %c0_i32_1 = arith.constant 0 : i32
    return %c0_i32, %c0_i32_0 : i32, i32
  }
  func.func @transform_9(%arg0: i32) -> (i32, i32) {
    %c0_i32 = arith.constant 0 : i32
    %c0_i32_0 = arith.constant 0 : i32
    return %arg0, %c0_i32 : i32, i32
  }
  func.func @transform_10(%arg0: i32) -> (i32, i32) {
    %c0_i32 = arith.constant 0 : i32
    %c0_i32_0 = arith.constant 0 : i32
    return %arg0, %c0_i32 : i32, i32
  }
}

module attributes {stable_mosaic.version = 14 : i64} {
  func.func @_k3_body(%arg0: i32, %arg1: memref<2000x32xf32, #tpu.memory_space<vmem>>, %arg2: memref<2000x32xbf16, #tpu.memory_space<vmem>>, %arg3: memref<2000x64xf32, #tpu.memory_space<vmem>>, %arg4: memref<64x64xf32, #tpu.memory_space<vmem>>, %arg5: memref<1x64xf32, #tpu.memory_space<vmem>>, %arg6: memref<64x64xf32, #tpu.memory_space<vmem>>, %arg7: memref<1x64xf32, #tpu.memory_space<vmem>>, %arg8: memref<2000x64xf32, #tpu.memory_space<vmem>>) attributes {dimension_semantics = [#tpu.dimension_semantics<arbitrary>], iteration_bounds = array<i64: 10>, scalar_prefetch = 0 : i64, scratch_operands = 0 : i64, tpu.core_type = #tpu.core_type<tc>, window_params = [{transform_indices = @transform_0, window_bounds = array<i64: 2000, 32>}, {transform_indices = @transform_1, window_bounds = array<i64: 2000, 32>}, {transform_indices = @transform_2, window_bounds = array<i64: 2000, 64>}, {pipeline_mode = #tpu.pipeline_mode<synchronous>, transform_indices = @transform_3, window_bounds = array<i64: 64, 64>}, {pipeline_mode = #tpu.pipeline_mode<synchronous>, transform_indices = @transform_4, window_bounds = array<i64: 1, 64>}, {pipeline_mode = #tpu.pipeline_mode<synchronous>, transform_indices = @transform_5, window_bounds = array<i64: 64, 64>}, {pipeline_mode = #tpu.pipeline_mode<synchronous>, transform_indices = @transform_6, window_bounds = array<i64: 1, 64>}, {transform_indices = @transform_7, window_bounds = array<i64: 2000, 64>}]} {
    %get3A = arith.constant 0 : index
    %get3A_0 = arith.constant 0 : index
    %get3A_1 = vector.load %arg2[%get3A, %get3A_0] : memref<2000x32xbf16, #tpu.memory_space<vmem>>, vector<2000x32xbf16>
    %convert_element_type3A = arith.extf %get3A_1 : vector<2000x32xbf16> to vector<2000x32xf32>
    %get3A_2 = arith.constant 0 : index
    %get3A_3 = arith.constant 0 : index
    %get3A_4 = vector.load %arg1[%get3A_2, %get3A_3] : memref<2000x32xf32, #tpu.memory_space<vmem>>, vector<2000x32xf32>
    %concatenate3A = tpu.concatenate %get3A_4, %convert_element_type3A in 1 : vector<2000x32xf32>, vector<2000x32xf32> -> vector<2000x64xf32>
    %get3A_5 = arith.constant 0 : index
    %get3A_6 = arith.constant 0 : index
    %get3A_7 = vector.load %arg4[%get3A_5, %get3A_6] : memref<64x64xf32, #tpu.memory_space<vmem>>, vector<64x64xf32>
    %dot_general3A = arith.constant dense<0.000000e+00> : vector<2000x64xf32>
    %dot_general3A_8 = tpu.matmul %concatenate3A, %get3A_7, %dot_general3A {dimension_numbers = #tpu.dot_dimension_numbers<[1], [0], [0], [1], [0, 0, 1, 1], [], []>, transpose_lhs_hint = false} : vector<2000x64xf32>, vector<64x64xf32>, vector<2000x64xf32> -> vector<2000x64xf32>
    %get3A_9 = arith.constant 0 : index
    %get3A_10 = arith.constant 0 : index
    %get3A_11 = vector.load %arg5[%get3A_9, %get3A_10] : memref<1x64xf32, #tpu.memory_space<vmem>>, vector<1x64xf32>
    %add3A = vector.broadcast %get3A_11 : vector<1x64xf32> to vector<2000x64xf32>
    %add3A_12 = arith.addf %dot_general3A_8, %add3A : vector<2000x64xf32>
    %ge3A = arith.constant 0.000000e+00 : f32
    %ge3A_13 = vector.broadcast %ge3A : f32 to vector<2000x64xf32>
    %ge3A_14 = arith.cmpf oge, %add3A_12, %ge3A_13 : vector<2000x64xf32>
    %mul3A = arith.constant 2.000000e-01 : f32
    %mul3A_15 = vector.broadcast %mul3A : f32 to vector<2000x64xf32>
    %mul3A_16 = arith.mulf %mul3A_15, %add3A_12 : vector<2000x64xf32>
    %select_n3A = arith.select %ge3A_14, %add3A_12, %mul3A_16 : vector<2000x64xi1>, vector<2000x64xf32>
    %get3A_17 = arith.constant 0 : index
    %get3A_18 = arith.constant 0 : index
    %get3A_19 = vector.load %arg3[%get3A_17, %get3A_18] : memref<2000x64xf32, #tpu.memory_space<vmem>>, vector<2000x64xf32>
    %get3A_20 = arith.constant 0 : index
    %get3A_21 = arith.constant 0 : index
    %get3A_22 = vector.load %arg6[%get3A_20, %get3A_21] : memref<64x64xf32, #tpu.memory_space<vmem>>, vector<64x64xf32>
    %dot_general3A_23 = arith.constant dense<0.000000e+00> : vector<2000x64xf32>
    %dot_general3A_24 = tpu.matmul %get3A_19, %get3A_22, %dot_general3A_23 {dimension_numbers = #tpu.dot_dimension_numbers<[1], [0], [0], [1], [0, 0, 1, 1], [], []>, transpose_lhs_hint = false} : vector<2000x64xf32>, vector<64x64xf32>, vector<2000x64xf32> -> vector<2000x64xf32>
    %get3A_25 = arith.constant 0 : index
    %get3A_26 = arith.constant 0 : index
    %get3A_27 = vector.load %arg7[%get3A_25, %get3A_26] : memref<1x64xf32, #tpu.memory_space<vmem>>, vector<1x64xf32>
    %add3A_28 = vector.broadcast %get3A_27 : vector<1x64xf32> to vector<2000x64xf32>
    %add3A_29 = arith.addf %dot_general3A_24, %add3A_28 : vector<2000x64xf32>
    %ge3A_30 = arith.constant 0.000000e+00 : f32
    %ge3A_31 = vector.broadcast %ge3A_30 : f32 to vector<2000x64xf32>
    %ge3A_32 = arith.cmpf oge, %add3A_29, %ge3A_31 : vector<2000x64xf32>
    %mul3A_33 = arith.constant 2.000000e-01 : f32
    %mul3A_34 = vector.broadcast %mul3A_33 : f32 to vector<2000x64xf32>
    %mul3A_35 = arith.mulf %mul3A_34, %add3A_29 : vector<2000x64xf32>
    %select_n3A_36 = arith.select %ge3A_32, %add3A_29, %mul3A_35 : vector<2000x64xi1>, vector<2000x64xf32>
    %add3A_37 = arith.addf %select_n3A, %select_n3A_36 : vector<2000x64xf32>
    %swap3A = arith.constant 0 : index
    %swap3A_38 = arith.constant 0 : index
    %swap3A_39 = vector.load %arg8[%swap3A, %swap3A_38] : memref<2000x64xf32, #tpu.memory_space<vmem>>, vector<2000x64xf32>
    tpu.vector_store %arg8[%swap3A, %swap3A_38], %add3A_37 {strides = array<i32>} : memref<2000x64xf32, #tpu.memory_space<vmem>>, vector<2000x64xf32>,
    return
  }
  func.func @transform_0(%arg0: i32) -> (i32, i32) {
    %c0_i32 = arith.constant 0 : i32
    %c0_i32_0 = arith.constant 0 : i32
    return %arg0, %c0_i32 : i32, i32
  }
  func.func @transform_1(%arg0: i32) -> (i32, i32) {
    %c0_i32 = arith.constant 0 : i32
    %c0_i32_0 = arith.constant 0 : i32
    return %arg0, %c0_i32 : i32, i32
  }
  func.func @transform_2(%arg0: i32) -> (i32, i32) {
    %c0_i32 = arith.constant 0 : i32
    %c0_i32_0 = arith.constant 0 : i32
    return %arg0, %c0_i32 : i32, i32
  }
  func.func @transform_3(%arg0: i32) -> (i32, i32) {
    %c0_i32 = arith.constant 0 : i32
    %c0_i32_0 = arith.constant 0 : i32
    %c0_i32_1 = arith.constant 0 : i32
    return %c0_i32, %c0_i32_0 : i32, i32
  }
  func.func @transform_4(%arg0: i32) -> (i32, i32) {
    %c0_i32 = arith.constant 0 : i32
    %c0_i32_0 = arith.constant 0 : i32
    %c0_i32_1 = arith.constant 0 : i32
    return %c0_i32, %c0_i32_0 : i32, i32
  }
  func.func @transform_5(%arg0: i32) -> (i32, i32) {
    %c0_i32 = arith.constant 0 : i32
    %c0_i32_0 = arith.constant 0 : i32
    %c0_i32_1 = arith.constant 0 : i32
    return %c0_i32, %c0_i32_0 : i32, i32
  }
  func.func @transform_6(%arg0: i32) -> (i32, i32) {
    %c0_i32 = arith.constant 0 : i32
    %c0_i32_0 = arith.constant 0 : i32
    %c0_i32_1 = arith.constant 0 : i32
    return %c0_i32, %c0_i32_0 : i32, i32
  }
  func.func @transform_7(%arg0: i32) -> (i32, i32) {
    %c0_i32 = arith.constant 0 : i32
    %c0_i32_0 = arith.constant 0 : i32
    return %arg0, %c0_i32 : i32, i32
  }
}

</mosaic_0001>

<sc_bundles>
// kernel: kernel.10.cloned.1.call-start
scs
__scs_entry_jumppad:
0x0: {  	(pc) =	sbr.rel $0x88, $3  }
0x1: {  	(tag) =	ssettag $0x0;
	lr =	simm.s32 $0x1  }
0x2: {  	[smem:$0x3F94] =	sst lr;
	_ =	strace $0xD0000000  }
0x3: {  	_ = 	snop  }
0x4: {  	_ = 	snop  }
0x5: {  	_ = 	snop  }
0x6: {  	_ = 	snop  }
0x7: {  	_ = 	snop  }
__scs_overlays_trampoline_lowered:
0x8: {  	[smem:$0x3FA3] =	sst s0  }
0x9: {  	[smem:$0x3FA4] =	sst s1  }
0xa: {  	[smem:$0x3FA5] =	sst s2  }
0xb: {  	[smem:$0x3FA6] =	sst s3  }
0xc: {  	[smem:$0x3FA7] =	sst s4  }
0xd: {  	[smem:$0x3FA8] =	sst s5  }
0xe: {  	[smem:$0x3FA9] =	sst s6  }
0xf: {  	[smem:$0x3FAA] =	sst s7  }
0x10: {  	[smem:$0x3FAB] =	sst s8  }
0x11: {  	[smem:$0x3FAC] =	sst s9;
	s0 =	simm.s32 @!p0 $0x0  }
0x12: {  	s1 =	sld [smem:$0x3F92];
	s0 =	simm.s32 @p0 $0x1  }
0x13: {  	[smem:$0x3FAD] =	sst s0;
	s0 =	simm.s32 @!p1 $0x0  }
0x14: {  	s2 =	sld [smem:$0x3F91];
	s0 =	simm.s32 @p1 $0x1  }
0x15: {  	[smem:$0x3FAE] =	sst s0;
	s0 =	simm.s32 @!p2 $0x0  }
0x16: {  	s3 =	sld [smem:$0x3FDB];
	s0 =	simm.s32 @p2 $0x1  }
0x17: {  	s4 =	simm.s32 $0x1BF5;
	[smem:$0x3FB0] =	sst s0  }
0x18: {  	s0 =	sld [smem:$0x3F93];
	_ =	swait.ge [sflag:s4], $0x0  }
0x19: {  	s7 =	sld [smem:$0x3F94]  }
0x1a: {  	s8 =	sadd.s32 $0xFFFFE003, lr  }
0x1b: {  	s9 =	sadd.s32 $0xFFFFFEF7, lr;
	s5 =	simm.s32 $0xFFFFFFFF;
	p2 =	slt.u32 s8, $0xFFFFF086  }
0x1c: {  	p1 =	slt.u32 s9, $0xF7A;
	s5 =	simm.s32 @!p2 $0x0  }
0x1d: {  	s5 =	simm.s32 @p1 $0x1;
	p0 =	seq.s32 s7, s2  }
0x1e: {  	s7 =	smul.u32 @!p0 $0xF7A, s2;
	p2 =	seq.s32 @!p0 s5, $0x0  }
0x1f: {  	s9 =	smul.u32 $0xF7A, s1;
	s8 =	simm.s32 @!p0 $0x1BF5;
	p2 =	por !p2, p0  }
0x20: {  	[sflag:s8] =	ssyncset.s32 @!p0 $0xFFFFF086;
	s6 =	sadd.s32 @!p0 s3, s7;
	s7 =	simm.s32 @!p0 $0x108  }
0x21: {  	s3 =	sadd.s32 s3, s9;
	s6 =	sadd.s32 @!p0 $0x88, s6;
	s7 =	simm.s32 @p2 $0x1082  }
0x22: {  	[simem:s7], [sflag:s8] =	dma.local @!p0 [hbm:s6], $0xF7A  }
0x23: {  	s9 =	sor.u32 $0xD0000000, s2;
	s6 =	simm.s32 $0x108;
	_ =	swait.ge @!p0 [sflag:s8], $0x0  }
0x24: {  	s3 =	sadd.s32 $0x88, s3;
	s6 =	simm.s32 @!p1 $0x1082;
	[sflag:s4] =	ssyncset.s32 $0xFFFFF086  }
0x25: {  	[simem:s6], [sflag:s4] =	dma.local [hbm:s3], $0xF7A  }
0x26: {  	[smem:$0x3F94] =	sst s1;
	(tag) =	ssettag s2;
	_ =	strace s9  }
0x27: {  	s1 =	sld [smem:$0x3FA4]  }
0x28: {  	s2 =	sld [smem:$0x3FA5]  }
0x29: {  	s4 =	sld [smem:$0x3FA7]  }
0x2a: {  	p0 =	seq.s32 s5, $0x0;
	s5 =	sld [smem:$0x3FA8]  }
0x2b: {  	s6 =	sld [smem:$0x3FA9]  }
0x2c: {  	s7 =	sld [smem:$0x3FAA]  }
0x2d: {  	s3 =	simm.s32 $0x108;
	s8 =	sld [smem:$0x3FAB]  }
0x2e: {  	s3 =	simm.s32 @!p0 $0x1082;
	s9 =	sld [smem:$0x3FAC]  }
0x2f: {  	lr =	sadd.s32 s0, s3;
	s0 =	sld [smem:$0x3FA3]  }
0x30: {  	s3 =	sld [smem:$0x3FA6]  }
0x31: {  	[smem:$0x3FAF] =	sst s10  }
0x32: {  	s10 =	sld [smem:$0x3FAD];
	_ =	sdelay $0x3  }
0x33: {  	p0 =	seq.s32 s10, $0x1;
	s10 =	sld [smem:$0x3FAF];
	_ =	sdelay $0x3  }
0x34: {  	[smem:$0x3FAF] =	sst s10  }
0x35: {  	s10 =	sld [smem:$0x3FAE];
	_ =	sdelay $0x3  }
0x36: {  	p1 =	seq.s32 s10, $0x1;
	s10 =	sld [smem:$0x3FAF];
	_ =	sdelay $0x3  }
0x37: {  	[smem:$0x3FAF] =	sst s10  }
0x38: {  	s10 =	sld [smem:$0x3FB0]  }
0x39: {  	_ = 	snop;
	(pc) =	sbr.ind lr, $3  }
0x3a: {  	_ = 	snop  }
0x3b: {  	_ = 	snop  }
0x3c: {  	p2 =	seq.s32 s10, $0x1;
	s10 =	sld [smem:$0x3FAF]  }
0x3d: {  	_ =	shalt  }
0x3e: {  	_ =	shalt  }
0x3f: {  	_ =	shalt  }
0x40: {  	_ =	shalt  }
0x41: {  	_ =	shalt  }
0x42: {  	_ =	shalt  }
0x43: {  	_ =	shalt  }
0x44: {  	_ =	shalt  }
0x45: {  	_ =	shalt  }
0x46: {  	_ =	shalt  }
0x47: {  	_ =	shalt  }
0x48: {  	_ =	shalt  }
0x49: {  	_ =	shalt  }
0x4a: {  	_ =	shalt  }
0x4b: {  	_ =	shalt  }
0x4c: {  	_ =	shalt  }
0x4d: {  	_ =	shalt  }
0x4e: {  	_ =	shalt  }
0x4f: {  	_ =	shalt  }
0x50: {  	_ =	shalt  }
0x51: {  	_ =	shalt  }
0x52: {  	_ =	shalt  }
0x53: {  	_ =	shalt  }
0x54: {  	_ =	shalt  }
0x55: {  	_ =	shalt  }
0x56: {  	_ =	shalt  }
0x57: {  	_ =	shalt  }
0x58: {  	_ =	shalt  }
0x59: {  	_ =	shalt  }
0x5a: {  	_ =	shalt  }
0x5b: {  	_ =	shalt  }
0x5c: {  	_ =	shalt  }
0x5d: {  	_ =	shalt  }
0x5e: {  	_ =	shalt  }
0x5f: {  	_ =	shalt  }
0x60: {  	_ =	shalt  }
0x61: {  	_ =	shalt  }
0x62: {  	_ =	shalt  }
0x63: {  	_ =	shalt  }
0x64: {  	_ =	shalt  }
0x65: {  	_ =	shalt  }
0x66: {  	_ =	shalt  }
0x67: {  	_ =	shalt  }
0x68: {  	_ =	shalt  }
0x69: {  	_ =	shalt  }
0x6a: {  	_ =	shalt  }
0x6b: {  	_ =	shalt  }
0x6c: {  	_ =	shalt  }
0x6d: {  	_ =	shalt  }
0x6e: {  	_ =	shalt  }
0x6f: {  	_ =	shalt  }
0x70: {  	_ =	shalt  }
0x71: {  	_ =	shalt  }
0x72: {  	_ =	shalt  }
0x73: {  	_ =	shalt  }
0x74: {  	_ =	shalt  }
0x75: {  	_ =	shalt  }
0x76: {  	_ =	shalt  }
0x77: {  	_ =	shalt  }
0x78: {  	_ =	shalt  }
0x79: {  	_ =	shalt  }
0x7a: {  	_ =	shalt  }
0x7b: {  	_ =	shalt  }
0x7c: {  	_ =	shalt  }
0x7d: {  	_ =	shalt  }
0x7e: {  	_ =	shalt  }
0x7f: {  	_ =	shalt  }
0x80: {  	_ =	shalt  }
0x81: {  	_ =	shalt  }
0x82: {  	_ =	shalt  }
0x83: {  	_ =	shalt  }
0x84: {  	_ =	shalt  }
0x85: {  	_ =	shalt  }
0x86: {  	_ =	shalt  }
0x87: {  	_ =	shalt  }
.Lfunc_end0:
.L_simem_size_0:
called_computation.1_lowered:
.L_overlay_start_0:
0x88: {  	s2 =	sld [smem:$0x3FD9]  }
0x89: {  	s3 =	sld [smem:$0x3FFE];
	_ =	sdelay $0x1  }
0x8a: {  	s1 =	srdreg.scid  }
0x8b: {  	s0 =	sand.u32 $0x1, s1  }
0x8c: {  	s17 =	sshll.u32 s0, $0xA;
	s2 =	sadd.s32 s3, s2  }
0x8d: {  	s2 =	sadd.s32 s2, s17  }
0x8e: {  	[smem:$0x3FBB] =	sst s2  }
0x8f: {  	_ = 	snop  }
0x90: {  	s2 =	sld [smem:$0x3FD0];
	(tm) =	ssettm $0x1  }
0x91: {  	s18 =	sld [smem:$0x3FFB];
	_ =	sdelay $0x3  }
0x92: {  	_ =	strace s18  }
0x93: {  	s3 =	sld [smem:$0x3FFC];
	_ =	sdelay $0x3  }
0x94: {  	_ =	strace s3  }
0x95: {  	s3 =	sld [smem:$0x3FFD];
	_ =	sdelay $0x3  }
0x96: {  	_ =	strace s3  }
0x97: {  	_ =	strace $0x8FFFFFFF  }
0x98: {  	s19 =	sld [smem:$0x3FDB];
	_ =	sdelay $0x1  }
0x99: {  	s4 =	simm.s32 $_scs_section_size  }
0x9a: {  	s5 =	simm.s32 $_size__tile_overlayer_lowered;
	s6 =	simm.s32 $_tile_overlayer_lowered  }
0x9b: {  	s22 =	simm.s32 $0x1BFF;
	s21 =	sshll.u32 s6, $0x1;
	s3 =	sadd.s32 s4, s19  }
0x9c: {  	s7 =	simm.s32 $0x0;
	s20 =	sshll.u32 s5, $0x1;
	s5 =	sadd.s32 s21, s3  }
0x9d: {  	[timem:s7], [sflag:s22] =	dma.local [hbm:s5], s20  }
0x9e: {  	_ =	swait.ge [sflag:s22], s20  }
0x9f: {  	s4 =	ssub.s32 $0x0, s20;
	[sflag:s22] =	ssyncset.done $0x0  }
0xa0: {  	[sflag:s22] =	ssyncadd.s32 s4;
	_ =	sdelay $0x1  }
0xa1: {  	s23 =	simm.s32 $0x1B8B  }
0xa2: {  	_ =	swait.ge [sflag:s23], $0x1  }
0xa3: {  	[sflag:s23] =	ssyncset.done $0x0  }
0xa4: {  	s25 =	simm.s32 $0x1B8E;
	s24 =	sld [smem:$0x3FFE];
	[sflag:s23] =	ssyncadd.s32 $0xFFFFFFFF  }
0xa5: {  	s26 =	simm.s32 $execute0_lowered;
	[smem:$0x3FD2] =	sst s25  }
0xa6: {  	s5 =	sshll.u32 s26, $0x1;
	_ =	strace $0x80000049;
	[dreg:$0x1] =	wrdreg $0xFFFFFFFF  }
0xa7: {  	s28 =	simm.s32 $_size_execute0_lowered;
	s3 =	sadd.s32 s3, s5;
	[dreg:$0x0] =	wrdreg $0x0  }
0xa8: {  	s5 =	sshll.u32 s28, $0x1;
	[dreg:$0x2] =	wrdreg s3  }
0xa9: {  	[dreg:$0x3] =	wrdreg s5  }
0xaa: {  	[dreg:$0x4] =	wrdreg $0xC0  }
0xab: {  	_ =	task [dreg:s7], $0x5FFFF  }
0xac: {  	[dreg:$0x1] =	wrdreg $0xFFFFFFFF  }
0xad: {  	[dreg:$0x0] =	wrdreg $0x60  }
0xae: {  	[dreg:$0x2] =	wrdreg s2  }
0xaf: {  	[dreg:$0x3] =	wrdreg s24  }
0xb0: {  	[dreg:$0x4] =	wrdreg $0x9  }
0xb1: {  	_ =	task.clear_ibuf [dreg:s7], $0x5FFFF;
	_ =	strace $0x90000049  }
0xb2: {  	s29 =	simm.s32 $0x9;
	_ =	strace $0x8000004B  }
0xb3: {  	_ =	swait.ge [sflag:s29], $0x1  }
0xb4: {  	[sflag:s29] =	ssyncadd.s32 $0xFFFFFFFF  }
0xb5: {  	_ =	strace $0x9000004B  }
0xb6: {  	_ =	sfence  }
0xb7: {  	s30 =	sld [smem:$0x0];
	_ =	sdelay $0x2  }
0xb8: {  	s31 =	sshll.u32 s1, $0xD;
	s1 =	sshrl.u32 s1, $0x2  }
0xb9: {  	s3 =	sand.u32 $0x4000, s31;
	s1 =	sadd.s32 s1, s30  }
0xba: {  	s0 =	sor.u32 s3, s0;
	s1 =	sshll.u32 s1, $0x11  }
0xbb: {  	s0 =	sor.u32 s1, s0  }
0xbc: {  	s0 =	sadd.s32 $0x8F2B, s0  }
0xbd: {  	[sflag:s0] =	ssyncadd.remote.s32 $0x1  }
0xbe: {  	_ =	sfence.sel $0xFFFF  }
0xbf: {  	[dreg:$0x0] =	wrdreg $0xFFFFFFFF;
	(pc) =	sbr.abs _section_cstart, $3  }
0xc0: {  	[dreg:$0x1] =	wrdreg $0xFFFFFFFF  }
0xc1: {  	_ =	task.clear_ibuf [dreg:s7], $0x2FFFF;
	_ =	strace $0x9FFFFFFF  }
0xc2: {  	(tm) =	ssettm $0x7FFFFFFF  }
0xc3: {  	_ =	shalt  }
tec
execute0_lowered:
.L_overlay_start_1:
0x0: {  	(tag) =	ssettag $0x1  }
0x1: {  	s0 =	srdreg.scid;
	s2 =	rddreg [dreg:$0x0]  }
0x2: {  	s1 =	rddreg [dreg:$0x1];
	s5 =	stileid.u32;
	s3 =	simm.s32 $0x0  }
0x3: {  	s12 =	simm.s32 $0x5;
	s13 =	simm.s32 $0x80;
	s17 =	simm.s32 $0x1640  }
0x4: {  	s18 =	simm.s32 $0x180;
	s19 =	simm.s32 $0x1E40;
	s20 =	simm.s32 $0x200  }
0x5: {  	s21 =	simm.s32 $0x2640;
	s22 =	simm.s32 $0x280;
	s23 =	simm.s32 $0x2E40  }
0x6: {  	s24 =	simm.s32 $0x20;
	s28 =	simm.s32 $0x320;
	s10 =	simm.s32 $0x6A40  }
0x7: {  	s11 =	simm.s32 $0x3;
	s29 =	simm.s32 $0x2;
	s0 =	sand.u32 $0x1, s0  }
0x8: {  	s31 =	simm.s32 $0x4;
	[smem:$0x7FF] =	sst s3;
	s4 =	sshll.u32 s0, $0x4  }
0x9: {  	s6 =	sadd.s32 $0x5A800, s1;
	s0 =	ssub.s32 $0x2, s0;
	s7 =	sor.u32 s5, s4  }
0xa: {  	_ =	strace $0x8000004A;
	s25 =	sshrl.u32 s0, $0x1;
	s4 =	smul.u32 $0x4E20, s7  }
0xb: {  	s5 =	sadd.s32 $0x50A00, s1;
	s8 =	smul.u32 $0x2710, s7;
	s0 =	ssub.s32 s0, s25  }
0xc: {  	s7 =	smul.u32 $0x271, s7;
	s25 =	simm.s32 $0x300;
	s0 =	smax.u32 s0, $0x1  }
0xd: {  	s26 =	sshrl.u32 s4, $0x3;
	s8 =	sshrl.u32 s8, $0x3;
	s9 =	sadd.s32 $0x640, s4  }
0xe: {  	[dreg:$0x5] =	wrdreg s0;
	s1 =	sadd.s32 s2, s26;
	s30 =	sadd.s32 s6, s8  }
0xf: {  	s26 =	simm.s32 $0x3640;
	[dreg:$0x3] =	wrdreg s1;
	s1 =	sadd.s32 $0x4B0, s30  }
0x10: {  	s8 =	simm.s32 $0x1;
	[dreg:$0x4] =	wrdreg s1;
	s1 =	simm.s32 $0x0  }
.LBB2_1:
0x11: {  	[dreg:$0x6] =	wrdreg s1  }
0x12: {  	s0 =	rddreg [dreg:$0x3]  }
0x13: {  	[tilespmem:s3], [sflag:$0x5] =	stream.linear.gather [hbm4b:s0+s3], $0x320, $0x38;
	[tilespmem:$0x6D60] =	vst v63  }
0x14: {  	_ =	swait.ge [sflag:s12], $0x320  }
0x15: {  	[sflag:s12] =	ssyncset.done $0x0  }
0x16: {  	s15 =	simm.s32 $0x640;
	[sflag:s12] =	ssyncadd.s32 $0xFFFFFCE0  }
0x17: {  	[tilespmem:s15], [sflag:$0x1] =	stream.indirect.gather [hbm4b:s5+s13], $0x10, s3, s13, $0xb8;
	[tilespmem:$0x6D60] =	vst v63  }
0x18: {  	s16 =	simm.s32 $0xE40  }
0x19: {  	[tilespmem:s16], [sflag:$0x1] =	stream.indirect.gather [hbm4b:s5+s13], $0x10, s13, s13, $0xb8;
	[tilespmem:$0x6D60] =	vst v63  }
0x1a: {  	s30 =	simm.s32 $0x100  }
0x1b: {  	[tilespmem:s17], [sflag:$0x1] =	stream.indirect.gather [hbm4b:s5+s13], $0x10, s30, s13, $0xb8;
	[tilespmem:$0x6D60] =	vst v63  }
0x1c: {  	_ = 	snop  }
0x1d: {  	[tilespmem:s19], [sflag:$0x1] =	stream.indirect.gather [hbm4b:s5+s13], $0x10, s18, s13, $0xb8;
	[tilespmem:$0x6D60] =	vst v63  }
0x1e: {  	_ = 	snop  }
0x1f: {  	[tilespmem:s21], [sflag:$0x1] =	stream.indirect.gather [hbm4b:s5+s13], $0x10, s20, s13, $0xb8;
	[tilespmem:$0x6D60] =	vst v63  }
0x20: {  	_ = 	snop  }
0x21: {  	[tilespmem:s23], [sflag:$0x1] =	stream.indirect.gather [hbm4b:s5+s13], $0x10, s22, s13, $0xb8;
	[tilespmem:$0x6D60] =	vst v63  }
0x22: {  	s0 =	simm.s32 $0x0  }
0x23: {  	[tilespmem:s26], [sflag:$0x1] =	stream.indirect.gather [hbm4b:s5+s24], $0x10, s25, s24, $0xb8;
	[tilespmem:$0x6D60] =	vst v63  }
.LBB2_2:
0x24: {  	s1 =	sshllo.u32 s0, $0x1  }
0x25: {  	s14 =	smul.u32 $0x320, s1;
	_ =	sdelay $0x1  }
0x26: {  	s14 =	sadd.s32 s4, s14  }
0x27: {  	s14 =	sshrl.u32 s14, $0x3  }
0x28: {  	s30 =	simm.s32 $0x0;
	s14 =	sadd.s32 s2, s14  }
0x29: {  	[tilespmem:s28], [sflag:$0x5] =	stream.linear.gather [hbm4b:s14+s30], $0x320, $0x38;
	[tilespmem:$0x6D60] =	vst v63  }
0x2a: {  	_ =	swait.ge [sflag:s12], $0x320  }
0x2b: {  	[sflag:s12] =	ssyncset.done $0x0  }
0x2c: {  	s15 =	simm.s32 $0x3840;
	[sflag:s12] =	ssyncadd.s32 $0xFFFFFCE0  }
0x2d: {  	[tilespmem:s15], [sflag:$0x2] =	stream.indirect.gather [hbm4b:s5+s13], $0x10, s28, s13, $0xb8;
	[tilespmem:$0x6D60] =	vst v63  }
0x2e: {  	s16 =	simm.s32 $0x3A0;
	s15 =	simm.s32 $0x4040  }
0x2f: {  	[tilespmem:s15], [sflag:$0x2] =	stream.indirect.gather [hbm4b:s5+s13], $0x10, s16, s13, $0xb8;
	[tilespmem:$0x6D60] =	vst v63  }
0x30: {  	s15 =	simm.s32 $0x420;
	s16 =	simm.s32 $0x4840  }
0x31: {  	[tilespmem:s16], [sflag:$0x2] =	stream.indirect.gather [hbm4b:s5+s13], $0x10, s15, s13, $0xb8;
	[tilespmem:$0x6D60] =	vst v63  }
0x32: {  	s15 =	simm.s32 $0x4A0;
	s16 =	simm.s32 $0x5040  }
0x33: {  	[tilespmem:s16], [sflag:$0x2] =	stream.indirect.gather [hbm4b:s5+s13], $0x10, s15, s13, $0xb8;
	[tilespmem:$0x6D60] =	vst v63  }
0x34: {  	s15 =	simm.s32 $0x520;
	s16 =	simm.s32 $0x5840  }
0x35: {  	[tilespmem:s16], [sflag:$0x2] =	stream.indirect.gather [hbm4b:s5+s13], $0x10, s15, s13, $0xb8;
	[tilespmem:$0x6D60] =	vst v63  }
0x36: {  	s15 =	simm.s32 $0x5A0;
	s16 =	simm.s32 $0x6040  }
0x37: {  	[tilespmem:s16], [sflag:$0x2] =	stream.indirect.gather [hbm4b:s5+s13], $0x10, s15, s13, $0xb8;
	[tilespmem:$0x6D60] =	vst v63  }
0x38: {  	s15 =	simm.s32 $0x620;
	s16 =	simm.s32 $0x6840  }
0x39: {  	[tilespmem:s16], [sflag:$0x2] =	stream.indirect.gather [hbm4b:s5+s24], $0x10, s15, s24, $0xb8;
	[tilespmem:$0x6D60] =	vst v63  }
0x3a: {  	_ =	swait.ge [sflag:s8], $0x3200  }
0x3b: {  	[sflag:s8] =	ssyncset.done $0x0  }
0x3c: {  	s14 =	simm.s32 $0x740;
	[sflag:s8] =	ssyncadd.s32 $0xFFFFCE00  }
0x3d: {  	v0 =	vld [tilespmem:s14+$0xFFFFFF00]  }
0x3e: {  	v1 =	vld [tilespmem:s14+$0xFFFFFF10]  }
0x3f: {  	v2 =	vld [tilespmem:s14+$0xFFFFFF20]  }
0x40: {  	v3 =	vld [tilespmem:s14+$0xFFFFFF30]  }
0x41: {  	v4 =	vld [tilespmem:s14+$0xFFFFFF40]  }
0x42: {  	v6 =	vld [tilespmem:s14+$0xFFFFFF50];
	v5 =	vunpack.i.u.bf16.f32 v0  }
0x43: {  	v8 =	vld [tilespmem:s14+$0xFFFFFF60];
	v0 =	vunpack.i.l.bf16.f32 v0;
	v7 =	vunpack.i.u.bf16.f32 v1;
	v1 =	vunpack.i.l.bf16.f32 v1  }
0x44: {  	v10 =	vld [tilespmem:s14+$0xFFFFFF70];
	v9 =	vunpack.i.u.bf16.f32 v2;
	v2 =	vunpack.i.l.bf16.f32 v2;
	v0 =	vadd.f32 v1, v0  }
0x45: {  	v1 =	vadd.f32 v7, v5;
	v5 =	vunpack.i.u.bf16.f32 v3;
	v3 =	vunpack.i.l.bf16.f32 v3  }
0x46: {  	v7 =	vunpack.i.u.bf16.f32 v4;
	v4 =	vunpack.i.l.bf16.f32 v4;
	v2 =	vadd.f32 v3, v2  }
0x47: {  	v12 =	vld [tilespmem:s14+$0xFFFFFF90];
	v3 =	vadd.f32 v5, v9;
	v5 =	vunpack.i.u.bf16.f32 v6;
	v6 =	vunpack.i.l.bf16.f32 v6  }
0x48: {  	v11 =	vunpack.i.u.bf16.f32 v8;
	v9 =	vld [tilespmem:s14+$0xFFFFFF80];
	v4 =	vadd.f32 v6, v4;
	v5 =	vadd.f32 v5, v7  }
0x49: {  	v6 =	vunpack.i.l.bf16.f32 v8;
	v7 =	vunpack.i.u.bf16.f32 v10;
	v8 =	vunpack.i.l.bf16.f32 v10;
	v10 =	vld [tilespmem:s14+$0xFFFFFFA0]  }
0x4a: {  	v13 =	vld [tilespmem:s14+$0xFFFFFFB0];
	v6 =	vadd.f32 v8, v6;
	v7 =	vadd.f32 v7, v11  }
0x4b: {  	v8 =	vld [tilespmem:s14+$0xFFFFFFC0];
	v0 =	vadd.f32 v2, v0;
	v1 =	vadd.f32 v3, v1  }
0x4c: {  	v3 =	vld [tilespmem:s14+$0xFFFFFFD0];
	v4 =	vadd.f32 v6, v4;
	v5 =	vadd.f32 v7, v5;
	v7 =	vunpack.i.u.bf16.f32 v12  }
0x4d: {  	v11 =	vld [tilespmem:s14+$0xFFFFFFE0];
	v2 =	vunpack.i.u.bf16.f32 v9;
	v6 =	vunpack.i.l.bf16.f32 v9;
	v9 =	vunpack.i.l.bf16.f32 v12  }
0x4e: {  	v14 =	vld [tilespmem:s14+$0xFFFFFFF0];
	v12 =	vunpack.i.u.bf16.f32 v10;
	v6 =	vadd.f32 v9, v6;
	v2 =	vadd.f32 v7, v2  }
0x4f: {  	v7 =	vunpack.i.l.bf16.f32 v10;
	v9 =	vunpack.i.u.bf16.f32 v13;
	v10 =	vunpack.i.l.bf16.f32 v13  }
0x50: {  	v13 =	vunpack.i.u.bf16.f32 v8;
	v7 =	vadd.f32 v10, v7;
	v9 =	vadd.f32 v9, v12  }
0x51: {  	v8 =	vunpack.i.l.bf16.f32 v8;
	v10 =	vunpack.i.u.bf16.f32 v3;
	v3 =	vunpack.i.l.bf16.f32 v3  }
0x52: {  	v15 =	vld [tilespmem:s14+$0x10];
	v12 =	vunpack.i.u.bf16.f32 v11;
	v3 =	vadd.f32 v3, v8;
	v8 =	vadd.f32 v10, v13  }
0x53: {  	v10 =	vunpack.i.l.bf16.f32 v11;
	v11 =	vunpack.i.u.bf16.f32 v14;
	v13 =	vunpack.i.l.bf16.f32 v14;
	v14 =	vld [tilespmem:s14+$0x0]  }
0x54: {  	v0 =	vadd.f32 v4, v0;
	v10 =	vadd.f32 v13, v10  }
0x55: {  	v11 =	vadd.f32 v11, v12;
	v12 =	vld [tilespmem:s14+$0x20];
	v6 =	vadd.f32 v7, v6  }
0x56: {  	v7 =	vadd.f32 v9, v2;
	v9 =	vld [tilespmem:s14+$0x30];
	v2 =	vadd.f32 v10, v3  }
0x57: {  	v1 =	vadd.f32 v5, v1;
	v5 =	vld [tilespmem:s14+$0x50];
	v3 =	vadd.f32 v11, v8  }
0x58: {  	v8 =	vld [tilespmem:s14+$0x40];
	v10 =	vunpack.i.l.bf16.f32 v15;
	v4 =	vunpack.i.u.bf16.f32 v14;
	v2 =	vadd.f32 v2, v6  }
0x59: {  	v11 =	vld [tilespmem:s14+$0x60];
	v3 =	vadd.f32 v3, v7;
	v6 =	vunpack.i.l.bf16.f32 v14;
	v7 =	vunpack.i.u.bf16.f32 v15  }
0x5a: {  	v14 =	vld [tilespmem:s14+$0x70];
	v6 =	vadd.f32 v10, v6;
	v7 =	vadd.f32 v7, v4  }
0x5b: {  	v4 =	vunpack.i.l.bf16.f32 v12;
	v10 =	vunpack.i.u.bf16.f32 v9;
	v9 =	vunpack.i.l.bf16.f32 v9  }
0x5c: {  	v15 =	vld [tilespmem:s14+$0x80];
	v13 =	vunpack.i.u.bf16.f32 v12;
	v4 =	vadd.f32 v9, v4;
	v9 =	vunpack.i.u.bf16.f32 v5  }
0x5d: {  	v5 =	vunpack.i.l.bf16.f32 v5;
	v12 =	vunpack.i.u.bf16.f32 v8;
	v8 =	vunpack.i.l.bf16.f32 v8  }
0x5e: {  	v16 =	vld [tilespmem:s14+$0x90];
	v10 =	vadd.f32 v10, v13;
	v13 =	vunpack.i.u.bf16.f32 v11;
	v17 =	vadd.f32 v5, v8  }
0x5f: {  	v18 =	vadd.f32 v9, v12;
	v5 =	vunpack.i.l.bf16.f32 v11;
	v12 =	vld [tilespmem:s14+$0xA0];
	v11 =	vunpack.i.l.bf16.f32 v14  }
0x60: {  	v9 =	vld [tilespmem:s14+$0xB0];
	v8 =	vunpack.i.u.bf16.f32 v14;
	v11 =	vadd.f32 v11, v5  }
0x61: {  	v4 =	vadd.f32 v4, v6;
	v19 =	vunpack.i.u.bf16.f32 v15;
	v14 =	vadd.f32 v8, v13;
	v8 =	vld [tilespmem:s14+$0xC0]  }
0x62: {  	v5 =	vadd.f32 v10, v7;
	v13 =	vld [tilespmem:s14+$0xD0];
	v10 =	vunpack.i.l.bf16.f32 v15;
	v6 =	vadd.f32 v11, v17  }
0x63: {  	v7 =	vadd.f32 v14, v18;
	v11 =	vunpack.i.u.bf16.f32 v16;
	v17 =	vunpack.i.l.bf16.f32 v16;
	v14 =	vld [tilespmem:s14+$0xE0]  }
0x64: {  	s15 =	simm.s32 $0x40;
	v15 =	vld [tilespmem:s14+$0xF0];
	v16 =	vunpack.i.u.bf16.f32 v12;
	v10 =	vadd.f32 v17, v10;
	v11 =	vadd.f32 v11, v19  }
.LBB2_3:
0x65: {  	p0 =	sne.s32 s15, $0x600;
	v12 =	vunpack.i.l.bf16.f32 v12;
	v17 =	vunpack.i.u.bf16.f32 v9;
	v9 =	vunpack.i.l.bf16.f32 v9  }
0x66: {  	v18 =	vunpack.i.u.bf16.f32 v8;
	v9 =	vadd.f32 v9, v12;
	v12 =	vadd.f32 v17, v16  }
0x67: {  	v8 =	vunpack.i.l.bf16.f32 v8;
	v16 =	vunpack.i.u.bf16.f32 v13;
	v13 =	vunpack.i.l.bf16.f32 v13  }
0x68: {  	v17 =	vunpack.i.u.bf16.f32 v14;
	v8 =	vadd.f32 v13, v8;
	v13 =	vadd.f32 v16, v18  }
0x69: {  	v14 =	vunpack.i.l.bf16.f32 v14;
	v16 =	vunpack.i.u.bf16.f32 v15;
	v15 =	vunpack.i.l.bf16.f32 v15  }
0x6a: {  	v14 =	vadd.f32 v15, v14;
	v15 =	vadd.f32 v16, v17  }
0x6b: {  	v9 =	vadd.f32 v9, v10;
	v10 =	vadd.f32 v12, v11  }
0x6c: {  	v8 =	vadd.f32 v14, v8;
	v11 =	vadd.f32 v15, v13  }
0x6d: {  	v4 =	vadd.f32 v6, v4;
	v5 =	vadd.f32 v7, v5  }
0x6e: {  	v6 =	vadd.f32 v8, v9;
	v7 =	vadd.f32 v11, v10  }
0x6f: {  	v0 =	vadd.f32 v2, v0;
	v1 =	vadd.f32 v3, v1  }
0x70: {  	v2 =	vadd.f32 v6, v4;
	v3 =	vadd.f32 v7, v5;
	_ =	sdelay $0x1  }
0x71: {  	v0 =	vadd.f32 v2, v0;
	v1 =	vadd.f32 v3, v1;
	_ =	sdelay $0x1  }
0x72: {  	v0 =	vmul.f32 $3.125000000e-02, v0;
	v1 =	vmul.f32 $3.125000000e-02, v1;
	_ =	sdelay $0x1  }
0x73: {  	s16 =	sshra.s32 s30, $0x2;
	s30 =	smov.u32 s15;
	v0 =	vpack.i.f32.bf16 v1, v0  }
0x74: {  	s14 =	sadd.s32 $0x200, s14;
	[tilespmem:s16+$0x6A40] =	vst v0  }
0x75: {  	v0 =	vld [tilespmem:s14+$0xFFFFFF00]  }
0x76: {  	v1 =	vld [tilespmem:s14+$0xFFFFFF10]  }
0x77: {  	v2 =	vld [tilespmem:s14+$0xFFFFFF20]  }
0x78: {  	v3 =	vld [tilespmem:s14+$0xFFFFFF30]  }
0x79: {  	v4 =	vld [tilespmem:s14+$0xFFFFFF40]  }
0x7a: {  	v5 =	vunpack.i.u.bf16.f32 v0;
	v6 =	vld [tilespmem:s14+$0xFFFFFF50]  }
0x7b: {  	v0 =	vunpack.i.l.bf16.f32 v0;
	v7 =	vunpack.i.u.bf16.f32 v1;
	v1 =	vunpack.i.l.bf16.f32 v1;
	v8 =	vld [tilespmem:s14+$0xFFFFFF60]  }
0x7c: {  	v9 =	vunpack.i.u.bf16.f32 v2;
	v10 =	vld [tilespmem:s14+$0xFFFFFF70];
	v0 =	vadd.f32 v1, v0;
	v1 =	vadd.f32 v7, v5  }
0x7d: {  	v2 =	vunpack.i.l.bf16.f32 v2;
	v5 =	vunpack.i.u.bf16.f32 v3;
	v3 =	vunpack.i.l.bf16.f32 v3  }
0x7e: {  	v7 =	vunpack.i.u.bf16.f32 v4;
	v2 =	vadd.f32 v3, v2;
	v3 =	vadd.f32 v5, v9  }
0x7f: {  	v4 =	vunpack.i.l.bf16.f32 v4;
	v5 =	vunpack.i.u.bf16.f32 v6;
	v6 =	vunpack.i.l.bf16.f32 v6;
	v9 =	vld [tilespmem:s14+$0xFFFFFF80]  }
0x80: {  	v11 =	vunpack.i.u.bf16.f32 v8;
	v12 =	vld [tilespmem:s14+$0xFFFFFF90];
	v4 =	vadd.f32 v6, v4;
	v5 =	vadd.f32 v5, v7  }
0x81: {  	v6 =	vunpack.i.l.bf16.f32 v8;
	v7 =	vunpack.i.u.bf16.f32 v10;
	v8 =	vunpack.i.l.bf16.f32 v10;
	v10 =	vld [tilespmem:s14+$0xFFFFFFA0]  }
0x82: {  	v13 =	vld [tilespmem:s14+$0xFFFFFFB0];
	v6 =	vadd.f32 v8, v6;
	v7 =	vadd.f32 v7, v11  }
0x83: {  	v0 =	vadd.f32 v2, v0;
	v1 =	vadd.f32 v3, v1;
	v8 =	vld [tilespmem:s14+$0xFFFFFFC0]  }
0x84: {  	v2 =	vunpack.i.u.bf16.f32 v9;
	v3 =	vld [tilespmem:s14+$0xFFFFFFD0];
	v4 =	vadd.f32 v6, v4;
	v5 =	vadd.f32 v7, v5  }
0x85: {  	v6 =	vunpack.i.l.bf16.f32 v9;
	v7 =	vunpack.i.u.bf16.f32 v12;
	v9 =	vunpack.i.l.bf16.f32 v12;
	v11 =	vld [tilespmem:s14+$0xFFFFFFE0]  }
0x86: {  	v12 =	vunpack.i.u.bf16.f32 v10;
	v14 =	vld [tilespmem:s14+$0xFFFFFFF0];
	v6 =	vadd.f32 v9, v6;
	v2 =	vadd.f32 v7, v2  }
0x87: {  	v7 =	vunpack.i.l.bf16.f32 v10;
	v9 =	vunpack.i.u.bf16.f32 v13;
	v10 =	vunpack.i.l.bf16.f32 v13  }
0x88: {  	v13 =	vunpack.i.u.bf16.f32 v8;
	v7 =	vadd.f32 v10, v7;
	v9 =	vadd.f32 v9, v12  }
0x89: {  	v8 =	vunpack.i.l.bf16.f32 v8;
	v10 =	vunpack.i.u.bf16.f32 v3;
	v3 =	vunpack.i.l.bf16.f32 v3  }
0x8a: {  	v12 =	vunpack.i.u.bf16.f32 v11;
	v3 =	vadd.f32 v3, v8;
	v8 =	vadd.f32 v10, v13  }
0x8b: {  	v10 =	vunpack.i.l.bf16.f32 v11;
	v11 =	vunpack.i.u.bf16.f32 v14;
	v13 =	vunpack.i.l.bf16.f32 v14;
	v14 =	vld [tilespmem:s14+$0x0]  }
0x8c: {  	v15 =	vld [tilespmem:s14+$0x10];
	v10 =	vadd.f32 v13, v10;
	v11 =	vadd.f32 v11, v12  }
0x8d: {  	v6 =	vadd.f32 v7, v6;
	v7 =	vadd.f32 v9, v2;
	v12 =	vld [tilespmem:s14+$0x20]  }
0x8e: {  	v9 =	vld [tilespmem:s14+$0x30];
	v2 =	vadd.f32 v10, v3;
	v3 =	vadd.f32 v11, v8  }
0x8f: {  	v0 =	vadd.f32 v4, v0;
	v1 =	vadd.f32 v5, v1;
	v8 =	vld [tilespmem:s14+$0x40]  }
0x90: {  	v4 =	vunpack.i.u.bf16.f32 v14;
	v5 =	vld [tilespmem:s14+$0x50];
	v2 =	vadd.f32 v2, v6;
	v3 =	vadd.f32 v3, v7  }
0x91: {  	v6 =	vunpack.i.l.bf16.f32 v14;
	v7 =	vunpack.i.u.bf16.f32 v15;
	v10 =	vunpack.i.l.bf16.f32 v15;
	v11 =	vld [tilespmem:s14+$0x60]  }
0x92: {  	v13 =	vunpack.i.u.bf16.f32 v12;
	v14 =	vld [tilespmem:s14+$0x70];
	v6 =	vadd.f32 v10, v6;
	v7 =	vadd.f32 v7, v4  }
0x93: {  	v4 =	vunpack.i.l.bf16.f32 v12;
	v10 =	vunpack.i.u.bf16.f32 v9;
	v9 =	vunpack.i.l.bf16.f32 v9  }
0x94: {  	v12 =	vunpack.i.u.bf16.f32 v8;
	v4 =	vadd.f32 v9, v4;
	v10 =	vadd.f32 v10, v13  }
0x95: {  	v8 =	vunpack.i.l.bf16.f32 v8;
	v9 =	vunpack.i.u.bf16.f32 v5;
	v5 =	vunpack.i.l.bf16.f32 v5;
	v15 =	vld [tilespmem:s14+$0x80]  }
0x96: {  	v13 =	vunpack.i.u.bf16.f32 v11;
	v16 =	vld [tilespmem:s14+$0x90];
	v17 =	vadd.f32 v5, v8;
	v18 =	vadd.f32 v9, v12  }
0x97: {  	v5 =	vunpack.i.l.bf16.f32 v11;
	v8 =	vunpack.i.u.bf16.f32 v14;
	v11 =	vunpack.i.l.bf16.f32 v14;
	v12 =	vld [tilespmem:s14+$0xA0]  }
.Ltmp0:
0x98: {  	v9 =	vld [tilespmem:s14+$0xB0];
	v11 =	vadd.f32 v11, v5;
	v14 =	vadd.f32 v8, v13;
	(pc) =	sbr.rel @p0 .LBB2_3-.Ltmp0, $4  }
0x99: {  	v4 =	vadd.f32 v4, v6;
	v5 =	vadd.f32 v10, v7;
	v8 =	vld [tilespmem:s14+$0xC0]  }
0x9a: {  	v19 =	vunpack.i.u.bf16.f32 v15;
	v13 =	vld [tilespmem:s14+$0xD0];
	v6 =	vadd.f32 v11, v17;
	v7 =	vadd.f32 v14, v18  }
0x9b: {  	v10 =	vunpack.i.l.bf16.f32 v15;
	v11 =	vunpack.i.u.bf16.f32 v16;
	v17 =	vunpack.i.l.bf16.f32 v16;
	v14 =	vld [tilespmem:s14+$0xE0]  }
0x9c: {  	s15 =	sadd.s32 $0x40, s15;
	v16 =	vunpack.i.u.bf16.f32 v12;
	v15 =	vld [tilespmem:s14+$0xF0];
	v10 =	vadd.f32 v17, v10;
	v11 =	vadd.f32 v11, v19  }
0x9d: {  	v12 =	vunpack.i.l.bf16.f32 v12;
	v17 =	vunpack.i.u.bf16.f32 v9;
	v9 =	vunpack.i.l.bf16.f32 v9  }
0x9e: {  	v18 =	vunpack.i.u.bf16.f32 v8;
	v9 =	vadd.f32 v9, v12;
	v12 =	vadd.f32 v17, v16  }
0x9f: {  	v8 =	vunpack.i.l.bf16.f32 v8;
	v16 =	vunpack.i.u.bf16.f32 v13;
	v13 =	vunpack.i.l.bf16.f32 v13  }
0xa0: {  	v17 =	vunpack.i.u.bf16.f32 v14;
	v8 =	vadd.f32 v13, v8;
	v13 =	vadd.f32 v16, v18  }
0xa1: {  	v14 =	vunpack.i.l.bf16.f32 v14;
	v16 =	vunpack.i.u.bf16.f32 v15;
	v15 =	vunpack.i.l.bf16.f32 v15  }
0xa2: {  	v14 =	vadd.f32 v15, v14;
	v15 =	vadd.f32 v16, v17  }
0xa3: {  	v9 =	vadd.f32 v9, v10;
	v10 =	vadd.f32 v12, v11  }
0xa4: {  	v8 =	vadd.f32 v14, v8;
	v11 =	vadd.f32 v15, v13  }
0xa5: {  	v4 =	vadd.f32 v6, v4;
	v5 =	vadd.f32 v7, v5  }
0xa6: {  	v6 =	vadd.f32 v8, v9;
	v7 =	vadd.f32 v11, v10  }
0xa7: {  	v0 =	vadd.f32 v2, v0;
	v1 =	vadd.f32 v3, v1  }
0xa8: {  	v2 =	vadd.f32 v6, v4;
	v3 =	vadd.f32 v7, v5;
	_ =	sdelay $0x1  }
0xa9: {  	v0 =	vadd.f32 v2, v0;
	v1 =	vadd.f32 v3, v1  }
0xaa: {  	s14 =	smul.u32 $0x32, s0  }
0xab: {  	v0 =	vmul.f32 $3.125000000e-02, v0;
	v1 =	vmul.f32 $3.125000000e-02, v1  }
0xac: {  	s14 =	sadd.s32 s7, s14  }
0xad: {  	s15 =	sshra.s32 s30, $0x2;
	s14 =	sshll.u32 s14, $0x1;
	v0 =	vpack.i.f32.bf16 v1, v0  }
0xae: {  	s30 =	simm.s32 $0x0;
	s16 =	smul.u32 $0x640, s0;
	s14 =	sadd.s32 s6, s14;
	[tilespmem:s15+$0x6A40] =	vst v0  }
0xaf: {  	[hbm4b:s14+s30] =	stream.linear.scatter [tilespmem:s10], [sflag:$0x3], $0x190, $0x38;
	[tilespmem:$0x6D60] =	vst v63  }
0xb0: {  	s15 =	sadd.s32 s16, s9;
	_ =	swait.ge [sflag:s11], $0x190  }
0xb1: {  	s14 =	sshrl.u32 s15, $0x3;
	[sflag:s11] =	ssyncset.done $0x0  }
0xb2: {  	s14 =	sadd.s32 s2, s14;
	[sflag:s11] =	ssyncadd.s32 $0xFFFFFE70  }
0xb3: {  	[tilespmem:s30], [sflag:$0x5] =	stream.linear.gather [hbm4b:s14+s30], $0x320, $0x38;
	[tilespmem:$0x6D60] =	vst v63  }
0xb4: {  	_ =	swait.ge [sflag:s12], $0x320  }
0xb5: {  	[sflag:s12] =	ssyncset.done $0x0  }
0xb6: {  	s16 =	simm.s32 $0x640;
	[sflag:s12] =	ssyncadd.s32 $0xFFFFFCE0  }
0xb7: {  	[tilespmem:s16], [sflag:$0x1] =	stream.indirect.gather [hbm4b:s5+s13], $0x10, s30, s13, $0xb8;
	[tilespmem:$0x6D60] =	vst v63  }
0xb8: {  	s15 =	simm.s32 $0xE40  }
0xb9: {  	[tilespmem:s15], [sflag:$0x1] =	stream.indirect.gather [hbm4b:s5+s13], $0x10, s13, s13, $0xb8;
	[tilespmem:$0x6D60] =	vst v63  }
0xba: {  	s16 =	simm.s32 $0x100  }
0xbb: {  	[tilespmem:s17], [sflag:$0x1] =	stream.indirect.gather [hbm4b:s5+s13], $0x10, s16, s13, $0xb8;
	[tilespmem:$0x6D60] =	vst v63  }
0xbc: {  	_ = 	snop  }
0xbd: {  	[tilespmem:s19], [sflag:$0x1] =	stream.indirect.gather [hbm4b:s5+s13], $0x10, s18, s13, $0xb8;
	[tilespmem:$0x6D60] =	vst v63  }
0xbe: {  	_ = 	snop  }
0xbf: {  	[tilespmem:s21], [sflag:$0x1] =	stream.indirect.gather [hbm4b:s5+s13], $0x10, s20, s13, $0xb8;
	[tilespmem:$0x6D60] =	vst v63  }
0xc0: {  	_ = 	snop  }
0xc1: {  	[tilespmem:s23], [sflag:$0x1] =	stream.indirect.gather [hbm4b:s5+s13], $0x10, s22, s13, $0xb8;
	[tilespmem:$0x6D60] =	vst v63  }
0xc2: {  	_ = 	snop  }
0xc3: {  	[tilespmem:s26], [sflag:$0x1] =	stream.indirect.gather [hbm4b:s5+s24], $0x10, s25, s24, $0xb8;
	[tilespmem:$0x6D60] =	vst v63  }
0xc4: {  	_ =	swait.ge [sflag:s29], $0x3200  }
0xc5: {  	[sflag:s29] =	ssyncset.done $0x0  }
0xc6: {  	s14 =	simm.s32 $0x3940;
	[sflag:s29] =	ssyncadd.s32 $0xFFFFCE00  }
0xc7: {  	v0 =	vld [tilespmem:s14+$0xFFFFFF00]  }
0xc8: {  	v1 =	vld [tilespmem:s14+$0xFFFFFF10]  }
0xc9: {  	v2 =	vld [tilespmem:s14+$0xFFFFFF20]  }
0xca: {  	v3 =	vld [tilespmem:s14+$0xFFFFFF30]  }
0xcb: {  	v4 =	vld [tilespmem:s14+$0xFFFFFF40]  }
0xcc: {  	v6 =	vld [tilespmem:s14+$0xFFFFFF50];
	v5 =	vunpack.i.u.bf16.f32 v0  }
0xcd: {  	v8 =	vld [tilespmem:s14+$0xFFFFFF60];
	v0 =	vunpack.i.l.bf16.f32 v0;
	v7 =	vunpack.i.u.bf16.f32 v1;
	v1 =	vunpack.i.l.bf16.f32 v1  }
0xce: {  	v10 =	vld [tilespmem:s14+$0xFFFFFF70];
	v9 =	vunpack.i.u.bf16.f32 v2;
	v2 =	vunpack.i.l.bf16.f32 v2;
	v0 =	vadd.f32 v1, v0  }
0xcf: {  	v1 =	vadd.f32 v7, v5;
	v5 =	vunpack.i.u.bf16.f32 v3;
	v3 =	vunpack.i.l.bf16.f32 v3  }
0xd0: {  	v7 =	vunpack.i.u.bf16.f32 v4;
	v4 =	vunpack.i.l.bf16.f32 v4;
	v2 =	vadd.f32 v3, v2  }
0xd1: {  	v12 =	vld [tilespmem:s14+$0xFFFFFF90];
	v3 =	vadd.f32 v5, v9;
	v5 =	vunpack.i.u.bf16.f32 v6;
	v6 =	vunpack.i.l.bf16.f32 v6  }
0xd2: {  	v11 =	vunpack.i.u.bf16.f32 v8;
	v9 =	vld [tilespmem:s14+$0xFFFFFF80];
	v4 =	vadd.f32 v6, v4;
	v5 =	vadd.f32 v5, v7  }
0xd3: {  	v6 =	vunpack.i.l.bf16.f32 v8;
	v7 =	vunpack.i.u.bf16.f32 v10;
	v8 =	vunpack.i.l.bf16.f32 v10;
	v10 =	vld [tilespmem:s14+$0xFFFFFFA0]  }
0xd4: {  	v13 =	vld [tilespmem:s14+$0xFFFFFFB0];
	v6 =	vadd.f32 v8, v6;
	v7 =	vadd.f32 v7, v11  }
0xd5: {  	v8 =	vld [tilespmem:s14+$0xFFFFFFC0];
	v0 =	vadd.f32 v2, v0;
	v1 =	vadd.f32 v3, v1  }
0xd6: {  	v3 =	vld [tilespmem:s14+$0xFFFFFFD0];
	v4 =	vadd.f32 v6, v4;
	v5 =	vadd.f32 v7, v5;
	v7 =	vunpack.i.u.bf16.f32 v12  }
0xd7: {  	v11 =	vld [tilespmem:s14+$0xFFFFFFE0];
	v2 =	vunpack.i.u.bf16.f32 v9;
	v6 =	vunpack.i.l.bf16.f32 v9;
	v9 =	vunpack.i.l.bf16.f32 v12  }
0xd8: {  	v14 =	vld [tilespmem:s14+$0xFFFFFFF0];
	v12 =	vunpack.i.u.bf16.f32 v10;
	v6 =	vadd.f32 v9, v6;
	v2 =	vadd.f32 v7, v2  }
0xd9: {  	v7 =	vunpack.i.l.bf16.f32 v10;
	v9 =	vunpack.i.u.bf16.f32 v13;
	v10 =	vunpack.i.l.bf16.f32 v13  }
0xda: {  	v13 =	vunpack.i.u.bf16.f32 v8;
	v7 =	vadd.f32 v10, v7;
	v9 =	vadd.f32 v9, v12  }
0xdb: {  	v8 =	vunpack.i.l.bf16.f32 v8;
	v10 =	vunpack.i.u.bf16.f32 v3;
	v3 =	vunpack.i.l.bf16.f32 v3  }
0xdc: {  	v15 =	vld [tilespmem:s14+$0x10];
	v12 =	vunpack.i.u.bf16.f32 v11;
	v3 =	vadd.f32 v3, v8;
	v8 =	vadd.f32 v10, v13  }
0xdd: {  	v10 =	vunpack.i.l.bf16.f32 v11;
	v11 =	vunpack.i.u.bf16.f32 v14;
	v13 =	vunpack.i.l.bf16.f32 v14;
	v14 =	vld [tilespmem:s14+$0x0]  }
0xde: {  	v0 =	vadd.f32 v4, v0;
	v10 =	vadd.f32 v13, v10  }
0xdf: {  	v11 =	vadd.f32 v11, v12;
	v12 =	vld [tilespmem:s14+$0x20];
	v6 =	vadd.f32 v7, v6  }
0xe0: {  	v7 =	vadd.f32 v9, v2;
	v9 =	vld [tilespmem:s14+$0x30];
	v2 =	vadd.f32 v10, v3  }
0xe1: {  	v1 =	vadd.f32 v5, v1;
	v5 =	vld [tilespmem:s14+$0x50];
	v3 =	vadd.f32 v11, v8  }
0xe2: {  	v8 =	vld [tilespmem:s14+$0x40];
	v10 =	vunpack.i.l.bf16.f32 v15;
	v4 =	vunpack.i.u.bf16.f32 v14;
	v2 =	vadd.f32 v2, v6  }
0xe3: {  	v11 =	vld [tilespmem:s14+$0x60];
	v3 =	vadd.f32 v3, v7;
	v6 =	vunpack.i.l.bf16.f32 v14;
	v7 =	vunpack.i.u.bf16.f32 v15  }
0xe4: {  	v14 =	vld [tilespmem:s14+$0x70];
	v6 =	vadd.f32 v10, v6;
	v7 =	vadd.f32 v7, v4  }
0xe5: {  	v4 =	vunpack.i.l.bf16.f32 v12;
	v10 =	vunpack.i.u.bf16.f32 v9;
	v9 =	vunpack.i.l.bf16.f32 v9  }
0xe6: {  	v15 =	vld [tilespmem:s14+$0x80];
	v13 =	vunpack.i.u.bf16.f32 v12;
	v4 =	vadd.f32 v9, v4;
	v9 =	vunpack.i.u.bf16.f32 v5  }
0xe7: {  	v5 =	vunpack.i.l.bf16.f32 v5;
	v12 =	vunpack.i.u.bf16.f32 v8;
	v8 =	vunpack.i.l.bf16.f32 v8  }
0xe8: {  	v16 =	vld [tilespmem:s14+$0x90];
	v10 =	vadd.f32 v10, v13;
	v13 =	vunpack.i.u.bf16.f32 v11;
	v17 =	vadd.f32 v5, v8  }
0xe9: {  	v18 =	vadd.f32 v9, v12;
	v5 =	vunpack.i.l.bf16.f32 v11;
	v12 =	vld [tilespmem:s14+$0xA0];
	v11 =	vunpack.i.l.bf16.f32 v14  }
0xea: {  	v9 =	vld [tilespmem:s14+$0xB0];
	v8 =	vunpack.i.u.bf16.f32 v14;
	v11 =	vadd.f32 v11, v5  }
0xeb: {  	v4 =	vadd.f32 v4, v6;
	v19 =	vunpack.i.u.bf16.f32 v15;
	v14 =	vadd.f32 v8, v13;
	v8 =	vld [tilespmem:s14+$0xC0]  }
0xec: {  	v5 =	vadd.f32 v10, v7;
	v13 =	vld [tilespmem:s14+$0xD0];
	v10 =	vunpack.i.l.bf16.f32 v15;
	v6 =	vadd.f32 v11, v17  }
0xed: {  	v7 =	vadd.f32 v14, v18;
	v11 =	vunpack.i.u.bf16.f32 v16;
	v17 =	vunpack.i.l.bf16.f32 v16;
	v14 =	vld [tilespmem:s14+$0xE0]  }
0xee: {  	s15 =	simm.s32 $0x40;
	v15 =	vld [tilespmem:s14+$0xF0];
	v16 =	vunpack.i.u.bf16.f32 v12;
	v10 =	vadd.f32 v17, v10;
	v11 =	vadd.f32 v11, v19  }
.LBB2_5:
0xef: {  	p0 =	sne.s32 s15, $0x600;
	v12 =	vunpack.i.l.bf16.f32 v12;
	v17 =	vunpack.i.u.bf16.f32 v9;
	v9 =	vunpack.i.l.bf16.f32 v9  }
0xf0: {  	v18 =	vunpack.i.u.bf16.f32 v8;
	v9 =	vadd.f32 v9, v12;
	v12 =	vadd.f32 v17, v16  }
0xf1: {  	v8 =	vunpack.i.l.bf16.f32 v8;
	v16 =	vunpack.i.u.bf16.f32 v13;
	v13 =	vunpack.i.l.bf16.f32 v13  }
0xf2: {  	v17 =	vunpack.i.u.bf16.f32 v14;
	v8 =	vadd.f32 v13, v8;
	v13 =	vadd.f32 v16, v18  }
0xf3: {  	v14 =	vunpack.i.l.bf16.f32 v14;
	v16 =	vunpack.i.u.bf16.f32 v15;
	v15 =	vunpack.i.l.bf16.f32 v15  }
0xf4: {  	v14 =	vadd.f32 v15, v14;
	v15 =	vadd.f32 v16, v17  }
0xf5: {  	v9 =	vadd.f32 v9, v10;
	v10 =	vadd.f32 v12, v11  }
0xf6: {  	v8 =	vadd.f32 v14, v8;
	v11 =	vadd.f32 v15, v13  }
0xf7: {  	v4 =	vadd.f32 v6, v4;
	v5 =	vadd.f32 v7, v5  }
0xf8: {  	v6 =	vadd.f32 v8, v9;
	v7 =	vadd.f32 v11, v10  }
0xf9: {  	v0 =	vadd.f32 v2, v0;
	v1 =	vadd.f32 v3, v1  }
0xfa: {  	v2 =	vadd.f32 v6, v4;
	v3 =	vadd.f32 v7, v5;
	_ =	sdelay $0x1  }
0xfb: {  	v0 =	vadd.f32 v2, v0;
	v1 =	vadd.f32 v3, v1;
	_ =	sdelay $0x1  }
0xfc: {  	v0 =	vmul.f32 $3.125000000e-02, v0;
	v1 =	vmul.f32 $3.125000000e-02, v1;
	_ =	sdelay $0x1  }
0xfd: {  	s16 =	sshra.s32 s30, $0x2;
	s30 =	smov.u32 s15;
	v0 =	vpack.i.f32.bf16 v1, v0  }
0xfe: {  	s14 =	sadd.s32 $0x200, s14;
	[tilespmem:s16+$0x6BD0] =	vst v0  }
0xff: {  	v0 =	vld [tilespmem:s14+$0xFFFFFF00]  }
0x100: {  	v1 =	vld [tilespmem:s14+$0xFFFFFF10]  }
0x101: {  	v2 =	vld [tilespmem:s14+$0xFFFFFF20]  }
0x102: {  	v3 =	vld [tilespmem:s14+$0xFFFFFF30]  }
0x103: {  	v4 =	vld [tilespmem:s14+$0xFFFFFF40]  }
0x104: {  	v5 =	vunpack.i.u.bf16.f32 v0;
	v6 =	vld [tilespmem:s14+$0xFFFFFF50]  }
0x105: {  	v0 =	vunpack.i.l.bf16.f32 v0;
	v7 =	vunpack.i.u.bf16.f32 v1;
	v1 =	vunpack.i.l.bf16.f32 v1;
	v8 =	vld [tilespmem:s14+$0xFFFFFF60]  }
0x106: {  	v9 =	vunpack.i.u.bf16.f32 v2;
	v10 =	vld [tilespmem:s14+$0xFFFFFF70];
	v0 =	vadd.f32 v1, v0;
	v1 =	vadd.f32 v7, v5  }
0x107: {  	v2 =	vunpack.i.l.bf16.f32 v2;
	v5 =	vunpack.i.u.bf16.f32 v3;
	v3 =	vunpack.i.l.bf16.f32 v3  }
0x108: {  	v7 =	vunpack.i.u.bf16.f32 v4;
	v2 =	vadd.f32 v3, v2;
	v3 =	vadd.f32 v5, v9  }
0x109: {  	v4 =	vunpack.i.l.bf16.f32 v4;
	v5 =	vunpack.i.u.bf16.f32 v6;
	v6 =	vunpack.i.l.bf16.f32 v6;
	v9 =	vld [tilespmem:s14+$0xFFFFFF80]  }
0x10a: {  	v11 =	vunpack.i.u.bf16.f32 v8;
	v12 =	vld [tilespmem:s14+$0xFFFFFF90];
	v4 =	vadd.f32 v6, v4;
	v5 =	vadd.f32 v5, v7  }
0x10b: {  	v6 =	vunpack.i.l.bf16.f32 v8;
	v7 =	vunpack.i.u.bf16.f32 v10;
	v8 =	vunpack.i.l.bf16.f32 v10;
	v10 =	vld [tilespmem:s14+$0xFFFFFFA0]  }
0x10c: {  	v13 =	vld [tilespmem:s14+$0xFFFFFFB0];
	v6 =	vadd.f32 v8, v6;
	v7 =	vadd.f32 v7, v11  }
0x10d: {  	v0 =	vadd.f32 v2, v0;
	v1 =	vadd.f32 v3, v1;
	v8 =	vld [tilespmem:s14+$0xFFFFFFC0]  }
0x10e: {  	v2 =	vunpack.i.u.bf16.f32 v9;
	v3 =	vld [tilespmem:s14+$0xFFFFFFD0];
	v4 =	vadd.f32 v6, v4;
	v5 =	vadd.f32 v7, v5  }
0x10f: {  	v6 =	vunpack.i.l.bf16.f32 v9;
	v7 =	vunpack.i.u.bf16.f32 v12;
	v9 =	vunpack.i.l.bf16.f32 v12;
	v11 =	vld [tilespmem:s14+$0xFFFFFFE0]  }
0x110: {  	v12 =	vunpack.i.u.bf16.f32 v10;
	v14 =	vld [tilespmem:s14+$0xFFFFFFF0];
	v6 =	vadd.f32 v9, v6;
	v2 =	vadd.f32 v7, v2  }
0x111: {  	v7 =	vunpack.i.l.bf16.f32 v10;
	v9 =	vunpack.i.u.bf16.f32 v13;
	v10 =	vunpack.i.l.bf16.f32 v13  }
0x112: {  	v13 =	vunpack.i.u.bf16.f32 v8;
	v7 =	vadd.f32 v10, v7;
	v9 =	vadd.f32 v9, v12  }
0x113: {  	v8 =	vunpack.i.l.bf16.f32 v8;
	v10 =	vunpack.i.u.bf16.f32 v3;
	v3 =	vunpack.i.l.bf16.f32 v3  }
0x114: {  	v12 =	vunpack.i.u.bf16.f32 v11;
	v3 =	vadd.f32 v3, v8;
	v8 =	vadd.f32 v10, v13  }
0x115: {  	v10 =	vunpack.i.l.bf16.f32 v11;
	v11 =	vunpack.i.u.bf16.f32 v14;
	v13 =	vunpack.i.l.bf16.f32 v14;
	v14 =	vld [tilespmem:s14+$0x0]  }
0x116: {  	v15 =	vld [tilespmem:s14+$0x10];
	v10 =	vadd.f32 v13, v10;
	v11 =	vadd.f32 v11, v12  }
0x117: {  	v6 =	vadd.f32 v7, v6;
	v7 =	vadd.f32 v9, v2;
	v12 =	vld [tilespmem:s14+$0x20]  }
0x118: {  	v9 =	vld [tilespmem:s14+$0x30];
	v2 =	vadd.f32 v10, v3;
	v3 =	vadd.f32 v11, v8  }
0x119: {  	v0 =	vadd.f32 v4, v0;
	v1 =	vadd.f32 v5, v1;
	v8 =	vld [tilespmem:s14+$0x40]  }
0x11a: {  	v4 =	vunpack.i.u.bf16.f32 v14;
	v5 =	vld [tilespmem:s14+$0x50];
	v2 =	vadd.f32 v2, v6;
	v3 =	vadd.f32 v3, v7  }
0x11b: {  	v6 =	vunpack.i.l.bf16.f32 v14;
	v7 =	vunpack.i.u.bf16.f32 v15;
	v10 =	vunpack.i.l.bf16.f32 v15;
	v11 =	vld [tilespmem:s14+$0x60]  }
0x11c: {  	v13 =	vunpack.i.u.bf16.f32 v12;
	v14 =	vld [tilespmem:s14+$0x70];
	v6 =	vadd.f32 v10, v6;
	v7 =	vadd.f32 v7, v4  }
0x11d: {  	v4 =	vunpack.i.l.bf16.f32 v12;
	v10 =	vunpack.i.u.bf16.f32 v9;
	v9 =	vunpack.i.l.bf16.f32 v9  }
0x11e: {  	v12 =	vunpack.i.u.bf16.f32 v8;
	v4 =	vadd.f32 v9, v4;
	v10 =	vadd.f32 v10, v13  }
0x11f: {  	v8 =	vunpack.i.l.bf16.f32 v8;
	v9 =	vunpack.i.u.bf16.f32 v5;
	v5 =	vunpack.i.l.bf16.f32 v5;
	v15 =	vld [tilespmem:s14+$0x80]  }
0x120: {  	v13 =	vunpack.i.u.bf16.f32 v11;
	v16 =	vld [tilespmem:s14+$0x90];
	v17 =	vadd.f32 v5, v8;
	v18 =	vadd.f32 v9, v12  }
0x121: {  	v5 =	vunpack.i.l.bf16.f32 v11;
	v8 =	vunpack.i.u.bf16.f32 v14;
	v11 =	vunpack.i.l.bf16.f32 v14;
	v12 =	vld [tilespmem:s14+$0xA0]  }
.Ltmp1:
0x122: {  	v9 =	vld [tilespmem:s14+$0xB0];
	v11 =	vadd.f32 v11, v5;
	v14 =	vadd.f32 v8, v13;
	(pc) =	sbr.rel @p0 .LBB2_5-.Ltmp1, $4  }
0x123: {  	v4 =	vadd.f32 v4, v6;
	v5 =	vadd.f32 v10, v7;
	v8 =	vld [tilespmem:s14+$0xC0]  }
0x124: {  	v19 =	vunpack.i.u.bf16.f32 v15;
	v13 =	vld [tilespmem:s14+$0xD0];
	v6 =	vadd.f32 v11, v17;
	v7 =	vadd.f32 v14, v18  }
0x125: {  	v10 =	vunpack.i.l.bf16.f32 v15;
	v11 =	vunpack.i.u.bf16.f32 v16;
	v17 =	vunpack.i.l.bf16.f32 v16;
	v14 =	vld [tilespmem:s14+$0xE0]  }
0x126: {  	s15 =	sadd.s32 $0x40, s15;
	v16 =	vunpack.i.u.bf16.f32 v12;
	v15 =	vld [tilespmem:s14+$0xF0];
	v10 =	vadd.f32 v17, v10;
	v11 =	vadd.f32 v11, v19  }
0x127: {  	v12 =	vunpack.i.l.bf16.f32 v12;
	v17 =	vunpack.i.u.bf16.f32 v9;
	v47 =	vunpack.i.l.bf16.f32 v9  }
0x128: {  	v18 =	vunpack.i.u.bf16.f32 v8;
	v9 =	vadd.f32 v47, v12;
	v48 =	vadd.f32 v17, v16  }
0x129: {  	v49 =	vunpack.i.l.bf16.f32 v8;
	v50 =	vunpack.i.u.bf16.f32 v13;
	v51 =	vunpack.i.l.bf16.f32 v13  }
0x12a: {  	v52 =	vunpack.i.u.bf16.f32 v14;
	v8 =	vadd.f32 v51, v49;
	v53 =	vadd.f32 v50, v18  }
0x12b: {  	v54 =	vunpack.i.l.bf16.f32 v14;
	v55 =	vunpack.i.u.bf16.f32 v15;
	v56 =	vunpack.i.l.bf16.f32 v15  }
0x12c: {  	v14 =	vadd.f32 v56, v54;
	v57 =	vadd.f32 v55, v52  }
0x12d: {  	v9 =	vadd.f32 v9, v10;
	v58 =	vadd.f32 v48, v11  }
0x12e: {  	v8 =	vadd.f32 v14, v8;
	v59 =	vadd.f32 v57, v53  }
0x12f: {  	v4 =	vadd.f32 v6, v4;
	v5 =	vadd.f32 v7, v5  }
0x130: {  	v60 =	vadd.f32 v8, v9;
	v61 =	vadd.f32 v59, v58  }
0x131: {  	v0 =	vadd.f32 v2, v0;
	v1 =	vadd.f32 v3, v1  }
0x132: {  	v62 =	vadd.f32 v60, v4;
	v63 =	vadd.f32 v61, v5;
	_ =	sdelay $0x1  }
0x133: {  	s1 =	smul.u32 $0x19, s1;
	v0 =	vadd.f32 v62, v0;
	v1 =	vadd.f32 v63, v1;
	_ =	sdelay $0x1  }
0x134: {  	s1 =	sadd.s32 s7, s1;
	v0 =	vmul.f32 $3.125000000e-02, v0;
	v1 =	vmul.f32 $3.125000000e-02, v1  }
0x135: {  	s0 =	sadd.s32 $0x1, s0;
	s1 =	sshll.u32 s1, $0x1  }
0x136: {  	s14 =	sshra.s32 s30, $0x2;
	p0 =	sne.s32 s0, $0xC;
	s1 =	sand.u32 $0x1FFFFFFE, s1;
	v0 =	vpack.i.f32.bf16 v1, v0  }
.Ltmp2:
0x137: {  	s30 =	simm.s32 $0x6BD0;
	s1 =	sadd.s32 s6, s1;
	[tilespmem:s14+$0x6BD0] =	vst v0;
	(pc) =	sbr.rel @p0 .LBB2_2-.Ltmp2, $4  }
0x138: {  	[hbm4b:s1+s3] =	stream.linear.scatter [tilespmem:s30], [sflag:$0x4], $0x190, $0x38;
	[tilespmem:$0x6D60] =	vst v63  }
0x139: {  	_ =	swait.ge [sflag:s31], $0x190  }
0x13a: {  	[sflag:s31] =	ssyncset.done $0x0  }
0x13b: {  	[sflag:s31] =	ssyncadd.s32 $0xFFFFFE70  }
0x13c: {  	_ =	swait.ge [sflag:s8], $0x3200  }
0x13d: {  	[sflag:s8] =	ssyncset.done $0x0  }
0x13e: {  	s0 =	simm.s32 $0x740;
	[sflag:s8] =	ssyncadd.s32 $0xFFFFCE00  }
0x13f: {  	v0 =	vld [tilespmem:s0+$0xFFFFFF00]  }
0x140: {  	v1 =	vld [tilespmem:s0+$0xFFFFFF10]  }
0x141: {  	v2 =	vld [tilespmem:s0+$0xFFFFFF20]  }
0x142: {  	v3 =	vld [tilespmem:s0+$0xFFFFFF30]  }
0x143: {  	v4 =	vld [tilespmem:s0+$0xFFFFFF40]  }
0x144: {  	v6 =	vld [tilespmem:s0+$0xFFFFFF50];
	v5 =	vunpack.i.u.bf16.f32 v0  }
0x145: {  	v8 =	vld [tilespmem:s0+$0xFFFFFF60];
	v0 =	vunpack.i.l.bf16.f32 v0;
	v7 =	vunpack.i.u.bf16.f32 v1;
	v1 =	vunpack.i.l.bf16.f32 v1  }
0x146: {  	v10 =	vld [tilespmem:s0+$0xFFFFFF70];
	v9 =	vunpack.i.u.bf16.f32 v2;
	v2 =	vunpack.i.l.bf16.f32 v2;
	v0 =	vadd.f32 v1, v0  }
0x147: {  	v1 =	vadd.f32 v7, v5;
	v5 =	vunpack.i.u.bf16.f32 v3;
	v3 =	vunpack.i.l.bf16.f32 v3  }
0x148: {  	v7 =	vunpack.i.u.bf16.f32 v4;
	v4 =	vunpack.i.l.bf16.f32 v4;
	v2 =	vadd.f32 v3, v2  }
0x149: {  	v12 =	vld [tilespmem:s0+$0xFFFFFF90];
	v3 =	vadd.f32 v5, v9;
	v5 =	vunpack.i.u.bf16.f32 v6;
	v6 =	vunpack.i.l.bf16.f32 v6  }
0x14a: {  	v11 =	vunpack.i.u.bf16.f32 v8;
	v9 =	vld [tilespmem:s0+$0xFFFFFF80];
	v4 =	vadd.f32 v6, v4;
	v5 =	vadd.f32 v5, v7  }
0x14b: {  	v6 =	vunpack.i.l.bf16.f32 v8;
	v7 =	vunpack.i.u.bf16.f32 v10;
	v8 =	vunpack.i.l.bf16.f32 v10;
	v10 =	vld [tilespmem:s0+$0xFFFFFFA0]  }
0x14c: {  	v13 =	vld [tilespmem:s0+$0xFFFFFFB0];
	v6 =	vadd.f32 v8, v6;
	v7 =	vadd.f32 v7, v11  }
0x14d: {  	v8 =	vld [tilespmem:s0+$0xFFFFFFC0];
	v0 =	vadd.f32 v2, v0;
	v1 =	vadd.f32 v3, v1  }
0x14e: {  	v3 =	vld [tilespmem:s0+$0xFFFFFFD0];
	v4 =	vadd.f32 v6, v4;
	v5 =	vadd.f32 v7, v5;
	v7 =	vunpack.i.u.bf16.f32 v12  }
0x14f: {  	v11 =	vld [tilespmem:s0+$0xFFFFFFE0];
	v2 =	vunpack.i.u.bf16.f32 v9;
	v6 =	vunpack.i.l.bf16.f32 v9;
	v9 =	vunpack.i.l.bf16.f32 v12  }
0x150: {  	v14 =	vld [tilespmem:s0+$0xFFFFFFF0];
	v12 =	vunpack.i.u.bf16.f32 v10;
	v6 =	vadd.f32 v9, v6;
	v2 =	vadd.f32 v7, v2  }
0x151: {  	v7 =	vunpack.i.l.bf16.f32 v10;
	v9 =	vunpack.i.u.bf16.f32 v13;
	v10 =	vunpack.i.l.bf16.f32 v13  }
0x152: {  	v13 =	vunpack.i.u.bf16.f32 v8;
	v7 =	vadd.f32 v10, v7;
	v9 =	vadd.f32 v9, v12  }
0x153: {  	v8 =	vunpack.i.l.bf16.f32 v8;
	v10 =	vunpack.i.u.bf16.f32 v3;
	v3 =	vunpack.i.l.bf16.f32 v3  }
0x154: {  	v15 =	vld [tilespmem:s0+$0x10];
	v12 =	vunpack.i.u.bf16.f32 v11;
	v3 =	vadd.f32 v3, v8;
	v8 =	vadd.f32 v10, v13  }
0x155: {  	v10 =	vunpack.i.l.bf16.f32 v11;
	v11 =	vunpack.i.u.bf16.f32 v14;
	v13 =	vunpack.i.l.bf16.f32 v14;
	v14 =	vld [tilespmem:s0+$0x0]  }
0x156: {  	v0 =	vadd.f32 v4, v0;
	v10 =	vadd.f32 v13, v10  }
0x157: {  	v11 =	vadd.f32 v11, v12;
	v12 =	vld [tilespmem:s0+$0x20];
	v6 =	vadd.f32 v7, v6  }
0x158: {  	v7 =	vadd.f32 v9, v2;
	v9 =	vld [tilespmem:s0+$0x30];
	v2 =	vadd.f32 v10, v3  }
0x159: {  	v1 =	vadd.f32 v5, v1;
	v5 =	vld [tilespmem:s0+$0x50];
	v3 =	vadd.f32 v11, v8  }
0x15a: {  	v8 =	vld [tilespmem:s0+$0x40];
	v10 =	vunpack.i.l.bf16.f32 v15;
	v4 =	vunpack.i.u.bf16.f32 v14;
	v2 =	vadd.f32 v2, v6  }
0x15b: {  	v11 =	vld [tilespmem:s0+$0x60];
	v3 =	vadd.f32 v3, v7;
	v6 =	vunpack.i.l.bf16.f32 v14;
	v7 =	vunpack.i.u.bf16.f32 v15  }
0x15c: {  	v14 =	vld [tilespmem:s0+$0x70];
	v13 =	vunpack.i.u.bf16.f32 v12;
	v6 =	vadd.f32 v10, v6;
	v7 =	vadd.f32 v7, v4  }
0x15d: {  	v4 =	vunpack.i.l.bf16.f32 v12;
	v10 =	vunpack.i.u.bf16.f32 v9;
	v9 =	vunpack.i.l.bf16.f32 v9  }
0x15e: {  	v4 =	vadd.f32 v9, v4;
	v13 =	vadd.f32 v10, v13;
	v9 =	vunpack.i.u.bf16.f32 v5  }
0x15f: {  	v15 =	vld [tilespmem:s0+$0x80];
	v5 =	vunpack.i.l.bf16.f32 v5;
	v12 =	vunpack.i.u.bf16.f32 v8;
	v8 =	vunpack.i.l.bf16.f32 v8  }
0x160: {  	v17 =	vld [tilespmem:s0+$0x90];
	v16 =	vunpack.i.u.bf16.f32 v11;
	v18 =	vadd.f32 v5, v8;
	v12 =	vadd.f32 v9, v12  }
0x161: {  	v10 =	vld [tilespmem:s0+$0xA0];
	v5 =	vunpack.i.l.bf16.f32 v11;
	v8 =	vunpack.i.u.bf16.f32 v14;
	v11 =	vunpack.i.l.bf16.f32 v14  }
0x162: {  	v9 =	vld [tilespmem:s0+$0xB0];
	v11 =	vadd.f32 v11, v5;
	v14 =	vadd.f32 v8, v16  }
0x163: {  	v4 =	vadd.f32 v4, v6;
	v8 =	vld [tilespmem:s0+$0xC0];
	v5 =	vadd.f32 v13, v7  }
0x164: {  	v19 =	vunpack.i.u.bf16.f32 v15;
	v13 =	vld [tilespmem:s0+$0xD0];
	v6 =	vadd.f32 v11, v18;
	v7 =	vadd.f32 v14, v12  }
0x165: {  	v11 =	vunpack.i.l.bf16.f32 v15;
	v12 =	vunpack.i.u.bf16.f32 v17;
	v17 =	vunpack.i.l.bf16.f32 v17;
	v14 =	vld [tilespmem:s0+$0xE0]  }
0x166: {  	s1 =	simm.s32 $0x0;
	s14 =	simm.s32 $0x40;
	v16 =	vunpack.i.u.bf16.f32 v10;
	v15 =	vld [tilespmem:s0+$0xF0];
	v11 =	vadd.f32 v17, v11;
	v12 =	vadd.f32 v12, v19  }
.LBB2_8:
0x167: {  	p0 =	sne.s32 s14, $0x600;
	v10 =	vunpack.i.l.bf16.f32 v10;
	v17 =	vunpack.i.u.bf16.f32 v9;
	v9 =	vunpack.i.l.bf16.f32 v9  }
0x168: {  	v18 =	vunpack.i.u.bf16.f32 v8;
	v9 =	vadd.f32 v9, v10;
	v10 =	vadd.f32 v17, v16  }
0x169: {  	v8 =	vunpack.i.l.bf16.f32 v8;
	v16 =	vunpack.i.u.bf16.f32 v13;
	v13 =	vunpack.i.l.bf16.f32 v13  }
0x16a: {  	v17 =	vunpack.i.u.bf16.f32 v14;
	v8 =	vadd.f32 v13, v8;
	v13 =	vadd.f32 v16, v18  }
0x16b: {  	v14 =	vunpack.i.l.bf16.f32 v14;
	v16 =	vunpack.i.u.bf16.f32 v15;
	v15 =	vunpack.i.l.bf16.f32 v15  }
0x16c: {  	v14 =	vadd.f32 v15, v14;
	v15 =	vadd.f32 v16, v17  }
0x16d: {  	v9 =	vadd.f32 v9, v11;
	v10 =	vadd.f32 v10, v12  }
0x16e: {  	v8 =	vadd.f32 v14, v8;
	v11 =	vadd.f32 v15, v13  }
0x16f: {  	v4 =	vadd.f32 v6, v4;
	v5 =	vadd.f32 v7, v5  }
0x170: {  	v6 =	vadd.f32 v8, v9;
	v7 =	vadd.f32 v11, v10  }
0x171: {  	v0 =	vadd.f32 v2, v0;
	v1 =	vadd.f32 v3, v1  }
0x172: {  	v2 =	vadd.f32 v6, v4;
	v3 =	vadd.f32 v7, v5;
	_ =	sdelay $0x1  }
0x173: {  	v0 =	vadd.f32 v2, v0;
	v1 =	vadd.f32 v3, v1;
	_ =	sdelay $0x1  }
0x174: {  	v0 =	vmul.f32 $3.125000000e-02, v0;
	v1 =	vmul.f32 $3.125000000e-02, v1;
	_ =	sdelay $0x1  }
0x175: {  	s15 =	sshra.s32 s1, $0x2;
	s1 =	smov.u32 s14;
	v0 =	vpack.i.f32.bf16 v1, v0  }
0x176: {  	s0 =	sadd.s32 $0x200, s0;
	[tilespmem:s15+$0x6A40] =	vst v0  }
0x177: {  	v0 =	vld [tilespmem:s0+$0xFFFFFF00]  }
0x178: {  	v1 =	vld [tilespmem:s0+$0xFFFFFF10]  }
0x179: {  	v2 =	vld [tilespmem:s0+$0xFFFFFF20]  }
0x17a: {  	v3 =	vld [tilespmem:s0+$0xFFFFFF30]  }
0x17b: {  	v4 =	vld [tilespmem:s0+$0xFFFFFF40]  }
0x17c: {  	v5 =	vunpack.i.u.bf16.f32 v0;
	v6 =	vld [tilespmem:s0+$0xFFFFFF50]  }
0x17d: {  	v0 =	vunpack.i.l.bf16.f32 v0;
	v7 =	vunpack.i.u.bf16.f32 v1;
	v1 =	vunpack.i.l.bf16.f32 v1;
	v8 =	vld [tilespmem:s0+$0xFFFFFF60]  }
0x17e: {  	v9 =	vunpack.i.u.bf16.f32 v2;
	v10 =	vld [tilespmem:s0+$0xFFFFFF70];
	v0 =	vadd.f32 v1, v0;
	v1 =	vadd.f32 v7, v5  }
0x17f: {  	v2 =	vunpack.i.l.bf16.f32 v2;
	v5 =	vunpack.i.u.bf16.f32 v3;
	v3 =	vunpack.i.l.bf16.f32 v3  }
0x180: {  	v7 =	vunpack.i.u.bf16.f32 v4;
	v2 =	vadd.f32 v3, v2;
	v3 =	vadd.f32 v5, v9  }
0x181: {  	v4 =	vunpack.i.l.bf16.f32 v4;
	v5 =	vunpack.i.u.bf16.f32 v6;
	v6 =	vunpack.i.l.bf16.f32 v6;
	v9 =	vld [tilespmem:s0+$0xFFFFFF80]  }
0x182: {  	v11 =	vunpack.i.u.bf16.f32 v8;
	v12 =	vld [tilespmem:s0+$0xFFFFFF90];
	v4 =	vadd.f32 v6, v4;
	v5 =	vadd.f32 v5, v7  }
0x183: {  	v6 =	vunpack.i.l.bf16.f32 v8;
	v7 =	vunpack.i.u.bf16.f32 v10;
	v8 =	vunpack.i.l.bf16.f32 v10;
	v10 =	vld [tilespmem:s0+$0xFFFFFFA0]  }
0x184: {  	v13 =	vld [tilespmem:s0+$0xFFFFFFB0];
	v6 =	vadd.f32 v8, v6;
	v7 =	vadd.f32 v7, v11  }
0x185: {  	v0 =	vadd.f32 v2, v0;
	v1 =	vadd.f32 v3, v1;
	v8 =	vld [tilespmem:s0+$0xFFFFFFC0]  }
0x186: {  	v2 =	vunpack.i.u.bf16.f32 v9;
	v3 =	vld [tilespmem:s0+$0xFFFFFFD0];
	v4 =	vadd.f32 v6, v4;
	v5 =	vadd.f32 v7, v5  }
0x187: {  	v6 =	vunpack.i.l.bf16.f32 v9;
	v7 =	vunpack.i.u.bf16.f32 v12;
	v9 =	vunpack.i.l.bf16.f32 v12;
	v11 =	vld [tilespmem:s0+$0xFFFFFFE0]  }
0x188: {  	v12 =	vunpack.i.u.bf16.f32 v10;
	v14 =	vld [tilespmem:s0+$0xFFFFFFF0];
	v6 =	vadd.f32 v9, v6;
	v2 =	vadd.f32 v7, v2  }
0x189: {  	v7 =	vunpack.i.l.bf16.f32 v10;
	v9 =	vunpack.i.u.bf16.f32 v13;
	v10 =	vunpack.i.l.bf16.f32 v13  }
0x18a: {  	v13 =	vunpack.i.u.bf16.f32 v8;
	v7 =	vadd.f32 v10, v7;
	v9 =	vadd.f32 v9, v12  }
0x18b: {  	v8 =	vunpack.i.l.bf16.f32 v8;
	v10 =	vunpack.i.u.bf16.f32 v3;
	v3 =	vunpack.i.l.bf16.f32 v3  }
0x18c: {  	v12 =	vunpack.i.u.bf16.f32 v11;
	v3 =	vadd.f32 v3, v8;
	v8 =	vadd.f32 v10, v13  }
0x18d: {  	v10 =	vunpack.i.l.bf16.f32 v11;
	v11 =	vunpack.i.u.bf16.f32 v14;
	v13 =	vunpack.i.l.bf16.f32 v14;
	v14 =	vld [tilespmem:s0+$0x0]  }
0x18e: {  	v15 =	vld [tilespmem:s0+$0x10];
	v10 =	vadd.f32 v13, v10;
	v11 =	vadd.f32 v11, v12  }
0x18f: {  	v6 =	vadd.f32 v7, v6;
	v7 =	vadd.f32 v9, v2;
	v12 =	vld [tilespmem:s0+$0x20]  }
0x190: {  	v9 =	vld [tilespmem:s0+$0x30];
	v2 =	vadd.f32 v10, v3;
	v3 =	vadd.f32 v11, v8  }
0x191: {  	v0 =	vadd.f32 v4, v0;
	v1 =	vadd.f32 v5, v1;
	v8 =	vld [tilespmem:s0+$0x40]  }
0x192: {  	v4 =	vunpack.i.u.bf16.f32 v14;
	v5 =	vld [tilespmem:s0+$0x50];
	v2 =	vadd.f32 v2, v6;
	v3 =	vadd.f32 v3, v7  }
0x193: {  	v6 =	vunpack.i.l.bf16.f32 v14;
	v7 =	vunpack.i.u.bf16.f32 v15;
	v10 =	vunpack.i.l.bf16.f32 v15;
	v11 =	vld [tilespmem:s0+$0x60]  }
0x194: {  	v13 =	vunpack.i.u.bf16.f32 v12;
	v14 =	vld [tilespmem:s0+$0x70];
	v6 =	vadd.f32 v10, v6;
	v7 =	vadd.f32 v7, v4  }
0x195: {  	v4 =	vunpack.i.l.bf16.f32 v12;
	v10 =	vunpack.i.u.bf16.f32 v9;
	v9 =	vunpack.i.l.bf16.f32 v9  }
0x196: {  	v12 =	vunpack.i.u.bf16.f32 v8;
	v4 =	vadd.f32 v9, v4;
	v13 =	vadd.f32 v10, v13  }
0x197: {  	v8 =	vunpack.i.l.bf16.f32 v8;
	v9 =	vunpack.i.u.bf16.f32 v5;
	v5 =	vunpack.i.l.bf16.f32 v5;
	v15 =	vld [tilespmem:s0+$0x80]  }
0x198: {  	v16 =	vunpack.i.u.bf16.f32 v11;
	v17 =	vld [tilespmem:s0+$0x90];
	v18 =	vadd.f32 v5, v8;
	v12 =	vadd.f32 v9, v12  }
0x199: {  	v5 =	vunpack.i.l.bf16.f32 v11;
	v8 =	vunpack.i.u.bf16.f32 v14;
	v11 =	vunpack.i.l.bf16.f32 v14;
	v10 =	vld [tilespmem:s0+$0xA0]  }
.Ltmp3:
0x19a: {  	v9 =	vld [tilespmem:s0+$0xB0];
	v11 =	vadd.f32 v11, v5;
	v14 =	vadd.f32 v8, v16;
	(pc) =	sbr.rel @p0 .LBB2_8-.Ltmp3, $4  }
0x19b: {  	v4 =	vadd.f32 v4, v6;
	v5 =	vadd.f32 v13, v7;
	v8 =	vld [tilespmem:s0+$0xC0]  }
0x19c: {  	v19 =	vunpack.i.u.bf16.f32 v15;
	v13 =	vld [tilespmem:s0+$0xD0];
	v6 =	vadd.f32 v11, v18;
	v7 =	vadd.f32 v14, v12  }
0x19d: {  	v11 =	vunpack.i.l.bf16.f32 v15;
	v12 =	vunpack.i.u.bf16.f32 v17;
	v17 =	vunpack.i.l.bf16.f32 v17;
	v14 =	vld [tilespmem:s0+$0xE0]  }
0x19e: {  	s14 =	sadd.s32 $0x40, s14;
	v16 =	vunpack.i.u.bf16.f32 v10;
	v15 =	vld [tilespmem:s0+$0xF0];
	v11 =	vadd.f32 v17, v11;
	v12 =	vadd.f32 v12, v19  }
0x19f: {  	v10 =	vunpack.i.l.bf16.f32 v10;
	v17 =	vunpack.i.u.bf16.f32 v9;
	v48 =	vunpack.i.l.bf16.f32 v9  }
0x1a0: {  	v18 =	vunpack.i.u.bf16.f32 v8;
	v9 =	vadd.f32 v48, v10;
	v49 =	vadd.f32 v17, v16  }
0x1a1: {  	v50 =	vunpack.i.l.bf16.f32 v8;
	v51 =	vunpack.i.u.bf16.f32 v13;
	v52 =	vunpack.i.l.bf16.f32 v13  }
0x1a2: {  	v53 =	vunpack.i.u.bf16.f32 v14;
	v8 =	vadd.f32 v52, v50;
	v54 =	vadd.f32 v51, v18  }
0x1a3: {  	v55 =	vunpack.i.l.bf16.f32 v14;
	v56 =	vunpack.i.u.bf16.f32 v15;
	v57 =	vunpack.i.l.bf16.f32 v15  }
0x1a4: {  	v14 =	vadd.f32 v57, v55;
	v58 =	vadd.f32 v56, v53  }
0x1a5: {  	v9 =	vadd.f32 v9, v11;
	v10 =	vadd.f32 v49, v12  }
0x1a6: {  	v8 =	vadd.f32 v14, v8;
	v59 =	vadd.f32 v58, v54  }
0x1a7: {  	v4 =	vadd.f32 v6, v4;
	v5 =	vadd.f32 v7, v5  }
0x1a8: {  	v60 =	vadd.f32 v8, v9;
	v61 =	vadd.f32 v59, v10  }
0x1a9: {  	v0 =	vadd.f32 v2, v0;
	v1 =	vadd.f32 v3, v1  }
0x1aa: {  	v62 =	vadd.f32 v60, v4;
	v63 =	vadd.f32 v61, v5;
	_ =	sdelay $0x1  }
0x1ab: {  	v0 =	vadd.f32 v62, v0;
	v1 =	vadd.f32 v63, v1;
	_ =	sdelay $0x1  }
0x1ac: {  	v0 =	vmul.f32 $3.125000000e-02, v0;
	v1 =	vmul.f32 $3.125000000e-02, v1;
	_ =	sdelay $0x1  }
0x1ad: {  	s0 =	sshra.s32 s1, $0x2;
	v0 =	vpack.i.f32.bf16 v1, v0  }
0x1ae: {  	s15 =	rddreg [dreg:$0x4];
	[tilespmem:s0+$0x6A40] =	vst v0  }
0x1af: {  	[hbm4b:s15+s3] =	stream.linear.scatter [tilespmem:s10], [sflag:$0x3], $0x190, $0x38;
	[tilespmem:$0x6D60] =	vst v63  }
0x1b0: {  	_ =	swait.ge [sflag:s11], $0x190  }
0x1b1: {  	s16 =	rddreg [dreg:$0x6]  }
0x1b2: {  	s30 =	rddreg [dreg:$0x5];
	s1 =	sadd.s32 $0x1, s16  }
0x1b3: {  	p0 =	sne.s32 s1, s30  }
.Ltmp4:
0x1b4: {  	_ = 	snop;
	(pc) =	sbr.rel @p0 .LBB2_1-.Ltmp4, $3  }
0x1b5: {  	_ =	sdelay $0x1  }
0x1b6: {  	[sflag:s11] =	ssyncset.done $0x0  }
0x1b7: {  	[sflag:s11] =	ssyncadd.s32 $0xFFFFFE70  }
0x1b8: {  	_ =	sfence.sel $0x180000  }
0x1b9: {  	[bflag:$0x0] =	sbarrier.arrive $0xFFFF  }
0x1ba: {  	_ =	strace $0x9000004A  }
0x1bb: {  	s0 =	stileid.u32;
	[bflag:$0x2] =	sbarrier.arrive $0xFFFF  }
0x1bc: {  	p0 =	sne.s32 s0, $0x0;
	s0 =	rddreg [dreg:$0x2]  }
0x1bd: {  	s0 =	sadd.s32 @!p0 $0x100000, s0  }
0x1be: {  	[sflag:s0] =	ssyncadd.tile.s32 @!p0 $0x1;
	_ =	shalt  }
.Lfunc_end2:
_tile_overlayer_lowered:
.L_overlay_start_2:
0x1bf: {  	(tag) =	ssettag $0x2  }
0x1c0: {  	s0 =	rddreg [dreg:$0x0];
	s2 =	stileid.u32  }
0x1c1: {  	s1 =	rddreg [dreg:$0x1];
	p0 =	sne.s32 s2, $0x0  }
0x1c2: {  	s3 =	rddreg [dreg:$0x2];
	[bflag:$0x3] =	sbarrier.arrive $0xFFFF;
	s2 =	simm.s32 @!p0 $0x1C05  }
0x1c3: {  	[timem:s3], [sflag:s2] =	dma.local @!p0 [hbm:s0], s1  }
0x1c4: {  	s0 =	simm.s32 @!p0 $0x5  }
0x1c5: {  	_ =	swait.ge @!p0 [sflag:s0], s1  }
0x1c6: {  	s1 =	ssub.s32 @!p0 $0x0, s1;
	[sflag:s0] =	ssyncset.done @!p0 $0x0  }
0x1c7: {  	[sflag:s0] =	ssyncadd.s32 @!p0 s1  }
0x1c8: {  	[bflag:$0x3] =	sbarrier.arrive $0xFFFF  }
0x1c9: {  	_ =	shalt  }

// kernel: kernel.7.cloned.1.call-start
scs
__scs_entry_jumppad:
0x0: {  	(pc) =	sbr.rel $0x88, $3  }
0x1: {  	(tag) =	ssettag $0x0;
	lr =	simm.s32 $0x1  }
0x2: {  	[smem:$0x3F94] =	sst lr;
	_ =	strace $0xD0000000  }
0x3: {  	_ = 	snop  }
0x4: {  	_ = 	snop  }
0x5: {  	_ = 	snop  }
0x6: {  	_ = 	snop  }
0x7: {  	_ = 	snop  }
__scs_overlays_trampoline_lowered:
0x8: {  	[smem:$0x3FA3] =	sst s0  }
0x9: {  	[smem:$0x3FA4] =	sst s1  }
0xa: {  	[smem:$0x3FA5] =	sst s2  }
0xb: {  	[smem:$0x3FA6] =	sst s3  }
0xc: {  	[smem:$0x3FA7] =	sst s4  }
0xd: {  	[smem:$0x3FA8] =	sst s5  }
0xe: {  	[smem:$0x3FA9] =	sst s6  }
0xf: {  	[smem:$0x3FAA] =	sst s7  }
0x10: {  	[smem:$0x3FAB] =	sst s8  }
0x11: {  	[smem:$0x3FAC] =	sst s9;
	s0 =	simm.s32 @!p0 $0x0  }
0x12: {  	s1 =	sld [smem:$0x3F92];
	s0 =	simm.s32 @p0 $0x1  }
0x13: {  	[smem:$0x3FAD] =	sst s0;
	s0 =	simm.s32 @!p1 $0x0  }
0x14: {  	s2 =	sld [smem:$0x3F91];
	s0 =	simm.s32 @p1 $0x1  }
0x15: {  	[smem:$0x3FAE] =	sst s0;
	s0 =	simm.s32 @!p2 $0x0  }
0x16: {  	s3 =	sld [smem:$0x3FDB];
	s0 =	simm.s32 @p2 $0x1  }
0x17: {  	s4 =	simm.s32 $0x1BF5;
	[smem:$0x3FB0] =	sst s0  }
0x18: {  	s0 =	sld [smem:$0x3F93];
	_ =	swait.ge [sflag:s4], $0x0  }
0x19: {  	s7 =	sld [smem:$0x3F94]  }
0x1a: {  	s8 =	sadd.s32 $0xFFFFE003, lr  }
0x1b: {  	s9 =	sadd.s32 $0xFFFFFEF7, lr;
	s5 =	simm.s32 $0xFFFFFFFF;
	p2 =	slt.u32 s8, $0xFFFFF086  }
0x1c: {  	p1 =	slt.u32 s9, $0xF7A;
	s5 =	simm.s32 @!p2 $0x0  }
0x1d: {  	s5 =	simm.s32 @p1 $0x1;
	p0 =	seq.s32 s7, s2  }
0x1e: {  	s7 =	smul.u32 @!p0 $0xF7A, s2;
	p2 =	seq.s32 @!p0 s5, $0x0  }
0x1f: {  	s9 =	smul.u32 $0xF7A, s1;
	s8 =	simm.s32 @!p0 $0x1BF5;
	p2 =	por !p2, p0  }
0x20: {  	[sflag:s8] =	ssyncset.s32 @!p0 $0xFFFFF086;
	s6 =	sadd.s32 @!p0 s3, s7;
	s7 =	simm.s32 @!p0 $0x108  }
0x21: {  	s3 =	sadd.s32 s3, s9;
	s6 =	sadd.s32 @!p0 $0x88, s6;
	s7 =	simm.s32 @p2 $0x1082  }
0x22: {  	[simem:s7], [sflag:s8] =	dma.local @!p0 [hbm:s6], $0xF7A  }
0x23: {  	s9 =	sor.u32 $0xD0000000, s2;
	s6 =	simm.s32 $0x108;
	_ =	swait.ge @!p0 [sflag:s8], $0x0  }
0x24: {  	s3 =	sadd.s32 $0x88, s3;
	s6 =	simm.s32 @!p1 $0x1082;
	[sflag:s4] =	ssyncset.s32 $0xFFFFF086  }
0x25: {  	[simem:s6], [sflag:s4] =	dma.local [hbm:s3], $0xF7A  }
0x26: {  	[smem:$0x3F94] =	sst s1;
	(tag) =	ssettag s2;
	_ =	strace s9  }
0x27: {  	s1 =	sld [smem:$0x3FA4]  }
0x28: {  	s2 =	sld [smem:$0x3FA5]  }
0x29: {  	s4 =	sld [smem:$0x3FA7]  }
0x2a: {  	p0 =	seq.s32 s5, $0x0;
	s5 =	sld [smem:$0x3FA8]  }
0x2b: {  	s6 =	sld [smem:$0x3FA9]  }
0x2c: {  	s7 =	sld [smem:$0x3FAA]  }
0x2d: {  	s3 =	simm.s32 $0x108;
	s8 =	sld [smem:$0x3FAB]  }
0x2e: {  	s3 =	simm.s32 @!p0 $0x1082;
	s9 =	sld [smem:$0x3FAC]  }
0x2f: {  	lr =	sadd.s32 s0, s3;
	s0 =	sld [smem:$0x3FA3]  }
0x30: {  	s3 =	sld [smem:$0x3FA6]  }
0x31: {  	[smem:$0x3FAF] =	sst s10  }
0x32: {  	s10 =	sld [smem:$0x3FAD];
	_ =	sdelay $0x3  }
0x33: {  	p0 =	seq.s32 s10, $0x1;
	s10 =	sld [smem:$0x3FAF];
	_ =	sdelay $0x3  }
0x34: {  	[smem:$0x3FAF] =	sst s10  }
0x35: {  	s10 =	sld [smem:$0x3FAE];
	_ =	sdelay $0x3  }
0x36: {  	p1 =	seq.s32 s10, $0x1;
	s10 =	sld [smem:$0x3FAF];
	_ =	sdelay $0x3  }
0x37: {  	[smem:$0x3FAF] =	sst s10  }
0x38: {  	s10 =	sld [smem:$0x3FB0]  }
0x39: {  	_ = 	snop;
	(pc) =	sbr.ind lr, $3  }
0x3a: {  	_ = 	snop  }
0x3b: {  	_ = 	snop  }
0x3c: {  	p2 =	seq.s32 s10, $0x1;
	s10 =	sld [smem:$0x3FAF]  }
0x3d: {  	_ =	shalt  }
0x3e: {  	_ =	shalt  }
0x3f: {  	_ =	shalt  }
0x40: {  	_ =	shalt  }
0x41: {  	_ =	shalt  }
0x42: {  	_ =	shalt  }
0x43: {  	_ =	shalt  }
0x44: {  	_ =	shalt  }
0x45: {  	_ =	shalt  }
0x46: {  	_ =	shalt  }
0x47: {  	_ =	shalt  }
0x48: {  	_ =	shalt  }
0x49: {  	_ =	shalt  }
0x4a: {  	_ =	shalt  }
0x4b: {  	_ =	shalt  }
0x4c: {  	_ =	shalt  }
0x4d: {  	_ =	shalt  }
0x4e: {  	_ =	shalt  }
0x4f: {  	_ =	shalt  }
0x50: {  	_ =	shalt  }
0x51: {  	_ =	shalt  }
0x52: {  	_ =	shalt  }
0x53: {  	_ =	shalt  }
0x54: {  	_ =	shalt  }
0x55: {  	_ =	shalt  }
0x56: {  	_ =	shalt  }
0x57: {  	_ =	shalt  }
0x58: {  	_ =	shalt  }
0x59: {  	_ =	shalt  }
0x5a: {  	_ =	shalt  }
0x5b: {  	_ =	shalt  }
0x5c: {  	_ =	shalt  }
0x5d: {  	_ =	shalt  }
0x5e: {  	_ =	shalt  }
0x5f: {  	_ =	shalt  }
0x60: {  	_ =	shalt  }
0x61: {  	_ =	shalt  }
0x62: {  	_ =	shalt  }
0x63: {  	_ =	shalt  }
0x64: {  	_ =	shalt  }
0x65: {  	_ =	shalt  }
0x66: {  	_ =	shalt  }
0x67: {  	_ =	shalt  }
0x68: {  	_ =	shalt  }
0x69: {  	_ =	shalt  }
0x6a: {  	_ =	shalt  }
0x6b: {  	_ =	shalt  }
0x6c: {  	_ =	shalt  }
0x6d: {  	_ =	shalt  }
0x6e: {  	_ =	shalt  }
0x6f: {  	_ =	shalt  }
0x70: {  	_ =	shalt  }
0x71: {  	_ =	shalt  }
0x72: {  	_ =	shalt  }
0x73: {  	_ =	shalt  }
0x74: {  	_ =	shalt  }
0x75: {  	_ =	shalt  }
0x76: {  	_ =	shalt  }
0x77: {  	_ =	shalt  }
0x78: {  	_ =	shalt  }
0x79: {  	_ =	shalt  }
0x7a: {  	_ =	shalt  }
0x7b: {  	_ =	shalt  }
0x7c: {  	_ =	shalt  }
0x7d: {  	_ =	shalt  }
0x7e: {  	_ =	shalt  }
0x7f: {  	_ =	shalt  }
0x80: {  	_ =	shalt  }
0x81: {  	_ =	shalt  }
0x82: {  	_ =	shalt  }
0x83: {  	_ =	shalt  }
0x84: {  	_ =	shalt  }
0x85: {  	_ =	shalt  }
0x86: {  	_ =	shalt  }
0x87: {  	_ =	shalt  }
.Lfunc_end0:
.L_simem_size_0:
called_computation_lowered:
.L_overlay_start_0:
0x88: {  	s2 =	sld [smem:$0x3FD9]  }
0x89: {  	s3 =	sld [smem:$0x3FFE];
	_ =	sdelay $0x1  }
0x8a: {  	s1 =	srdreg.scid  }
0x8b: {  	s0 =	sand.u32 $0x1, s1  }
0x8c: {  	s17 =	sshll.u32 s0, $0xA;
	s2 =	sadd.s32 s3, s2  }
0x8d: {  	s2 =	sadd.s32 s2, s17  }
0x8e: {  	[smem:$0x3FBB] =	sst s2  }
0x8f: {  	_ = 	snop  }
0x90: {  	s2 =	sld [smem:$0x3FD0];
	(tm) =	ssettm $0x1  }
0x91: {  	s18 =	sld [smem:$0x3FFB];
	_ =	sdelay $0x3  }
0x92: {  	_ =	strace s18  }
0x93: {  	s3 =	sld [smem:$0x3FFC];
	_ =	sdelay $0x3  }
0x94: {  	_ =	strace s3  }
0x95: {  	s3 =	sld [smem:$0x3FFD];
	_ =	sdelay $0x3  }
0x96: {  	_ =	strace s3  }
0x97: {  	_ =	strace $0x8FFFFFFF  }
0x98: {  	s19 =	sld [smem:$0x3FDB];
	_ =	sdelay $0x1  }
0x99: {  	s4 =	simm.s32 $_scs_section_size  }
0x9a: {  	s5 =	simm.s32 $_size__tile_overlayer_lowered;
	s6 =	simm.s32 $_tile_overlayer_lowered  }
0x9b: {  	s22 =	simm.s32 $0x1BFF;
	s21 =	sshll.u32 s6, $0x1;
	s3 =	sadd.s32 s4, s19  }
0x9c: {  	s7 =	simm.s32 $0x0;
	s20 =	sshll.u32 s5, $0x1;
	s5 =	sadd.s32 s21, s3  }
0x9d: {  	[timem:s7], [sflag:s22] =	dma.local [hbm:s5], s20  }
0x9e: {  	_ =	swait.ge [sflag:s22], s20  }
0x9f: {  	s4 =	ssub.s32 $0x0, s20;
	[sflag:s22] =	ssyncset.done $0x0  }
0xa0: {  	[sflag:s22] =	ssyncadd.s32 s4;
	_ =	sdelay $0x1  }
0xa1: {  	s23 =	simm.s32 $0x1B8B  }
0xa2: {  	_ =	swait.ge [sflag:s23], $0x1  }
0xa3: {  	[sflag:s23] =	ssyncset.done $0x0  }
0xa4: {  	s25 =	simm.s32 $0x1B8E;
	s24 =	sld [smem:$0x3FFE];
	[sflag:s23] =	ssyncadd.s32 $0xFFFFFFFF  }
0xa5: {  	s26 =	simm.s32 $execute0_lowered;
	[smem:$0x3FD2] =	sst s25  }
0xa6: {  	s5 =	sshll.u32 s26, $0x1;
	_ =	strace $0x80000046;
	[dreg:$0x1] =	wrdreg $0xFFFFFFFF  }
0xa7: {  	s28 =	simm.s32 $_size_execute0_lowered;
	s3 =	sadd.s32 s3, s5;
	[dreg:$0x0] =	wrdreg $0x0  }
0xa8: {  	s5 =	sshll.u32 s28, $0x1;
	[dreg:$0x2] =	wrdreg s3  }
0xa9: {  	[dreg:$0x3] =	wrdreg s5  }
0xaa: {  	[dreg:$0x4] =	wrdreg $0xC0  }
0xab: {  	_ =	task [dreg:s7], $0x5FFFF  }
0xac: {  	[dreg:$0x1] =	wrdreg $0xFFFFFFFF  }
0xad: {  	[dreg:$0x0] =	wrdreg $0x60  }
0xae: {  	[dreg:$0x2] =	wrdreg s2  }
0xaf: {  	[dreg:$0x3] =	wrdreg s24  }
0xb0: {  	[dreg:$0x4] =	wrdreg $0x9  }
0xb1: {  	_ =	task.clear_ibuf [dreg:s7], $0x5FFFF;
	_ =	strace $0x90000046  }
0xb2: {  	s29 =	simm.s32 $0x9;
	_ =	strace $0x80000048  }
0xb3: {  	_ =	swait.ge [sflag:s29], $0x1  }
0xb4: {  	[sflag:s29] =	ssyncadd.s32 $0xFFFFFFFF  }
0xb5: {  	_ =	strace $0x90000048  }
0xb6: {  	_ =	sfence  }
0xb7: {  	s30 =	sld [smem:$0x0];
	_ =	sdelay $0x2  }
0xb8: {  	s31 =	sshll.u32 s1, $0xD;
	s1 =	sshrl.u32 s1, $0x2  }
0xb9: {  	s3 =	sand.u32 $0x4000, s31;
	s1 =	sadd.s32 s1, s30  }
0xba: {  	s0 =	sor.u32 s3, s0;
	s1 =	sshll.u32 s1, $0x11  }
0xbb: {  	s0 =	sor.u32 s1, s0  }
0xbc: {  	s0 =	sadd.s32 $0x8F2B, s0  }
0xbd: {  	[sflag:s0] =	ssyncadd.remote.s32 $0x1  }
0xbe: {  	_ =	sfence.sel $0xFFFF  }
0xbf: {  	[dreg:$0x0] =	wrdreg $0xFFFFFFFF;
	(pc) =	sbr.abs _section_cstart, $3  }
0xc0: {  	[dreg:$0x1] =	wrdreg $0xFFFFFFFF  }
0xc1: {  	_ =	task.clear_ibuf [dreg:s7], $0x2FFFF;
	_ =	strace $0x9FFFFFFF  }
0xc2: {  	(tm) =	ssettm $0x7FFFFFFF  }
0xc3: {  	_ =	shalt  }
tec
execute0_lowered:
.L_overlay_start_1:
0x0: {  	(tag) =	ssettag $0x1  }
0x1: {  	s1 =	rddreg [dreg:$0x0]  }
0x2: {  	s0 =	rddreg [dreg:$0x1]  }
0x3: {  	s2 =	srdreg.scid;
	s3 =	simm.s32 $0x0;
	s5 =	stileid.u32  }
0x4: {  	s14 =	simm.s32 $0x7;
	s15 =	simm.s32 $0x80;
	s16 =	simm.s32 $0x640  }
0x5: {  	s28 =	simm.s32 $0x300;
	s29 =	simm.s32 $0x3640;
	s30 =	simm.s32 $0x320  }
0x6: {  	s31 =	simm.s32 $0x3840;
	s12 =	simm.s32 $0x2;
	s2 =	sand.u32 $0x1, s2  }
0x7: {  	s13 =	simm.s32 $0x4;
	s17 =	simm.s32 $0x6;
	s4 =	sshll.u32 s2, $0x4  }
0x8: {  	s19 =	simm.s32 $0x0;
	[smem:$0x7FF] =	sst s3;
	s8 =	sor.u32 s5, s4  }
0x9: {  	s6 =	sadd.s32 $0xA8A00, s0;
	s2 =	ssub.s32 $0x2, s2;
	s4 =	smul.u32 $0x4E20, s8  }
0xa: {  	s7 =	sadd.s32 $0x1E1200, s0;
	s10 =	sshrl.u32 s2, $0x1;
	s9 =	smul.u32 $0x4E200, s8  }
0xb: {  	_ =	strace $0x80000047;
	s11 =	smul.u32 $0x2710, s8;
	s21 =	ssub.s32 s2, s10  }
0xc: {  	s5 =	sadd.s32 $0x9EC00, s0;
	s8 =	smul.u32 $0x271, s8;
	s0 =	smax.u32 s21, $0x1  }
0xd: {  	s22 =	sshrl.u32 s4, $0x3;
	s9 =	sshrl.u32 s9, $0x3;
	s23 =	sshrl.u32 s11, $0x3  }
0xe: {  	s10 =	sadd.s32 $0x640, s4;
	[dreg:$0x6] =	wrdreg s0;
	s0 =	simm.s32 $0x1  }
0xf: {  	s11 =	simm.s32 $0x5;
	s2 =	sadd.s32 s1, s22;
	s24 =	sadd.s32 s6, s9  }
0x10: {  	s25 =	sadd.s32 s7, s23;
	[dreg:$0x3] =	wrdreg s2;
	s2 =	sadd.s32 $0x9600, s24  }
0x11: {  	s9 =	simm.s32 $0x3;
	s26 =	sadd.s32 $0x4B0, s25;
	[dreg:$0x4] =	wrdreg s2  }
0x12: {  	[dreg:$0x5] =	wrdreg s26;
	s26 =	simm.s32 $0x20;
	s2 =	simm.s32 $0x6A40  }
.LBB2_1:
0x13: {  	[dreg:$0x7] =	wrdreg s19  }
0x14: {  	s18 =	rddreg [dreg:$0x3]  }
0x15: {  	[tilespmem:s3], [sflag:$0x7] =	stream.linear.gather [hbm4b:s18+s3], $0x320, $0x38;
	[tilespmem:$0x6D60] =	vst v63  }
0x16: {  	_ =	swait.ge [sflag:s14], $0x320  }
0x17: {  	[sflag:s14] =	ssyncset.done $0x0  }
0x18: {  	[sflag:s14] =	ssyncadd.s32 $0xFFFFFCE0  }
0x19: {  	[tilespmem:s16], [sflag:$0x1] =	stream.indirect.gather [hbm4b:s5+s15], $0x10, s3, s15, $0xb8;
	[tilespmem:$0x6D60] =	vst v63  }
0x1a: {  	s23 =	simm.s32 $0xE40  }
0x1b: {  	[tilespmem:s23], [sflag:$0x1] =	stream.indirect.gather [hbm4b:s5+s15], $0x10, s15, s15, $0xb8;
	[tilespmem:$0x6D60] =	vst v63  }
0x1c: {  	s24 =	simm.s32 $0x100;
	s25 =	simm.s32 $0x1640  }
0x1d: {  	[tilespmem:s25], [sflag:$0x1] =	stream.indirect.gather [hbm4b:s5+s15], $0x10, s24, s15, $0xb8;
	[tilespmem:$0x6D60] =	vst v63  }
0x1e: {  	s20 =	simm.s32 $0x180;
	s21 =	simm.s32 $0x1E40  }
0x1f: {  	[tilespmem:s21], [sflag:$0x1] =	stream.indirect.gather [hbm4b:s5+s15], $0x10, s20, s15, $0xb8;
	[tilespmem:$0x6D60] =	vst v63  }
0x20: {  	s22 =	simm.s32 $0x200;
	s23 =	simm.s32 $0x2640  }
0x21: {  	[tilespmem:s23], [sflag:$0x1] =	stream.indirect.gather [hbm4b:s5+s15], $0x10, s22, s15, $0xb8;
	[tilespmem:$0x6D60] =	vst v63  }
0x22: {  	s24 =	simm.s32 $0x280;
	s25 =	simm.s32 $0x2E40  }
0x23: {  	[tilespmem:s25], [sflag:$0x1] =	stream.indirect.gather [hbm4b:s5+s15], $0x10, s24, s15, $0xb8;
	[tilespmem:$0x6D60] =	vst v63  }
0x24: {  	s18 =	simm.s32 $0x0  }
0x25: {  	[tilespmem:s29], [sflag:$0x1] =	stream.indirect.gather [hbm4b:s5+s26], $0x10, s28, s26, $0xb8;
	[tilespmem:$0x6D60] =	vst v63  }
.LBB2_2:
0x26: {  	s19 =	sshllo.u32 s18, $0x1  }
0x27: {  	s20 =	smul.u32 $0x320, s19;
	_ =	sdelay $0x1  }
0x28: {  	s20 =	sadd.s32 s4, s20  }
0x29: {  	s21 =	sshrl.u32 s20, $0x3  }
0x2a: {  	s22 =	sadd.s32 s1, s21;
	s21 =	simm.s32 $0x0  }
0x2b: {  	[tilespmem:s30], [sflag:$0x7] =	stream.linear.gather [hbm4b:s22+s21], $0x320, $0x38;
	[tilespmem:$0x6D60] =	vst v63  }
0x2c: {  	_ =	swait.ge [sflag:s14], $0x320  }
0x2d: {  	[sflag:s14] =	ssyncset.done $0x0  }
0x2e: {  	[sflag:s14] =	ssyncadd.s32 $0xFFFFFCE0  }
0x2f: {  	[tilespmem:s31], [sflag:$0x2] =	stream.indirect.gather [hbm4b:s5+s15], $0x10, s30, s15, $0xb8;
	[tilespmem:$0x6D60] =	vst v63  }
0x30: {  	s25 =	simm.s32 $0x3A0;
	s23 =	simm.s32 $0x4040  }
0x31: {  	[tilespmem:s23], [sflag:$0x2] =	stream.indirect.gather [hbm4b:s5+s15], $0x10, s25, s15, $0xb8;
	[tilespmem:$0x6D60] =	vst v63  }
0x32: {  	s24 =	simm.s32 $0x420;
	s25 =	simm.s32 $0x4840  }
0x33: {  	[tilespmem:s25], [sflag:$0x2] =	stream.indirect.gather [hbm4b:s5+s15], $0x10, s24, s15, $0xb8;
	[tilespmem:$0x6D60] =	vst v63  }
0x34: {  	s24 =	simm.s32 $0x4A0;
	s25 =	simm.s32 $0x5040  }
0x35: {  	[tilespmem:s25], [sflag:$0x2] =	stream.indirect.gather [hbm4b:s5+s15], $0x10, s24, s15, $0xb8;
	[tilespmem:$0x6D60] =	vst v63  }
0x36: {  	s24 =	simm.s32 $0x520;
	s25 =	simm.s32 $0x5840  }
0x37: {  	[tilespmem:s25], [sflag:$0x2] =	stream.indirect.gather [hbm4b:s5+s15], $0x10, s24, s15, $0xb8;
	[tilespmem:$0x6D60] =	vst v63  }
0x38: {  	s23 =	simm.s32 $0x5A0;
	s24 =	simm.s32 $0x6040  }
0x39: {  	[tilespmem:s24], [sflag:$0x2] =	stream.indirect.gather [hbm4b:s5+s15], $0x10, s23, s15, $0xb8;
	[tilespmem:$0x6D60] =	vst v63  }
0x3a: {  	s22 =	smul.u32 $0x640, s18;
	s25 =	simm.s32 $0x620;
	s24 =	simm.s32 $0x6840  }
0x3b: {  	[tilespmem:s24], [sflag:$0x2] =	stream.indirect.gather [hbm4b:s5+s26], $0x10, s25, s26, $0xb8;
	[tilespmem:$0x6D60] =	vst v63  }
0x3c: {  	s25 =	sadd.s32 s4, s22;
	_ =	swait.ge [sflag:s0], $0x3200  }
0x3d: {  	s23 =	sshll.u32 s25, $0x1;
	[sflag:s0] =	ssyncset.done $0x0  }
0x3e: {  	s23 =	sadd.s32 s6, s23;
	[sflag:s0] =	ssyncadd.s32 $0xFFFFCE00  }
0x3f: {  	[hbm4b:s23+s21] =	stream.linear.scatter [tilespmem:s16], [sflag:$0x3], $0x3200, $0x38;
	[tilespmem:$0x6D60] =	vst v63  }
0x40: {  	s23 =	simm.s32 $0x740  }
0x41: {  	v0 =	vld [tilespmem:s23+$0xFFFFFF00]  }
0x42: {  	v1 =	vld [tilespmem:s23+$0xFFFFFF10]  }
0x43: {  	v2 =	vld [tilespmem:s23+$0xFFFFFF20]  }
0x44: {  	v3 =	vld [tilespmem:s23+$0xFFFFFF30]  }
0x45: {  	v4 =	vld [tilespmem:s23+$0xFFFFFF40]  }
0x46: {  	v6 =	vld [tilespmem:s23+$0xFFFFFF50];
	v5 =	vunpack.i.u.bf16.f32 v0  }
0x47: {  	v8 =	vld [tilespmem:s23+$0xFFFFFF60];
	v0 =	vunpack.i.l.bf16.f32 v0;
	v7 =	vunpack.i.u.bf16.f32 v1;
	v1 =	vunpack.i.l.bf16.f32 v1  }
0x48: {  	v10 =	vld [tilespmem:s23+$0xFFFFFF70];
	v9 =	vunpack.i.u.bf16.f32 v2;
	v2 =	vunpack.i.l.bf16.f32 v2;
	v0 =	vadd.f32 v1, v0  }
0x49: {  	v1 =	vadd.f32 v7, v5;
	v5 =	vunpack.i.u.bf16.f32 v3;
	v3 =	vunpack.i.l.bf16.f32 v3  }
0x4a: {  	v7 =	vunpack.i.u.bf16.f32 v4;
	v4 =	vunpack.i.l.bf16.f32 v4;
	v2 =	vadd.f32 v3, v2  }
0x4b: {  	v12 =	vld [tilespmem:s23+$0xFFFFFF90];
	v3 =	vadd.f32 v5, v9;
	v5 =	vunpack.i.u.bf16.f32 v6;
	v6 =	vunpack.i.l.bf16.f32 v6  }
0x4c: {  	v11 =	vunpack.i.u.bf16.f32 v8;
	v9 =	vld [tilespmem:s23+$0xFFFFFF80];
	v4 =	vadd.f32 v6, v4;
	v5 =	vadd.f32 v5, v7  }
0x4d: {  	v6 =	vunpack.i.l.bf16.f32 v8;
	v7 =	vunpack.i.u.bf16.f32 v10;
	v8 =	vunpack.i.l.bf16.f32 v10;
	v10 =	vld [tilespmem:s23+$0xFFFFFFA0]  }
0x4e: {  	v13 =	vld [tilespmem:s23+$0xFFFFFFB0];
	v6 =	vadd.f32 v8, v6;
	v7 =	vadd.f32 v7, v11  }
0x4f: {  	v8 =	vld [tilespmem:s23+$0xFFFFFFC0];
	v0 =	vadd.f32 v2, v0;
	v1 =	vadd.f32 v3, v1  }
0x50: {  	v3 =	vld [tilespmem:s23+$0xFFFFFFD0];
	v4 =	vadd.f32 v6, v4;
	v5 =	vadd.f32 v7, v5;
	v7 =	vunpack.i.u.bf16.f32 v12  }
0x51: {  	v11 =	vld [tilespmem:s23+$0xFFFFFFE0];
	v2 =	vunpack.i.u.bf16.f32 v9;
	v6 =	vunpack.i.l.bf16.f32 v9;
	v9 =	vunpack.i.l.bf16.f32 v12  }
0x52: {  	v14 =	vld [tilespmem:s23+$0xFFFFFFF0];
	v12 =	vunpack.i.u.bf16.f32 v10;
	v6 =	vadd.f32 v9, v6;
	v2 =	vadd.f32 v7, v2  }
0x53: {  	v7 =	vunpack.i.l.bf16.f32 v10;
	v9 =	vunpack.i.u.bf16.f32 v13;
	v10 =	vunpack.i.l.bf16.f32 v13  }
0x54: {  	v13 =	vunpack.i.u.bf16.f32 v8;
	v7 =	vadd.f32 v10, v7;
	v9 =	vadd.f32 v9, v12  }
0x55: {  	v8 =	vunpack.i.l.bf16.f32 v8;
	v10 =	vunpack.i.u.bf16.f32 v3;
	v3 =	vunpack.i.l.bf16.f32 v3  }
0x56: {  	v15 =	vld [tilespmem:s23+$0x10];
	v12 =	vunpack.i.u.bf16.f32 v11;
	v3 =	vadd.f32 v3, v8;
	v8 =	vadd.f32 v10, v13  }
0x57: {  	v10 =	vunpack.i.l.bf16.f32 v11;
	v11 =	vunpack.i.u.bf16.f32 v14;
	v13 =	vunpack.i.l.bf16.f32 v14;
	v14 =	vld [tilespmem:s23+$0x0]  }
0x58: {  	v0 =	vadd.f32 v4, v0;
	v10 =	vadd.f32 v13, v10  }
0x59: {  	v11 =	vadd.f32 v11, v12;
	v12 =	vld [tilespmem:s23+$0x20];
	v6 =	vadd.f32 v7, v6  }
0x5a: {  	v7 =	vadd.f32 v9, v2;
	v9 =	vld [tilespmem:s23+$0x30];
	v2 =	vadd.f32 v10, v3  }
0x5b: {  	v1 =	vadd.f32 v5, v1;
	v5 =	vld [tilespmem:s23+$0x50];
	v3 =	vadd.f32 v11, v8  }
0x5c: {  	v8 =	vld [tilespmem:s23+$0x40];
	v10 =	vunpack.i.l.bf16.f32 v15;
	v4 =	vunpack.i.u.bf16.f32 v14;
	v2 =	vadd.f32 v2, v6  }
0x5d: {  	v11 =	vld [tilespmem:s23+$0x60];
	v3 =	vadd.f32 v3, v7;
	v6 =	vunpack.i.l.bf16.f32 v14;
	v7 =	vunpack.i.u.bf16.f32 v15  }
0x5e: {  	v14 =	vld [tilespmem:s23+$0x70];
	v6 =	vadd.f32 v10, v6;
	v7 =	vadd.f32 v7, v4  }
0x5f: {  	v4 =	vunpack.i.l.bf16.f32 v12;
	v10 =	vunpack.i.u.bf16.f32 v9;
	v9 =	vunpack.i.l.bf16.f32 v9  }
0x60: {  	v15 =	vld [tilespmem:s23+$0x80];
	v13 =	vunpack.i.u.bf16.f32 v12;
	v4 =	vadd.f32 v9, v4;
	v9 =	vunpack.i.u.bf16.f32 v5  }
0x61: {  	v5 =	vunpack.i.l.bf16.f32 v5;
	v12 =	vunpack.i.u.bf16.f32 v8;
	v8 =	vunpack.i.l.bf16.f32 v8  }
0x62: {  	v16 =	vld [tilespmem:s23+$0x90];
	v10 =	vadd.f32 v10, v13;
	v13 =	vunpack.i.u.bf16.f32 v11;
	v17 =	vadd.f32 v5, v8  }
0x63: {  	v18 =	vadd.f32 v9, v12;
	v5 =	vunpack.i.l.bf16.f32 v11;
	v12 =	vld [tilespmem:s23+$0xA0];
	v11 =	vunpack.i.l.bf16.f32 v14  }
0x64: {  	v9 =	vld [tilespmem:s23+$0xB0];
	v8 =	vunpack.i.u.bf16.f32 v14;
	v11 =	vadd.f32 v11, v5  }
0x65: {  	v4 =	vadd.f32 v4, v6;
	v19 =	vunpack.i.u.bf16.f32 v15;
	v14 =	vadd.f32 v8, v13;
	v8 =	vld [tilespmem:s23+$0xC0]  }
0x66: {  	v5 =	vadd.f32 v10, v7;
	v13 =	vld [tilespmem:s23+$0xD0];
	v10 =	vunpack.i.l.bf16.f32 v15;
	v6 =	vadd.f32 v11, v17  }
0x67: {  	v7 =	vadd.f32 v14, v18;
	v11 =	vunpack.i.u.bf16.f32 v16;
	v17 =	vunpack.i.l.bf16.f32 v16;
	v14 =	vld [tilespmem:s23+$0xE0]  }
0x68: {  	s24 =	simm.s32 $0x40;
	v15 =	vld [tilespmem:s23+$0xF0];
	v16 =	vunpack.i.u.bf16.f32 v12;
	v10 =	vadd.f32 v17, v10;
	v11 =	vadd.f32 v11, v19  }
.LBB2_3:
0x69: {  	p0 =	sne.s32 s24, $0x600;
	v12 =	vunpack.i.l.bf16.f32 v12;
	v17 =	vunpack.i.u.bf16.f32 v9;
	v9 =	vunpack.i.l.bf16.f32 v9  }
0x6a: {  	v18 =	vunpack.i.u.bf16.f32 v8;
	v9 =	vadd.f32 v9, v12;
	v12 =	vadd.f32 v17, v16  }
0x6b: {  	v8 =	vunpack.i.l.bf16.f32 v8;
	v16 =	vunpack.i.u.bf16.f32 v13;
	v13 =	vunpack.i.l.bf16.f32 v13  }
0x6c: {  	v17 =	vunpack.i.u.bf16.f32 v14;
	v8 =	vadd.f32 v13, v8;
	v13 =	vadd.f32 v16, v18  }
0x6d: {  	v14 =	vunpack.i.l.bf16.f32 v14;
	v16 =	vunpack.i.u.bf16.f32 v15;
	v15 =	vunpack.i.l.bf16.f32 v15  }
0x6e: {  	v14 =	vadd.f32 v15, v14;
	v15 =	vadd.f32 v16, v17  }
0x6f: {  	v9 =	vadd.f32 v9, v10;
	v10 =	vadd.f32 v12, v11  }
0x70: {  	v8 =	vadd.f32 v14, v8;
	v11 =	vadd.f32 v15, v13  }
0x71: {  	v4 =	vadd.f32 v6, v4;
	v5 =	vadd.f32 v7, v5  }
0x72: {  	v6 =	vadd.f32 v8, v9;
	v7 =	vadd.f32 v11, v10  }
0x73: {  	v0 =	vadd.f32 v2, v0;
	v1 =	vadd.f32 v3, v1  }
0x74: {  	v2 =	vadd.f32 v6, v4;
	v3 =	vadd.f32 v7, v5;
	_ =	sdelay $0x1  }
0x75: {  	v0 =	vadd.f32 v2, v0;
	v1 =	vadd.f32 v3, v1;
	_ =	sdelay $0x1  }
0x76: {  	v0 =	vmul.f32 $3.125000000e-02, v0;
	v1 =	vmul.f32 $3.125000000e-02, v1;
	_ =	sdelay $0x1  }
0x77: {  	s25 =	sshra.s32 s21, $0x2;
	s21 =	smov.u32 s24;
	v0 =	vpack.i.f32.bf16 v1, v0  }
0x78: {  	s23 =	sadd.s32 $0x200, s23;
	[tilespmem:s25+$0x6A40] =	vst v0  }
0x79: {  	v0 =	vld [tilespmem:s23+$0xFFFFFF00]  }
0x7a: {  	v1 =	vld [tilespmem:s23+$0xFFFFFF10]  }
0x7b: {  	v2 =	vld [tilespmem:s23+$0xFFFFFF20]  }
0x7c: {  	v3 =	vld [tilespmem:s23+$0xFFFFFF30]  }
0x7d: {  	v4 =	vld [tilespmem:s23+$0xFFFFFF40]  }
0x7e: {  	v5 =	vunpack.i.u.bf16.f32 v0;
	v6 =	vld [tilespmem:s23+$0xFFFFFF50]  }
0x7f: {  	v0 =	vunpack.i.l.bf16.f32 v0;
	v7 =	vunpack.i.u.bf16.f32 v1;
	v1 =	vunpack.i.l.bf16.f32 v1;
	v8 =	vld [tilespmem:s23+$0xFFFFFF60]  }
0x80: {  	v9 =	vunpack.i.u.bf16.f32 v2;
	v10 =	vld [tilespmem:s23+$0xFFFFFF70];
	v0 =	vadd.f32 v1, v0;
	v1 =	vadd.f32 v7, v5  }
0x81: {  	v2 =	vunpack.i.l.bf16.f32 v2;
	v5 =	vunpack.i.u.bf16.f32 v3;
	v3 =	vunpack.i.l.bf16.f32 v3  }
0x82: {  	v7 =	vunpack.i.u.bf16.f32 v4;
	v2 =	vadd.f32 v3, v2;
	v3 =	vadd.f32 v5, v9  }
0x83: {  	v4 =	vunpack.i.l.bf16.f32 v4;
	v5 =	vunpack.i.u.bf16.f32 v6;
	v6 =	vunpack.i.l.bf16.f32 v6;
	v9 =	vld [tilespmem:s23+$0xFFFFFF80]  }
0x84: {  	v11 =	vunpack.i.u.bf16.f32 v8;
	v12 =	vld [tilespmem:s23+$0xFFFFFF90];
	v4 =	vadd.f32 v6, v4;
	v5 =	vadd.f32 v5, v7  }
0x85: {  	v6 =	vunpack.i.l.bf16.f32 v8;
	v7 =	vunpack.i.u.bf16.f32 v10;
	v8 =	vunpack.i.l.bf16.f32 v10;
	v10 =	vld [tilespmem:s23+$0xFFFFFFA0]  }
0x86: {  	v13 =	vld [tilespmem:s23+$0xFFFFFFB0];
	v6 =	vadd.f32 v8, v6;
	v7 =	vadd.f32 v7, v11  }
0x87: {  	v0 =	vadd.f32 v2, v0;
	v1 =	vadd.f32 v3, v1;
	v8 =	vld [tilespmem:s23+$0xFFFFFFC0]  }
0x88: {  	v2 =	vunpack.i.u.bf16.f32 v9;
	v3 =	vld [tilespmem:s23+$0xFFFFFFD0];
	v4 =	vadd.f32 v6, v4;
	v5 =	vadd.f32 v7, v5  }
0x89: {  	v6 =	vunpack.i.l.bf16.f32 v9;
	v7 =	vunpack.i.u.bf16.f32 v12;
	v9 =	vunpack.i.l.bf16.f32 v12;
	v11 =	vld [tilespmem:s23+$0xFFFFFFE0]  }
0x8a: {  	v12 =	vunpack.i.u.bf16.f32 v10;
	v14 =	vld [tilespmem:s23+$0xFFFFFFF0];
	v6 =	vadd.f32 v9, v6;
	v2 =	vadd.f32 v7, v2  }
0x8b: {  	v7 =	vunpack.i.l.bf16.f32 v10;
	v9 =	vunpack.i.u.bf16.f32 v13;
	v10 =	vunpack.i.l.bf16.f32 v13  }
0x8c: {  	v13 =	vunpack.i.u.bf16.f32 v8;
	v7 =	vadd.f32 v10, v7;
	v9 =	vadd.f32 v9, v12  }
0x8d: {  	v8 =	vunpack.i.l.bf16.f32 v8;
	v10 =	vunpack.i.u.bf16.f32 v3;
	v3 =	vunpack.i.l.bf16.f32 v3  }
0x8e: {  	v12 =	vunpack.i.u.bf16.f32 v11;
	v3 =	vadd.f32 v3, v8;
	v8 =	vadd.f32 v10, v13  }
0x8f: {  	v10 =	vunpack.i.l.bf16.f32 v11;
	v11 =	vunpack.i.u.bf16.f32 v14;
	v13 =	vunpack.i.l.bf16.f32 v14;
	v14 =	vld [tilespmem:s23+$0x0]  }
0x90: {  	v15 =	vld [tilespmem:s23+$0x10];
	v10 =	vadd.f32 v13, v10;
	v11 =	vadd.f32 v11, v12  }
0x91: {  	v6 =	vadd.f32 v7, v6;
	v7 =	vadd.f32 v9, v2;
	v12 =	vld [tilespmem:s23+$0x20]  }
0x92: {  	v9 =	vld [tilespmem:s23+$0x30];
	v2 =	vadd.f32 v10, v3;
	v3 =	vadd.f32 v11, v8  }
0x93: {  	v0 =	vadd.f32 v4, v0;
	v1 =	vadd.f32 v5, v1;
	v8 =	vld [tilespmem:s23+$0x40]  }
0x94: {  	v4 =	vunpack.i.u.bf16.f32 v14;
	v5 =	vld [tilespmem:s23+$0x50];
	v2 =	vadd.f32 v2, v6;
	v3 =	vadd.f32 v3, v7  }
0x95: {  	v6 =	vunpack.i.l.bf16.f32 v14;
	v7 =	vunpack.i.u.bf16.f32 v15;
	v10 =	vunpack.i.l.bf16.f32 v15;
	v11 =	vld [tilespmem:s23+$0x60]  }
0x96: {  	v13 =	vunpack.i.u.bf16.f32 v12;
	v14 =	vld [tilespmem:s23+$0x70];
	v6 =	vadd.f32 v10, v6;
	v7 =	vadd.f32 v7, v4  }
0x97: {  	v4 =	vunpack.i.l.bf16.f32 v12;
	v10 =	vunpack.i.u.bf16.f32 v9;
	v9 =	vunpack.i.l.bf16.f32 v9  }
0x98: {  	v12 =	vunpack.i.u.bf16.f32 v8;
	v4 =	vadd.f32 v9, v4;
	v10 =	vadd.f32 v10, v13  }
0x99: {  	v8 =	vunpack.i.l.bf16.f32 v8;
	v9 =	vunpack.i.u.bf16.f32 v5;
	v5 =	vunpack.i.l.bf16.f32 v5;
	v15 =	vld [tilespmem:s23+$0x80]  }
0x9a: {  	v13 =	vunpack.i.u.bf16.f32 v11;
	v16 =	vld [tilespmem:s23+$0x90];
	v17 =	vadd.f32 v5, v8;
	v18 =	vadd.f32 v9, v12  }
0x9b: {  	v5 =	vunpack.i.l.bf16.f32 v11;
	v8 =	vunpack.i.u.bf16.f32 v14;
	v11 =	vunpack.i.l.bf16.f32 v14;
	v12 =	vld [tilespmem:s23+$0xA0]  }
.Ltmp0:
0x9c: {  	v9 =	vld [tilespmem:s23+$0xB0];
	v11 =	vadd.f32 v11, v5;
	v14 =	vadd.f32 v8, v13;
	(pc) =	sbr.rel @p0 .LBB2_3-.Ltmp0, $4  }
0x9d: {  	v4 =	vadd.f32 v4, v6;
	v5 =	vadd.f32 v10, v7;
	v8 =	vld [tilespmem:s23+$0xC0]  }
0x9e: {  	v19 =	vunpack.i.u.bf16.f32 v15;
	v13 =	vld [tilespmem:s23+$0xD0];
	v6 =	vadd.f32 v11, v17;
	v7 =	vadd.f32 v14, v18  }
0x9f: {  	v10 =	vunpack.i.l.bf16.f32 v15;
	v11 =	vunpack.i.u.bf16.f32 v16;
	v17 =	vunpack.i.l.bf16.f32 v16;
	v14 =	vld [tilespmem:s23+$0xE0]  }
0xa0: {  	s24 =	sadd.s32 $0x40, s24;
	v16 =	vunpack.i.u.bf16.f32 v12;
	v15 =	vld [tilespmem:s23+$0xF0];
	v10 =	vadd.f32 v17, v10;
	v11 =	vadd.f32 v11, v19  }
0xa1: {  	v12 =	vunpack.i.l.bf16.f32 v12;
	v17 =	vunpack.i.u.bf16.f32 v9;
	v9 =	vunpack.i.l.bf16.f32 v9  }
0xa2: {  	v18 =	vunpack.i.u.bf16.f32 v8;
	v9 =	vadd.f32 v9, v12;
	v12 =	vadd.f32 v17, v16  }
0xa3: {  	v8 =	vunpack.i.l.bf16.f32 v8;
	v16 =	vunpack.i.u.bf16.f32 v13;
	v13 =	vunpack.i.l.bf16.f32 v13  }
0xa4: {  	v17 =	vunpack.i.u.bf16.f32 v14;
	v8 =	vadd.f32 v13, v8;
	v13 =	vadd.f32 v16, v18  }
0xa5: {  	v14 =	vunpack.i.l.bf16.f32 v14;
	v16 =	vunpack.i.u.bf16.f32 v15;
	v15 =	vunpack.i.l.bf16.f32 v15  }
0xa6: {  	v14 =	vadd.f32 v15, v14;
	v15 =	vadd.f32 v16, v17  }
0xa7: {  	v9 =	vadd.f32 v9, v10;
	v10 =	vadd.f32 v12, v11  }
0xa8: {  	v8 =	vadd.f32 v14, v8;
	v11 =	vadd.f32 v15, v13  }
0xa9: {  	v4 =	vadd.f32 v6, v4;
	v5 =	vadd.f32 v7, v5  }
0xaa: {  	v6 =	vadd.f32 v8, v9;
	v7 =	vadd.f32 v11, v10  }
0xab: {  	v0 =	vadd.f32 v2, v0;
	v1 =	vadd.f32 v3, v1  }
0xac: {  	v2 =	vadd.f32 v6, v4;
	v3 =	vadd.f32 v7, v5;
	_ =	sdelay $0x1  }
0xad: {  	v0 =	vadd.f32 v2, v0;
	v1 =	vadd.f32 v3, v1  }
0xae: {  	s23 =	smul.u32 $0x32, s18  }
0xaf: {  	v0 =	vmul.f32 $3.125000000e-02, v0;
	v1 =	vmul.f32 $3.125000000e-02, v1  }
0xb0: {  	s23 =	sadd.s32 s8, s23  }
0xb1: {  	s21 =	sshra.s32 s21, $0x2;
	s23 =	sshll.u32 s23, $0x1;
	v0 =	vpack.i.f32.bf16 v1, v0  }
0xb2: {  	s23 =	sadd.s32 s7, s23;
	[tilespmem:s21+$0x6A40] =	vst v0;
	s21 =	simm.s32 $0x0  }
0xb3: {  	[hbm4b:s23+s21] =	stream.linear.scatter [tilespmem:s2], [sflag:$0x5], $0x190, $0x38;
	[tilespmem:$0x6D60] =	vst v63  }
0xb4: {  	_ =	swait.ge [sflag:s9], $0x3200  }
0xb5: {  	[sflag:s9] =	ssyncset.done $0x0  }
0xb6: {  	[sflag:s9] =	ssyncadd.s32 $0xFFFFCE00  }
0xb7: {  	s22 =	sadd.s32 s22, s10;
	_ =	swait.ge [sflag:s11], $0x190  }
0xb8: {  	s22 =	sshrl.u32 s22, $0x3;
	[sflag:s11] =	ssyncset.done $0x0  }
0xb9: {  	s22 =	sadd.s32 s1, s22;
	[sflag:s11] =	ssyncadd.s32 $0xFFFFFE70  }
0xba: {  	[tilespmem:s21], [sflag:$0x7] =	stream.linear.gather [hbm4b:s22+s21], $0x320, $0x38;
	[tilespmem:$0x6D60] =	vst v63  }
0xbb: {  	_ =	swait.ge [sflag:s14], $0x320  }
0xbc: {  	[sflag:s14] =	ssyncset.done $0x0  }
0xbd: {  	[sflag:s14] =	ssyncadd.s32 $0xFFFFFCE0  }
0xbe: {  	[tilespmem:s16], [sflag:$0x1] =	stream.indirect.gather [hbm4b:s5+s15], $0x10, s21, s15, $0xb8;
	[tilespmem:$0x6D60] =	vst v63  }
0xbf: {  	s23 =	simm.s32 $0xE40  }
0xc0: {  	[tilespmem:s23], [sflag:$0x1] =	stream.indirect.gather [hbm4b:s5+s15], $0x10, s15, s15, $0xb8;
	[tilespmem:$0x6D60] =	vst v63  }
0xc1: {  	s24 =	simm.s32 $0x100;
	s25 =	simm.s32 $0x1640  }
0xc2: {  	[tilespmem:s25], [sflag:$0x1] =	stream.indirect.gather [hbm4b:s5+s15], $0x10, s24, s15, $0xb8;
	[tilespmem:$0x6D60] =	vst v63  }
0xc3: {  	s24 =	simm.s32 $0x180;
	s25 =	simm.s32 $0x1E40  }
0xc4: {  	[tilespmem:s25], [sflag:$0x1] =	stream.indirect.gather [hbm4b:s5+s15], $0x10, s24, s15, $0xb8;
	[tilespmem:$0x6D60] =	vst v63  }
0xc5: {  	s24 =	simm.s32 $0x200;
	s25 =	simm.s32 $0x2640  }
0xc6: {  	[tilespmem:s25], [sflag:$0x1] =	stream.indirect.gather [hbm4b:s5+s15], $0x10, s24, s15, $0xb8;
	[tilespmem:$0x6D60] =	vst v63  }
0xc7: {  	s24 =	simm.s32 $0x280;
	s25 =	simm.s32 $0x2E40  }
0xc8: {  	[tilespmem:s25], [sflag:$0x1] =	stream.indirect.gather [hbm4b:s5+s15], $0x10, s24, s15, $0xb8;
	[tilespmem:$0x6D60] =	vst v63  }
0xc9: {  	_ = 	snop  }
0xca: {  	[tilespmem:s29], [sflag:$0x1] =	stream.indirect.gather [hbm4b:s5+s26], $0x10, s28, s26, $0xb8;
	[tilespmem:$0x6D60] =	vst v63  }
0xcb: {  	s20 =	sshll.u32 s20, $0x1;
	_ =	swait.ge [sflag:s12], $0x3200  }
0xcc: {  	s20 =	sand.u32 $0x1FFFFFC0, s20;
	[sflag:s12] =	ssyncset.done $0x0  }
0xcd: {  	s20 =	sadd.s32 s6, s20;
	[sflag:s12] =	ssyncadd.s32 $0xFFFFCE00  }
0xce: {  	[hbm4b:s20+s21] =	stream.linear.scatter [tilespmem:s31], [sflag:$0x4], $0x3200, $0x38;
	[tilespmem:$0x6D60] =	vst v63  }
0xcf: {  	s20 =	simm.s32 $0x3940  }
0xd0: {  	v0 =	vld [tilespmem:s20+$0xFFFFFF00]  }
0xd1: {  	v1 =	vld [tilespmem:s20+$0xFFFFFF10]  }
0xd2: {  	v2 =	vld [tilespmem:s20+$0xFFFFFF20]  }
0xd3: {  	v3 =	vld [tilespmem:s20+$0xFFFFFF30]  }
0xd4: {  	v4 =	vld [tilespmem:s20+$0xFFFFFF40]  }
0xd5: {  	v6 =	vld [tilespmem:s20+$0xFFFFFF50];
	v5 =	vunpack.i.u.bf16.f32 v0  }
0xd6: {  	v8 =	vld [tilespmem:s20+$0xFFFFFF60];
	v0 =	vunpack.i.l.bf16.f32 v0;
	v7 =	vunpack.i.u.bf16.f32 v1;
	v1 =	vunpack.i.l.bf16.f32 v1  }
0xd7: {  	v10 =	vld [tilespmem:s20+$0xFFFFFF70];
	v9 =	vunpack.i.u.bf16.f32 v2;
	v2 =	vunpack.i.l.bf16.f32 v2;
	v0 =	vadd.f32 v1, v0  }
0xd8: {  	v1 =	vadd.f32 v7, v5;
	v5 =	vunpack.i.u.bf16.f32 v3;
	v3 =	vunpack.i.l.bf16.f32 v3  }
0xd9: {  	v7 =	vunpack.i.u.bf16.f32 v4;
	v4 =	vunpack.i.l.bf16.f32 v4;
	v2 =	vadd.f32 v3, v2  }
0xda: {  	v12 =	vld [tilespmem:s20+$0xFFFFFF90];
	v3 =	vadd.f32 v5, v9;
	v5 =	vunpack.i.u.bf16.f32 v6;
	v6 =	vunpack.i.l.bf16.f32 v6  }
0xdb: {  	v11 =	vunpack.i.u.bf16.f32 v8;
	v9 =	vld [tilespmem:s20+$0xFFFFFF80];
	v4 =	vadd.f32 v6, v4;
	v5 =	vadd.f32 v5, v7  }
0xdc: {  	v6 =	vunpack.i.l.bf16.f32 v8;
	v7 =	vunpack.i.u.bf16.f32 v10;
	v8 =	vunpack.i.l.bf16.f32 v10;
	v10 =	vld [tilespmem:s20+$0xFFFFFFA0]  }
0xdd: {  	v13 =	vld [tilespmem:s20+$0xFFFFFFB0];
	v6 =	vadd.f32 v8, v6;
	v7 =	vadd.f32 v7, v11  }
0xde: {  	v8 =	vld [tilespmem:s20+$0xFFFFFFC0];
	v0 =	vadd.f32 v2, v0;
	v1 =	vadd.f32 v3, v1  }
0xdf: {  	v3 =	vld [tilespmem:s20+$0xFFFFFFD0];
	v4 =	vadd.f32 v6, v4;
	v5 =	vadd.f32 v7, v5;
	v7 =	vunpack.i.u.bf16.f32 v12  }
0xe0: {  	v11 =	vld [tilespmem:s20+$0xFFFFFFE0];
	v2 =	vunpack.i.u.bf16.f32 v9;
	v6 =	vunpack.i.l.bf16.f32 v9;
	v9 =	vunpack.i.l.bf16.f32 v12  }
0xe1: {  	v14 =	vld [tilespmem:s20+$0xFFFFFFF0];
	v12 =	vunpack.i.u.bf16.f32 v10;
	v6 =	vadd.f32 v9, v6;
	v2 =	vadd.f32 v7, v2  }
0xe2: {  	v7 =	vunpack.i.l.bf16.f32 v10;
	v9 =	vunpack.i.u.bf16.f32 v13;
	v10 =	vunpack.i.l.bf16.f32 v13  }
0xe3: {  	v13 =	vunpack.i.u.bf16.f32 v8;
	v7 =	vadd.f32 v10, v7;
	v9 =	vadd.f32 v9, v12  }
0xe4: {  	v8 =	vunpack.i.l.bf16.f32 v8;
	v10 =	vunpack.i.u.bf16.f32 v3;
	v3 =	vunpack.i.l.bf16.f32 v3  }
0xe5: {  	v15 =	vld [tilespmem:s20+$0x10];
	v12 =	vunpack.i.u.bf16.f32 v11;
	v3 =	vadd.f32 v3, v8;
	v8 =	vadd.f32 v10, v13  }
0xe6: {  	v10 =	vunpack.i.l.bf16.f32 v11;
	v11 =	vunpack.i.u.bf16.f32 v14;
	v13 =	vunpack.i.l.bf16.f32 v14;
	v14 =	vld [tilespmem:s20+$0x0]  }
0xe7: {  	v0 =	vadd.f32 v4, v0;
	v10 =	vadd.f32 v13, v10  }
0xe8: {  	v11 =	vadd.f32 v11, v12;
	v12 =	vld [tilespmem:s20+$0x20];
	v6 =	vadd.f32 v7, v6  }
0xe9: {  	v7 =	vadd.f32 v9, v2;
	v9 =	vld [tilespmem:s20+$0x30];
	v2 =	vadd.f32 v10, v3  }
0xea: {  	v1 =	vadd.f32 v5, v1;
	v5 =	vld [tilespmem:s20+$0x50];
	v3 =	vadd.f32 v11, v8  }
0xeb: {  	v8 =	vld [tilespmem:s20+$0x40];
	v10 =	vunpack.i.l.bf16.f32 v15;
	v4 =	vunpack.i.u.bf16.f32 v14;
	v2 =	vadd.f32 v2, v6  }
0xec: {  	v11 =	vld [tilespmem:s20+$0x60];
	v3 =	vadd.f32 v3, v7;
	v6 =	vunpack.i.l.bf16.f32 v14;
	v7 =	vunpack.i.u.bf16.f32 v15  }
0xed: {  	v14 =	vld [tilespmem:s20+$0x70];
	v6 =	vadd.f32 v10, v6;
	v7 =	vadd.f32 v7, v4  }
0xee: {  	v4 =	vunpack.i.l.bf16.f32 v12;
	v10 =	vunpack.i.u.bf16.f32 v9;
	v9 =	vunpack.i.l.bf16.f32 v9  }
0xef: {  	v15 =	vld [tilespmem:s20+$0x80];
	v13 =	vunpack.i.u.bf16.f32 v12;
	v4 =	vadd.f32 v9, v4;
	v9 =	vunpack.i.u.bf16.f32 v5  }
0xf0: {  	v5 =	vunpack.i.l.bf16.f32 v5;
	v12 =	vunpack.i.u.bf16.f32 v8;
	v8 =	vunpack.i.l.bf16.f32 v8  }
0xf1: {  	v16 =	vld [tilespmem:s20+$0x90];
	v10 =	vadd.f32 v10, v13;
	v13 =	vunpack.i.u.bf16.f32 v11;
	v17 =	vadd.f32 v5, v8  }
0xf2: {  	v18 =	vadd.f32 v9, v12;
	v5 =	vunpack.i.l.bf16.f32 v11;
	v12 =	vld [tilespmem:s20+$0xA0];
	v11 =	vunpack.i.l.bf16.f32 v14  }
0xf3: {  	v9 =	vld [tilespmem:s20+$0xB0];
	v8 =	vunpack.i.u.bf16.f32 v14;
	v11 =	vadd.f32 v11, v5  }
0xf4: {  	v4 =	vadd.f32 v4, v6;
	v19 =	vunpack.i.u.bf16.f32 v15;
	v14 =	vadd.f32 v8, v13;
	v8 =	vld [tilespmem:s20+$0xC0]  }
0xf5: {  	v5 =	vadd.f32 v10, v7;
	v13 =	vld [tilespmem:s20+$0xD0];
	v10 =	vunpack.i.l.bf16.f32 v15;
	v6 =	vadd.f32 v11, v17  }
0xf6: {  	v7 =	vadd.f32 v14, v18;
	v11 =	vunpack.i.u.bf16.f32 v16;
	v17 =	vunpack.i.l.bf16.f32 v16;
	v14 =	vld [tilespmem:s20+$0xE0]  }
0xf7: {  	s22 =	simm.s32 $0x40;
	v15 =	vld [tilespmem:s20+$0xF0];
	v16 =	vunpack.i.u.bf16.f32 v12;
	v10 =	vadd.f32 v17, v10;
	v11 =	vadd.f32 v11, v19  }
.LBB2_5:
0xf8: {  	p0 =	sne.s32 s22, $0x600;
	v12 =	vunpack.i.l.bf16.f32 v12;
	v17 =	vunpack.i.u.bf16.f32 v9;
	v9 =	vunpack.i.l.bf16.f32 v9  }
0xf9: {  	v18 =	vunpack.i.u.bf16.f32 v8;
	v9 =	vadd.f32 v9, v12;
	v12 =	vadd.f32 v17, v16  }
0xfa: {  	v8 =	vunpack.i.l.bf16.f32 v8;
	v16 =	vunpack.i.u.bf16.f32 v13;
	v13 =	vunpack.i.l.bf16.f32 v13  }
0xfb: {  	v17 =	vunpack.i.u.bf16.f32 v14;
	v8 =	vadd.f32 v13, v8;
	v13 =	vadd.f32 v16, v18  }
0xfc: {  	v14 =	vunpack.i.l.bf16.f32 v14;
	v16 =	vunpack.i.u.bf16.f32 v15;
	v15 =	vunpack.i.l.bf16.f32 v15  }
0xfd: {  	v14 =	vadd.f32 v15, v14;
	v15 =	vadd.f32 v16, v17  }
0xfe: {  	v9 =	vadd.f32 v9, v10;
	v10 =	vadd.f32 v12, v11  }
0xff: {  	v8 =	vadd.f32 v14, v8;
	v11 =	vadd.f32 v15, v13  }
0x100: {  	v4 =	vadd.f32 v6, v4;
	v5 =	vadd.f32 v7, v5  }
0x101: {  	v6 =	vadd.f32 v8, v9;
	v7 =	vadd.f32 v11, v10  }
0x102: {  	v0 =	vadd.f32 v2, v0;
	v1 =	vadd.f32 v3, v1  }
0x103: {  	v2 =	vadd.f32 v6, v4;
	v3 =	vadd.f32 v7, v5;
	_ =	sdelay $0x1  }
0x104: {  	v0 =	vadd.f32 v2, v0;
	v1 =	vadd.f32 v3, v1;
	_ =	sdelay $0x1  }
0x105: {  	v0 =	vmul.f32 $3.125000000e-02, v0;
	v1 =	vmul.f32 $3.125000000e-02, v1;
	_ =	sdelay $0x1  }
0x106: {  	s23 =	sshra.s32 s21, $0x2;
	s21 =	smov.u32 s22;
	v0 =	vpack.i.f32.bf16 v1, v0  }
0x107: {  	s20 =	sadd.s32 $0x200, s20;
	[tilespmem:s23+$0x6BD0] =	vst v0  }
0x108: {  	v0 =	vld [tilespmem:s20+$0xFFFFFF00]  }
0x109: {  	v1 =	vld [tilespmem:s20+$0xFFFFFF10]  }
0x10a: {  	v2 =	vld [tilespmem:s20+$0xFFFFFF20]  }
0x10b: {  	v3 =	vld [tilespmem:s20+$0xFFFFFF30]  }
0x10c: {  	v4 =	vld [tilespmem:s20+$0xFFFFFF40]  }
0x10d: {  	v5 =	vunpack.i.u.bf16.f32 v0;
	v6 =	vld [tilespmem:s20+$0xFFFFFF50]  }
0x10e: {  	v0 =	vunpack.i.l.bf16.f32 v0;
	v7 =	vunpack.i.u.bf16.f32 v1;
	v1 =	vunpack.i.l.bf16.f32 v1;
	v8 =	vld [tilespmem:s20+$0xFFFFFF60]  }
0x10f: {  	v9 =	vunpack.i.u.bf16.f32 v2;
	v10 =	vld [tilespmem:s20+$0xFFFFFF70];
	v0 =	vadd.f32 v1, v0;
	v1 =	vadd.f32 v7, v5  }
0x110: {  	v2 =	vunpack.i.l.bf16.f32 v2;
	v5 =	vunpack.i.u.bf16.f32 v3;
	v3 =	vunpack.i.l.bf16.f32 v3  }
0x111: {  	v7 =	vunpack.i.u.bf16.f32 v4;
	v2 =	vadd.f32 v3, v2;
	v3 =	vadd.f32 v5, v9  }
0x112: {  	v4 =	vunpack.i.l.bf16.f32 v4;
	v5 =	vunpack.i.u.bf16.f32 v6;
	v6 =	vunpack.i.l.bf16.f32 v6;
	v9 =	vld [tilespmem:s20+$0xFFFFFF80]  }
0x113: {  	v11 =	vunpack.i.u.bf16.f32 v8;
	v12 =	vld [tilespmem:s20+$0xFFFFFF90];
	v4 =	vadd.f32 v6, v4;
	v5 =	vadd.f32 v5, v7  }
0x114: {  	v6 =	vunpack.i.l.bf16.f32 v8;
	v7 =	vunpack.i.u.bf16.f32 v10;
	v8 =	vunpack.i.l.bf16.f32 v10;
	v10 =	vld [tilespmem:s20+$0xFFFFFFA0]  }
0x115: {  	v13 =	vld [tilespmem:s20+$0xFFFFFFB0];
	v6 =	vadd.f32 v8, v6;
	v7 =	vadd.f32 v7, v11  }
0x116: {  	v0 =	vadd.f32 v2, v0;
	v1 =	vadd.f32 v3, v1;
	v8 =	vld [tilespmem:s20+$0xFFFFFFC0]  }
0x117: {  	v2 =	vunpack.i.u.bf16.f32 v9;
	v3 =	vld [tilespmem:s20+$0xFFFFFFD0];
	v4 =	vadd.f32 v6, v4;
	v5 =	vadd.f32 v7, v5  }
0x118: {  	v6 =	vunpack.i.l.bf16.f32 v9;
	v7 =	vunpack.i.u.bf16.f32 v12;
	v9 =	vunpack.i.l.bf16.f32 v12;
	v11 =	vld [tilespmem:s20+$0xFFFFFFE0]  }
0x119: {  	v12 =	vunpack.i.u.bf16.f32 v10;
	v14 =	vld [tilespmem:s20+$0xFFFFFFF0];
	v6 =	vadd.f32 v9, v6;
	v2 =	vadd.f32 v7, v2  }
0x11a: {  	v7 =	vunpack.i.l.bf16.f32 v10;
	v9 =	vunpack.i.u.bf16.f32 v13;
	v10 =	vunpack.i.l.bf16.f32 v13  }
0x11b: {  	v13 =	vunpack.i.u.bf16.f32 v8;
	v7 =	vadd.f32 v10, v7;
	v9 =	vadd.f32 v9, v12  }
0x11c: {  	v8 =	vunpack.i.l.bf16.f32 v8;
	v10 =	vunpack.i.u.bf16.f32 v3;
	v3 =	vunpack.i.l.bf16.f32 v3  }
0x11d: {  	v12 =	vunpack.i.u.bf16.f32 v11;
	v3 =	vadd.f32 v3, v8;
	v8 =	vadd.f32 v10, v13  }
0x11e: {  	v10 =	vunpack.i.l.bf16.f32 v11;
	v11 =	vunpack.i.u.bf16.f32 v14;
	v13 =	vunpack.i.l.bf16.f32 v14;
	v14 =	vld [tilespmem:s20+$0x0]  }
0x11f: {  	v15 =	vld [tilespmem:s20+$0x10];
	v10 =	vadd.f32 v13, v10;
	v11 =	vadd.f32 v11, v12  }
0x120: {  	v6 =	vadd.f32 v7, v6;
	v7 =	vadd.f32 v9, v2;
	v12 =	vld [tilespmem:s20+$0x20]  }
0x121: {  	v9 =	vld [tilespmem:s20+$0x30];
	v2 =	vadd.f32 v10, v3;
	v3 =	vadd.f32 v11, v8  }
0x122: {  	v0 =	vadd.f32 v4, v0;
	v1 =	vadd.f32 v5, v1;
	v8 =	vld [tilespmem:s20+$0x40]  }
0x123: {  	v4 =	vunpack.i.u.bf16.f32 v14;
	v5 =	vld [tilespmem:s20+$0x50];
	v2 =	vadd.f32 v2, v6;
	v3 =	vadd.f32 v3, v7  }
0x124: {  	v6 =	vunpack.i.l.bf16.f32 v14;
	v7 =	vunpack.i.u.bf16.f32 v15;
	v10 =	vunpack.i.l.bf16.f32 v15;
	v11 =	vld [tilespmem:s20+$0x60]  }
0x125: {  	v13 =	vunpack.i.u.bf16.f32 v12;
	v14 =	vld [tilespmem:s20+$0x70];
	v6 =	vadd.f32 v10, v6;
	v7 =	vadd.f32 v7, v4  }
0x126: {  	v4 =	vunpack.i.l.bf16.f32 v12;
	v10 =	vunpack.i.u.bf16.f32 v9;
	v9 =	vunpack.i.l.bf16.f32 v9  }
0x127: {  	v12 =	vunpack.i.u.bf16.f32 v8;
	v4 =	vadd.f32 v9, v4;
	v10 =	vadd.f32 v10, v13  }
0x128: {  	v8 =	vunpack.i.l.bf16.f32 v8;
	v9 =	vunpack.i.u.bf16.f32 v5;
	v5 =	vunpack.i.l.bf16.f32 v5;
	v15 =	vld [tilespmem:s20+$0x80]  }
0x129: {  	v13 =	vunpack.i.u.bf16.f32 v11;
	v16 =	vld [tilespmem:s20+$0x90];
	v17 =	vadd.f32 v5, v8;
	v18 =	vadd.f32 v9, v12  }
0x12a: {  	v5 =	vunpack.i.l.bf16.f32 v11;
	v8 =	vunpack.i.u.bf16.f32 v14;
	v11 =	vunpack.i.l.bf16.f32 v14;
	v12 =	vld [tilespmem:s20+$0xA0]  }
.Ltmp1:
0x12b: {  	v9 =	vld [tilespmem:s20+$0xB0];
	v11 =	vadd.f32 v11, v5;
	v14 =	vadd.f32 v8, v13;
	(pc) =	sbr.rel @p0 .LBB2_5-.Ltmp1, $4  }
0x12c: {  	v4 =	vadd.f32 v4, v6;
	v5 =	vadd.f32 v10, v7;
	v8 =	vld [tilespmem:s20+$0xC0]  }
0x12d: {  	v19 =	vunpack.i.u.bf16.f32 v15;
	v13 =	vld [tilespmem:s20+$0xD0];
	v6 =	vadd.f32 v11, v17;
	v7 =	vadd.f32 v14, v18  }
0x12e: {  	v10 =	vunpack.i.l.bf16.f32 v15;
	v11 =	vunpack.i.u.bf16.f32 v16;
	v17 =	vunpack.i.l.bf16.f32 v16;
	v14 =	vld [tilespmem:s20+$0xE0]  }
0x12f: {  	s22 =	sadd.s32 $0x40, s22;
	v16 =	vunpack.i.u.bf16.f32 v12;
	v15 =	vld [tilespmem:s20+$0xF0];
	v10 =	vadd.f32 v17, v10;
	v11 =	vadd.f32 v11, v19  }
0x130: {  	v12 =	vunpack.i.l.bf16.f32 v12;
	v17 =	vunpack.i.u.bf16.f32 v9;
	v47 =	vunpack.i.l.bf16.f32 v9  }
0x131: {  	v18 =	vunpack.i.u.bf16.f32 v8;
	v9 =	vadd.f32 v47, v12;
	v48 =	vadd.f32 v17, v16  }
0x132: {  	v49 =	vunpack.i.l.bf16.f32 v8;
	v50 =	vunpack.i.u.bf16.f32 v13;
	v51 =	vunpack.i.l.bf16.f32 v13  }
0x133: {  	v52 =	vunpack.i.u.bf16.f32 v14;
	v8 =	vadd.f32 v51, v49;
	v53 =	vadd.f32 v50, v18  }
0x134: {  	v54 =	vunpack.i.l.bf16.f32 v14;
	v55 =	vunpack.i.u.bf16.f32 v15;
	v56 =	vunpack.i.l.bf16.f32 v15  }
0x135: {  	v14 =	vadd.f32 v56, v54;
	v57 =	vadd.f32 v55, v52  }
0x136: {  	v9 =	vadd.f32 v9, v10;
	v58 =	vadd.f32 v48, v11  }
0x137: {  	v8 =	vadd.f32 v14, v8;
	v59 =	vadd.f32 v57, v53  }
0x138: {  	v4 =	vadd.f32 v6, v4;
	v5 =	vadd.f32 v7, v5  }
0x139: {  	v60 =	vadd.f32 v8, v9;
	v61 =	vadd.f32 v59, v58  }
0x13a: {  	v0 =	vadd.f32 v2, v0;
	v1 =	vadd.f32 v3, v1  }
0x13b: {  	v62 =	vadd.f32 v60, v4;
	v63 =	vadd.f32 v61, v5;
	_ =	sdelay $0x1  }
0x13c: {  	s19 =	smul.u32 $0x19, s19;
	v0 =	vadd.f32 v62, v0;
	v1 =	vadd.f32 v63, v1;
	_ =	sdelay $0x1  }
0x13d: {  	s19 =	sadd.s32 s8, s19;
	v0 =	vmul.f32 $3.125000000e-02, v0;
	v1 =	vmul.f32 $3.125000000e-02, v1  }
0x13e: {  	s19 =	sshll.u32 s19, $0x1  }
0x13f: {  	s20 =	sshra.s32 s21, $0x2;
	s19 =	sand.u32 $0x1FFFFFFE, s19;
	v0 =	vpack.i.f32.bf16 v1, v0  }
0x140: {  	s25 =	simm.s32 $0x6BD0;
	s18 =	sadd.s32 $0x1, s18;
	s19 =	sadd.s32 s7, s19;
	[tilespmem:s20+$0x6BD0] =	vst v0  }
0x141: {  	[hbm4b:s19+s3] =	stream.linear.scatter [tilespmem:s25], [sflag:$0x6], $0x190, $0x38;
	[tilespmem:$0x6D60] =	vst v63  }
0x142: {  	p0 =	sne.s32 s18, $0xC;
	_ =	swait.ge [sflag:s13], $0x3200  }
.Ltmp2:
0x143: {  	[sflag:s13] =	ssyncset.done $0x0;
	(pc) =	sbr.rel @p0 .LBB2_2-.Ltmp2, $4  }
0x144: {  	[sflag:s13] =	ssyncadd.s32 $0xFFFFCE00  }
0x145: {  	_ =	swait.ge [sflag:s17], $0x190  }
0x146: {  	[sflag:s17] =	ssyncset.done $0x0  }
0x147: {  	[sflag:s17] =	ssyncadd.s32 $0xFFFFFE70  }
0x148: {  	_ =	swait.ge [sflag:s0], $0x3200  }
0x149: {  	[sflag:s0] =	ssyncset.done $0x0  }
0x14a: {  	s18 =	simm.s32 $0x0;
	s19 =	rddreg [dreg:$0x4];
	[sflag:s0] =	ssyncadd.s32 $0xFFFFCE00  }
0x14b: {  	[hbm4b:s19+s18] =	stream.linear.scatter [tilespmem:s16], [sflag:$0x3], $0x3200, $0x38;
	[tilespmem:$0x6D60] =	vst v63  }
0x14c: {  	s19 =	simm.s32 $0x740  }
0x14d: {  	v0 =	vld [tilespmem:s19+$0xFFFFFF00]  }
0x14e: {  	v1 =	vld [tilespmem:s19+$0xFFFFFF10]  }
0x14f: {  	v2 =	vld [tilespmem:s19+$0xFFFFFF20]  }
0x150: {  	v3 =	vld [tilespmem:s19+$0xFFFFFF30]  }
0x151: {  	v4 =	vld [tilespmem:s19+$0xFFFFFF40]  }
0x152: {  	v6 =	vld [tilespmem:s19+$0xFFFFFF50];
	v5 =	vunpack.i.u.bf16.f32 v0  }
0x153: {  	v8 =	vld [tilespmem:s19+$0xFFFFFF60];
	v0 =	vunpack.i.l.bf16.f32 v0;
	v7 =	vunpack.i.u.bf16.f32 v1;
	v1 =	vunpack.i.l.bf16.f32 v1  }
0x154: {  	v10 =	vld [tilespmem:s19+$0xFFFFFF70];
	v9 =	vunpack.i.u.bf16.f32 v2;
	v2 =	vunpack.i.l.bf16.f32 v2;
	v0 =	vadd.f32 v1, v0  }
0x155: {  	v1 =	vadd.f32 v7, v5;
	v5 =	vunpack.i.u.bf16.f32 v3;
	v3 =	vunpack.i.l.bf16.f32 v3  }
0x156: {  	v7 =	vunpack.i.u.bf16.f32 v4;
	v4 =	vunpack.i.l.bf16.f32 v4;
	v2 =	vadd.f32 v3, v2  }
0x157: {  	v12 =	vld [tilespmem:s19+$0xFFFFFF90];
	v3 =	vadd.f32 v5, v9;
	v5 =	vunpack.i.u.bf16.f32 v6;
	v6 =	vunpack.i.l.bf16.f32 v6  }
0x158: {  	v11 =	vunpack.i.u.bf16.f32 v8;
	v9 =	vld [tilespmem:s19+$0xFFFFFF80];
	v4 =	vadd.f32 v6, v4;
	v5 =	vadd.f32 v5, v7  }
0x159: {  	v6 =	vunpack.i.l.bf16.f32 v8;
	v7 =	vunpack.i.u.bf16.f32 v10;
	v8 =	vunpack.i.l.bf16.f32 v10;
	v10 =	vld [tilespmem:s19+$0xFFFFFFA0]  }
0x15a: {  	v13 =	vld [tilespmem:s19+$0xFFFFFFB0];
	v6 =	vadd.f32 v8, v6;
	v7 =	vadd.f32 v7, v11  }
0x15b: {  	v8 =	vld [tilespmem:s19+$0xFFFFFFC0];
	v0 =	vadd.f32 v2, v0;
	v1 =	vadd.f32 v3, v1  }
0x15c: {  	v3 =	vld [tilespmem:s19+$0xFFFFFFD0];
	v4 =	vadd.f32 v6, v4;
	v5 =	vadd.f32 v7, v5;
	v7 =	vunpack.i.u.bf16.f32 v12  }
0x15d: {  	v11 =	vld [tilespmem:s19+$0xFFFFFFE0];
	v2 =	vunpack.i.u.bf16.f32 v9;
	v6 =	vunpack.i.l.bf16.f32 v9;
	v9 =	vunpack.i.l.bf16.f32 v12  }
0x15e: {  	v14 =	vld [tilespmem:s19+$0xFFFFFFF0];
	v12 =	vunpack.i.u.bf16.f32 v10;
	v6 =	vadd.f32 v9, v6;
	v2 =	vadd.f32 v7, v2  }
0x15f: {  	v7 =	vunpack.i.l.bf16.f32 v10;
	v9 =	vunpack.i.u.bf16.f32 v13;
	v10 =	vunpack.i.l.bf16.f32 v13  }
0x160: {  	v13 =	vunpack.i.u.bf16.f32 v8;
	v7 =	vadd.f32 v10, v7;
	v9 =	vadd.f32 v9, v12  }
0x161: {  	v8 =	vunpack.i.l.bf16.f32 v8;
	v10 =	vunpack.i.u.bf16.f32 v3;
	v3 =	vunpack.i.l.bf16.f32 v3  }
0x162: {  	v15 =	vld [tilespmem:s19+$0x10];
	v12 =	vunpack.i.u.bf16.f32 v11;
	v3 =	vadd.f32 v3, v8;
	v8 =	vadd.f32 v10, v13  }
0x163: {  	v10 =	vunpack.i.l.bf16.f32 v11;
	v11 =	vunpack.i.u.bf16.f32 v14;
	v13 =	vunpack.i.l.bf16.f32 v14;
	v14 =	vld [tilespmem:s19+$0x0]  }
0x164: {  	v0 =	vadd.f32 v4, v0;
	v10 =	vadd.f32 v13, v10  }
0x165: {  	v11 =	vadd.f32 v11, v12;
	v12 =	vld [tilespmem:s19+$0x20];
	v6 =	vadd.f32 v7, v6  }
0x166: {  	v7 =	vadd.f32 v9, v2;
	v9 =	vld [tilespmem:s19+$0x30];
	v2 =	vadd.f32 v10, v3  }
0x167: {  	v1 =	vadd.f32 v5, v1;
	v5 =	vld [tilespmem:s19+$0x50];
	v3 =	vadd.f32 v11, v8  }
0x168: {  	v8 =	vld [tilespmem:s19+$0x40];
	v10 =	vunpack.i.l.bf16.f32 v15;
	v4 =	vunpack.i.u.bf16.f32 v14;
	v2 =	vadd.f32 v2, v6  }
0x169: {  	v11 =	vld [tilespmem:s19+$0x60];
	v3 =	vadd.f32 v3, v7;
	v6 =	vunpack.i.l.bf16.f32 v14;
	v7 =	vunpack.i.u.bf16.f32 v15  }
0x16a: {  	v14 =	vld [tilespmem:s19+$0x70];
	v6 =	vadd.f32 v10, v6;
	v7 =	vadd.f32 v7, v4  }
0x16b: {  	v4 =	vunpack.i.l.bf16.f32 v12;
	v10 =	vunpack.i.u.bf16.f32 v9;
	v9 =	vunpack.i.l.bf16.f32 v9  }
0x16c: {  	v15 =	vld [tilespmem:s19+$0x80];
	v13 =	vunpack.i.u.bf16.f32 v12;
	v4 =	vadd.f32 v9, v4;
	v9 =	vunpack.i.u.bf16.f32 v5  }
0x16d: {  	v5 =	vunpack.i.l.bf16.f32 v5;
	v12 =	vunpack.i.u.bf16.f32 v8;
	v8 =	vunpack.i.l.bf16.f32 v8  }
0x16e: {  	v16 =	vld [tilespmem:s19+$0x90];
	v10 =	vadd.f32 v10, v13;
	v13 =	vunpack.i.u.bf16.f32 v11;
	v17 =	vadd.f32 v5, v8  }
0x16f: {  	v18 =	vadd.f32 v9, v12;
	v5 =	vunpack.i.l.bf16.f32 v11;
	v12 =	vld [tilespmem:s19+$0xA0];
	v11 =	vunpack.i.l.bf16.f32 v14  }
0x170: {  	v9 =	vld [tilespmem:s19+$0xB0];
	v8 =	vunpack.i.u.bf16.f32 v14;
	v11 =	vadd.f32 v11, v5  }
0x171: {  	v4 =	vadd.f32 v4, v6;
	v19 =	vunpack.i.u.bf16.f32 v15;
	v14 =	vadd.f32 v8, v13;
	v8 =	vld [tilespmem:s19+$0xC0]  }
0x172: {  	v5 =	vadd.f32 v10, v7;
	v13 =	vld [tilespmem:s19+$0xD0];
	v10 =	vunpack.i.l.bf16.f32 v15;
	v6 =	vadd.f32 v11, v17  }
0x173: {  	v7 =	vadd.f32 v14, v18;
	v11 =	vunpack.i.u.bf16.f32 v16;
	v17 =	vunpack.i.l.bf16.f32 v16;
	v14 =	vld [tilespmem:s19+$0xE0]  }
0x174: {  	s20 =	simm.s32 $0x40;
	v15 =	vld [tilespmem:s19+$0xF0];
	v16 =	vunpack.i.u.bf16.f32 v12;
	v10 =	vadd.f32 v17, v10;
	v11 =	vadd.f32 v11, v19  }
.LBB2_8:
0x175: {  	p0 =	sne.s32 s20, $0x600;
	v12 =	vunpack.i.l.bf16.f32 v12;
	v17 =	vunpack.i.u.bf16.f32 v9;
	v9 =	vunpack.i.l.bf16.f32 v9  }
0x176: {  	v18 =	vunpack.i.u.bf16.f32 v8;
	v9 =	vadd.f32 v9, v12;
	v12 =	vadd.f32 v17, v16  }
0x177: {  	v8 =	vunpack.i.l.bf16.f32 v8;
	v16 =	vunpack.i.u.bf16.f32 v13;
	v13 =	vunpack.i.l.bf16.f32 v13  }
0x178: {  	v17 =	vunpack.i.u.bf16.f32 v14;
	v8 =	vadd.f32 v13, v8;
	v13 =	vadd.f32 v16, v18  }
0x179: {  	v14 =	vunpack.i.l.bf16.f32 v14;
	v16 =	vunpack.i.u.bf16.f32 v15;
	v15 =	vunpack.i.l.bf16.f32 v15  }
0x17a: {  	v14 =	vadd.f32 v15, v14;
	v15 =	vadd.f32 v16, v17  }
0x17b: {  	v9 =	vadd.f32 v9, v10;
	v10 =	vadd.f32 v12, v11  }
0x17c: {  	v8 =	vadd.f32 v14, v8;
	v11 =	vadd.f32 v15, v13  }
0x17d: {  	v4 =	vadd.f32 v6, v4;
	v5 =	vadd.f32 v7, v5  }
0x17e: {  	v6 =	vadd.f32 v8, v9;
	v7 =	vadd.f32 v11, v10  }
0x17f: {  	v0 =	vadd.f32 v2, v0;
	v1 =	vadd.f32 v3, v1  }
0x180: {  	v2 =	vadd.f32 v6, v4;
	v3 =	vadd.f32 v7, v5;
	_ =	sdelay $0x1  }
0x181: {  	v0 =	vadd.f32 v2, v0;
	v1 =	vadd.f32 v3, v1;
	_ =	sdelay $0x1  }
0x182: {  	v0 =	vmul.f32 $3.125000000e-02, v0;
	v1 =	vmul.f32 $3.125000000e-02, v1;
	_ =	sdelay $0x1  }
0x183: {  	s21 =	sshra.s32 s18, $0x2;
	s18 =	smov.u32 s20;
	v0 =	vpack.i.f32.bf16 v1, v0  }
0x184: {  	s19 =	sadd.s32 $0x200, s19;
	[tilespmem:s21+$0x6A40] =	vst v0  }
0x185: {  	v0 =	vld [tilespmem:s19+$0xFFFFFF00]  }
0x186: {  	v1 =	vld [tilespmem:s19+$0xFFFFFF10]  }
0x187: {  	v2 =	vld [tilespmem:s19+$0xFFFFFF20]  }
0x188: {  	v3 =	vld [tilespmem:s19+$0xFFFFFF30]  }
0x189: {  	v4 =	vld [tilespmem:s19+$0xFFFFFF40]  }
0x18a: {  	v5 =	vunpack.i.u.bf16.f32 v0;
	v6 =	vld [tilespmem:s19+$0xFFFFFF50]  }
0x18b: {  	v0 =	vunpack.i.l.bf16.f32 v0;
	v7 =	vunpack.i.u.bf16.f32 v1;
	v1 =	vunpack.i.l.bf16.f32 v1;
	v8 =	vld [tilespmem:s19+$0xFFFFFF60]  }
0x18c: {  	v9 =	vunpack.i.u.bf16.f32 v2;
	v10 =	vld [tilespmem:s19+$0xFFFFFF70];
	v0 =	vadd.f32 v1, v0;
	v1 =	vadd.f32 v7, v5  }
0x18d: {  	v2 =	vunpack.i.l.bf16.f32 v2;
	v5 =	vunpack.i.u.bf16.f32 v3;
	v3 =	vunpack.i.l.bf16.f32 v3  }
0x18e: {  	v7 =	vunpack.i.u.bf16.f32 v4;
	v2 =	vadd.f32 v3, v2;
	v3 =	vadd.f32 v5, v9  }
0x18f: {  	v4 =	vunpack.i.l.bf16.f32 v4;
	v5 =	vunpack.i.u.bf16.f32 v6;
	v6 =	vunpack.i.l.bf16.f32 v6;
	v9 =	vld [tilespmem:s19+$0xFFFFFF80]  }
0x190: {  	v11 =	vunpack.i.u.bf16.f32 v8;
	v12 =	vld [tilespmem:s19+$0xFFFFFF90];
	v4 =	vadd.f32 v6, v4;
	v5 =	vadd.f32 v5, v7  }
0x191: {  	v6 =	vunpack.i.l.bf16.f32 v8;
	v7 =	vunpack.i.u.bf16.f32 v10;
	v8 =	vunpack.i.l.bf16.f32 v10;
	v10 =	vld [tilespmem:s19+$0xFFFFFFA0]  }
0x192: {  	v13 =	vld [tilespmem:s19+$0xFFFFFFB0];
	v6 =	vadd.f32 v8, v6;
	v7 =	vadd.f32 v7, v11  }
0x193: {  	v0 =	vadd.f32 v2, v0;
	v1 =	vadd.f32 v3, v1;
	v8 =	vld [tilespmem:s19+$0xFFFFFFC0]  }
0x194: {  	v2 =	vunpack.i.u.bf16.f32 v9;
	v3 =	vld [tilespmem:s19+$0xFFFFFFD0];
	v4 =	vadd.f32 v6, v4;
	v5 =	vadd.f32 v7, v5  }
0x195: {  	v6 =	vunpack.i.l.bf16.f32 v9;
	v7 =	vunpack.i.u.bf16.f32 v12;
	v9 =	vunpack.i.l.bf16.f32 v12;
	v11 =	vld [tilespmem:s19+$0xFFFFFFE0]  }
0x196: {  	v12 =	vunpack.i.u.bf16.f32 v10;
	v14 =	vld [tilespmem:s19+$0xFFFFFFF0];
	v6 =	vadd.f32 v9, v6;
	v2 =	vadd.f32 v7, v2  }
0x197: {  	v7 =	vunpack.i.l.bf16.f32 v10;
	v9 =	vunpack.i.u.bf16.f32 v13;
	v10 =	vunpack.i.l.bf16.f32 v13  }
0x198: {  	v13 =	vunpack.i.u.bf16.f32 v8;
	v7 =	vadd.f32 v10, v7;
	v9 =	vadd.f32 v9, v12  }
0x199: {  	v8 =	vunpack.i.l.bf16.f32 v8;
	v10 =	vunpack.i.u.bf16.f32 v3;
	v3 =	vunpack.i.l.bf16.f32 v3  }
0x19a: {  	v12 =	vunpack.i.u.bf16.f32 v11;
	v3 =	vadd.f32 v3, v8;
	v8 =	vadd.f32 v10, v13  }
0x19b: {  	v10 =	vunpack.i.l.bf16.f32 v11;
	v11 =	vunpack.i.u.bf16.f32 v14;
	v13 =	vunpack.i.l.bf16.f32 v14;
	v14 =	vld [tilespmem:s19+$0x0]  }
0x19c: {  	v15 =	vld [tilespmem:s19+$0x10];
	v10 =	vadd.f32 v13, v10;
	v11 =	vadd.f32 v11, v12  }
0x19d: {  	v6 =	vadd.f32 v7, v6;
	v7 =	vadd.f32 v9, v2;
	v12 =	vld [tilespmem:s19+$0x20]  }
0x19e: {  	v9 =	vld [tilespmem:s19+$0x30];
	v2 =	vadd.f32 v10, v3;
	v3 =	vadd.f32 v11, v8  }
0x19f: {  	v0 =	vadd.f32 v4, v0;
	v1 =	vadd.f32 v5, v1;
	v8 =	vld [tilespmem:s19+$0x40]  }
0x1a0: {  	v4 =	vunpack.i.u.bf16.f32 v14;
	v5 =	vld [tilespmem:s19+$0x50];
	v2 =	vadd.f32 v2, v6;
	v3 =	vadd.f32 v3, v7  }
0x1a1: {  	v6 =	vunpack.i.l.bf16.f32 v14;
	v7 =	vunpack.i.u.bf16.f32 v15;
	v10 =	vunpack.i.l.bf16.f32 v15;
	v11 =	vld [tilespmem:s19+$0x60]  }
0x1a2: {  	v13 =	vunpack.i.u.bf16.f32 v12;
	v14 =	vld [tilespmem:s19+$0x70];
	v6 =	vadd.f32 v10, v6;
	v7 =	vadd.f32 v7, v4  }
0x1a3: {  	v4 =	vunpack.i.l.bf16.f32 v12;
	v10 =	vunpack.i.u.bf16.f32 v9;
	v9 =	vunpack.i.l.bf16.f32 v9  }
0x1a4: {  	v12 =	vunpack.i.u.bf16.f32 v8;
	v4 =	vadd.f32 v9, v4;
	v10 =	vadd.f32 v10, v13  }
0x1a5: {  	v8 =	vunpack.i.l.bf16.f32 v8;
	v9 =	vunpack.i.u.bf16.f32 v5;
	v5 =	vunpack.i.l.bf16.f32 v5;
	v15 =	vld [tilespmem:s19+$0x80]  }
0x1a6: {  	v13 =	vunpack.i.u.bf16.f32 v11;
	v16 =	vld [tilespmem:s19+$0x90];
	v17 =	vadd.f32 v5, v8;
	v18 =	vadd.f32 v9, v12  }
0x1a7: {  	v5 =	vunpack.i.l.bf16.f32 v11;
	v8 =	vunpack.i.u.bf16.f32 v14;
	v11 =	vunpack.i.l.bf16.f32 v14;
	v12 =	vld [tilespmem:s19+$0xA0]  }
.Ltmp3:
0x1a8: {  	v9 =	vld [tilespmem:s19+$0xB0];
	v11 =	vadd.f32 v11, v5;
	v14 =	vadd.f32 v8, v13;
	(pc) =	sbr.rel @p0 .LBB2_8-.Ltmp3, $4  }
0x1a9: {  	v4 =	vadd.f32 v4, v6;
	v5 =	vadd.f32 v10, v7;
	v8 =	vld [tilespmem:s19+$0xC0]  }
0x1aa: {  	v19 =	vunpack.i.u.bf16.f32 v15;
	v13 =	vld [tilespmem:s19+$0xD0];
	v6 =	vadd.f32 v11, v17;
	v7 =	vadd.f32 v14, v18  }
0x1ab: {  	v10 =	vunpack.i.l.bf16.f32 v15;
	v11 =	vunpack.i.u.bf16.f32 v16;
	v17 =	vunpack.i.l.bf16.f32 v16;
	v14 =	vld [tilespmem:s19+$0xE0]  }
0x1ac: {  	s20 =	sadd.s32 $0x40, s20;
	v16 =	vunpack.i.u.bf16.f32 v12;
	v15 =	vld [tilespmem:s19+$0xF0];
	v10 =	vadd.f32 v17, v10;
	v11 =	vadd.f32 v11, v19  }
0x1ad: {  	v12 =	vunpack.i.l.bf16.f32 v12;
	v17 =	vunpack.i.u.bf16.f32 v9;
	v47 =	vunpack.i.l.bf16.f32 v9  }
0x1ae: {  	v18 =	vunpack.i.u.bf16.f32 v8;
	v9 =	vadd.f32 v47, v12;
	v48 =	vadd.f32 v17, v16  }
0x1af: {  	v49 =	vunpack.i.l.bf16.f32 v8;
	v50 =	vunpack.i.u.bf16.f32 v13;
	v51 =	vunpack.i.l.bf16.f32 v13  }
0x1b0: {  	v52 =	vunpack.i.u.bf16.f32 v14;
	v8 =	vadd.f32 v51, v49;
	v53 =	vadd.f32 v50, v18  }
0x1b1: {  	v54 =	vunpack.i.l.bf16.f32 v14;
	v55 =	vunpack.i.u.bf16.f32 v15;
	v56 =	vunpack.i.l.bf16.f32 v15  }
0x1b2: {  	v14 =	vadd.f32 v56, v54;
	v57 =	vadd.f32 v55, v52  }
0x1b3: {  	v9 =	vadd.f32 v9, v10;
	v58 =	vadd.f32 v48, v11  }
0x1b4: {  	v8 =	vadd.f32 v14, v8;
	v59 =	vadd.f32 v57, v53  }
0x1b5: {  	v4 =	vadd.f32 v6, v4;
	v5 =	vadd.f32 v7, v5  }
0x1b6: {  	v60 =	vadd.f32 v8, v9;
	v61 =	vadd.f32 v59, v58  }
0x1b7: {  	v0 =	vadd.f32 v2, v0;
	v1 =	vadd.f32 v3, v1  }
0x1b8: {  	v62 =	vadd.f32 v60, v4;
	v63 =	vadd.f32 v61, v5;
	_ =	sdelay $0x1  }
0x1b9: {  	v0 =	vadd.f32 v62, v0;
	v1 =	vadd.f32 v63, v1;
	_ =	sdelay $0x1  }
0x1ba: {  	v0 =	vmul.f32 $3.125000000e-02, v0;
	v1 =	vmul.f32 $3.125000000e-02, v1;
	_ =	sdelay $0x1  }
0x1bb: {  	s18 =	sshra.s32 s18, $0x2;
	v0 =	vpack.i.f32.bf16 v1, v0  }
0x1bc: {  	s24 =	rddreg [dreg:$0x5];
	[tilespmem:s18+$0x6A40] =	vst v0  }
0x1bd: {  	[hbm4b:s24+s3] =	stream.linear.scatter [tilespmem:s2], [sflag:$0x5], $0x190, $0x38;
	[tilespmem:$0x6D60] =	vst v63  }
0x1be: {  	_ =	swait.ge [sflag:s9], $0x3200  }
0x1bf: {  	[sflag:s9] =	ssyncset.done $0x0  }
0x1c0: {  	[sflag:s9] =	ssyncadd.s32 $0xFFFFCE00  }
0x1c1: {  	_ =	swait.ge [sflag:s11], $0x190  }
0x1c2: {  	s19 =	rddreg [dreg:$0x7]  }
0x1c3: {  	s25 =	rddreg [dreg:$0x6];
	s19 =	sadd.s32 $0x1, s19  }
0x1c4: {  	p0 =	sne.s32 s19, s25  }
.Ltmp4:
0x1c5: {  	_ = 	snop;
	(pc) =	sbr.rel @p0 .LBB2_1-.Ltmp4, $3  }
0x1c6: {  	_ =	sdelay $0x1  }
0x1c7: {  	[sflag:s11] =	ssyncset.done $0x0  }
0x1c8: {  	[sflag:s11] =	ssyncadd.s32 $0xFFFFFE70  }
0x1c9: {  	_ =	sfence.sel $0x180000  }
0x1ca: {  	[bflag:$0x0] =	sbarrier.arrive $0xFFFF  }
0x1cb: {  	_ =	strace $0x90000047  }
0x1cc: {  	s0 =	stileid.u32;
	[bflag:$0x2] =	sbarrier.arrive $0xFFFF  }
0x1cd: {  	p0 =	sne.s32 s0, $0x0;
	s0 =	rddreg [dreg:$0x2]  }
0x1ce: {  	s0 =	sadd.s32 @!p0 $0x100000, s0  }
0x1cf: {  	[sflag:s0] =	ssyncadd.tile.s32 @!p0 $0x1;
	_ =	shalt  }
.Lfunc_end2:
_tile_overlayer_lowered:
.L_overlay_start_2:
0x1d0: {  	(tag) =	ssettag $0x2  }
0x1d1: {  	s0 =	rddreg [dreg:$0x0];
	s2 =	stileid.u32  }
0x1d2: {  	s1 =	rddreg [dreg:$0x1];
	p0 =	sne.s32 s2, $0x0  }
0x1d3: {  	s3 =	rddreg [dreg:$0x2];
	[bflag:$0x3] =	sbarrier.arrive $0xFFFF;
	s2 =	simm.s32 @!p0 $0x1C07  }
0x1d4: {  	[timem:s3], [sflag:s2] =	dma.local @!p0 [hbm:s0], s1  }
0x1d5: {  	s0 =	simm.s32 @!p0 $0x7  }
0x1d6: {  	_ =	swait.ge @!p0 [sflag:s0], s1  }
0x1d7: {  	s1 =	ssub.s32 @!p0 $0x0, s1;
	[sflag:s0] =	ssyncset.done @!p0 $0x0  }
0x1d8: {  	[sflag:s0] =	ssyncadd.s32 @!p0 s1  }
0x1d9: {  	[bflag:$0x3] =	sbarrier.arrive $0xFFFF  }
0x1da: {  	_ =	shalt  }

</sc_bundles>
